<compile_context>
chip_gen: v7x
topology: tpu7x:2x2x1
jax: 0.10.2.dev20260603
libtpu: 0.0.44.dev20260713+nightly
codegen_flags: <defaults>
</compile_context>

<pallas_src>
import functools

import numpy as np
import jax
import jax.numpy as jnp
from jax import lax
from jax.experimental import pallas as pl
from jax.experimental.pallas import tpu as pltpu
from jax.experimental.pallas import tpu_sc as plsc

D_MODEL = 512
SPD = 86400
PERIODS = (SPD, SPD // 2, SPD // 3, SPD // 4, SPD // 6)
NUM_TABLES = 5
SUB = D_MODEL // NUM_TABLES

_NC = 2
_NS = 16
_NW = _NC * _NS
_L = 16
_GCHUNK = 128


def _make_pe(d_model=D_MODEL, max_len=5000, power_freq=50.0, sample_rate=1.0):
    pe = np.zeros((max_len, d_model), dtype=np.float32)
    pos = np.arange(max_len, dtype=np.float32)
    harmonics = [1, 2, 3, 5, 7]
    hd = d_model // (len(harmonics) * 2)
    for h_idx, h in enumerate(harmonics):
        omega = 2.0 * np.pi * power_freq * h / sample_rate
        start = h_idx * hd * 2
        end = min(start + hd * 2, d_model)
        for i in range(0, end - start, 2):
            ps = i * np.pi / (end - start)
            if start + i < d_model:
                pe[:, start + i] = np.sin(pos * omega + ps)
            if start + i + 1 < d_model:
                pe[:, start + i + 1] = np.cos(pos * omega + ps)
    return pe


_PE = _make_pe()


_DPAD = 128


_PAD_BR = 800
_HBM_MIN_ROWS = 124000


def _tc_pad_fused(tabs, active):
    periods = [PERIODS[k] for k in active]
    sizes = {k: PERIODS[k] // _PAD_BR for k in active}
    starts = {}
    acc = 0
    for k in active:
        starts[k] = acc
        acc += sizes[k]
    nblk = acc
    out_rows = max(sum(periods), _HBM_MIN_ROWS)

    def mk_map(k):
        if k not in starts:
            return lambda i: (0, 0)
        s, n = starts[k], sizes[k]
        return lambda i: (jnp.clip(i - s, 0, n - 1), 0)

    def body(*refs):
        o_ref = refs[-1]
        i = pl.program_id(0)
        zpad = jnp.zeros((_PAD_BR, _DPAD - SUB), jnp.float32)
        for k, t_ref in enumerate(refs[:-1]):
            if k not in starts:
                continue
            @pl.when((i >= starts[k]) & (i < starts[k] + sizes[k]))
            def _(t_ref=t_ref):
                o_ref[...] = jnp.concatenate([t_ref[...], zpad], axis=1)

    return pl.pallas_call(
        body,
        grid=(nblk,),
        in_specs=[pl.BlockSpec((_PAD_BR, SUB), mk_map(k))
                  for k in range(len(tabs))],
        out_specs=pl.BlockSpec((_PAD_BR, _DPAD), lambda i: (i, 0)),
        out_shape=jax.ShapeDtypeStruct((out_rows, _DPAD), jnp.float32),
    )(*tabs)


def _sc_gather(time_idx, tables, periods):
    tot = time_idx.shape[0]
    b_per_w = tot // _NW
    nch = b_per_w // _GCHUNK
    mesh = plsc.VectorSubcoreMesh(core_axis_name="c", subcore_axis_name="s")
    offs = list(np.cumsum([0] + list(periods)))
    single = len(tables) == 1 and len(periods) > 1

    @functools.partial(
        pl.kernel,
        out_type=jax.ShapeDtypeStruct((len(periods), tot, _DPAD), jnp.float32),
        mesh=mesh,
        scratch_types=[
            pltpu.VMEM((b_per_w,), jnp.int32),
            pltpu.VMEM((nch, _GCHUNK), jnp.int32),
            pltpu.VMEM((b_per_w, _DPAD), jnp.float32),
            pltpu.SemaphoreType.DMA,
        ],
    )
    def k(idx_hbm, *rest):
        ntab = 1 if single else len(periods)
        tab_refs = rest[:ntab]
        out_hbm, idx_raw, idx_mod, rows, sem = rest[ntab:]
        wid = lax.axis_index("s") * _NC + lax.axis_index("c")
        base = wid * b_per_w
        pltpu.sync_copy(idx_hbm.at[pl.ds(base, b_per_w)], idx_raw)
        for i, p in enumerate(periods):
            tab = tab_refs[0] if single else tab_refs[i]
            off = jnp.int32(offs[i] if single else 0)

            def chunk_body(c, _, p=p, tab_hbm=tab, off=off):
                for j in range(_GCHUNK // _L):
                    v = idx_raw[pl.ds(c * _GCHUNK + j * _L, _L)]
                    idx_mod[c, pl.ds(j * _L, _L)] = lax.rem(v, jnp.int32(p)) + off
                pltpu.async_copy(
                    tab_hbm.at[idx_mod.at[c]],
                    rows.at[pl.ds(c * _GCHUNK, _GCHUNK)],
                    sem,
                ).wait()
                return 0

            lax.fori_loop(0, nch, chunk_body, 0)
            pltpu.sync_copy(rows, out_hbm.at[i, pl.ds(base, b_per_w)])

    return k(time_idx, *tables)


def _gather_split(ti, tabs):
    pads_a = [jnp.pad(t, ((0, 0), (0, _DPAD - SUB))) for t in tabs[1:]]
    g_a = _sc_gather(ti, pads_a, PERIODS[1:])
    pad_b = _tc_pad_fused(tabs, (0,))
    g_b = _sc_gather(ti, [pad_b], PERIODS[:1])
    return g_a, g_b


def _tc_combine(g_a, g_b, x2d, pe, wd, wx, bias):
    tot, c = x2d.shape
    t_len = pe.shape[0]
    bt = 512
    tpb = t_len // bt

    nb = tot // t_len

    def body(ga_ref, gb_ref, x_ref, pe_ref, wd_ref, wx_ref, b_ref, o_ref):
        acc = jnp.dot(x_ref[...], wx_ref[...], preferred_element_type=jnp.float32)
        acc += jnp.dot(gb_ref[0].astype(jnp.bfloat16), wd_ref[0],
                       preferred_element_type=jnp.float32)
        for i in range(NUM_TABLES - 1):
            acc += jnp.dot(ga_ref[i].astype(jnp.bfloat16), wd_ref[i + 1],
                           preferred_element_type=jnp.float32)
        o_ref[...] = acc + pe_ref[...] + b_ref[...]

    return pl.pallas_call(
        body,
        grid=(tpb, nb),
        in_specs=[
            pl.BlockSpec((NUM_TABLES - 1, bt, _DPAD),
                         lambda i, j: (0, j * tpb + i, 0)),
            pl.BlockSpec((1, bt, _DPAD), lambda i, j: (0, j * tpb + i, 0)),
            pl.BlockSpec((bt, c), lambda i, j: (j * tpb + i, 0)),
            pl.BlockSpec((bt, D_MODEL), lambda i, j: (i, 0)),
            pl.BlockSpec((NUM_TABLES, _DPAD, D_MODEL), lambda i, j: (0, 0, 0)),
            pl.BlockSpec((c, D_MODEL), lambda i, j: (0, 0)),
            pl.BlockSpec((1, D_MODEL), lambda i, j: (0, 0)),
        ],
        out_specs=pl.BlockSpec((bt, D_MODEL), lambda i, j: (j * tpb + i, 0)),
        out_shape=jax.ShapeDtypeStruct((tot, D_MODEL), jnp.float32),
    )(g_a, g_b, x2d, pe, wd, wx, bias)


def _finish(g_a, g_b, x, value_W, value_b, daily_W, daily_b, phase_embed,
            pos_W, pos_b, neg_W, neg_b, vq_W, vq_b, vq_cW, vq_cb):
    B, T, C = x.shape
    nq = vq_W.shape[0]
    qv = vq_cW[:, :nq] @ vq_W[:, 0]
    qc = vq_cW[:, :nq] @ vq_b + vq_cb
    negp = neg_W[:, jnp.array([0, 2, 1])]
    wx = (value_W + pos_W + 0.1 * negp + qv[:, None] / (3.0 * 220.0)).T
    bias = (value_b + daily_b + pos_b + 0.1 * neg_b + phase_embed.mean(0)
            + qc - qv)[None, :]
    wd = jnp.zeros((NUM_TABLES, _DPAD, D_MODEL), jnp.float32)
    wd = wd.at[:, :SUB, :].set(daily_W.T.reshape(NUM_TABLES, SUB, D_MODEL))
    wd = wd.astype(jnp.bfloat16)
    pe = jnp.asarray(_PE[:T])
    out = _tc_combine(g_a, g_b, x.reshape(B * T, C), pe, wd, wx, bias)
    return out.reshape(B, T, D_MODEL)


def kernel(x, time_indices, value_W, value_b, daily_tab0, daily_tab1,
           daily_tab2, daily_tab3, daily_tab4, daily_W, daily_b, phase_embed,
           pos_W, pos_b, neg_W, neg_b, vq_W, vq_b, vq_cW, vq_cb):
    B, T, C = x.shape
    ti = time_indices.reshape(B * T).astype(jnp.int32)
    tabs = (daily_tab0, daily_tab1, daily_tab2, daily_tab3, daily_tab4)
    g_a, g_b = _gather_split(ti, tabs)
    return _finish(g_a, g_b, x, value_W, value_b, daily_W, daily_b,
                   phase_embed, pos_W, pos_b, neg_W, neg_b, vq_W, vq_b,
                   vq_cW, vq_cb)

# --- scband reference (transcript-rebuilt; emitter-appended) ---
"""Pipeline reference for scband-voltage-data-embedding-171798692509 (READ-ONLY COPY).

The authoritative reference and input builder live on the scoring server;
editing this copy changes nothing except your own understanding.
"""

import jax, jax.numpy as jnp
import numpy as np

D_MODEL = 512
SPD = 86400
MAX_LEN = 5000
PERIODS = [SPD, SPD // 2, SPD // 3, SPD // 4, SPD // 6]
SUB = D_MODEL // len(PERIODS)  # 102


def make_pe(d_model=D_MODEL, max_len=MAX_LEN, power_freq=50.0, sample_rate=1.0):
    pe = np.zeros((max_len, d_model), dtype=np.float32)
    pos = np.arange(max_len, dtype=np.float32)
    harmonics = [1, 2, 3, 5, 7]
    hd = d_model // (len(harmonics) * 2)
    for h_idx, h in enumerate(harmonics):
        omega = 2.0 * np.pi * power_freq * h / sample_rate
        start = h_idx * hd * 2
        end = min(start + hd * 2, d_model)
        for i in range(0, end - start, 2):
            ps = i * np.pi / (end - start)
            if start + i < d_model:
                pe[:, start + i] = np.sin(pos * omega + ps)
            if start + i + 1 < d_model:
                pe[:, start + i + 1] = np.cos(pos * omega + ps)
    return jnp.asarray(pe)


def setup_inputs(seed: int = 0):
    key = jax.random.key(seed)
    ks = [jax.random.fold_in(key, i) for i in range(20)]
    B, T, C = 4, 4096, 3
    sc = 0.02
    inp = {}
    inp["x"] = jax.random.normal(ks[0], (B, T, C), dtype=jnp.float32)
    inp["time_indices"] = jax.random.randint(ks[1], (B, T), 0, SPD)
    inp["value_W"] = jax.random.normal(ks[2], (D_MODEL, C), dtype=jnp.float32) * sc
    inp["value_b"] = jnp.zeros((D_MODEL,), dtype=jnp.float32)
    for i, p in enumerate(PERIODS):
        inp["daily_tab%d" % i] = jax.random.normal(ks[3 + i], (p, SUB), dtype=jnp.float32) * sc
    inp["daily_W"] = jax.random.normal(ks[8], (D_MODEL, SUB * len(PERIODS)), dtype=jnp.float32) * sc
    inp["daily_b"] = jnp.zeros((D_MODEL,), dtype=jnp.float32)
    inp["phase_embed"] = jax.random.normal(ks[9], (3, D_MODEL), dtype=jnp.float32) * sc
    inp["pos_W"] = jax.random.normal(ks[10], (D_MODEL, 3), dtype=jnp.float32) * sc
    inp["pos_b"] = jnp.zeros((D_MODEL,), dtype=jnp.float32)
    inp["neg_W"] = jax.random.normal(ks[11], (D_MODEL, 3), dtype=jnp.float32) * sc
    inp["neg_b"] = jnp.zeros((D_MODEL,), dtype=jnp.float32)
    inp["vq_W"] = jax.random.normal(ks[12], (D_MODEL // 4, 1), dtype=jnp.float32) * sc
    inp["vq_b"] = jnp.zeros((D_MODEL // 4,), dtype=jnp.float32)
    inp["vq_cW"] = jax.random.normal(ks[13], (D_MODEL, D_MODEL), dtype=jnp.float32) * sc
    inp["vq_cb"] = jnp.zeros((D_MODEL,), dtype=jnp.float32)
    return inp


def reference(x, time_indices, value_W, value_b, daily_tab0, daily_tab1, daily_tab2, daily_tab3, daily_tab4, daily_W, daily_b, phase_embed, pos_W, pos_b, neg_W, neg_b, vq_W, vq_b, vq_cW, vq_cb):
    B, T, C = x.shape
    # value embedding
    val = x @ value_W.T + value_b
    # DailyLoadEmbedding: per-period gathers (memory-bound embedding lookups)
    tables = [daily_tab0, daily_tab1, daily_tab2, daily_tab3, daily_tab4]
    embs = []
    for tbl, p in zip(tables, PERIODS):
        idx = (time_indices % p).astype(jnp.int32)
        embs.append(jnp.take(tbl, idx, axis=0))
    combined = jnp.concatenate(embs, axis=-1)
    daily = combined @ daily_W.T + daily_b
    # PowerFrequencyEmbedding: fixed buffer
    pe = make_pe()[:T][None, :, :]
    # ThreePhaseEmbedding (C == 3)
    pos_emb = x @ pos_W.T + pos_b
    v_acb = jnp.stack([x[:, :, 0], x[:, :, 2], x[:, :, 1]], axis=-1)
    neg_emb = v_acb @ neg_W.T + neg_b
    three = pos_emb + 0.1 * neg_emb + phase_embed.mean(0)[None, None, :]
    # VoltageQualityEmbedding (thd/unbalance/freq = None)
    mean_v = x.mean(axis=-1, keepdims=True)
    vdev = (mean_v - 220.0) / 220.0
    volt_emb = vdev @ vq_W.T + vq_b
    zeros = jnp.zeros((B, T, D_MODEL // 4), dtype=x.dtype)
    q_cat = jnp.concatenate([volt_emb, zeros, zeros, zeros], axis=-1)
    quality = q_cat @ vq_cW.T + vq_cb
    return val + daily + pe + three + quality

if __name__ == "__main__":
    import jax
    _d = setup_inputs()
    print(jax.jit(kernel)(*tuple(_d.values())))

</pallas_src>

<mosaic_0001>
#map = affine_map<(d0, d1) -> (0)>
#map1 = affine_map<(d0, d1) -> (0, 0)>
#map2 = affine_map<(d0, d1) -> (0, 0, 0)>
module attributes {stable_mosaic.version = 14 : i64} {
  func.func @k(%arg0: i32, %arg1: i32, %arg2: memref<16384xi32, #tpu.memory_space<hbm>>, %arg3: memref<43200x128xf32, #tpu.memory_space<hbm>>, %arg4: memref<28800x128xf32, #tpu.memory_space<hbm>>, %arg5: memref<21600x128xf32, #tpu.memory_space<hbm>>, %arg6: memref<14400x128xf32, #tpu.memory_space<hbm>>, %arg7: memref<4x16384x128xf32, #tpu.memory_space<hbm>>, %arg8: memref<512xi32, #tpu.memory_space<vmem>>, %arg9: memref<4x128xi32, #tpu.memory_space<vmem>>, %arg10: memref<512x128xf32, #tpu.memory_space<vmem>>, %arg11: memref<!tpu.dma_semaphore, #tpu.memory_space<semaphore_mem>>) attributes {dimension_semantics = [#tpu.dimension_semantics<core_parallel>, #tpu.dimension_semantics<subcore_parallel>], iteration_bounds = array<i64: 2, 16>, scalar_prefetch = 0 : i64, scratch_operands = 4 : i64, tpu.core_type = #tpu.core_type<sc_vector_subcore>, window_params = [{transform_indices = #map}, {transform_indices = #map1}, {transform_indices = #map1}, {transform_indices = #map1}, {transform_indices = #map1}, {transform_indices = #map2}]} {
    %mul3A = arith.constant 2 : i32
    %mul3A_0 = arith.muli %arg1, %mul3A : i32
    %add3A = arith.addi %mul3A_0, %arg0 : i32
    %mul3A_1 = arith.constant 512 : i32
    %mul3A_2 = arith.muli %add3A, %mul3A_1 : i32
    "tpu.region"() ({
      %run_scoped3A_37 = tpu.sem_alloc : memref<!tpu.dma_semaphore, #tpu.memory_space<semaphore_mem>>
      %dma_start3A = tpu.memref_slice %arg2[%mul3A_2] : memref<16384xi32, #tpu.memory_space<hbm>> -> memref<512xi32, #tpu.memory_space<hbm>>
      %dma_start3A_38 = tpu.memref_slice %arg2[%mul3A_2] : memref<16384xi32, #tpu.memory_space<hbm>> -> memref<512xi32, #tpu.memory_space<hbm>>
      tpu.enqueue_dma source(%dma_start3A_38 : memref<512xi32, #tpu.memory_space<hbm>>) target(%arg8 : memref<512xi32, #tpu.memory_space<vmem>>) target_semaphore(%run_scoped3A_37 : memref<!tpu.dma_semaphore, #tpu.memory_space<semaphore_mem>>)
      %dma_wait3A = tpu.memref_slice %arg2[%mul3A_2] : memref<16384xi32, #tpu.memory_space<hbm>> -> memref<512xi32, #tpu.memory_space<hbm>>
      %dma_wait3A_39 = tpu.memref_slice %arg2[%mul3A_2] : memref<16384xi32, #tpu.memory_space<hbm>> -> memref<512xi32, #tpu.memory_space<hbm>>
      tpu.wait_dma2 semaphore(%run_scoped3A_37 : memref<!tpu.dma_semaphore, #tpu.memory_space<semaphore_mem>>) src(%dma_wait3A_39 : memref<512xi32, #tpu.memory_space<hbm>>) dst(%arg8 : memref<512xi32, #tpu.memory_space<vmem>>)
      tpu.yield
    }) : () -> ()
    %scan3A = arith.constant 0 : i32
    %scan3A_3 = arith.constant 0 : i32
    %scan3A_4 = arith.constant 0 : i32
    %scan3A_5 = arith.constant 4 : i32
    %scan3A_6 = arith.addi %scan3A_4, %scan3A_5 : i32
    %scan3A_7 = arith.constant 1 : i32
    %scan3A_8 = scf.for %scan3A_37 = %scan3A_4 to %scan3A_6 step %scan3A_7 iter_args(%scan3A_38 = %scan3A_3) -> (i32)  : i32 {
      %mul3A_39 = arith.constant 128 : i32
      %mul3A_40 = arith.muli %scan3A_37, %mul3A_39 : i32
      %add3A_41 = arith.constant 0 : i32
      %add3A_42 = arith.addi %mul3A_40, %add3A_41 : i32
      %get3A = arith.index_cast %add3A_42 : i32 to index
      %get3A_43 = tpu.vector_load %arg8[%get3A] {strides = array<i32>} : memref<512xi32, #tpu.memory_space<vmem>>, vector<16xi32>,
      %get3A_44 = vector.shape_cast %get3A_43 : vector<16xi32> to vector<16xi32>
      %rem3A = arith.constant 43200 : i32
      %rem3A_45 = vector.broadcast %rem3A : i32 to vector<16xi32>
      %rem3A_46 = arith.remsi %get3A_44, %rem3A_45 : vector<16xi32>
      %add3A_47 = vector.broadcast %scan3A : i32 to vector<16xi32>
      %add3A_48 = arith.addi %rem3A_46, %add3A_47 : vector<16xi32>
      %swap3A = arith.index_cast %scan3A_37 : i32 to index
      %swap3A_49 = arith.constant 0 : index
      %swap3A_50 = tpu.vector_load %arg9[%swap3A, %swap3A_49] {strides = array<i32>} : memref<4x128xi32, #tpu.memory_space<vmem>>, vector<1x16xi32>,
      %swap3A_51 = vector.shape_cast %swap3A_50 : vector<1x16xi32> to vector<16xi32>
      %swap3A_52 = vector.shape_cast %add3A_48 : vector<16xi32> to vector<1x16xi32>
      tpu.vector_store %arg9[%swap3A, %swap3A_49], %swap3A_52 {strides = array<i32>} : memref<4x128xi32, #tpu.memory_space<vmem>>, vector<1x16xi32>,
      %mul3A_53 = arith.constant 128 : i32
      %mul3A_54 = arith.muli %scan3A_37, %mul3A_53 : i32
      %add3A_55 = arith.constant 16 : i32
      %add3A_56 = arith.addi %mul3A_54, %add3A_55 : i32
      %get3A_57 = arith.index_cast %add3A_56 : i32 to index
      %get3A_58 = tpu.vector_load %arg8[%get3A_57] {strides = array<i32>} : memref<512xi32, #tpu.memory_space<vmem>>, vector<16xi32>,
      %get3A_59 = vector.shape_cast %get3A_58 : vector<16xi32> to vector<16xi32>
      %rem3A_60 = arith.constant 43200 : i32
      %rem3A_61 = vector.broadcast %rem3A_60 : i32 to vector<16xi32>
      %rem3A_62 = arith.remsi %get3A_59, %rem3A_61 : vector<16xi32>
      %add3A_63 = vector.broadcast %scan3A : i32 to vector<16xi32>
      %add3A_64 = arith.addi %rem3A_62, %add3A_63 : vector<16xi32>
      %swap3A_65 = arith.index_cast %scan3A_37 : i32 to index
      %swap3A_66 = arith.constant 16 : index
      %swap3A_67 = tpu.vector_load %arg9[%swap3A_65, %swap3A_66] {strides = array<i32>} : memref<4x128xi32, #tpu.memory_space<vmem>>, vector<1x16xi32>,
      %swap3A_68 = vector.shape_cast %swap3A_67 : vector<1x16xi32> to vector<16xi32>
      %swap3A_69 = vector.shape_cast %add3A_64 : vector<16xi32> to vector<1x16xi32>
      tpu.vector_store %arg9[%swap3A_65, %swap3A_66], %swap3A_69 {strides = array<i32>} : memref<4x128xi32, #tpu.memory_space<vmem>>, vector<1x16xi32>,
      %mul3A_70 = arith.constant 128 : i32
      %mul3A_71 = arith.muli %scan3A_37, %mul3A_70 : i32
      %add3A_72 = arith.constant 32 : i32
      %add3A_73 = arith.addi %mul3A_71, %add3A_72 : i32
      %get3A_74 = arith.index_cast %add3A_73 : i32 to index
      %get3A_75 = tpu.vector_load %arg8[%get3A_74] {strides = array<i32>} : memref<512xi32, #tpu.memory_space<vmem>>, vector<16xi32>,
      %get3A_76 = vector.shape_cast %get3A_75 : vector<16xi32> to vector<16xi32>
      %rem3A_77 = arith.constant 43200 : i32
      %rem3A_78 = vector.broadcast %rem3A_77 : i32 to vector<16xi32>
      %rem3A_79 = arith.remsi %get3A_76, %rem3A_78 : vector<16xi32>
      %add3A_80 = vector.broadcast %scan3A : i32 to vector<16xi32>
      %add3A_81 = arith.addi %rem3A_79, %add3A_80 : vector<16xi32>
      %swap3A_82 = arith.index_cast %scan3A_37 : i32 to index
      %swap3A_83 = arith.constant 32 : index
      %swap3A_84 = tpu.vector_load %arg9[%swap3A_82, %swap3A_83] {strides = array<i32>} : memref<4x128xi32, #tpu.memory_space<vmem>>, vector<1x16xi32>,
      %swap3A_85 = vector.shape_cast %swap3A_84 : vector<1x16xi32> to vector<16xi32>
      %swap3A_86 = vector.shape_cast %add3A_81 : vector<16xi32> to vector<1x16xi32>
      tpu.vector_store %arg9[%swap3A_82, %swap3A_83], %swap3A_86 {strides = array<i32>} : memref<4x128xi32, #tpu.memory_space<vmem>>, vector<1x16xi32>,
      %mul3A_87 = arith.constant 128 : i32
      %mul3A_88 = arith.muli %scan3A_37, %mul3A_87 : i32
      %add3A_89 = arith.constant 48 : i32
      %add3A_90 = arith.addi %mul3A_88, %add3A_89 : i32
      %get3A_91 = arith.index_cast %add3A_90 : i32 to index
      %get3A_92 = tpu.vector_load %arg8[%get3A_91] {strides = array<i32>} : memref<512xi32, #tpu.memory_space<vmem>>, vector<16xi32>,
      %get3A_93 = vector.shape_cast %get3A_92 : vector<16xi32> to vector<16xi32>
      %rem3A_94 = arith.constant 43200 : i32
      %rem3A_95 = vector.broadcast %rem3A_94 : i32 to vector<16xi32>
      %rem3A_96 = arith.remsi %get3A_93, %rem3A_95 : vector<16xi32>
      %add3A_97 = vector.broadcast %scan3A : i32 to vector<16xi32>
      %add3A_98 = arith.addi %rem3A_96, %add3A_97 : vector<16xi32>
      %swap3A_99 = arith.index_cast %scan3A_37 : i32 to index
      %swap3A_100 = arith.constant 48 : index
      %swap3A_101 = tpu.vector_load %arg9[%swap3A_99, %swap3A_100] {strides = array<i32>} : memref<4x128xi32, #tpu.memory_space<vmem>>, vector<1x16xi32>,
      %swap3A_102 = vector.shape_cast %swap3A_101 : vector<1x16xi32> to vector<16xi32>
      %swap3A_103 = vector.shape_cast %add3A_98 : vector<16xi32> to vector<1x16xi32>
      tpu.vector_store %arg9[%swap3A_99, %swap3A_100], %swap3A_103 {strides = array<i32>} : memref<4x128xi32, #tpu.memory_space<vmem>>, vector<1x16xi32>,
      %mul3A_104 = arith.constant 128 : i32
      %mul3A_105 = arith.muli %scan3A_37, %mul3A_104 : i32
      %add3A_106 = arith.constant 64 : i32
      %add3A_107 = arith.addi %mul3A_105, %add3A_106 : i32
      %get3A_108 = arith.index_cast %add3A_107 : i32 to index
      %get3A_109 = tpu.vector_load %arg8[%get3A_108] {strides = array<i32>} : memref<512xi32, #tpu.memory_space<vmem>>, vector<16xi32>,
      %get3A_110 = vector.shape_cast %get3A_109 : vector<16xi32> to vector<16xi32>
      %rem3A_111 = arith.constant 43200 : i32
      %rem3A_112 = vector.broadcast %rem3A_111 : i32 to vector<16xi32>
      %rem3A_113 = arith.remsi %get3A_110, %rem3A_112 : vector<16xi32>
      %add3A_114 = vector.broadcast %scan3A : i32 to vector<16xi32>
      %add3A_115 = arith.addi %rem3A_113, %add3A_114 : vector<16xi32>
      %swap3A_116 = arith.index_cast %scan3A_37 : i32 to index
      %swap3A_117 = arith.constant 64 : index
      %swap3A_118 = tpu.vector_load %arg9[%swap3A_116, %swap3A_117] {strides = array<i32>} : memref<4x128xi32, #tpu.memory_space<vmem>>, vector<1x16xi32>,
      %swap3A_119 = vector.shape_cast %swap3A_118 : vector<1x16xi32> to vector<16xi32>
      %swap3A_120 = vector.shape_cast %add3A_115 : vector<16xi32> to vector<1x16xi32>
      tpu.vector_store %arg9[%swap3A_116, %swap3A_117], %swap3A_120 {strides = array<i32>} : memref<4x128xi32, #tpu.memory_space<vmem>>, vector<1x16xi32>,
      %mul3A_121 = arith.constant 128 : i32
      %mul3A_122 = arith.muli %scan3A_37, %mul3A_121 : i32
      %add3A_123 = arith.constant 80 : i32
      %add3A_124 = arith.addi %mul3A_122, %add3A_123 : i32
      %get3A_125 = arith.index_cast %add3A_124 : i32 to index
      %get3A_126 = tpu.vector_load %arg8[%get3A_125] {strides = array<i32>} : memref<512xi32, #tpu.memory_space<vmem>>, vector<16xi32>,
      %get3A_127 = vector.shape_cast %get3A_126 : vector<16xi32> to vector<16xi32>
      %rem3A_128 = arith.constant 43200 : i32
      %rem3A_129 = vector.broadcast %rem3A_128 : i32 to vector<16xi32>
      %rem3A_130 = arith.remsi %get3A_127, %rem3A_129 : vector<16xi32>
      %add3A_131 = vector.broadcast %scan3A : i32 to vector<16xi32>
      %add3A_132 = arith.addi %rem3A_130, %add3A_131 : vector<16xi32>
      %swap3A_133 = arith.index_cast %scan3A_37 : i32 to index
      %swap3A_134 = arith.constant 80 : index
      %swap3A_135 = tpu.vector_load %arg9[%swap3A_133, %swap3A_134] {strides = array<i32>} : memref<4x128xi32, #tpu.memory_space<vmem>>, vector<1x16xi32>,
      %swap3A_136 = vector.shape_cast %swap3A_135 : vector<1x16xi32> to vector<16xi32>
      %swap3A_137 = vector.shape_cast %add3A_132 : vector<16xi32> to vector<1x16xi32>
      tpu.vector_store %arg9[%swap3A_133, %swap3A_134], %swap3A_137 {strides = array<i32>} : memref<4x128xi32, #tpu.memory_space<vmem>>, vector<1x16xi32>,
      %mul3A_138 = arith.constant 128 : i32
      %mul3A_139 = arith.muli %scan3A_37, %mul3A_138 : i32
      %add3A_140 = arith.constant 96 : i32
      %add3A_141 = arith.addi %mul3A_139, %add3A_140 : i32
      %get3A_142 = arith.index_cast %add3A_141 : i32 to index
      %get3A_143 = tpu.vector_load %arg8[%get3A_142] {strides = array<i32>} : memref<512xi32, #tpu.memory_space<vmem>>, vector<16xi32>,
      %get3A_144 = vector.shape_cast %get3A_143 : vector<16xi32> to vector<16xi32>
      %rem3A_145 = arith.constant 43200 : i32
      %rem3A_146 = vector.broadcast %rem3A_145 : i32 to vector<16xi32>
      %rem3A_147 = arith.remsi %get3A_144, %rem3A_146 : vector<16xi32>
      %add3A_148 = vector.broadcast %scan3A : i32 to vector<16xi32>
      %add3A_149 = arith.addi %rem3A_147, %add3A_148 : vector<16xi32>
      %swap3A_150 = arith.index_cast %scan3A_37 : i32 to index
      %swap3A_151 = arith.constant 96 : index
      %swap3A_152 = tpu.vector_load %arg9[%swap3A_150, %swap3A_151] {strides = array<i32>} : memref<4x128xi32, #tpu.memory_space<vmem>>, vector<1x16xi32>,
      %swap3A_153 = vector.shape_cast %swap3A_152 : vector<1x16xi32> to vector<16xi32>
      %swap3A_154 = vector.shape_cast %add3A_149 : vector<16xi32> to vector<1x16xi32>
      tpu.vector_store %arg9[%swap3A_150, %swap3A_151], %swap3A_154 {strides = array<i32>} : memref<4x128xi32, #tpu.memory_space<vmem>>, vector<1x16xi32>,
      %mul3A_155 = arith.constant 128 : i32
      %mul3A_156 = arith.muli %scan3A_37, %mul3A_155 : i32
      %add3A_157 = arith.constant 112 : i32
      %add3A_158 = arith.addi %mul3A_156, %add3A_157 : i32
      %get3A_159 = arith.index_cast %add3A_158 : i32 to index
      %get3A_160 = tpu.vector_load %arg8[%get3A_159] {strides = array<i32>} : memref<512xi32, #tpu.memory_space<vmem>>, vector<16xi32>,
      %get3A_161 = vector.shape_cast %get3A_160 : vector<16xi32> to vector<16xi32>
      %rem3A_162 = arith.constant 43200 : i32
      %rem3A_163 = vector.broadcast %rem3A_162 : i32 to vector<16xi32>
      %rem3A_164 = arith.remsi %get3A_161, %rem3A_163 : vector<16xi32>
      %add3A_165 = vector.broadcast %scan3A : i32 to vector<16xi32>
      %add3A_166 = arith.addi %rem3A_164, %add3A_165 : vector<16xi32>
      %swap3A_167 = arith.index_cast %scan3A_37 : i32 to index
      %swap3A_168 = arith.constant 112 : index
      %swap3A_169 = tpu.vector_load %arg9[%swap3A_167, %swap3A_168] {strides = array<i32>} : memref<4x128xi32, #tpu.memory_space<vmem>>, vector<1x16xi32>,
      %swap3A_170 = vector.shape_cast %swap3A_169 : vector<1x16xi32> to vector<16xi32>
      %swap3A_171 = vector.shape_cast %add3A_166 : vector<16xi32> to vector<1x16xi32>
      tpu.vector_store %arg9[%swap3A_167, %swap3A_168], %swap3A_171 {strides = array<i32>} : memref<4x128xi32, #tpu.memory_space<vmem>>, vector<1x16xi32>,
      %mul3A_172 = arith.constant 128 : i32
      %mul3A_173 = arith.muli %scan3A_37, %mul3A_172 : i32
      %dma_start3A = arith.constant 0 : i32
      %dma_start3A_174 = tpu.memref_slice %arg10[%mul3A_173, %dma_start3A] : memref<512x128xf32, #tpu.memory_space<vmem>> -> memref<128x128xf32, #tpu.memory_space<vmem>>
      %dma_start3A_175 = arith.constant 0 : i32
      %dma_start3A_176 = tpu.memref_slice %arg9[%scan3A_37, %dma_start3A_175] : memref<4x128xi32, #tpu.memory_space<vmem>> -> memref<1x128xi32, #tpu.memory_space<vmem>>
      %dma_start3A_177 = tpu.memref_squeeze %dma_start3A_176 : memref<1x128xi32, #tpu.memory_space<vmem>> -> memref<128xi32, #tpu.memory_space<vmem>>
      %dma_start3A_178 = arith.constant 0 : i32
      %dma_start3A_179 = arith.constant 0 : i32
      %dma_start3A_180 = tpu.memref_slice %arg3[%dma_start3A_178, %dma_start3A_179] : memref<43200x128xf32, #tpu.memory_space<hbm>> -> memref<43200x128xf32, #tpu.memory_space<hbm>>
      tpu.enqueue_indirect_dma source(%dma_start3A_180 : memref<43200x128xf32, #tpu.memory_space<hbm>>) target(%dma_start3A_174 : memref<128x128xf32, #tpu.memory_space<vmem>>) offsets(%dma_start3A_177 : memref<128xi32, #tpu.memory_space<vmem>>) semaphore(%arg11 : memref<!tpu.dma_semaphore, #tpu.memory_space<semaphore_mem>>)
      %dma_wait3A = arith.constant 0 : i32
      %dma_wait3A_181 = tpu.memref_slice %arg10[%mul3A_173, %dma_wait3A] : memref<512x128xf32, #tpu.memory_space<vmem>> -> memref<128x128xf32, #tpu.memory_space<vmem>>
      %dma_wait3A_182 = arith.constant 0 : i32
      %dma_wait3A_183 = tpu.memref_slice %arg9[%scan3A_37, %dma_wait3A_182] : memref<4x128xi32, #tpu.memory_space<vmem>> -> memref<1x128xi32, #tpu.memory_space<vmem>>
      %dma_wait3A_184 = tpu.memref_squeeze %dma_wait3A_183 : memref<1x128xi32, #tpu.memory_space<vmem>> -> memref<128xi32, #tpu.memory_space<vmem>>
      %dma_wait3A_185 = arith.constant 0 : i32
      %dma_wait3A_186 = arith.constant 0 : i32
      %dma_wait3A_187 = tpu.memref_slice %arg3[%dma_wait3A_185, %dma_wait3A_186] : memref<43200x128xf32, #tpu.memory_space<hbm>> -> memref<43200x128xf32, #tpu.memory_space<hbm>>
      tpu.wait_indirect_dma semaphore(%arg11 : memref<!tpu.dma_semaphore, #tpu.memory_space<semaphore_mem>>) src(%dma_wait3A_187 : memref<43200x128xf32, #tpu.memory_space<hbm>>) dst(%dma_wait3A_181 : memref<128x128xf32, #tpu.memory_space<vmem>>)
      %scan3A_188 = arith.constant 0 : i32
      scf.yield %scan3A_188 : i32
    }
    %scan3A_9 = arith.constant 4 : i32
    %run_scoped3A = arith.constant 0 : i32
    "tpu.region"() ({
      %run_scoped3A_37 = tpu.sem_alloc : memref<!tpu.dma_semaphore, #tpu.memory_space<semaphore_mem>>
      %dma_start3A = arith.constant 0 : i32
      %dma_start3A_38 = tpu.memref_slice %arg7[%run_scoped3A, %mul3A_2, %dma_start3A] : memref<4x16384x128xf32, #tpu.memory_space<hbm>> -> memref<1x512x128xf32, #tpu.memory_space<hbm>>
      %dma_start3A_39 = tpu.memref_squeeze %dma_start3A_38 : memref<1x512x128xf32, #tpu.memory_space<hbm>> -> memref<512x128xf32, #tpu.memory_space<hbm>>
      %dma_start3A_40 = arith.constant 0 : i32
      %dma_start3A_41 = tpu.memref_slice %arg7[%run_scoped3A, %mul3A_2, %dma_start3A_40] : memref<4x16384x128xf32, #tpu.memory_space<hbm>> -> memref<1x512x128xf32, #tpu.memory_space<hbm>>
      %dma_start3A_42 = tpu.memref_squeeze %dma_start3A_41 : memref<1x512x128xf32, #tpu.memory_space<hbm>> -> memref<512x128xf32, #tpu.memory_space<hbm>>
      tpu.enqueue_dma source(%arg10 : memref<512x128xf32, #tpu.memory_space<vmem>>) target(%dma_start3A_42 : memref<512x128xf32, #tpu.memory_space<hbm>>) target_semaphore(%run_scoped3A_37 : memref<!tpu.dma_semaphore, #tpu.memory_space<semaphore_mem>>)
      %dma_wait3A = arith.constant 0 : i32
      %dma_wait3A_43 = tpu.memref_slice %arg7[%run_scoped3A, %mul3A_2, %dma_wait3A] : memref<4x16384x128xf32, #tpu.memory_space<hbm>> -> memref<1x512x128xf32, #tpu.memory_space<hbm>>
      %dma_wait3A_44 = tpu.memref_squeeze %dma_wait3A_43 : memref<1x512x128xf32, #tpu.memory_space<hbm>> -> memref<512x128xf32, #tpu.memory_space<hbm>>
      %dma_wait3A_45 = arith.constant 0 : i32
      %dma_wait3A_46 = tpu.memref_slice %arg7[%run_scoped3A, %mul3A_2, %dma_wait3A_45] : memref<4x16384x128xf32, #tpu.memory_space<hbm>> -> memref<1x512x128xf32, #tpu.memory_space<hbm>>
      %dma_wait3A_47 = tpu.memref_squeeze %dma_wait3A_46 : memref<1x512x128xf32, #tpu.memory_space<hbm>> -> memref<512x128xf32, #tpu.memory_space<hbm>>
      tpu.wait_dma2 semaphore(%run_scoped3A_37 : memref<!tpu.dma_semaphore, #tpu.memory_space<semaphore_mem>>) src(%arg10 : memref<512x128xf32, #tpu.memory_space<vmem>>) dst(%dma_wait3A_47 : memref<512x128xf32, #tpu.memory_space<hbm>>)
      tpu.yield
    }) : () -> ()
    %scan3A_10 = arith.constant 0 : i32
    %scan3A_11 = arith.constant 0 : i32
    %scan3A_12 = arith.constant 0 : i32
    %scan3A_13 = arith.constant 4 : i32
    %scan3A_14 = arith.addi %scan3A_12, %scan3A_13 : i32
    %scan3A_15 = arith.constant 1 : i32
    %scan3A_16 = scf.for %scan3A_37 = %scan3A_12 to %scan3A_14 step %scan3A_15 iter_args(%scan3A_38 = %scan3A_11) -> (i32)  : i32 {
      %mul3A_39 = arith.constant 128 : i32
      %mul3A_40 = arith.muli %scan3A_37, %mul3A_39 : i32
      %add3A_41 = arith.constant 0 : i32
      %add3A_42 = arith.addi %mul3A_40, %add3A_41 : i32
      %get3A = arith.index_cast %add3A_42 : i32 to index
      %get3A_43 = tpu.vector_load %arg8[%get3A] {strides = array<i32>} : memref<512xi32, #tpu.memory_space<vmem>>, vector<16xi32>,
      %get3A_44 = vector.shape_cast %get3A_43 : vector<16xi32> to vector<16xi32>
      %rem3A = arith.constant 28800 : i32
      %rem3A_45 = vector.broadcast %rem3A : i32 to vector<16xi32>
      %rem3A_46 = arith.remsi %get3A_44, %rem3A_45 : vector<16xi32>
      %add3A_47 = vector.broadcast %scan3A_10 : i32 to vector<16xi32>
      %add3A_48 = arith.addi %rem3A_46, %add3A_47 : vector<16xi32>
      %swap3A = arith.index_cast %scan3A_37 : i32 to index
      %swap3A_49 = arith.constant 0 : index
      %swap3A_50 = tpu.vector_load %arg9[%swap3A, %swap3A_49] {strides = array<i32>} : memref<4x128xi32, #tpu.memory_space<vmem>>, vector<1x16xi32>,
      %swap3A_51 = vector.shape_cast %swap3A_50 : vector<1x16xi32> to vector<16xi32>
      %swap3A_52 = vector.shape_cast %add3A_48 : vector<16xi32> to vector<1x16xi32>
      tpu.vector_store %arg9[%swap3A, %swap3A_49], %swap3A_52 {strides = array<i32>} : memref<4x128xi32, #tpu.memory_space<vmem>>, vector<1x16xi32>,
      %mul3A_53 = arith.constant 128 : i32
      %mul3A_54 = arith.muli %scan3A_37, %mul3A_53 : i32
      %add3A_55 = arith.constant 16 : i32
      %add3A_56 = arith.addi %mul3A_54, %add3A_55 : i32
      %get3A_57 = arith.index_cast %add3A_56 : i32 to index
      %get3A_58 = tpu.vector_load %arg8[%get3A_57] {strides = array<i32>} : memref<512xi32, #tpu.memory_space<vmem>>, vector<16xi32>,
      %get3A_59 = vector.shape_cast %get3A_58 : vector<16xi32> to vector<16xi32>
      %rem3A_60 = arith.constant 28800 : i32
      %rem3A_61 = vector.broadcast %rem3A_60 : i32 to vector<16xi32>
      %rem3A_62 = arith.remsi %get3A_59, %rem3A_61 : vector<16xi32>
      %add3A_63 = vector.broadcast %scan3A_10 : i32 to vector<16xi32>
      %add3A_64 = arith.addi %rem3A_62, %add3A_63 : vector<16xi32>
      %swap3A_65 = arith.index_cast %scan3A_37 : i32 to index
      %swap3A_66 = arith.constant 16 : index
      %swap3A_67 = tpu.vector_load %arg9[%swap3A_65, %swap3A_66] {strides = array<i32>} : memref<4x128xi32, #tpu.memory_space<vmem>>, vector<1x16xi32>,
      %swap3A_68 = vector.shape_cast %swap3A_67 : vector<1x16xi32> to vector<16xi32>
      %swap3A_69 = vector.shape_cast %add3A_64 : vector<16xi32> to vector<1x16xi32>
      tpu.vector_store %arg9[%swap3A_65, %swap3A_66], %swap3A_69 {strides = array<i32>} : memref<4x128xi32, #tpu.memory_space<vmem>>, vector<1x16xi32>,
      %mul3A_70 = arith.constant 128 : i32
      %mul3A_71 = arith.muli %scan3A_37, %mul3A_70 : i32
      %add3A_72 = arith.constant 32 : i32
      %add3A_73 = arith.addi %mul3A_71, %add3A_72 : i32
      %get3A_74 = arith.index_cast %add3A_73 : i32 to index
      %get3A_75 = tpu.vector_load %arg8[%get3A_74] {strides = array<i32>} : memref<512xi32, #tpu.memory_space<vmem>>, vector<16xi32>,
      %get3A_76 = vector.shape_cast %get3A_75 : vector<16xi32> to vector<16xi32>
      %rem3A_77 = arith.constant 28800 : i32
      %rem3A_78 = vector.broadcast %rem3A_77 : i32 to vector<16xi32>
      %rem3A_79 = arith.remsi %get3A_76, %rem3A_78 : vector<16xi32>
      %add3A_80 = vector.broadcast %scan3A_10 : i32 to vector<16xi32>
      %add3A_81 = arith.addi %rem3A_79, %add3A_80 : vector<16xi32>
      %swap3A_82 = arith.index_cast %scan3A_37 : i32 to index
      %swap3A_83 = arith.constant 32 : index
      %swap3A_84 = tpu.vector_load %arg9[%swap3A_82, %swap3A_83] {strides = array<i32>} : memref<4x128xi32, #tpu.memory_space<vmem>>, vector<1x16xi32>,
      %swap3A_85 = vector.shape_cast %swap3A_84 : vector<1x16xi32> to vector<16xi32>
      %swap3A_86 = vector.shape_cast %add3A_81 : vector<16xi32> to vector<1x16xi32>
      tpu.vector_store %arg9[%swap3A_82, %swap3A_83], %swap3A_86 {strides = array<i32>} : memref<4x128xi32, #tpu.memory_space<vmem>>, vector<1x16xi32>,
      %mul3A_87 = arith.constant 128 : i32
      %mul3A_88 = arith.muli %scan3A_37, %mul3A_87 : i32
      %add3A_89 = arith.constant 48 : i32
      %add3A_90 = arith.addi %mul3A_88, %add3A_89 : i32
      %get3A_91 = arith.index_cast %add3A_90 : i32 to index
      %get3A_92 = tpu.vector_load %arg8[%get3A_91] {strides = array<i32>} : memref<512xi32, #tpu.memory_space<vmem>>, vector<16xi32>,
      %get3A_93 = vector.shape_cast %get3A_92 : vector<16xi32> to vector<16xi32>
      %rem3A_94 = arith.constant 28800 : i32
      %rem3A_95 = vector.broadcast %rem3A_94 : i32 to vector<16xi32>
      %rem3A_96 = arith.remsi %get3A_93, %rem3A_95 : vector<16xi32>
      %add3A_97 = vector.broadcast %scan3A_10 : i32 to vector<16xi32>
      %add3A_98 = arith.addi %rem3A_96, %add3A_97 : vector<16xi32>
      %swap3A_99 = arith.index_cast %scan3A_37 : i32 to index
      %swap3A_100 = arith.constant 48 : index
      %swap3A_101 = tpu.vector_load %arg9[%swap3A_99, %swap3A_100] {strides = array<i32>} : memref<4x128xi32, #tpu.memory_space<vmem>>, vector<1x16xi32>,
      %swap3A_102 = vector.shape_cast %swap3A_101 : vector<1x16xi32> to vector<16xi32>
      %swap3A_103 = vector.shape_cast %add3A_98 : vector<16xi32> to vector<1x16xi32>
      tpu.vector_store %arg9[%swap3A_99, %swap3A_100], %swap3A_103 {strides = array<i32>} : memref<4x128xi32, #tpu.memory_space<vmem>>, vector<1x16xi32>,
      %mul3A_104 = arith.constant 128 : i32
      %mul3A_105 = arith.muli %scan3A_37, %mul3A_104 : i32
      %add3A_106 = arith.constant 64 : i32
      %add3A_107 = arith.addi %mul3A_105, %add3A_106 : i32
      %get3A_108 = arith.index_cast %add3A_107 : i32 to index
      %get3A_109 = tpu.vector_load %arg8[%get3A_108] {strides = array<i32>} : memref<512xi32, #tpu.memory_space<vmem>>, vector<16xi32>,
      %get3A_110 = vector.shape_cast %get3A_109 : vector<16xi32> to vector<16xi32>
      %rem3A_111 = arith.constant 28800 : i32
      %rem3A_112 = vector.broadcast %rem3A_111 : i32 to vector<16xi32>
      %rem3A_113 = arith.remsi %get3A_110, %rem3A_112 : vector<16xi32>
      %add3A_114 = vector.broadcast %scan3A_10 : i32 to vector<16xi32>
      %add3A_115 = arith.addi %rem3A_113, %add3A_114 : vector<16xi32>
      %swap3A_116 = arith.index_cast %scan3A_37 : i32 to index
      %swap3A_117 = arith.constant 64 : index
      %swap3A_118 = tpu.vector_load %arg9[%swap3A_116, %swap3A_117] {strides = array<i32>} : memref<4x128xi32, #tpu.memory_space<vmem>>, vector<1x16xi32>,
      %swap3A_119 = vector.shape_cast %swap3A_118 : vector<1x16xi32> to vector<16xi32>
      %swap3A_120 = vector.shape_cast %add3A_115 : vector<16xi32> to vector<1x16xi32>
      tpu.vector_store %arg9[%swap3A_116, %swap3A_117], %swap3A_120 {strides = array<i32>} : memref<4x128xi32, #tpu.memory_space<vmem>>, vector<1x16xi32>,
      %mul3A_121 = arith.constant 128 : i32
      %mul3A_122 = arith.muli %scan3A_37, %mul3A_121 : i32
      %add3A_123 = arith.constant 80 : i32
      %add3A_124 = arith.addi %mul3A_122, %add3A_123 : i32
      %get3A_125 = arith.index_cast %add3A_124 : i32 to index
      %get3A_126 = tpu.vector_load %arg8[%get3A_125] {strides = array<i32>} : memref<512xi32, #tpu.memory_space<vmem>>, vector<16xi32>,
      %get3A_127 = vector.shape_cast %get3A_126 : vector<16xi32> to vector<16xi32>
      %rem3A_128 = arith.constant 28800 : i32
      %rem3A_129 = vector.broadcast %rem3A_128 : i32 to vector<16xi32>
      %rem3A_130 = arith.remsi %get3A_127, %rem3A_129 : vector<16xi32>
      %add3A_131 = vector.broadcast %scan3A_10 : i32 to vector<16xi32>
      %add3A_132 = arith.addi %rem3A_130, %add3A_131 : vector<16xi32>
      %swap3A_133 = arith.index_cast %scan3A_37 : i32 to index
      %swap3A_134 = arith.constant 80 : index
      %swap3A_135 = tpu.vector_load %arg9[%swap3A_133, %swap3A_134] {strides = array<i32>} : memref<4x128xi32, #tpu.memory_space<vmem>>, vector<1x16xi32>,
      %swap3A_136 = vector.shape_cast %swap3A_135 : vector<1x16xi32> to vector<16xi32>
      %swap3A_137 = vector.shape_cast %add3A_132 : vector<16xi32> to vector<1x16xi32>
      tpu.vector_store %arg9[%swap3A_133, %swap3A_134], %swap3A_137 {strides = array<i32>} : memref<4x128xi32, #tpu.memory_space<vmem>>, vector<1x16xi32>,
      %mul3A_138 = arith.constant 128 : i32
      %mul3A_139 = arith.muli %scan3A_37, %mul3A_138 : i32
      %add3A_140 = arith.constant 96 : i32
      %add3A_141 = arith.addi %mul3A_139, %add3A_140 : i32
      %get3A_142 = arith.index_cast %add3A_141 : i32 to index
      %get3A_143 = tpu.vector_load %arg8[%get3A_142] {strides = array<i32>} : memref<512xi32, #tpu.memory_space<vmem>>, vector<16xi32>,
      %get3A_144 = vector.shape_cast %get3A_143 : vector<16xi32> to vector<16xi32>
      %rem3A_145 = arith.constant 28800 : i32
      %rem3A_146 = vector.broadcast %rem3A_145 : i32 to vector<16xi32>
      %rem3A_147 = arith.remsi %get3A_144, %rem3A_146 : vector<16xi32>
      %add3A_148 = vector.broadcast %scan3A_10 : i32 to vector<16xi32>
      %add3A_149 = arith.addi %rem3A_147, %add3A_148 : vector<16xi32>
      %swap3A_150 = arith.index_cast %scan3A_37 : i32 to index
      %swap3A_151 = arith.constant 96 : index
      %swap3A_152 = tpu.vector_load %arg9[%swap3A_150, %swap3A_151] {strides = array<i32>} : memref<4x128xi32, #tpu.memory_space<vmem>>, vector<1x16xi32>,
      %swap3A_153 = vector.shape_cast %swap3A_152 : vector<1x16xi32> to vector<16xi32>
      %swap3A_154 = vector.shape_cast %add3A_149 : vector<16xi32> to vector<1x16xi32>
      tpu.vector_store %arg9[%swap3A_150, %swap3A_151], %swap3A_154 {strides = array<i32>} : memref<4x128xi32, #tpu.memory_space<vmem>>, vector<1x16xi32>,
      %mul3A_155 = arith.constant 128 : i32
      %mul3A_156 = arith.muli %scan3A_37, %mul3A_155 : i32
      %add3A_157 = arith.constant 112 : i32
      %add3A_158 = arith.addi %mul3A_156, %add3A_157 : i32
      %get3A_159 = arith.index_cast %add3A_158 : i32 to index
      %get3A_160 = tpu.vector_load %arg8[%get3A_159] {strides = array<i32>} : memref<512xi32, #tpu.memory_space<vmem>>, vector<16xi32>,
      %get3A_161 = vector.shape_cast %get3A_160 : vector<16xi32> to vector<16xi32>
      %rem3A_162 = arith.constant 28800 : i32
      %rem3A_163 = vector.broadcast %rem3A_162 : i32 to vector<16xi32>
      %rem3A_164 = arith.remsi %get3A_161, %rem3A_163 : vector<16xi32>
      %add3A_165 = vector.broadcast %scan3A_10 : i32 to vector<16xi32>
      %add3A_166 = arith.addi %rem3A_164, %add3A_165 : vector<16xi32>
      %swap3A_167 = arith.index_cast %scan3A_37 : i32 to index
      %swap3A_168 = arith.constant 112 : index
      %swap3A_169 = tpu.vector_load %arg9[%swap3A_167, %swap3A_168] {strides = array<i32>} : memref<4x128xi32, #tpu.memory_space<vmem>>, vector<1x16xi32>,
      %swap3A_170 = vector.shape_cast %swap3A_169 : vector<1x16xi32> to vector<16xi32>
      %swap3A_171 = vector.shape_cast %add3A_166 : vector<16xi32> to vector<1x16xi32>
      tpu.vector_store %arg9[%swap3A_167, %swap3A_168], %swap3A_171 {strides = array<i32>} : memref<4x128xi32, #tpu.memory_space<vmem>>, vector<1x16xi32>,
      %mul3A_172 = arith.constant 128 : i32
      %mul3A_173 = arith.muli %scan3A_37, %mul3A_172 : i32
      %dma_start3A = arith.constant 0 : i32
      %dma_start3A_174 = tpu.memref_slice %arg10[%mul3A_173, %dma_start3A] : memref<512x128xf32, #tpu.memory_space<vmem>> -> memref<128x128xf32, #tpu.memory_space<vmem>>
      %dma_start3A_175 = arith.constant 0 : i32
      %dma_start3A_176 = tpu.memref_slice %arg9[%scan3A_37, %dma_start3A_175] : memref<4x128xi32, #tpu.memory_space<vmem>> -> memref<1x128xi32, #tpu.memory_space<vmem>>
      %dma_start3A_177 = tpu.memref_squeeze %dma_start3A_176 : memref<1x128xi32, #tpu.memory_space<vmem>> -> memref<128xi32, #tpu.memory_space<vmem>>
      %dma_start3A_178 = arith.constant 0 : i32
      %dma_start3A_179 = arith.constant 0 : i32
      %dma_start3A_180 = tpu.memref_slice %arg4[%dma_start3A_178, %dma_start3A_179] : memref<28800x128xf32, #tpu.memory_space<hbm>> -> memref<28800x128xf32, #tpu.memory_space<hbm>>
      tpu.enqueue_indirect_dma source(%dma_start3A_180 : memref<28800x128xf32, #tpu.memory_space<hbm>>) target(%dma_start3A_174 : memref<128x128xf32, #tpu.memory_space<vmem>>) offsets(%dma_start3A_177 : memref<128xi32, #tpu.memory_space<vmem>>) semaphore(%arg11 : memref<!tpu.dma_semaphore, #tpu.memory_space<semaphore_mem>>)
      %dma_wait3A = arith.constant 0 : i32
      %dma_wait3A_181 = tpu.memref_slice %arg10[%mul3A_173, %dma_wait3A] : memref<512x128xf32, #tpu.memory_space<vmem>> -> memref<128x128xf32, #tpu.memory_space<vmem>>
      %dma_wait3A_182 = arith.constant 0 : i32
      %dma_wait3A_183 = tpu.memref_slice %arg9[%scan3A_37, %dma_wait3A_182] : memref<4x128xi32, #tpu.memory_space<vmem>> -> memref<1x128xi32, #tpu.memory_space<vmem>>
      %dma_wait3A_184 = tpu.memref_squeeze %dma_wait3A_183 : memref<1x128xi32, #tpu.memory_space<vmem>> -> memref<128xi32, #tpu.memory_space<vmem>>
      %dma_wait3A_185 = arith.constant 0 : i32
      %dma_wait3A_186 = arith.constant 0 : i32
      %dma_wait3A_187 = tpu.memref_slice %arg4[%dma_wait3A_185, %dma_wait3A_186] : memref<28800x128xf32, #tpu.memory_space<hbm>> -> memref<28800x128xf32, #tpu.memory_space<hbm>>
      tpu.wait_indirect_dma semaphore(%arg11 : memref<!tpu.dma_semaphore, #tpu.memory_space<semaphore_mem>>) src(%dma_wait3A_187 : memref<28800x128xf32, #tpu.memory_space<hbm>>) dst(%dma_wait3A_181 : memref<128x128xf32, #tpu.memory_space<vmem>>)
      %scan3A_188 = arith.constant 0 : i32
      scf.yield %scan3A_188 : i32
    }
    %scan3A_17 = arith.constant 4 : i32
    %run_scoped3A_18 = arith.constant 1 : i32
    "tpu.region"() ({
      %run_scoped3A_37 = tpu.sem_alloc : memref<!tpu.dma_semaphore, #tpu.memory_space<semaphore_mem>>
      %dma_start3A = arith.constant 0 : i32
      %dma_start3A_38 = tpu.memref_slice %arg7[%run_scoped3A_18, %mul3A_2, %dma_start3A] : memref<4x16384x128xf32, #tpu.memory_space<hbm>> -> memref<1x512x128xf32, #tpu.memory_space<hbm>>
      %dma_start3A_39 = tpu.memref_squeeze %dma_start3A_38 : memref<1x512x128xf32, #tpu.memory_space<hbm>> -> memref<512x128xf32, #tpu.memory_space<hbm>>
      %dma_start3A_40 = arith.constant 0 : i32
      %dma_start3A_41 = tpu.memref_slice %arg7[%run_scoped3A_18, %mul3A_2, %dma_start3A_40] : memref<4x16384x128xf32, #tpu.memory_space<hbm>> -> memref<1x512x128xf32, #tpu.memory_space<hbm>>
      %dma_start3A_42 = tpu.memref_squeeze %dma_start3A_41 : memref<1x512x128xf32, #tpu.memory_space<hbm>> -> memref<512x128xf32, #tpu.memory_space<hbm>>
      tpu.enqueue_dma source(%arg10 : memref<512x128xf32, #tpu.memory_space<vmem>>) target(%dma_start3A_42 : memref<512x128xf32, #tpu.memory_space<hbm>>) target_semaphore(%run_scoped3A_37 : memref<!tpu.dma_semaphore, #tpu.memory_space<semaphore_mem>>)
      %dma_wait3A = arith.constant 0 : i32
      %dma_wait3A_43 = tpu.memref_slice %arg7[%run_scoped3A_18, %mul3A_2, %dma_wait3A] : memref<4x16384x128xf32, #tpu.memory_space<hbm>> -> memref<1x512x128xf32, #tpu.memory_space<hbm>>
      %dma_wait3A_44 = tpu.memref_squeeze %dma_wait3A_43 : memref<1x512x128xf32, #tpu.memory_space<hbm>> -> memref<512x128xf32, #tpu.memory_space<hbm>>
      %dma_wait3A_45 = arith.constant 0 : i32
      %dma_wait3A_46 = tpu.memref_slice %arg7[%run_scoped3A_18, %mul3A_2, %dma_wait3A_45] : memref<4x16384x128xf32, #tpu.memory_space<hbm>> -> memref<1x512x128xf32, #tpu.memory_space<hbm>>
      %dma_wait3A_47 = tpu.memref_squeeze %dma_wait3A_46 : memref<1x512x128xf32, #tpu.memory_space<hbm>> -> memref<512x128xf32, #tpu.memory_space<hbm>>
      tpu.wait_dma2 semaphore(%run_scoped3A_37 : memref<!tpu.dma_semaphore, #tpu.memory_space<semaphore_mem>>) src(%arg10 : memref<512x128xf32, #tpu.memory_space<vmem>>) dst(%dma_wait3A_47 : memref<512x128xf32, #tpu.memory_space<hbm>>)
      tpu.yield
    }) : () -> ()
    %scan3A_19 = arith.constant 0 : i32
    %scan3A_20 = arith.constant 0 : i32
    %scan3A_21 = arith.constant 0 : i32
    %scan3A_22 = arith.constant 4 : i32
    %scan3A_23 = arith.addi %scan3A_21, %scan3A_22 : i32
    %scan3A_24 = arith.constant 1 : i32
    %scan3A_25 = scf.for %scan3A_37 = %scan3A_21 to %scan3A_23 step %scan3A_24 iter_args(%scan3A_38 = %scan3A_20) -> (i32)  : i32 {
      %mul3A_39 = arith.constant 128 : i32
      %mul3A_40 = arith.muli %scan3A_37, %mul3A_39 : i32
      %add3A_41 = arith.constant 0 : i32
      %add3A_42 = arith.addi %mul3A_40, %add3A_41 : i32
      %get3A = arith.index_cast %add3A_42 : i32 to index
      %get3A_43 = tpu.vector_load %arg8[%get3A] {strides = array<i32>} : memref<512xi32, #tpu.memory_space<vmem>>, vector<16xi32>,
      %get3A_44 = vector.shape_cast %get3A_43 : vector<16xi32> to vector<16xi32>
      %rem3A = arith.constant 21600 : i32
      %rem3A_45 = vector.broadcast %rem3A : i32 to vector<16xi32>
      %rem3A_46 = arith.remsi %get3A_44, %rem3A_45 : vector<16xi32>
      %add3A_47 = vector.broadcast %scan3A_19 : i32 to vector<16xi32>
      %add3A_48 = arith.addi %rem3A_46, %add3A_47 : vector<16xi32>
      %swap3A = arith.index_cast %scan3A_37 : i32 to index
      %swap3A_49 = arith.constant 0 : index
      %swap3A_50 = tpu.vector_load %arg9[%swap3A, %swap3A_49] {strides = array<i32>} : memref<4x128xi32, #tpu.memory_space<vmem>>, vector<1x16xi32>,
      %swap3A_51 = vector.shape_cast %swap3A_50 : vector<1x16xi32> to vector<16xi32>
      %swap3A_52 = vector.shape_cast %add3A_48 : vector<16xi32> to vector<1x16xi32>
      tpu.vector_store %arg9[%swap3A, %swap3A_49], %swap3A_52 {strides = array<i32>} : memref<4x128xi32, #tpu.memory_space<vmem>>, vector<1x16xi32>,
      %mul3A_53 = arith.constant 128 : i32
      %mul3A_54 = arith.muli %scan3A_37, %mul3A_53 : i32
      %add3A_55 = arith.constant 16 : i32
      %add3A_56 = arith.addi %mul3A_54, %add3A_55 : i32
      %get3A_57 = arith.index_cast %add3A_56 : i32 to index
      %get3A_58 = tpu.vector_load %arg8[%get3A_57] {strides = array<i32>} : memref<512xi32, #tpu.memory_space<vmem>>, vector<16xi32>,
      %get3A_59 = vector.shape_cast %get3A_58 : vector<16xi32> to vector<16xi32>
      %rem3A_60 = arith.constant 21600 : i32
      %rem3A_61 = vector.broadcast %rem3A_60 : i32 to vector<16xi32>
      %rem3A_62 = arith.remsi %get3A_59, %rem3A_61 : vector<16xi32>
      %add3A_63 = vector.broadcast %scan3A_19 : i32 to vector<16xi32>
      %add3A_64 = arith.addi %rem3A_62, %add3A_63 : vector<16xi32>
      %swap3A_65 = arith.index_cast %scan3A_37 : i32 to index
      %swap3A_66 = arith.constant 16 : index
      %swap3A_67 = tpu.vector_load %arg9[%swap3A_65, %swap3A_66] {strides = array<i32>} : memref<4x128xi32, #tpu.memory_space<vmem>>, vector<1x16xi32>,
      %swap3A_68 = vector.shape_cast %swap3A_67 : vector<1x16xi32> to vector<16xi32>
      %swap3A_69 = vector.shape_cast %add3A_64 : vector<16xi32> to vector<1x16xi32>
      tpu.vector_store %arg9[%swap3A_65, %swap3A_66], %swap3A_69 {strides = array<i32>} : memref<4x128xi32, #tpu.memory_space<vmem>>, vector<1x16xi32>,
      %mul3A_70 = arith.constant 128 : i32
      %mul3A_71 = arith.muli %scan3A_37, %mul3A_70 : i32
      %add3A_72 = arith.constant 32 : i32
      %add3A_73 = arith.addi %mul3A_71, %add3A_72 : i32
      %get3A_74 = arith.index_cast %add3A_73 : i32 to index
      %get3A_75 = tpu.vector_load %arg8[%get3A_74] {strides = array<i32>} : memref<512xi32, #tpu.memory_space<vmem>>, vector<16xi32>,
      %get3A_76 = vector.shape_cast %get3A_75 : vector<16xi32> to vector<16xi32>
      %rem3A_77 = arith.constant 21600 : i32
      %rem3A_78 = vector.broadcast %rem3A_77 : i32 to vector<16xi32>
      %rem3A_79 = arith.remsi %get3A_76, %rem3A_78 : vector<16xi32>
      %add3A_80 = vector.broadcast %scan3A_19 : i32 to vector<16xi32>
      %add3A_81 = arith.addi %rem3A_79, %add3A_80 : vector<16xi32>
      %swap3A_82 = arith.index_cast %scan3A_37 : i32 to index
      %swap3A_83 = arith.constant 32 : index
      %swap3A_84 = tpu.vector_load %arg9[%swap3A_82, %swap3A_83] {strides = array<i32>} : memref<4x128xi32, #tpu.memory_space<vmem>>, vector<1x16xi32>,
      %swap3A_85 = vector.shape_cast %swap3A_84 : vector<1x16xi32> to vector<16xi32>
      %swap3A_86 = vector.shape_cast %add3A_81 : vector<16xi32> to vector<1x16xi32>
      tpu.vector_store %arg9[%swap3A_82, %swap3A_83], %swap3A_86 {strides = array<i32>} : memref<4x128xi32, #tpu.memory_space<vmem>>, vector<1x16xi32>,
      %mul3A_87 = arith.constant 128 : i32
      %mul3A_88 = arith.muli %scan3A_37, %mul3A_87 : i32
      %add3A_89 = arith.constant 48 : i32
      %add3A_90 = arith.addi %mul3A_88, %add3A_89 : i32
      %get3A_91 = arith.index_cast %add3A_90 : i32 to index
      %get3A_92 = tpu.vector_load %arg8[%get3A_91] {strides = array<i32>} : memref<512xi32, #tpu.memory_space<vmem>>, vector<16xi32>,
      %get3A_93 = vector.shape_cast %get3A_92 : vector<16xi32> to vector<16xi32>
      %rem3A_94 = arith.constant 21600 : i32
      %rem3A_95 = vector.broadcast %rem3A_94 : i32 to vector<16xi32>
      %rem3A_96 = arith.remsi %get3A_93, %rem3A_95 : vector<16xi32>
      %add3A_97 = vector.broadcast %scan3A_19 : i32 to vector<16xi32>
      %add3A_98 = arith.addi %rem3A_96, %add3A_97 : vector<16xi32>
      %swap3A_99 = arith.index_cast %scan3A_37 : i32 to index
      %swap3A_100 = arith.constant 48 : index
      %swap3A_101 = tpu.vector_load %arg9[%swap3A_99, %swap3A_100] {strides = array<i32>} : memref<4x128xi32, #tpu.memory_space<vmem>>, vector<1x16xi32>,
      %swap3A_102 = vector.shape_cast %swap3A_101 : vector<1x16xi32> to vector<16xi32>
      %swap3A_103 = vector.shape_cast %add3A_98 : vector<16xi32> to vector<1x16xi32>
      tpu.vector_store %arg9[%swap3A_99, %swap3A_100], %swap3A_103 {strides = array<i32>} : memref<4x128xi32, #tpu.memory_space<vmem>>, vector<1x16xi32>,
      %mul3A_104 = arith.constant 128 : i32
      %mul3A_105 = arith.muli %scan3A_37, %mul3A_104 : i32
      %add3A_106 = arith.constant 64 : i32
      %add3A_107 = arith.addi %mul3A_105, %add3A_106 : i32
      %get3A_108 = arith.index_cast %add3A_107 : i32 to index
      %get3A_109 = tpu.vector_load %arg8[%get3A_108] {strides = array<i32>} : memref<512xi32, #tpu.memory_space<vmem>>, vector<16xi32>,
      %get3A_110 = vector.shape_cast %get3A_109 : vector<16xi32> to vector<16xi32>
      %rem3A_111 = arith.constant 21600 : i32
      %rem3A_112 = vector.broadcast %rem3A_111 : i32 to vector<16xi32>
      %rem3A_113 = arith.remsi %get3A_110, %rem3A_112 : vector<16xi32>
      %add3A_114 = vector.broadcast %scan3A_19 : i32 to vector<16xi32>
      %add3A_115 = arith.addi %rem3A_113, %add3A_114 : vector<16xi32>
      %swap3A_116 = arith.index_cast %scan3A_37 : i32 to index
      %swap3A_117 = arith.constant 64 : index
      %swap3A_118 = tpu.vector_load %arg9[%swap3A_116, %swap3A_117] {strides = array<i32>} : memref<4x128xi32, #tpu.memory_space<vmem>>, vector<1x16xi32>,
      %swap3A_119 = vector.shape_cast %swap3A_118 : vector<1x16xi32> to vector<16xi32>
      %swap3A_120 = vector.shape_cast %add3A_115 : vector<16xi32> to vector<1x16xi32>
      tpu.vector_store %arg9[%swap3A_116, %swap3A_117], %swap3A_120 {strides = array<i32>} : memref<4x128xi32, #tpu.memory_space<vmem>>, vector<1x16xi32>,
      %mul3A_121 = arith.constant 128 : i32
      %mul3A_122 = arith.muli %scan3A_37, %mul3A_121 : i32
      %add3A_123 = arith.constant 80 : i32
      %add3A_124 = arith.addi %mul3A_122, %add3A_123 : i32
      %get3A_125 = arith.index_cast %add3A_124 : i32 to index
      %get3A_126 = tpu.vector_load %arg8[%get3A_125] {strides = array<i32>} : memref<512xi32, #tpu.memory_space<vmem>>, vector<16xi32>,
      %get3A_127 = vector.shape_cast %get3A_126 : vector<16xi32> to vector<16xi32>
      %rem3A_128 = arith.constant 21600 : i32
      %rem3A_129 = vector.broadcast %rem3A_128 : i32 to vector<16xi32>
      %rem3A_130 = arith.remsi %get3A_127, %rem3A_129 : vector<16xi32>
      %add3A_131 = vector.broadcast %scan3A_19 : i32 to vector<16xi32>
      %add3A_132 = arith.addi %rem3A_130, %add3A_131 : vector<16xi32>
      %swap3A_133 = arith.index_cast %scan3A_37 : i32 to index
      %swap3A_134 = arith.constant 80 : index
      %swap3A_135 = tpu.vector_load %arg9[%swap3A_133, %swap3A_134] {strides = array<i32>} : memref<4x128xi32, #tpu.memory_space<vmem>>, vector<1x16xi32>,
      %swap3A_136 = vector.shape_cast %swap3A_135 : vector<1x16xi32> to vector<16xi32>
      %swap3A_137 = vector.shape_cast %add3A_132 : vector<16xi32> to vector<1x16xi32>
      tpu.vector_store %arg9[%swap3A_133, %swap3A_134], %swap3A_137 {strides = array<i32>} : memref<4x128xi32, #tpu.memory_space<vmem>>, vector<1x16xi32>,
      %mul3A_138 = arith.constant 128 : i32
      %mul3A_139 = arith.muli %scan3A_37, %mul3A_138 : i32
      %add3A_140 = arith.constant 96 : i32
      %add3A_141 = arith.addi %mul3A_139, %add3A_140 : i32
      %get3A_142 = arith.index_cast %add3A_141 : i32 to index
      %get3A_143 = tpu.vector_load %arg8[%get3A_142] {strides = array<i32>} : memref<512xi32, #tpu.memory_space<vmem>>, vector<16xi32>,
      %get3A_144 = vector.shape_cast %get3A_143 : vector<16xi32> to vector<16xi32>
      %rem3A_145 = arith.constant 21600 : i32
      %rem3A_146 = vector.broadcast %rem3A_145 : i32 to vector<16xi32>
      %rem3A_147 = arith.remsi %get3A_144, %rem3A_146 : vector<16xi32>
      %add3A_148 = vector.broadcast %scan3A_19 : i32 to vector<16xi32>
      %add3A_149 = arith.addi %rem3A_147, %add3A_148 : vector<16xi32>
      %swap3A_150 = arith.index_cast %scan3A_37 : i32 to index
      %swap3A_151 = arith.constant 96 : index
      %swap3A_152 = tpu.vector_load %arg9[%swap3A_150, %swap3A_151] {strides = array<i32>} : memref<4x128xi32, #tpu.memory_space<vmem>>, vector<1x16xi32>,
      %swap3A_153 = vector.shape_cast %swap3A_152 : vector<1x16xi32> to vector<16xi32>
      %swap3A_154 = vector.shape_cast %add3A_149 : vector<16xi32> to vector<1x16xi32>
      tpu.vector_store %arg9[%swap3A_150, %swap3A_151], %swap3A_154 {strides = array<i32>} : memref<4x128xi32, #tpu.memory_space<vmem>>, vector<1x16xi32>,
      %mul3A_155 = arith.constant 128 : i32
      %mul3A_156 = arith.muli %scan3A_37, %mul3A_155 : i32
      %add3A_157 = arith.constant 112 : i32
      %add3A_158 = arith.addi %mul3A_156, %add3A_157 : i32
      %get3A_159 = arith.index_cast %add3A_158 : i32 to index
      %get3A_160 = tpu.vector_load %arg8[%get3A_159] {strides = array<i32>} : memref<512xi32, #tpu.memory_space<vmem>>, vector<16xi32>,
      %get3A_161 = vector.shape_cast %get3A_160 : vector<16xi32> to vector<16xi32>
      %rem3A_162 = arith.constant 21600 : i32
      %rem3A_163 = vector.broadcast %rem3A_162 : i32 to vector<16xi32>
      %rem3A_164 = arith.remsi %get3A_161, %rem3A_163 : vector<16xi32>
      %add3A_165 = vector.broadcast %scan3A_19 : i32 to vector<16xi32>
      %add3A_166 = arith.addi %rem3A_164, %add3A_165 : vector<16xi32>
      %swap3A_167 = arith.index_cast %scan3A_37 : i32 to index
      %swap3A_168 = arith.constant 112 : index
      %swap3A_169 = tpu.vector_load %arg9[%swap3A_167, %swap3A_168] {strides = array<i32>} : memref<4x128xi32, #tpu.memory_space<vmem>>, vector<1x16xi32>,
      %swap3A_170 = vector.shape_cast %swap3A_169 : vector<1x16xi32> to vector<16xi32>
      %swap3A_171 = vector.shape_cast %add3A_166 : vector<16xi32> to vector<1x16xi32>
      tpu.vector_store %arg9[%swap3A_167, %swap3A_168], %swap3A_171 {strides = array<i32>} : memref<4x128xi32, #tpu.memory_space<vmem>>, vector<1x16xi32>,
      %mul3A_172 = arith.constant 128 : i32
      %mul3A_173 = arith.muli %scan3A_37, %mul3A_172 : i32
      %dma_start3A = arith.constant 0 : i32
      %dma_start3A_174 = tpu.memref_slice %arg10[%mul3A_173, %dma_start3A] : memref<512x128xf32, #tpu.memory_space<vmem>> -> memref<128x128xf32, #tpu.memory_space<vmem>>
      %dma_start3A_175 = arith.constant 0 : i32
      %dma_start3A_176 = tpu.memref_slice %arg9[%scan3A_37, %dma_start3A_175] : memref<4x128xi32, #tpu.memory_space<vmem>> -> memref<1x128xi32, #tpu.memory_space<vmem>>
      %dma_start3A_177 = tpu.memref_squeeze %dma_start3A_176 : memref<1x128xi32, #tpu.memory_space<vmem>> -> memref<128xi32, #tpu.memory_space<vmem>>
      %dma_start3A_178 = arith.constant 0 : i32
      %dma_start3A_179 = arith.constant 0 : i32
      %dma_start3A_180 = tpu.memref_slice %arg5[%dma_start3A_178, %dma_start3A_179] : memref<21600x128xf32, #tpu.memory_space<hbm>> -> memref<21600x128xf32, #tpu.memory_space<hbm>>
      tpu.enqueue_indirect_dma source(%dma_start3A_180 : memref<21600x128xf32, #tpu.memory_space<hbm>>) target(%dma_start3A_174 : memref<128x128xf32, #tpu.memory_space<vmem>>) offsets(%dma_start3A_177 : memref<128xi32, #tpu.memory_space<vmem>>) semaphore(%arg11 : memref<!tpu.dma_semaphore, #tpu.memory_space<semaphore_mem>>)
      %dma_wait3A = arith.constant 0 : i32
      %dma_wait3A_181 = tpu.memref_slice %arg10[%mul3A_173, %dma_wait3A] : memref<512x128xf32, #tpu.memory_space<vmem>> -> memref<128x128xf32, #tpu.memory_space<vmem>>
      %dma_wait3A_182 = arith.constant 0 : i32
      %dma_wait3A_183 = tpu.memref_slice %arg9[%scan3A_37, %dma_wait3A_182] : memref<4x128xi32, #tpu.memory_space<vmem>> -> memref<1x128xi32, #tpu.memory_space<vmem>>
      %dma_wait3A_184 = tpu.memref_squeeze %dma_wait3A_183 : memref<1x128xi32, #tpu.memory_space<vmem>> -> memref<128xi32, #tpu.memory_space<vmem>>
      %dma_wait3A_185 = arith.constant 0 : i32
      %dma_wait3A_186 = arith.constant 0 : i32
      %dma_wait3A_187 = tpu.memref_slice %arg5[%dma_wait3A_185, %dma_wait3A_186] : memref<21600x128xf32, #tpu.memory_space<hbm>> -> memref<21600x128xf32, #tpu.memory_space<hbm>>
      tpu.wait_indirect_dma semaphore(%arg11 : memref<!tpu.dma_semaphore, #tpu.memory_space<semaphore_mem>>) src(%dma_wait3A_187 : memref<21600x128xf32, #tpu.memory_space<hbm>>) dst(%dma_wait3A_181 : memref<128x128xf32, #tpu.memory_space<vmem>>)
      %scan3A_188 = arith.constant 0 : i32
      scf.yield %scan3A_188 : i32
    }
    %scan3A_26 = arith.constant 4 : i32
    %run_scoped3A_27 = arith.constant 2 : i32
    "tpu.region"() ({
      %run_scoped3A_37 = tpu.sem_alloc : memref<!tpu.dma_semaphore, #tpu.memory_space<semaphore_mem>>
      %dma_start3A = arith.constant 0 : i32
      %dma_start3A_38 = tpu.memref_slice %arg7[%run_scoped3A_27, %mul3A_2, %dma_start3A] : memref<4x16384x128xf32, #tpu.memory_space<hbm>> -> memref<1x512x128xf32, #tpu.memory_space<hbm>>
      %dma_start3A_39 = tpu.memref_squeeze %dma_start3A_38 : memref<1x512x128xf32, #tpu.memory_space<hbm>> -> memref<512x128xf32, #tpu.memory_space<hbm>>
      %dma_start3A_40 = arith.constant 0 : i32
      %dma_start3A_41 = tpu.memref_slice %arg7[%run_scoped3A_27, %mul3A_2, %dma_start3A_40] : memref<4x16384x128xf32, #tpu.memory_space<hbm>> -> memref<1x512x128xf32, #tpu.memory_space<hbm>>
      %dma_start3A_42 = tpu.memref_squeeze %dma_start3A_41 : memref<1x512x128xf32, #tpu.memory_space<hbm>> -> memref<512x128xf32, #tpu.memory_space<hbm>>
      tpu.enqueue_dma source(%arg10 : memref<512x128xf32, #tpu.memory_space<vmem>>) target(%dma_start3A_42 : memref<512x128xf32, #tpu.memory_space<hbm>>) target_semaphore(%run_scoped3A_37 : memref<!tpu.dma_semaphore, #tpu.memory_space<semaphore_mem>>)
      %dma_wait3A = arith.constant 0 : i32
      %dma_wait3A_43 = tpu.memref_slice %arg7[%run_scoped3A_27, %mul3A_2, %dma_wait3A] : memref<4x16384x128xf32, #tpu.memory_space<hbm>> -> memref<1x512x128xf32, #tpu.memory_space<hbm>>
      %dma_wait3A_44 = tpu.memref_squeeze %dma_wait3A_43 : memref<1x512x128xf32, #tpu.memory_space<hbm>> -> memref<512x128xf32, #tpu.memory_space<hbm>>
      %dma_wait3A_45 = arith.constant 0 : i32
      %dma_wait3A_46 = tpu.memref_slice %arg7[%run_scoped3A_27, %mul3A_2, %dma_wait3A_45] : memref<4x16384x128xf32, #tpu.memory_space<hbm>> -> memref<1x512x128xf32, #tpu.memory_space<hbm>>
      %dma_wait3A_47 = tpu.memref_squeeze %dma_wait3A_46 : memref<1x512x128xf32, #tpu.memory_space<hbm>> -> memref<512x128xf32, #tpu.memory_space<hbm>>
      tpu.wait_dma2 semaphore(%run_scoped3A_37 : memref<!tpu.dma_semaphore, #tpu.memory_space<semaphore_mem>>) src(%arg10 : memref<512x128xf32, #tpu.memory_space<vmem>>) dst(%dma_wait3A_47 : memref<512x128xf32, #tpu.memory_space<hbm>>)
      tpu.yield
    }) : () -> ()
    %scan3A_28 = arith.constant 0 : i32
    %scan3A_29 = arith.constant 0 : i32
    %scan3A_30 = arith.constant 0 : i32
    %scan3A_31 = arith.constant 4 : i32
    %scan3A_32 = arith.addi %scan3A_30, %scan3A_31 : i32
    %scan3A_33 = arith.constant 1 : i32
    %scan3A_34 = scf.for %scan3A_37 = %scan3A_30 to %scan3A_32 step %scan3A_33 iter_args(%scan3A_38 = %scan3A_29) -> (i32)  : i32 {
      %mul3A_39 = arith.constant 128 : i32
      %mul3A_40 = arith.muli %scan3A_37, %mul3A_39 : i32
      %add3A_41 = arith.constant 0 : i32
      %add3A_42 = arith.addi %mul3A_40, %add3A_41 : i32
      %get3A = arith.index_cast %add3A_42 : i32 to index
      %get3A_43 = tpu.vector_load %arg8[%get3A] {strides = array<i32>} : memref<512xi32, #tpu.memory_space<vmem>>, vector<16xi32>,
      %get3A_44 = vector.shape_cast %get3A_43 : vector<16xi32> to vector<16xi32>
      %rem3A = arith.constant 14400 : i32
      %rem3A_45 = vector.broadcast %rem3A : i32 to vector<16xi32>
      %rem3A_46 = arith.remsi %get3A_44, %rem3A_45 : vector<16xi32>
      %add3A_47 = vector.broadcast %scan3A_28 : i32 to vector<16xi32>
      %add3A_48 = arith.addi %rem3A_46, %add3A_47 : vector<16xi32>
      %swap3A = arith.index_cast %scan3A_37 : i32 to index
      %swap3A_49 = arith.constant 0 : index
      %swap3A_50 = tpu.vector_load %arg9[%swap3A, %swap3A_49] {strides = array<i32>} : memref<4x128xi32, #tpu.memory_space<vmem>>, vector<1x16xi32>,
      %swap3A_51 = vector.shape_cast %swap3A_50 : vector<1x16xi32> to vector<16xi32>
      %swap3A_52 = vector.shape_cast %add3A_48 : vector<16xi32> to vector<1x16xi32>
      tpu.vector_store %arg9[%swap3A, %swap3A_49], %swap3A_52 {strides = array<i32>} : memref<4x128xi32, #tpu.memory_space<vmem>>, vector<1x16xi32>,
      %mul3A_53 = arith.constant 128 : i32
      %mul3A_54 = arith.muli %scan3A_37, %mul3A_53 : i32
      %add3A_55 = arith.constant 16 : i32
      %add3A_56 = arith.addi %mul3A_54, %add3A_55 : i32
      %get3A_57 = arith.index_cast %add3A_56 : i32 to index
      %get3A_58 = tpu.vector_load %arg8[%get3A_57] {strides = array<i32>} : memref<512xi32, #tpu.memory_space<vmem>>, vector<16xi32>,
      %get3A_59 = vector.shape_cast %get3A_58 : vector<16xi32> to vector<16xi32>
      %rem3A_60 = arith.constant 14400 : i32
      %rem3A_61 = vector.broadcast %rem3A_60 : i32 to vector<16xi32>
      %rem3A_62 = arith.remsi %get3A_59, %rem3A_61 : vector<16xi32>
      %add3A_63 = vector.broadcast %scan3A_28 : i32 to vector<16xi32>
      %add3A_64 = arith.addi %rem3A_62, %add3A_63 : vector<16xi32>
      %swap3A_65 = arith.index_cast %scan3A_37 : i32 to index
      %swap3A_66 = arith.constant 16 : index
      %swap3A_67 = tpu.vector_load %arg9[%swap3A_65, %swap3A_66] {strides = array<i32>} : memref<4x128xi32, #tpu.memory_space<vmem>>, vector<1x16xi32>,
      %swap3A_68 = vector.shape_cast %swap3A_67 : vector<1x16xi32> to vector<16xi32>
      %swap3A_69 = vector.shape_cast %add3A_64 : vector<16xi32> to vector<1x16xi32>
      tpu.vector_store %arg9[%swap3A_65, %swap3A_66], %swap3A_69 {strides = array<i32>} : memref<4x128xi32, #tpu.memory_space<vmem>>, vector<1x16xi32>,
      %mul3A_70 = arith.constant 128 : i32
      %mul3A_71 = arith.muli %scan3A_37, %mul3A_70 : i32
      %add3A_72 = arith.constant 32 : i32
      %add3A_73 = arith.addi %mul3A_71, %add3A_72 : i32
      %get3A_74 = arith.index_cast %add3A_73 : i32 to index
      %get3A_75 = tpu.vector_load %arg8[%get3A_74] {strides = array<i32>} : memref<512xi32, #tpu.memory_space<vmem>>, vector<16xi32>,
      %get3A_76 = vector.shape_cast %get3A_75 : vector<16xi32> to vector<16xi32>
      %rem3A_77 = arith.constant 14400 : i32
      %rem3A_78 = vector.broadcast %rem3A_77 : i32 to vector<16xi32>
      %rem3A_79 = arith.remsi %get3A_76, %rem3A_78 : vector<16xi32>
      %add3A_80 = vector.broadcast %scan3A_28 : i32 to vector<16xi32>
      %add3A_81 = arith.addi %rem3A_79, %add3A_80 : vector<16xi32>
      %swap3A_82 = arith.index_cast %scan3A_37 : i32 to index
      %swap3A_83 = arith.constant 32 : index
      %swap3A_84 = tpu.vector_load %arg9[%swap3A_82, %swap3A_83] {strides = array<i32>} : memref<4x128xi32, #tpu.memory_space<vmem>>, vector<1x16xi32>,
      %swap3A_85 = vector.shape_cast %swap3A_84 : vector<1x16xi32> to vector<16xi32>
      %swap3A_86 = vector.shape_cast %add3A_81 : vector<16xi32> to vector<1x16xi32>
      tpu.vector_store %arg9[%swap3A_82, %swap3A_83], %swap3A_86 {strides = array<i32>} : memref<4x128xi32, #tpu.memory_space<vmem>>, vector<1x16xi32>,
      %mul3A_87 = arith.constant 128 : i32
      %mul3A_88 = arith.muli %scan3A_37, %mul3A_87 : i32
      %add3A_89 = arith.constant 48 : i32
      %add3A_90 = arith.addi %mul3A_88, %add3A_89 : i32
      %get3A_91 = arith.index_cast %add3A_90 : i32 to index
      %get3A_92 = tpu.vector_load %arg8[%get3A_91] {strides = array<i32>} : memref<512xi32, #tpu.memory_space<vmem>>, vector<16xi32>,
      %get3A_93 = vector.shape_cast %get3A_92 : vector<16xi32> to vector<16xi32>
      %rem3A_94 = arith.constant 14400 : i32
      %rem3A_95 = vector.broadcast %rem3A_94 : i32 to vector<16xi32>
      %rem3A_96 = arith.remsi %get3A_93, %rem3A_95 : vector<16xi32>
      %add3A_97 = vector.broadcast %scan3A_28 : i32 to vector<16xi32>
      %add3A_98 = arith.addi %rem3A_96, %add3A_97 : vector<16xi32>
      %swap3A_99 = arith.index_cast %scan3A_37 : i32 to index
      %swap3A_100 = arith.constant 48 : index
      %swap3A_101 = tpu.vector_load %arg9[%swap3A_99, %swap3A_100] {strides = array<i32>} : memref<4x128xi32, #tpu.memory_space<vmem>>, vector<1x16xi32>,
      %swap3A_102 = vector.shape_cast %swap3A_101 : vector<1x16xi32> to vector<16xi32>
      %swap3A_103 = vector.shape_cast %add3A_98 : vector<16xi32> to vector<1x16xi32>
      tpu.vector_store %arg9[%swap3A_99, %swap3A_100], %swap3A_103 {strides = array<i32>} : memref<4x128xi32, #tpu.memory_space<vmem>>, vector<1x16xi32>,
      %mul3A_104 = arith.constant 128 : i32
      %mul3A_105 = arith.muli %scan3A_37, %mul3A_104 : i32
      %add3A_106 = arith.constant 64 : i32
      %add3A_107 = arith.addi %mul3A_105, %add3A_106 : i32
      %get3A_108 = arith.index_cast %add3A_107 : i32 to index
      %get3A_109 = tpu.vector_load %arg8[%get3A_108] {strides = array<i32>} : memref<512xi32, #tpu.memory_space<vmem>>, vector<16xi32>,
      %get3A_110 = vector.shape_cast %get3A_109 : vector<16xi32> to vector<16xi32>
      %rem3A_111 = arith.constant 14400 : i32
      %rem3A_112 = vector.broadcast %rem3A_111 : i32 to vector<16xi32>
      %rem3A_113 = arith.remsi %get3A_110, %rem3A_112 : vector<16xi32>
      %add3A_114 = vector.broadcast %scan3A_28 : i32 to vector<16xi32>
      %add3A_115 = arith.addi %rem3A_113, %add3A_114 : vector<16xi32>
      %swap3A_116 = arith.index_cast %scan3A_37 : i32 to index
      %swap3A_117 = arith.constant 64 : index
      %swap3A_118 = tpu.vector_load %arg9[%swap3A_116, %swap3A_117] {strides = array<i32>} : memref<4x128xi32, #tpu.memory_space<vmem>>, vector<1x16xi32>,
      %swap3A_119 = vector.shape_cast %swap3A_118 : vector<1x16xi32> to vector<16xi32>
      %swap3A_120 = vector.shape_cast %add3A_115 : vector<16xi32> to vector<1x16xi32>
      tpu.vector_store %arg9[%swap3A_116, %swap3A_117], %swap3A_120 {strides = array<i32>} : memref<4x128xi32, #tpu.memory_space<vmem>>, vector<1x16xi32>,
      %mul3A_121 = arith.constant 128 : i32
      %mul3A_122 = arith.muli %scan3A_37, %mul3A_121 : i32
      %add3A_123 = arith.constant 80 : i32
      %add3A_124 = arith.addi %mul3A_122, %add3A_123 : i32
      %get3A_125 = arith.index_cast %add3A_124 : i32 to index
      %get3A_126 = tpu.vector_load %arg8[%get3A_125] {strides = array<i32>} : memref<512xi32, #tpu.memory_space<vmem>>, vector<16xi32>,
      %get3A_127 = vector.shape_cast %get3A_126 : vector<16xi32> to vector<16xi32>
      %rem3A_128 = arith.constant 14400 : i32
      %rem3A_129 = vector.broadcast %rem3A_128 : i32 to vector<16xi32>
      %rem3A_130 = arith.remsi %get3A_127, %rem3A_129 : vector<16xi32>
      %add3A_131 = vector.broadcast %scan3A_28 : i32 to vector<16xi32>
      %add3A_132 = arith.addi %rem3A_130, %add3A_131 : vector<16xi32>
      %swap3A_133 = arith.index_cast %scan3A_37 : i32 to index
      %swap3A_134 = arith.constant 80 : index
      %swap3A_135 = tpu.vector_load %arg9[%swap3A_133, %swap3A_134] {strides = array<i32>} : memref<4x128xi32, #tpu.memory_space<vmem>>, vector<1x16xi32>,
      %swap3A_136 = vector.shape_cast %swap3A_135 : vector<1x16xi32> to vector<16xi32>
      %swap3A_137 = vector.shape_cast %add3A_132 : vector<16xi32> to vector<1x16xi32>
      tpu.vector_store %arg9[%swap3A_133, %swap3A_134], %swap3A_137 {strides = array<i32>} : memref<4x128xi32, #tpu.memory_space<vmem>>, vector<1x16xi32>,
      %mul3A_138 = arith.constant 128 : i32
      %mul3A_139 = arith.muli %scan3A_37, %mul3A_138 : i32
      %add3A_140 = arith.constant 96 : i32
      %add3A_141 = arith.addi %mul3A_139, %add3A_140 : i32
      %get3A_142 = arith.index_cast %add3A_141 : i32 to index
      %get3A_143 = tpu.vector_load %arg8[%get3A_142] {strides = array<i32>} : memref<512xi32, #tpu.memory_space<vmem>>, vector<16xi32>,
      %get3A_144 = vector.shape_cast %get3A_143 : vector<16xi32> to vector<16xi32>
      %rem3A_145 = arith.constant 14400 : i32
      %rem3A_146 = vector.broadcast %rem3A_145 : i32 to vector<16xi32>
      %rem3A_147 = arith.remsi %get3A_144, %rem3A_146 : vector<16xi32>
      %add3A_148 = vector.broadcast %scan3A_28 : i32 to vector<16xi32>
      %add3A_149 = arith.addi %rem3A_147, %add3A_148 : vector<16xi32>
      %swap3A_150 = arith.index_cast %scan3A_37 : i32 to index
      %swap3A_151 = arith.constant 96 : index
      %swap3A_152 = tpu.vector_load %arg9[%swap3A_150, %swap3A_151] {strides = array<i32>} : memref<4x128xi32, #tpu.memory_space<vmem>>, vector<1x16xi32>,
      %swap3A_153 = vector.shape_cast %swap3A_152 : vector<1x16xi32> to vector<16xi32>
      %swap3A_154 = vector.shape_cast %add3A_149 : vector<16xi32> to vector<1x16xi32>
      tpu.vector_store %arg9[%swap3A_150, %swap3A_151], %swap3A_154 {strides = array<i32>} : memref<4x128xi32, #tpu.memory_space<vmem>>, vector<1x16xi32>,
      %mul3A_155 = arith.constant 128 : i32
      %mul3A_156 = arith.muli %scan3A_37, %mul3A_155 : i32
      %add3A_157 = arith.constant 112 : i32
      %add3A_158 = arith.addi %mul3A_156, %add3A_157 : i32
      %get3A_159 = arith.index_cast %add3A_158 : i32 to index
      %get3A_160 = tpu.vector_load %arg8[%get3A_159] {strides = array<i32>} : memref<512xi32, #tpu.memory_space<vmem>>, vector<16xi32>,
      %get3A_161 = vector.shape_cast %get3A_160 : vector<16xi32> to vector<16xi32>
      %rem3A_162 = arith.constant 14400 : i32
      %rem3A_163 = vector.broadcast %rem3A_162 : i32 to vector<16xi32>
      %rem3A_164 = arith.remsi %get3A_161, %rem3A_163 : vector<16xi32>
      %add3A_165 = vector.broadcast %scan3A_28 : i32 to vector<16xi32>
      %add3A_166 = arith.addi %rem3A_164, %add3A_165 : vector<16xi32>
      %swap3A_167 = arith.index_cast %scan3A_37 : i32 to index
      %swap3A_168 = arith.constant 112 : index
      %swap3A_169 = tpu.vector_load %arg9[%swap3A_167, %swap3A_168] {strides = array<i32>} : memref<4x128xi32, #tpu.memory_space<vmem>>, vector<1x16xi32>,
      %swap3A_170 = vector.shape_cast %swap3A_169 : vector<1x16xi32> to vector<16xi32>
      %swap3A_171 = vector.shape_cast %add3A_166 : vector<16xi32> to vector<1x16xi32>
      tpu.vector_store %arg9[%swap3A_167, %swap3A_168], %swap3A_171 {strides = array<i32>} : memref<4x128xi32, #tpu.memory_space<vmem>>, vector<1x16xi32>,
      %mul3A_172 = arith.constant 128 : i32
      %mul3A_173 = arith.muli %scan3A_37, %mul3A_172 : i32
      %dma_start3A = arith.constant 0 : i32
      %dma_start3A_174 = tpu.memref_slice %arg10[%mul3A_173, %dma_start3A] : memref<512x128xf32, #tpu.memory_space<vmem>> -> memref<128x128xf32, #tpu.memory_space<vmem>>
      %dma_start3A_175 = arith.constant 0 : i32
      %dma_start3A_176 = tpu.memref_slice %arg9[%scan3A_37, %dma_start3A_175] : memref<4x128xi32, #tpu.memory_space<vmem>> -> memref<1x128xi32, #tpu.memory_space<vmem>>
      %dma_start3A_177 = tpu.memref_squeeze %dma_start3A_176 : memref<1x128xi32, #tpu.memory_space<vmem>> -> memref<128xi32, #tpu.memory_space<vmem>>
      %dma_start3A_178 = arith.constant 0 : i32
      %dma_start3A_179 = arith.constant 0 : i32
      %dma_start3A_180 = tpu.memref_slice %arg6[%dma_start3A_178, %dma_start3A_179] : memref<14400x128xf32, #tpu.memory_space<hbm>> -> memref<14400x128xf32, #tpu.memory_space<hbm>>
      tpu.enqueue_indirect_dma source(%dma_start3A_180 : memref<14400x128xf32, #tpu.memory_space<hbm>>) target(%dma_start3A_174 : memref<128x128xf32, #tpu.memory_space<vmem>>) offsets(%dma_start3A_177 : memref<128xi32, #tpu.memory_space<vmem>>) semaphore(%arg11 : memref<!tpu.dma_semaphore, #tpu.memory_space<semaphore_mem>>)
      %dma_wait3A = arith.constant 0 : i32
      %dma_wait3A_181 = tpu.memref_slice %arg10[%mul3A_173, %dma_wait3A] : memref<512x128xf32, #tpu.memory_space<vmem>> -> memref<128x128xf32, #tpu.memory_space<vmem>>
      %dma_wait3A_182 = arith.constant 0 : i32
      %dma_wait3A_183 = tpu.memref_slice %arg9[%scan3A_37, %dma_wait3A_182] : memref<4x128xi32, #tpu.memory_space<vmem>> -> memref<1x128xi32, #tpu.memory_space<vmem>>
      %dma_wait3A_184 = tpu.memref_squeeze %dma_wait3A_183 : memref<1x128xi32, #tpu.memory_space<vmem>> -> memref<128xi32, #tpu.memory_space<vmem>>
      %dma_wait3A_185 = arith.constant 0 : i32
      %dma_wait3A_186 = arith.constant 0 : i32
      %dma_wait3A_187 = tpu.memref_slice %arg6[%dma_wait3A_185, %dma_wait3A_186] : memref<14400x128xf32, #tpu.memory_space<hbm>> -> memref<14400x128xf32, #tpu.memory_space<hbm>>
      tpu.wait_indirect_dma semaphore(%arg11 : memref<!tpu.dma_semaphore, #tpu.memory_space<semaphore_mem>>) src(%dma_wait3A_187 : memref<14400x128xf32, #tpu.memory_space<hbm>>) dst(%dma_wait3A_181 : memref<128x128xf32, #tpu.memory_space<vmem>>)
      %scan3A_188 = arith.constant 0 : i32
      scf.yield %scan3A_188 : i32
    }
    %scan3A_35 = arith.constant 4 : i32
    %run_scoped3A_36 = arith.constant 3 : i32
    "tpu.region"() ({
      %run_scoped3A_37 = tpu.sem_alloc : memref<!tpu.dma_semaphore, #tpu.memory_space<semaphore_mem>>
      %dma_start3A = arith.constant 0 : i32
      %dma_start3A_38 = tpu.memref_slice %arg7[%run_scoped3A_36, %mul3A_2, %dma_start3A] : memref<4x16384x128xf32, #tpu.memory_space<hbm>> -> memref<1x512x128xf32, #tpu.memory_space<hbm>>
      %dma_start3A_39 = tpu.memref_squeeze %dma_start3A_38 : memref<1x512x128xf32, #tpu.memory_space<hbm>> -> memref<512x128xf32, #tpu.memory_space<hbm>>
      %dma_start3A_40 = arith.constant 0 : i32
      %dma_start3A_41 = tpu.memref_slice %arg7[%run_scoped3A_36, %mul3A_2, %dma_start3A_40] : memref<4x16384x128xf32, #tpu.memory_space<hbm>> -> memref<1x512x128xf32, #tpu.memory_space<hbm>>
      %dma_start3A_42 = tpu.memref_squeeze %dma_start3A_41 : memref<1x512x128xf32, #tpu.memory_space<hbm>> -> memref<512x128xf32, #tpu.memory_space<hbm>>
      tpu.enqueue_dma source(%arg10 : memref<512x128xf32, #tpu.memory_space<vmem>>) target(%dma_start3A_42 : memref<512x128xf32, #tpu.memory_space<hbm>>) target_semaphore(%run_scoped3A_37 : memref<!tpu.dma_semaphore, #tpu.memory_space<semaphore_mem>>)
      %dma_wait3A = arith.constant 0 : i32
      %dma_wait3A_43 = tpu.memref_slice %arg7[%run_scoped3A_36, %mul3A_2, %dma_wait3A] : memref<4x16384x128xf32, #tpu.memory_space<hbm>> -> memref<1x512x128xf32, #tpu.memory_space<hbm>>
      %dma_wait3A_44 = tpu.memref_squeeze %dma_wait3A_43 : memref<1x512x128xf32, #tpu.memory_space<hbm>> -> memref<512x128xf32, #tpu.memory_space<hbm>>
      %dma_wait3A_45 = arith.constant 0 : i32
      %dma_wait3A_46 = tpu.memref_slice %arg7[%run_scoped3A_36, %mul3A_2, %dma_wait3A_45] : memref<4x16384x128xf32, #tpu.memory_space<hbm>> -> memref<1x512x128xf32, #tpu.memory_space<hbm>>
      %dma_wait3A_47 = tpu.memref_squeeze %dma_wait3A_46 : memref<1x512x128xf32, #tpu.memory_space<hbm>> -> memref<512x128xf32, #tpu.memory_space<hbm>>
      tpu.wait_dma2 semaphore(%run_scoped3A_37 : memref<!tpu.dma_semaphore, #tpu.memory_space<semaphore_mem>>) src(%arg10 : memref<512x128xf32, #tpu.memory_space<vmem>>) dst(%dma_wait3A_47 : memref<512x128xf32, #tpu.memory_space<hbm>>)
      tpu.yield
    }) : () -> ()
    return
  }
}

#map = affine_map<(d0, d1) -> (0)>
#map1 = affine_map<(d0, d1) -> (0, 0)>
#map2 = affine_map<(d0, d1) -> (0, 0, 0)>
module attributes {stable_mosaic.version = 14 : i64} {
  func.func @k(%arg0: i32, %arg1: i32, %arg2: memref<16384xi32, #tpu.memory_space<hbm>>, %arg3: memref<124000x128xf32, #tpu.memory_space<hbm>>, %arg4: memref<1x16384x128xf32, #tpu.memory_space<hbm>>, %arg5: memref<512xi32, #tpu.memory_space<vmem>>, %arg6: memref<4x128xi32, #tpu.memory_space<vmem>>, %arg7: memref<512x128xf32, #tpu.memory_space<vmem>>, %arg8: memref<!tpu.dma_semaphore, #tpu.memory_space<semaphore_mem>>) attributes {dimension_semantics = [#tpu.dimension_semantics<core_parallel>, #tpu.dimension_semantics<subcore_parallel>], iteration_bounds = array<i64: 2, 16>, scalar_prefetch = 0 : i64, scratch_operands = 4 : i64, tpu.core_type = #tpu.core_type<sc_vector_subcore>, window_params = [{transform_indices = #map}, {transform_indices = #map1}, {transform_indices = #map2}]} {
    %mul3A = arith.constant 2 : i32
    %mul3A_0 = arith.muli %arg1, %mul3A : i32
    %add3A = arith.addi %mul3A_0, %arg0 : i32
    %mul3A_1 = arith.constant 512 : i32
    %mul3A_2 = arith.muli %add3A, %mul3A_1 : i32
    "tpu.region"() ({
      %run_scoped3A_10 = tpu.sem_alloc : memref<!tpu.dma_semaphore, #tpu.memory_space<semaphore_mem>>
      %dma_start3A = tpu.memref_slice %arg2[%mul3A_2] : memref<16384xi32, #tpu.memory_space<hbm>> -> memref<512xi32, #tpu.memory_space<hbm>>
      %dma_start3A_11 = tpu.memref_slice %arg2[%mul3A_2] : memref<16384xi32, #tpu.memory_space<hbm>> -> memref<512xi32, #tpu.memory_space<hbm>>
      tpu.enqueue_dma source(%dma_start3A_11 : memref<512xi32, #tpu.memory_space<hbm>>) target(%arg5 : memref<512xi32, #tpu.memory_space<vmem>>) target_semaphore(%run_scoped3A_10 : memref<!tpu.dma_semaphore, #tpu.memory_space<semaphore_mem>>)
      %dma_wait3A = tpu.memref_slice %arg2[%mul3A_2] : memref<16384xi32, #tpu.memory_space<hbm>> -> memref<512xi32, #tpu.memory_space<hbm>>
      %dma_wait3A_12 = tpu.memref_slice %arg2[%mul3A_2] : memref<16384xi32, #tpu.memory_space<hbm>> -> memref<512xi32, #tpu.memory_space<hbm>>
      tpu.wait_dma2 semaphore(%run_scoped3A_10 : memref<!tpu.dma_semaphore, #tpu.memory_space<semaphore_mem>>) src(%dma_wait3A_12 : memref<512xi32, #tpu.memory_space<hbm>>) dst(%arg5 : memref<512xi32, #tpu.memory_space<vmem>>)
      tpu.yield
    }) : () -> ()
    %scan3A = arith.constant 0 : i32
    %scan3A_3 = arith.constant 0 : i32
    %scan3A_4 = arith.constant 0 : i32
    %scan3A_5 = arith.constant 4 : i32
    %scan3A_6 = arith.addi %scan3A_4, %scan3A_5 : i32
    %scan3A_7 = arith.constant 1 : i32
    %scan3A_8 = scf.for %scan3A_10 = %scan3A_4 to %scan3A_6 step %scan3A_7 iter_args(%scan3A_11 = %scan3A_3) -> (i32)  : i32 {
      %mul3A_12 = arith.constant 128 : i32
      %mul3A_13 = arith.muli %scan3A_10, %mul3A_12 : i32
      %add3A_14 = arith.constant 0 : i32
      %add3A_15 = arith.addi %mul3A_13, %add3A_14 : i32
      %get3A = arith.index_cast %add3A_15 : i32 to index
      %get3A_16 = tpu.vector_load %arg5[%get3A] {strides = array<i32>} : memref<512xi32, #tpu.memory_space<vmem>>, vector<16xi32>,
      %get3A_17 = vector.shape_cast %get3A_16 : vector<16xi32> to vector<16xi32>
      %rem3A = arith.constant 86400 : i32
      %rem3A_18 = vector.broadcast %rem3A : i32 to vector<16xi32>
      %rem3A_19 = arith.remsi %get3A_17, %rem3A_18 : vector<16xi32>
      %add3A_20 = vector.broadcast %scan3A : i32 to vector<16xi32>
      %add3A_21 = arith.addi %rem3A_19, %add3A_20 : vector<16xi32>
      %swap3A = arith.index_cast %scan3A_10 : i32 to index
      %swap3A_22 = arith.constant 0 : index
      %swap3A_23 = tpu.vector_load %arg6[%swap3A, %swap3A_22] {strides = array<i32>} : memref<4x128xi32, #tpu.memory_space<vmem>>, vector<1x16xi32>,
      %swap3A_24 = vector.shape_cast %swap3A_23 : vector<1x16xi32> to vector<16xi32>
      %swap3A_25 = vector.shape_cast %add3A_21 : vector<16xi32> to vector<1x16xi32>
      tpu.vector_store %arg6[%swap3A, %swap3A_22], %swap3A_25 {strides = array<i32>} : memref<4x128xi32, #tpu.memory_space<vmem>>, vector<1x16xi32>,
      %mul3A_26 = arith.constant 128 : i32
      %mul3A_27 = arith.muli %scan3A_10, %mul3A_26 : i32
      %add3A_28 = arith.constant 16 : i32
      %add3A_29 = arith.addi %mul3A_27, %add3A_28 : i32
      %get3A_30 = arith.index_cast %add3A_29 : i32 to index
      %get3A_31 = tpu.vector_load %arg5[%get3A_30] {strides = array<i32>} : memref<512xi32, #tpu.memory_space<vmem>>, vector<16xi32>,
      %get3A_32 = vector.shape_cast %get3A_31 : vector<16xi32> to vector<16xi32>
      %rem3A_33 = arith.constant 86400 : i32
      %rem3A_34 = vector.broadcast %rem3A_33 : i32 to vector<16xi32>
      %rem3A_35 = arith.remsi %get3A_32, %rem3A_34 : vector<16xi32>
      %add3A_36 = vector.broadcast %scan3A : i32 to vector<16xi32>
      %add3A_37 = arith.addi %rem3A_35, %add3A_36 : vector<16xi32>
      %swap3A_38 = arith.index_cast %scan3A_10 : i32 to index
      %swap3A_39 = arith.constant 16 : index
      %swap3A_40 = tpu.vector_load %arg6[%swap3A_38, %swap3A_39] {strides = array<i32>} : memref<4x128xi32, #tpu.memory_space<vmem>>, vector<1x16xi32>,
      %swap3A_41 = vector.shape_cast %swap3A_40 : vector<1x16xi32> to vector<16xi32>
      %swap3A_42 = vector.shape_cast %add3A_37 : vector<16xi32> to vector<1x16xi32>
      tpu.vector_store %arg6[%swap3A_38, %swap3A_39], %swap3A_42 {strides = array<i32>} : memref<4x128xi32, #tpu.memory_space<vmem>>, vector<1x16xi32>,
      %mul3A_43 = arith.constant 128 : i32
      %mul3A_44 = arith.muli %scan3A_10, %mul3A_43 : i32
      %add3A_45 = arith.constant 32 : i32
      %add3A_46 = arith.addi %mul3A_44, %add3A_45 : i32
      %get3A_47 = arith.index_cast %add3A_46 : i32 to index
      %get3A_48 = tpu.vector_load %arg5[%get3A_47] {strides = array<i32>} : memref<512xi32, #tpu.memory_space<vmem>>, vector<16xi32>,
      %get3A_49 = vector.shape_cast %get3A_48 : vector<16xi32> to vector<16xi32>
      %rem3A_50 = arith.constant 86400 : i32
      %rem3A_51 = vector.broadcast %rem3A_50 : i32 to vector<16xi32>
      %rem3A_52 = arith.remsi %get3A_49, %rem3A_51 : vector<16xi32>
      %add3A_53 = vector.broadcast %scan3A : i32 to vector<16xi32>
      %add3A_54 = arith.addi %rem3A_52, %add3A_53 : vector<16xi32>
      %swap3A_55 = arith.index_cast %scan3A_10 : i32 to index
      %swap3A_56 = arith.constant 32 : index
      %swap3A_57 = tpu.vector_load %arg6[%swap3A_55, %swap3A_56] {strides = array<i32>} : memref<4x128xi32, #tpu.memory_space<vmem>>, vector<1x16xi32>,
      %swap3A_58 = vector.shape_cast %swap3A_57 : vector<1x16xi32> to vector<16xi32>
      %swap3A_59 = vector.shape_cast %add3A_54 : vector<16xi32> to vector<1x16xi32>
      tpu.vector_store %arg6[%swap3A_55, %swap3A_56], %swap3A_59 {strides = array<i32>} : memref<4x128xi32, #tpu.memory_space<vmem>>, vector<1x16xi32>,
      %mul3A_60 = arith.constant 128 : i32
      %mul3A_61 = arith.muli %scan3A_10, %mul3A_60 : i32
      %add3A_62 = arith.constant 48 : i32
      %add3A_63 = arith.addi %mul3A_61, %add3A_62 : i32
      %get3A_64 = arith.index_cast %add3A_63 : i32 to index
      %get3A_65 = tpu.vector_load %arg5[%get3A_64] {strides = array<i32>} : memref<512xi32, #tpu.memory_space<vmem>>, vector<16xi32>,
      %get3A_66 = vector.shape_cast %get3A_65 : vector<16xi32> to vector<16xi32>
      %rem3A_67 = arith.constant 86400 : i32
      %rem3A_68 = vector.broadcast %rem3A_67 : i32 to vector<16xi32>
      %rem3A_69 = arith.remsi %get3A_66, %rem3A_68 : vector<16xi32>
      %add3A_70 = vector.broadcast %scan3A : i32 to vector<16xi32>
      %add3A_71 = arith.addi %rem3A_69, %add3A_70 : vector<16xi32>
      %swap3A_72 = arith.index_cast %scan3A_10 : i32 to index
      %swap3A_73 = arith.constant 48 : index
      %swap3A_74 = tpu.vector_load %arg6[%swap3A_72, %swap3A_73] {strides = array<i32>} : memref<4x128xi32, #tpu.memory_space<vmem>>, vector<1x16xi32>,
      %swap3A_75 = vector.shape_cast %swap3A_74 : vector<1x16xi32> to vector<16xi32>
      %swap3A_76 = vector.shape_cast %add3A_71 : vector<16xi32> to vector<1x16xi32>
      tpu.vector_store %arg6[%swap3A_72, %swap3A_73], %swap3A_76 {strides = array<i32>} : memref<4x128xi32, #tpu.memory_space<vmem>>, vector<1x16xi32>,
      %mul3A_77 = arith.constant 128 : i32
      %mul3A_78 = arith.muli %scan3A_10, %mul3A_77 : i32
      %add3A_79 = arith.constant 64 : i32
      %add3A_80 = arith.addi %mul3A_78, %add3A_79 : i32
      %get3A_81 = arith.index_cast %add3A_80 : i32 to index
      %get3A_82 = tpu.vector_load %arg5[%get3A_81] {strides = array<i32>} : memref<512xi32, #tpu.memory_space<vmem>>, vector<16xi32>,
      %get3A_83 = vector.shape_cast %get3A_82 : vector<16xi32> to vector<16xi32>
      %rem3A_84 = arith.constant 86400 : i32
      %rem3A_85 = vector.broadcast %rem3A_84 : i32 to vector<16xi32>
      %rem3A_86 = arith.remsi %get3A_83, %rem3A_85 : vector<16xi32>
      %add3A_87 = vector.broadcast %scan3A : i32 to vector<16xi32>
      %add3A_88 = arith.addi %rem3A_86, %add3A_87 : vector<16xi32>
      %swap3A_89 = arith.index_cast %scan3A_10 : i32 to index
      %swap3A_90 = arith.constant 64 : index
      %swap3A_91 = tpu.vector_load %arg6[%swap3A_89, %swap3A_90] {strides = array<i32>} : memref<4x128xi32, #tpu.memory_space<vmem>>, vector<1x16xi32>,
      %swap3A_92 = vector.shape_cast %swap3A_91 : vector<1x16xi32> to vector<16xi32>
      %swap3A_93 = vector.shape_cast %add3A_88 : vector<16xi32> to vector<1x16xi32>
      tpu.vector_store %arg6[%swap3A_89, %swap3A_90], %swap3A_93 {strides = array<i32>} : memref<4x128xi32, #tpu.memory_space<vmem>>, vector<1x16xi32>,
      %mul3A_94 = arith.constant 128 : i32
      %mul3A_95 = arith.muli %scan3A_10, %mul3A_94 : i32
      %add3A_96 = arith.constant 80 : i32
      %add3A_97 = arith.addi %mul3A_95, %add3A_96 : i32
      %get3A_98 = arith.index_cast %add3A_97 : i32 to index
      %get3A_99 = tpu.vector_load %arg5[%get3A_98] {strides = array<i32>} : memref<512xi32, #tpu.memory_space<vmem>>, vector<16xi32>,
      %get3A_100 = vector.shape_cast %get3A_99 : vector<16xi32> to vector<16xi32>
      %rem3A_101 = arith.constant 86400 : i32
      %rem3A_102 = vector.broadcast %rem3A_101 : i32 to vector<16xi32>
      %rem3A_103 = arith.remsi %get3A_100, %rem3A_102 : vector<16xi32>
      %add3A_104 = vector.broadcast %scan3A : i32 to vector<16xi32>
      %add3A_105 = arith.addi %rem3A_103, %add3A_104 : vector<16xi32>
      %swap3A_106 = arith.index_cast %scan3A_10 : i32 to index
      %swap3A_107 = arith.constant 80 : index
      %swap3A_108 = tpu.vector_load %arg6[%swap3A_106, %swap3A_107] {strides = array<i32>} : memref<4x128xi32, #tpu.memory_space<vmem>>, vector<1x16xi32>,
      %swap3A_109 = vector.shape_cast %swap3A_108 : vector<1x16xi32> to vector<16xi32>
      %swap3A_110 = vector.shape_cast %add3A_105 : vector<16xi32> to vector<1x16xi32>
      tpu.vector_store %arg6[%swap3A_106, %swap3A_107], %swap3A_110 {strides = array<i32>} : memref<4x128xi32, #tpu.memory_space<vmem>>, vector<1x16xi32>,
      %mul3A_111 = arith.constant 128 : i32
      %mul3A_112 = arith.muli %scan3A_10, %mul3A_111 : i32
      %add3A_113 = arith.constant 96 : i32
      %add3A_114 = arith.addi %mul3A_112, %add3A_113 : i32
      %get3A_115 = arith.index_cast %add3A_114 : i32 to index
      %get3A_116 = tpu.vector_load %arg5[%get3A_115] {strides = array<i32>} : memref<512xi32, #tpu.memory_space<vmem>>, vector<16xi32>,
      %get3A_117 = vector.shape_cast %get3A_116 : vector<16xi32> to vector<16xi32>
      %rem3A_118 = arith.constant 86400 : i32
      %rem3A_119 = vector.broadcast %rem3A_118 : i32 to vector<16xi32>
      %rem3A_120 = arith.remsi %get3A_117, %rem3A_119 : vector<16xi32>
      %add3A_121 = vector.broadcast %scan3A : i32 to vector<16xi32>
      %add3A_122 = arith.addi %rem3A_120, %add3A_121 : vector<16xi32>
      %swap3A_123 = arith.index_cast %scan3A_10 : i32 to index
      %swap3A_124 = arith.constant 96 : index
      %swap3A_125 = tpu.vector_load %arg6[%swap3A_123, %swap3A_124] {strides = array<i32>} : memref<4x128xi32, #tpu.memory_space<vmem>>, vector<1x16xi32>,
      %swap3A_126 = vector.shape_cast %swap3A_125 : vector<1x16xi32> to vector<16xi32>
      %swap3A_127 = vector.shape_cast %add3A_122 : vector<16xi32> to vector<1x16xi32>
      tpu.vector_store %arg6[%swap3A_123, %swap3A_124], %swap3A_127 {strides = array<i32>} : memref<4x128xi32, #tpu.memory_space<vmem>>, vector<1x16xi32>,
      %mul3A_128 = arith.constant 128 : i32
      %mul3A_129 = arith.muli %scan3A_10, %mul3A_128 : i32
      %add3A_130 = arith.constant 112 : i32
      %add3A_131 = arith.addi %mul3A_129, %add3A_130 : i32
      %get3A_132 = arith.index_cast %add3A_131 : i32 to index
      %get3A_133 = tpu.vector_load %arg5[%get3A_132] {strides = array<i32>} : memref<512xi32, #tpu.memory_space<vmem>>, vector<16xi32>,
      %get3A_134 = vector.shape_cast %get3A_133 : vector<16xi32> to vector<16xi32>
      %rem3A_135 = arith.constant 86400 : i32
      %rem3A_136 = vector.broadcast %rem3A_135 : i32 to vector<16xi32>
      %rem3A_137 = arith.remsi %get3A_134, %rem3A_136 : vector<16xi32>
      %add3A_138 = vector.broadcast %scan3A : i32 to vector<16xi32>
      %add3A_139 = arith.addi %rem3A_137, %add3A_138 : vector<16xi32>
      %swap3A_140 = arith.index_cast %scan3A_10 : i32 to index
      %swap3A_141 = arith.constant 112 : index
      %swap3A_142 = tpu.vector_load %arg6[%swap3A_140, %swap3A_141] {strides = array<i32>} : memref<4x128xi32, #tpu.memory_space<vmem>>, vector<1x16xi32>,
      %swap3A_143 = vector.shape_cast %swap3A_142 : vector<1x16xi32> to vector<16xi32>
      %swap3A_144 = vector.shape_cast %add3A_139 : vector<16xi32> to vector<1x16xi32>
      tpu.vector_store %arg6[%swap3A_140, %swap3A_141], %swap3A_144 {strides = array<i32>} : memref<4x128xi32, #tpu.memory_space<vmem>>, vector<1x16xi32>,
      %mul3A_145 = arith.constant 128 : i32
      %mul3A_146 = arith.muli %scan3A_10, %mul3A_145 : i32
      %dma_start3A = arith.constant 0 : i32
      %dma_start3A_147 = tpu.memref_slice %arg7[%mul3A_146, %dma_start3A] : memref<512x128xf32, #tpu.memory_space<vmem>> -> memref<128x128xf32, #tpu.memory_space<vmem>>
      %dma_start3A_148 = arith.constant 0 : i32
      %dma_start3A_149 = tpu.memref_slice %arg6[%scan3A_10, %dma_start3A_148] : memref<4x128xi32, #tpu.memory_space<vmem>> -> memref<1x128xi32, #tpu.memory_space<vmem>>
      %dma_start3A_150 = tpu.memref_squeeze %dma_start3A_149 : memref<1x128xi32, #tpu.memory_space<vmem>> -> memref<128xi32, #tpu.memory_space<vmem>>
      %dma_start3A_151 = arith.constant 0 : i32
      %dma_start3A_152 = arith.constant 0 : i32
      %dma_start3A_153 = tpu.memref_slice %arg3[%dma_start3A_151, %dma_start3A_152] : memref<124000x128xf32, #tpu.memory_space<hbm>> -> memref<124000x128xf32, #tpu.memory_space<hbm>>
      tpu.enqueue_indirect_dma source(%dma_start3A_153 : memref<124000x128xf32, #tpu.memory_space<hbm>>) target(%dma_start3A_147 : memref<128x128xf32, #tpu.memory_space<vmem>>) offsets(%dma_start3A_150 : memref<128xi32, #tpu.memory_space<vmem>>) semaphore(%arg8 : memref<!tpu.dma_semaphore, #tpu.memory_space<semaphore_mem>>)
      %dma_wait3A = arith.constant 0 : i32
      %dma_wait3A_154 = tpu.memref_slice %arg7[%mul3A_146, %dma_wait3A] : memref<512x128xf32, #tpu.memory_space<vmem>> -> memref<128x128xf32, #tpu.memory_space<vmem>>
      %dma_wait3A_155 = arith.constant 0 : i32
      %dma_wait3A_156 = tpu.memref_slice %arg6[%scan3A_10, %dma_wait3A_155] : memref<4x128xi32, #tpu.memory_space<vmem>> -> memref<1x128xi32, #tpu.memory_space<vmem>>
      %dma_wait3A_157 = tpu.memref_squeeze %dma_wait3A_156 : memref<1x128xi32, #tpu.memory_space<vmem>> -> memref<128xi32, #tpu.memory_space<vmem>>
      %dma_wait3A_158 = arith.constant 0 : i32
      %dma_wait3A_159 = arith.constant 0 : i32
      %dma_wait3A_160 = tpu.memref_slice %arg3[%dma_wait3A_158, %dma_wait3A_159] : memref<124000x128xf32, #tpu.memory_space<hbm>> -> memref<124000x128xf32, #tpu.memory_space<hbm>>
      tpu.wait_indirect_dma semaphore(%arg8 : memref<!tpu.dma_semaphore, #tpu.memory_space<semaphore_mem>>) src(%dma_wait3A_160 : memref<124000x128xf32, #tpu.memory_space<hbm>>) dst(%dma_wait3A_154 : memref<128x128xf32, #tpu.memory_space<vmem>>)
      %scan3A_161 = arith.constant 0 : i32
      scf.yield %scan3A_161 : i32
    }
    %scan3A_9 = arith.constant 4 : i32
    %run_scoped3A = arith.constant 0 : i32
    "tpu.region"() ({
      %run_scoped3A_10 = tpu.sem_alloc : memref<!tpu.dma_semaphore, #tpu.memory_space<semaphore_mem>>
      %dma_start3A = arith.constant 0 : i32
      %dma_start3A_11 = tpu.memref_slice %arg4[%run_scoped3A, %mul3A_2, %dma_start3A] : memref<1x16384x128xf32, #tpu.memory_space<hbm>> -> memref<1x512x128xf32, #tpu.memory_space<hbm>>
      %dma_start3A_12 = tpu.memref_squeeze %dma_start3A_11 : memref<1x512x128xf32, #tpu.memory_space<hbm>> -> memref<512x128xf32, #tpu.memory_space<hbm>>
      %dma_start3A_13 = arith.constant 0 : i32
      %dma_start3A_14 = tpu.memref_slice %arg4[%run_scoped3A, %mul3A_2, %dma_start3A_13] : memref<1x16384x128xf32, #tpu.memory_space<hbm>> -> memref<1x512x128xf32, #tpu.memory_space<hbm>>
      %dma_start3A_15 = tpu.memref_squeeze %dma_start3A_14 : memref<1x512x128xf32, #tpu.memory_space<hbm>> -> memref<512x128xf32, #tpu.memory_space<hbm>>
      tpu.enqueue_dma source(%arg7 : memref<512x128xf32, #tpu.memory_space<vmem>>) target(%dma_start3A_15 : memref<512x128xf32, #tpu.memory_space<hbm>>) target_semaphore(%run_scoped3A_10 : memref<!tpu.dma_semaphore, #tpu.memory_space<semaphore_mem>>)
      %dma_wait3A = arith.constant 0 : i32
      %dma_wait3A_16 = tpu.memref_slice %arg4[%run_scoped3A, %mul3A_2, %dma_wait3A] : memref<1x16384x128xf32, #tpu.memory_space<hbm>> -> memref<1x512x128xf32, #tpu.memory_space<hbm>>
      %dma_wait3A_17 = tpu.memref_squeeze %dma_wait3A_16 : memref<1x512x128xf32, #tpu.memory_space<hbm>> -> memref<512x128xf32, #tpu.memory_space<hbm>>
      %dma_wait3A_18 = arith.constant 0 : i32
      %dma_wait3A_19 = tpu.memref_slice %arg4[%run_scoped3A, %mul3A_2, %dma_wait3A_18] : memref<1x16384x128xf32, #tpu.memory_space<hbm>> -> memref<1x512x128xf32, #tpu.memory_space<hbm>>
      %dma_wait3A_20 = tpu.memref_squeeze %dma_wait3A_19 : memref<1x512x128xf32, #tpu.memory_space<hbm>> -> memref<512x128xf32, #tpu.memory_space<hbm>>
      tpu.wait_dma2 semaphore(%run_scoped3A_10 : memref<!tpu.dma_semaphore, #tpu.memory_space<semaphore_mem>>) src(%arg7 : memref<512x128xf32, #tpu.memory_space<vmem>>) dst(%dma_wait3A_20 : memref<512x128xf32, #tpu.memory_space<hbm>>)
      tpu.yield
    }) : () -> ()
    return
  }
}

module attributes {stable_mosaic.version = 14 : i64} {
  func.func @body(%arg0: i32, %arg1: memref<800x102xf32, #tpu.memory_space<vmem>>, %arg2: memref<800x102xf32, #tpu.memory_space<vmem>>, %arg3: memref<800x102xf32, #tpu.memory_space<vmem>>, %arg4: memref<800x102xf32, #tpu.memory_space<vmem>>, %arg5: memref<800x102xf32, #tpu.memory_space<vmem>>, %arg6: memref<800x128xf32, #tpu.memory_space<vmem>>) attributes {dimension_semantics = [#tpu.dimension_semantics<arbitrary>], iteration_bounds = array<i64: 108>, scalar_prefetch = 0 : i64, scratch_operands = 0 : i64, tpu.core_type = #tpu.core_type<tc>, window_params = [{transform_indices = @transform_0, window_bounds = array<i64: 800, 102>}, {transform_indices = @transform_1, window_bounds = array<i64: 800, 102>}, {transform_indices = @transform_2, window_bounds = array<i64: 800, 102>}, {transform_indices = @transform_3, window_bounds = array<i64: 800, 102>}, {transform_indices = @transform_4, window_bounds = array<i64: 800, 102>}, {transform_indices = @transform_5, window_bounds = array<i64: 800, 128>}]} {
    %broadcast_in_dim3A = arith.constant 0.000000e+00 : f32
    %broadcast_in_dim3A_0 = vector.broadcast %broadcast_in_dim3A : f32 to vector<800x26xf32>
    %ge3A = arith.constant 0 : i32
    %ge3A_1 = arith.cmpi sge, %arg0, %ge3A : i32
    %lt3A = arith.constant 108 : i32
    %lt3A_2 = arith.cmpi slt, %arg0, %lt3A : i32
    %and3A = arith.andi %ge3A_1, %lt3A_2 : i1
    %convert_element_type3A = arith.extui %and3A : i1 to i32
    %cond3A = arith.constant 0 : i32
    %cond3A_3 = arith.cmpi ne, %convert_element_type3A, %cond3A : i32
    scf.if %cond3A_3 {
      %get3A = arith.constant 0 : index
      %get3A_4 = arith.constant 0 : index
      %get3A_5 = vector.load %arg1[%get3A, %get3A_4] : memref<800x102xf32, #tpu.memory_space<vmem>>, vector<800x102xf32>
      %concatenate3A = tpu.concatenate %get3A_5, %broadcast_in_dim3A_0 in 1 : vector<800x102xf32>, vector<800x26xf32> -> vector<800x128xf32>
      %swap3A = arith.constant 0 : index
      %swap3A_6 = arith.constant 0 : index
      %swap3A_7 = vector.load %arg6[%swap3A, %swap3A_6] : memref<800x128xf32, #tpu.memory_space<vmem>>, vector<800x128xf32>
      tpu.vector_store %arg6[%swap3A, %swap3A_6], %concatenate3A {strides = array<i32>} : memref<800x128xf32, #tpu.memory_space<vmem>>, vector<800x128xf32>,
    } else {
    }
    return
  }
  func.func @transform_0(%arg0: i32) -> (i32, i32) {
    %sub3A = arith.constant 0 : i32
    %sub3A_0 = arith.subi %arg0, %sub3A : i32
    %jit3A = arith.constant 0 : i32
    %jit3A_1 = arith.constant 107 : i32
    %max3A = arith.maxsi %jit3A, %sub3A_0 : i32
    %min3A = arith.minsi %jit3A_1, %max3A : i32
    %c0_i32 = arith.constant 0 : i32
    %c0_i32_2 = arith.constant 0 : i32
    return %min3A, %c0_i32 : i32, i32
  }
  func.func @transform_1(%arg0: i32) -> (i32, i32) {
    %c0_i32 = arith.constant 0 : i32
    %c0_i32_0 = arith.constant 0 : i32
    %c0_i32_1 = arith.constant 0 : i32
    return %c0_i32, %c0_i32_0 : i32, i32
  }
  func.func @transform_2(%arg0: i32) -> (i32, i32) {
    %c0_i32 = arith.constant 0 : i32
    %c0_i32_0 = arith.constant 0 : i32
    %c0_i32_1 = arith.constant 0 : i32
    return %c0_i32, %c0_i32_0 : i32, i32
  }
  func.func @transform_3(%arg0: i32) -> (i32, i32) {
    %c0_i32 = arith.constant 0 : i32
    %c0_i32_0 = arith.constant 0 : i32
    %c0_i32_1 = arith.constant 0 : i32
    return %c0_i32, %c0_i32_0 : i32, i32
  }
  func.func @transform_4(%arg0: i32) -> (i32, i32) {
    %c0_i32 = arith.constant 0 : i32
    %c0_i32_0 = arith.constant 0 : i32
    %c0_i32_1 = arith.constant 0 : i32
    return %c0_i32, %c0_i32_0 : i32, i32
  }
  func.func @transform_5(%arg0: i32) -> (i32, i32) {
    %c0_i32 = arith.constant 0 : i32
    %c0_i32_0 = arith.constant 0 : i32
    return %arg0, %c0_i32 : i32, i32
  }
}

module attributes {stable_mosaic.version = 14 : i64} {
  func.func @body(%arg0: i32, %arg1: i32, %arg2: memref<4x512x128xf32, #tpu.memory_space<vmem>>, %arg3: memref<1x512x128xf32, #tpu.memory_space<vmem>>, %arg4: memref<512x3xf32, #tpu.memory_space<vmem>>, %arg5: memref<512x512xf32, #tpu.memory_space<vmem>>, %arg6: memref<5x128x512xbf16, #tpu.memory_space<vmem>>, %arg7: memref<3x512xf32, #tpu.memory_space<vmem>>, %arg8: memref<1x512xf32, #tpu.memory_space<vmem>>, %arg9: memref<512x512xf32, #tpu.memory_space<vmem>>) attributes {dimension_semantics = [#tpu.dimension_semantics<arbitrary>, #tpu.dimension_semantics<arbitrary>], iteration_bounds = array<i64: 8, 4>, scalar_prefetch = 0 : i64, scratch_operands = 0 : i64, tpu.core_type = #tpu.core_type<tc>, window_params = [{transform_indices = @transform_0, window_bounds = array<i64: 4, 512, 128>}, {transform_indices = @transform_1, window_bounds = array<i64: 1, 512, 128>}, {transform_indices = @transform_2, window_bounds = array<i64: 512, 3>}, {transform_indices = @transform_3, window_bounds = array<i64: 512, 512>}, {pipeline_mode = #tpu.pipeline_mode<synchronous>, transform_indices = @transform_4, window_bounds = array<i64: 5, 128, 512>}, {pipeline_mode = #tpu.pipeline_mode<synchronous>, transform_indices = @transform_5, window_bounds = array<i64: 3, 512>}, {pipeline_mode = #tpu.pipeline_mode<synchronous>, transform_indices = @transform_6, window_bounds = array<i64: 1, 512>}, {transform_indices = @transform_7, window_bounds = array<i64: 512, 512>}]} {
    %get3A = arith.constant 0 : index
    %get3A_0 = arith.constant 0 : index
    %get3A_1 = vector.load %arg4[%get3A, %get3A_0] : memref<512x3xf32, #tpu.memory_space<vmem>>, vector<512x3xf32>
    %get3A_2 = arith.constant 0 : index
    %get3A_3 = arith.constant 0 : index
    %get3A_4 = vector.load %arg7[%get3A_2, %get3A_3] : memref<3x512xf32, #tpu.memory_space<vmem>>, vector<3x512xf32>
    %dot_general3A = arith.constant dense<0.000000e+00> : vector<512x512xf32>
    %dot_general3A_5 = tpu.matmul %get3A_1, %get3A_4, %dot_general3A {dimension_numbers = #tpu.dot_dimension_numbers<[1], [0], [0], [1], [0, 0, 1, 1], [], []>, transpose_lhs_hint = false} : vector<512x3xf32>, vector<3x512xf32>, vector<512x512xf32> -> vector<512x512xf32>
    %get3A_6 = arith.constant 0 : index
    %get3A_7 = arith.constant 0 : index
    %get3A_8 = arith.constant 0 : index
    %get3A_9 = vector.load %arg3[%get3A_6, %get3A_7, %get3A_8] : memref<1x512x128xf32, #tpu.memory_space<vmem>>, vector<1x512x128xf32>
    %get3A_10 = vector.shape_cast %get3A_9 : vector<1x512x128xf32> to vector<512x128xf32>
    %convert_element_type3A = arith.truncf %get3A_10 : vector<512x128xf32> to vector<512x128xbf16>
    %get3A_11 = arith.constant 0 : index
    %get3A_12 = arith.constant 0 : index
    %get3A_13 = arith.constant 0 : index
    %get3A_14 = vector.load %arg6[%get3A_11, %get3A_12, %get3A_13] : memref<5x128x512xbf16, #tpu.memory_space<vmem>>, vector<1x128x512xbf16>
    %get3A_15 = vector.shape_cast %get3A_14 : vector<1x128x512xbf16> to vector<128x512xbf16>
    %dot_general3A_16 = arith.constant dense<0.000000e+00> : vector<512x512xf32>
    %dot_general3A_17 = tpu.matmul %convert_element_type3A, %get3A_15, %dot_general3A_16 {dimension_numbers = #tpu.dot_dimension_numbers<[1], [0], [0], [1], [0, 0, 1, 1], [], []>, transpose_lhs_hint = false} : vector<512x128xbf16>, vector<128x512xbf16>, vector<512x512xf32> -> vector<512x512xf32>
    %add3A = arith.addf %dot_general3A_5, %dot_general3A_17 : vector<512x512xf32>
    %get3A_18 = arith.constant 0 : index
    %get3A_19 = arith.constant 0 : index
    %get3A_20 = arith.constant 0 : index
    %get3A_21 = vector.load %arg2[%get3A_18, %get3A_19, %get3A_20] : memref<4x512x128xf32, #tpu.memory_space<vmem>>, vector<1x512x128xf32>
    %get3A_22 = vector.shape_cast %get3A_21 : vector<1x512x128xf32> to vector<512x128xf32>
    %convert_element_type3A_23 = arith.truncf %get3A_22 : vector<512x128xf32> to vector<512x128xbf16>
    %get3A_24 = arith.constant 1 : index
    %get3A_25 = arith.constant 0 : index
    %get3A_26 = arith.constant 0 : index
    %get3A_27 = vector.load %arg6[%get3A_24, %get3A_25, %get3A_26] : memref<5x128x512xbf16, #tpu.memory_space<vmem>>, vector<1x128x512xbf16>
    %get3A_28 = vector.shape_cast %get3A_27 : vector<1x128x512xbf16> to vector<128x512xbf16>
    %dot_general3A_29 = arith.constant dense<0.000000e+00> : vector<512x512xf32>
    %dot_general3A_30 = tpu.matmul %convert_element_type3A_23, %get3A_28, %dot_general3A_29 {dimension_numbers = #tpu.dot_dimension_numbers<[1], [0], [0], [1], [0, 0, 1, 1], [], []>, transpose_lhs_hint = false} : vector<512x128xbf16>, vector<128x512xbf16>, vector<512x512xf32> -> vector<512x512xf32>
    %add3A_31 = arith.addf %add3A, %dot_general3A_30 : vector<512x512xf32>
    %get3A_32 = arith.constant 1 : index
    %get3A_33 = arith.constant 0 : index
    %get3A_34 = arith.constant 0 : index
    %get3A_35 = vector.load %arg2[%get3A_32, %get3A_33, %get3A_34] : memref<4x512x128xf32, #tpu.memory_space<vmem>>, vector<1x512x128xf32>
    %get3A_36 = vector.shape_cast %get3A_35 : vector<1x512x128xf32> to vector<512x128xf32>
    %convert_element_type3A_37 = arith.truncf %get3A_36 : vector<512x128xf32> to vector<512x128xbf16>
    %get3A_38 = arith.constant 2 : index
    %get3A_39 = arith.constant 0 : index
    %get3A_40 = arith.constant 0 : index
    %get3A_41 = vector.load %arg6[%get3A_38, %get3A_39, %get3A_40] : memref<5x128x512xbf16, #tpu.memory_space<vmem>>, vector<1x128x512xbf16>
    %get3A_42 = vector.shape_cast %get3A_41 : vector<1x128x512xbf16> to vector<128x512xbf16>
    %dot_general3A_43 = arith.constant dense<0.000000e+00> : vector<512x512xf32>
    %dot_general3A_44 = tpu.matmul %convert_element_type3A_37, %get3A_42, %dot_general3A_43 {dimension_numbers = #tpu.dot_dimension_numbers<[1], [0], [0], [1], [0, 0, 1, 1], [], []>, transpose_lhs_hint = false} : vector<512x128xbf16>, vector<128x512xbf16>, vector<512x512xf32> -> vector<512x512xf32>
    %add3A_45 = arith.addf %add3A_31, %dot_general3A_44 : vector<512x512xf32>
    %get3A_46 = arith.constant 2 : index
    %get3A_47 = arith.constant 0 : index
    %get3A_48 = arith.constant 0 : index
    %get3A_49 = vector.load %arg2[%get3A_46, %get3A_47, %get3A_48] : memref<4x512x128xf32, #tpu.memory_space<vmem>>, vector<1x512x128xf32>
    %get3A_50 = vector.shape_cast %get3A_49 : vector<1x512x128xf32> to vector<512x128xf32>
    %convert_element_type3A_51 = arith.truncf %get3A_50 : vector<512x128xf32> to vector<512x128xbf16>
    %get3A_52 = arith.constant 3 : index
    %get3A_53 = arith.constant 0 : index
    %get3A_54 = arith.constant 0 : index
    %get3A_55 = vector.load %arg6[%get3A_52, %get3A_53, %get3A_54] : memref<5x128x512xbf16, #tpu.memory_space<vmem>>, vector<1x128x512xbf16>
    %get3A_56 = vector.shape_cast %get3A_55 : vector<1x128x512xbf16> to vector<128x512xbf16>
    %dot_general3A_57 = arith.constant dense<0.000000e+00> : vector<512x512xf32>
    %dot_general3A_58 = tpu.matmul %convert_element_type3A_51, %get3A_56, %dot_general3A_57 {dimension_numbers = #tpu.dot_dimension_numbers<[1], [0], [0], [1], [0, 0, 1, 1], [], []>, transpose_lhs_hint = false} : vector<512x128xbf16>, vector<128x512xbf16>, vector<512x512xf32> -> vector<512x512xf32>
    %add3A_59 = arith.addf %add3A_45, %dot_general3A_58 : vector<512x512xf32>
    %get3A_60 = arith.constant 3 : index
    %get3A_61 = arith.constant 0 : index
    %get3A_62 = arith.constant 0 : index
    %get3A_63 = vector.load %arg2[%get3A_60, %get3A_61, %get3A_62] : memref<4x512x128xf32, #tpu.memory_space<vmem>>, vector<1x512x128xf32>
    %get3A_64 = vector.shape_cast %get3A_63 : vector<1x512x128xf32> to vector<512x128xf32>
    %convert_element_type3A_65 = arith.truncf %get3A_64 : vector<512x128xf32> to vector<512x128xbf16>
    %get3A_66 = arith.constant 4 : index
    %get3A_67 = arith.constant 0 : index
    %get3A_68 = arith.constant 0 : index
    %get3A_69 = vector.load %arg6[%get3A_66, %get3A_67, %get3A_68] : memref<5x128x512xbf16, #tpu.memory_space<vmem>>, vector<1x128x512xbf16>
    %get3A_70 = vector.shape_cast %get3A_69 : vector<1x128x512xbf16> to vector<128x512xbf16>
    %dot_general3A_71 = arith.constant dense<0.000000e+00> : vector<512x512xf32>
    %dot_general3A_72 = tpu.matmul %convert_element_type3A_65, %get3A_70, %dot_general3A_71 {dimension_numbers = #tpu.dot_dimension_numbers<[1], [0], [0], [1], [0, 0, 1, 1], [], []>, transpose_lhs_hint = false} : vector<512x128xbf16>, vector<128x512xbf16>, vector<512x512xf32> -> vector<512x512xf32>
    %add3A_73 = arith.addf %add3A_59, %dot_general3A_72 : vector<512x512xf32>
    %get3A_74 = arith.constant 0 : index
    %get3A_75 = arith.constant 0 : index
    %get3A_76 = vector.load %arg5[%get3A_74, %get3A_75] : memref<512x512xf32, #tpu.memory_space<vmem>>, vector<512x512xf32>
    %add3A_77 = arith.addf %add3A_73, %get3A_76 : vector<512x512xf32>
    %get3A_78 = arith.constant 0 : index
    %get3A_79 = arith.constant 0 : index
    %get3A_80 = vector.load %arg8[%get3A_78, %get3A_79] : memref<1x512xf32, #tpu.memory_space<vmem>>, vector<1x512xf32>
    %add3A_81 = vector.broadcast %get3A_80 : vector<1x512xf32> to vector<512x512xf32>
    %add3A_82 = arith.addf %add3A_77, %add3A_81 : vector<512x512xf32>
    %swap3A = arith.constant 0 : index
    %swap3A_83 = arith.constant 0 : index
    %swap3A_84 = vector.load %arg9[%swap3A, %swap3A_83] : memref<512x512xf32, #tpu.memory_space<vmem>>, vector<512x512xf32>
    tpu.vector_store %arg9[%swap3A, %swap3A_83], %add3A_82 {strides = array<i32>} : memref<512x512xf32, #tpu.memory_space<vmem>>, vector<512x512xf32>,
    return
  }
  func.func @transform_0(%arg0: i32, %arg1: i32) -> (i32, i32, i32) {
    %mul3A = arith.constant 8 : i32
    %mul3A_0 = arith.muli %arg1, %mul3A : i32
    %add3A = arith.addi %mul3A_0, %arg0 : i32
    %c0_i32 = arith.constant 0 : i32
    %c0_i32_1 = arith.constant 0 : i32
    %c0_i32_2 = arith.constant 0 : i32
    return %c0_i32, %add3A, %c0_i32_1 : i32, i32, i32
  }
  func.func @transform_1(%arg0: i32, %arg1: i32) -> (i32, i32, i32) {
    %mul3A = arith.constant 8 : i32
    %mul3A_0 = arith.muli %arg1, %mul3A : i32
    %add3A = arith.addi %mul3A_0, %arg0 : i32
    %c0_i32 = arith.constant 0 : i32
    %c0_i32_1 = arith.constant 0 : i32
    %c0_i32_2 = arith.constant 0 : i32
    return %c0_i32, %add3A, %c0_i32_1 : i32, i32, i32
  }
  func.func @transform_2(%arg0: i32, %arg1: i32) -> (i32, i32) {
    %mul3A = arith.constant 8 : i32
    %mul3A_0 = arith.muli %arg1, %mul3A : i32
    %add3A = arith.addi %mul3A_0, %arg0 : i32
    %c0_i32 = arith.constant 0 : i32
    %c0_i32_1 = arith.constant 0 : i32
    return %add3A, %c0_i32 : i32, i32
  }
  func.func @transform_3(%arg0: i32, %arg1: i32) -> (i32, i32) {
    %c0_i32 = arith.constant 0 : i32
    %c0_i32_0 = arith.constant 0 : i32
    return %arg0, %c0_i32 : i32, i32
  }
  func.func @transform_4(%arg0: i32, %arg1: i32) -> (i32, i32, i32) {
    %c0_i32 = arith.constant 0 : i32
    %c0_i32_0 = arith.constant 0 : i32
    %c0_i32_1 = arith.constant 0 : i32
    %c0_i32_2 = arith.constant 0 : i32
    return %c0_i32, %c0_i32_0, %c0_i32_1 : i32, i32, i32
  }
  func.func @transform_5(%arg0: i32, %arg1: i32) -> (i32, i32) {
    %c0_i32 = arith.constant 0 : i32
    %c0_i32_0 = arith.constant 0 : i32
    %c0_i32_1 = arith.constant 0 : i32
    return %c0_i32, %c0_i32_0 : i32, i32
  }
  func.func @transform_6(%arg0: i32, %arg1: i32) -> (i32, i32) {
    %c0_i32 = arith.constant 0 : i32
    %c0_i32_0 = arith.constant 0 : i32
    %c0_i32_1 = arith.constant 0 : i32
    return %c0_i32, %c0_i32_0 : i32, i32
  }
  func.func @transform_7(%arg0: i32, %arg1: i32) -> (i32, i32) {
    %mul3A = arith.constant 8 : i32
    %mul3A_0 = arith.muli %arg1, %mul3A : i32
    %add3A = arith.addi %mul3A_0, %arg0 : i32
    %c0_i32 = arith.constant 0 : i32
    %c0_i32_1 = arith.constant 0 : i32
    return %add3A, %c0_i32 : i32, i32
  }
}

</mosaic_0001>

<sc_bundles>
// kernel: kernel.6.cloned.1.call-start
scs
__scs_entry_jumppad:
0x0: {  	(pc) =	sbr.rel $0x88, $3  }
0x1: {  	(tag) =	ssettag $0x0;
	lr =	simm.s32 $0x1  }
0x2: {  	[smem:$0x3F8D] =	sst lr;
	_ =	strace $0xD0000000  }
0x3: {  	_ = 	snop  }
0x4: {  	_ = 	snop  }
0x5: {  	_ = 	snop  }
0x6: {  	_ = 	snop  }
0x7: {  	_ = 	snop  }
__scs_overlays_trampoline_lowered:
0x8: {  	[smem:$0x3F9C] =	sst s0  }
0x9: {  	[smem:$0x3F9D] =	sst s1  }
0xa: {  	[smem:$0x3F9E] =	sst s2  }
0xb: {  	[smem:$0x3F9F] =	sst s3  }
0xc: {  	[smem:$0x3FA0] =	sst s4  }
0xd: {  	[smem:$0x3FA1] =	sst s5  }
0xe: {  	[smem:$0x3FA2] =	sst s6  }
0xf: {  	[smem:$0x3FA3] =	sst s7  }
0x10: {  	[smem:$0x3FA4] =	sst s8  }
0x11: {  	[smem:$0x3FA5] =	sst s9;
	s0 =	simm.s32 @!p0 $0x0  }
0x12: {  	s1 =	sld [smem:$0x3F8B];
	s0 =	simm.s32 @p0 $0x1  }
0x13: {  	[smem:$0x3FA6] =	sst s0;
	s0 =	simm.s32 @!p1 $0x0  }
0x14: {  	s2 =	sld [smem:$0x3F8A];
	s0 =	simm.s32 @p1 $0x1  }
0x15: {  	[smem:$0x3FA7] =	sst s0;
	s0 =	simm.s32 @!p2 $0x0  }
0x16: {  	s3 =	sld [smem:$0x3FDB];
	s0 =	simm.s32 @p2 $0x1  }
0x17: {  	s4 =	simm.s32 $0x1BF5;
	[smem:$0x3FA9] =	sst s0  }
0x18: {  	s0 =	sld [smem:$0x3F8C];
	_ =	swait.ge [sflag:s4], $0x0  }
0x19: {  	s7 =	sld [smem:$0x3F8D]  }
0x1a: {  	s8 =	sadd.s32 $0xFFFFE003, lr  }
0x1b: {  	s9 =	sadd.s32 $0xFFFFFEF7, lr;
	s5 =	simm.s32 $0xFFFFFFFF;
	p2 =	slt.u32 s8, $0xFFFFF086  }
0x1c: {  	p1 =	slt.u32 s9, $0xF7A;
	s5 =	simm.s32 @!p2 $0x0  }
0x1d: {  	s5 =	simm.s32 @p1 $0x1;
	p0 =	seq.s32 s7, s2  }
0x1e: {  	s7 =	smul.u32 @!p0 $0xF7A, s2;
	p2 =	seq.s32 @!p0 s5, $0x0  }
0x1f: {  	s9 =	smul.u32 $0xF7A, s1;
	s8 =	simm.s32 @!p0 $0x1BF5;
	p2 =	por !p2, p0  }
0x20: {  	[sflag:s8] =	ssyncset.s32 @!p0 $0xFFFFF086;
	s6 =	sadd.s32 @!p0 s3, s7;
	s7 =	simm.s32 @!p0 $0x108  }
0x21: {  	s3 =	sadd.s32 s3, s9;
	s6 =	sadd.s32 @!p0 $0x88, s6;
	s7 =	simm.s32 @p2 $0x1082  }
0x22: {  	[simem:s7], [sflag:s8] =	dma.local @!p0 [hbm:s6], $0xF7A  }
0x23: {  	s9 =	sor.u32 $0xD0000000, s2;
	s6 =	simm.s32 $0x108;
	_ =	swait.ge @!p0 [sflag:s8], $0x0  }
0x24: {  	s3 =	sadd.s32 $0x88, s3;
	s6 =	simm.s32 @!p1 $0x1082;
	[sflag:s4] =	ssyncset.s32 $0xFFFFF086  }
0x25: {  	[simem:s6], [sflag:s4] =	dma.local [hbm:s3], $0xF7A  }
0x26: {  	[smem:$0x3F8D] =	sst s1;
	(tag) =	ssettag s2;
	_ =	strace s9  }
0x27: {  	s1 =	sld [smem:$0x3F9D]  }
0x28: {  	s2 =	sld [smem:$0x3F9E]  }
0x29: {  	s4 =	sld [smem:$0x3FA0]  }
0x2a: {  	p0 =	seq.s32 s5, $0x0;
	s5 =	sld [smem:$0x3FA1]  }
0x2b: {  	s6 =	sld [smem:$0x3FA2]  }
0x2c: {  	s7 =	sld [smem:$0x3FA3]  }
0x2d: {  	s3 =	simm.s32 $0x108;
	s8 =	sld [smem:$0x3FA4]  }
0x2e: {  	s3 =	simm.s32 @!p0 $0x1082;
	s9 =	sld [smem:$0x3FA5]  }
0x2f: {  	lr =	sadd.s32 s0, s3;
	s0 =	sld [smem:$0x3F9C]  }
0x30: {  	s3 =	sld [smem:$0x3F9F]  }
0x31: {  	[smem:$0x3FA8] =	sst s10  }
0x32: {  	s10 =	sld [smem:$0x3FA6];
	_ =	sdelay $0x3  }
0x33: {  	p0 =	seq.s32 s10, $0x1;
	s10 =	sld [smem:$0x3FA8];
	_ =	sdelay $0x3  }
0x34: {  	[smem:$0x3FA8] =	sst s10  }
0x35: {  	s10 =	sld [smem:$0x3FA7];
	_ =	sdelay $0x3  }
0x36: {  	p1 =	seq.s32 s10, $0x1;
	s10 =	sld [smem:$0x3FA8];
	_ =	sdelay $0x3  }
0x37: {  	[smem:$0x3FA8] =	sst s10  }
0x38: {  	s10 =	sld [smem:$0x3FA9]  }
0x39: {  	_ = 	snop;
	(pc) =	sbr.ind lr, $3  }
0x3a: {  	_ = 	snop  }
0x3b: {  	_ = 	snop  }
0x3c: {  	p2 =	seq.s32 s10, $0x1;
	s10 =	sld [smem:$0x3FA8]  }
0x3d: {  	_ =	shalt  }
0x3e: {  	_ =	shalt  }
0x3f: {  	_ =	shalt  }
0x40: {  	_ =	shalt  }
0x41: {  	_ =	shalt  }
0x42: {  	_ =	shalt  }
0x43: {  	_ =	shalt  }
0x44: {  	_ =	shalt  }
0x45: {  	_ =	shalt  }
0x46: {  	_ =	shalt  }
0x47: {  	_ =	shalt  }
0x48: {  	_ =	shalt  }
0x49: {  	_ =	shalt  }
0x4a: {  	_ =	shalt  }
0x4b: {  	_ =	shalt  }
0x4c: {  	_ =	shalt  }
0x4d: {  	_ =	shalt  }
0x4e: {  	_ =	shalt  }
0x4f: {  	_ =	shalt  }
0x50: {  	_ =	shalt  }
0x51: {  	_ =	shalt  }
0x52: {  	_ =	shalt  }
0x53: {  	_ =	shalt  }
0x54: {  	_ =	shalt  }
0x55: {  	_ =	shalt  }
0x56: {  	_ =	shalt  }
0x57: {  	_ =	shalt  }
0x58: {  	_ =	shalt  }
0x59: {  	_ =	shalt  }
0x5a: {  	_ =	shalt  }
0x5b: {  	_ =	shalt  }
0x5c: {  	_ =	shalt  }
0x5d: {  	_ =	shalt  }
0x5e: {  	_ =	shalt  }
0x5f: {  	_ =	shalt  }
0x60: {  	_ =	shalt  }
0x61: {  	_ =	shalt  }
0x62: {  	_ =	shalt  }
0x63: {  	_ =	shalt  }
0x64: {  	_ =	shalt  }
0x65: {  	_ =	shalt  }
0x66: {  	_ =	shalt  }
0x67: {  	_ =	shalt  }
0x68: {  	_ =	shalt  }
0x69: {  	_ =	shalt  }
0x6a: {  	_ =	shalt  }
0x6b: {  	_ =	shalt  }
0x6c: {  	_ =	shalt  }
0x6d: {  	_ =	shalt  }
0x6e: {  	_ =	shalt  }
0x6f: {  	_ =	shalt  }
0x70: {  	_ =	shalt  }
0x71: {  	_ =	shalt  }
0x72: {  	_ =	shalt  }
0x73: {  	_ =	shalt  }
0x74: {  	_ =	shalt  }
0x75: {  	_ =	shalt  }
0x76: {  	_ =	shalt  }
0x77: {  	_ =	shalt  }
0x78: {  	_ =	shalt  }
0x79: {  	_ =	shalt  }
0x7a: {  	_ =	shalt  }
0x7b: {  	_ =	shalt  }
0x7c: {  	_ =	shalt  }
0x7d: {  	_ =	shalt  }
0x7e: {  	_ =	shalt  }
0x7f: {  	_ =	shalt  }
0x80: {  	_ =	shalt  }
0x81: {  	_ =	shalt  }
0x82: {  	_ =	shalt  }
0x83: {  	_ =	shalt  }
0x84: {  	_ =	shalt  }
0x85: {  	_ =	shalt  }
0x86: {  	_ =	shalt  }
0x87: {  	_ =	shalt  }
.Lfunc_end0:
.L_simem_size_0:
called_computation_lowered:
.L_overlay_start_0:
0x88: {  	s2 =	sld [smem:$0x3FD9]  }
0x89: {  	s3 =	sld [smem:$0x3FFE];
	_ =	sdelay $0x1  }
0x8a: {  	s1 =	srdreg.scid  }
0x8b: {  	s0 =	sand.u32 $0x1, s1  }
0x8c: {  	s17 =	sshll.u32 s0, $0xA;
	s2 =	sadd.s32 s3, s2  }
0x8d: {  	s2 =	sadd.s32 s2, s17  }
0x8e: {  	[smem:$0x3FB4] =	sst s2  }
0x8f: {  	_ = 	snop  }
0x90: {  	s18 =	sld [smem:$0x3FD0];
	(tm) =	ssettm $0x1  }
0x91: {  	s19 =	sld [smem:$0x3FFB];
	_ =	sdelay $0x3  }
0x92: {  	_ =	strace s19  }
0x93: {  	s2 =	sld [smem:$0x3FFC];
	_ =	sdelay $0x3  }
0x94: {  	_ =	strace s2  }
0x95: {  	s2 =	sld [smem:$0x3FFD];
	_ =	sdelay $0x3  }
0x96: {  	_ =	strace s2  }
0x97: {  	_ =	strace $0x8FFFFFFF  }
0x98: {  	s20 =	sld [smem:$0x3FDB];
	_ =	sdelay $0x1  }
0x99: {  	s4 =	simm.s32 $_scs_section_size  }
0x9a: {  	s5 =	simm.s32 $_size__tile_overlayer_lowered;
	s6 =	simm.s32 $_tile_overlayer_lowered  }
0x9b: {  	s7 =	simm.s32 $0x1BFF;
	s21 =	sshll.u32 s6, $0x1;
	s4 =	sadd.s32 s4, s20  }
0x9c: {  	s22 =	simm.s32 $0x0;
	s5 =	sshll.u32 s5, $0x1;
	s6 =	sadd.s32 s21, s4  }
0x9d: {  	[timem:s22], [sflag:s7] =	dma.local [hbm:s6], s5  }
0x9e: {  	_ =	swait.ge [sflag:s7], s5  }
0x9f: {  	s5 =	ssub.s32 $0x0, s5;
	[sflag:s7] =	ssyncset.done $0x0  }
0xa0: {  	[sflag:s7] =	ssyncadd.s32 s5;
	_ =	sdelay $0x1  }
0xa1: {  	s23 =	simm.s32 $0x1B8B  }
0xa2: {  	_ =	swait.ge [sflag:s23], $0x1  }
0xa3: {  	[sflag:s23] =	ssyncset.done $0x0  }
0xa4: {  	[sflag:s23] =	ssyncadd.s32 $0xFFFFFFFF  }
0xa5: {  	s5 =	sld [smem:$0x0]  }
0xa6: {  	s6 =	sand.u32 $0xFFFFFFFE, s1  }
0xa7: {  	p0 =	sne.s32 s1, s6  }
0xa8: {  	s6 =	sshll.u32 @p0 s6, $0xE  }
0xa9: {  	s6 =	sadd.s32 @p0 $0x11B8D, s6;
	s7 =	sshll.u32 @p0 s5, $0x11  }
0xaa: {  	s6 =	sor.u32 @p0 s7, s6  }
0xab: {  	[sflag:s6] =	ssyncadd.remote.s32 @p0 $0x1;
	_ =	sdelay $0x1  }
0xac: {  	s6 =	simm.s32 @p0 $0x1B8D  }
0xad: {  	_ =	swait.eq @p0 [sflag:s6], $0x1  }
0xae: {  	[sflag:s6] =	ssyncadd.s32 @p0 $0xFFFFFFFF  }
0xaf: {  	s7 =	sshll.u32 @!p0 s1, $0xE  }
0xb0: {  	s7 =	sor.u32 @!p0 $0x4000, s7;
	s6 =	simm.s32 @!p0 $0x1B8D  }
0xb1: {  	s5 =	sshll.u32 @!p0 s5, $0x11;
	s7 =	sadd.s32 @!p0 $0x11B8D, s7;
	_ =	swait.eq @!p0 [sflag:s6], $0x1  }
0xb2: {  	s5 =	sor.u32 @!p0 s5, s7;
	[sflag:s6] =	ssyncadd.s32 @!p0 $0xFFFFFFFF  }
0xb3: {  	s25 =	simm.s32 $0x1B8E;
	s24 =	sld [smem:$0x3FFE];
	[sflag:s5] =	ssyncadd.remote.s32 @!p0 $0x1  }
0xb4: {  	s26 =	simm.s32 $execute0_lowered;
	[smem:$0x3FD2] =	sst s25  }
0xb5: {  	s6 =	sshll.u32 s26, $0x1;
	_ =	strace $0x80000049;
	[dreg:$0x1] =	wrdreg $0xFFFFFFFF  }
0xb6: {  	s28 =	simm.s32 $_size_execute0_lowered;
	s4 =	sadd.s32 s4, s6;
	[dreg:$0x0] =	wrdreg $0x0  }
0xb7: {  	s6 =	sshll.u32 s28, $0x1;
	[dreg:$0x2] =	wrdreg s4  }
0xb8: {  	[dreg:$0x3] =	wrdreg s6  }
0xb9: {  	[dreg:$0x4] =	wrdreg $0xC0  }
0xba: {  	_ =	task [dreg:s22], $0x5FFFF  }
0xbb: {  	[dreg:$0x1] =	wrdreg $0xFFFFFFFF  }
0xbc: {  	[dreg:$0x0] =	wrdreg $0x60  }
0xbd: {  	[dreg:$0x2] =	wrdreg s24  }
0xbe: {  	[dreg:$0x3] =	wrdreg s18  }
0xbf: {  	[dreg:$0x4] =	wrdreg $0x9  }
0xc0: {  	_ =	task.clear_ibuf [dreg:s22], $0x5FFFF;
	_ =	strace $0x90000049  }
0xc1: {  	s29 =	simm.s32 $0x9;
	_ =	strace $0x8000004B  }
0xc2: {  	_ =	swait.ge [sflag:s29], $0x1  }
0xc3: {  	[sflag:s29] =	ssyncadd.s32 $0xFFFFFFFF  }
0xc4: {  	_ =	strace $0x9000004B  }
0xc5: {  	_ =	sfence  }
0xc6: {  	s30 =	sld [smem:$0x0];
	_ =	sdelay $0x2  }
0xc7: {  	s31 =	sshll.u32 s1, $0xD;
	s1 =	sshrl.u32 s1, $0x2  }
0xc8: {  	s4 =	sand.u32 $0x4000, s31;
	s1 =	sadd.s32 s1, s30  }
0xc9: {  	s0 =	sor.u32 s4, s0;
	s1 =	sshll.u32 s1, $0x11  }
0xca: {  	s0 =	sor.u32 s1, s0  }
0xcb: {  	s0 =	sadd.s32 $0x8F2B, s0  }
0xcc: {  	[sflag:s0] =	ssyncadd.remote.s32 $0x1  }
0xcd: {  	_ =	sfence.sel $0xFFFF  }
0xce: {  	[dreg:$0x0] =	wrdreg $0xFFFFFFFF;
	(pc) =	sbr.abs _section_cstart, $3  }
0xcf: {  	[dreg:$0x1] =	wrdreg $0xFFFFFFFF  }
0xd0: {  	_ =	task.clear_ibuf [dreg:s22], $0x2FFFF;
	_ =	strace $0x9FFFFFFF  }
0xd1: {  	(tm) =	ssettm $0x7FFFFFFF  }
tec
execute0_lowered:
.L_overlay_start_1:
0x0: {  	(tag) =	ssettag $0x1  }
0x1: {  	s0 =	rddreg [dreg:$0x0];
	s1 =	srdreg.scid  }
0x2: {  	s2 =	rddreg [dreg:$0x1];
	s3 =	stileid.u32  }
0x3: {  	s5 =	simm.s32 $0x0;
	s1 =	sand.u32 $0x1, s1;
	[dreg:$0x4] =	wrdreg s2  }
0x4: {  	s21 =	sshll.u32 s3, $0xA;
	[smem:$0x7FF] =	sst s5;
	s4 =	sadd.s32 $0xB5600, s0  }
0x5: {  	s23 =	sadd.s32 $0x15E200, s0;
	s24 =	sadd.s32 $0x4E00, s0;
	s22 =	sshll.u32 s1, $0x9  }
0x6: {  	_ =	strace $0x8000004A;
	[dreg:$0x3] =	wrdreg s4;
	s1 =	ssub.s32 $0x2, s1  }
0x7: {  	[dreg:$0x5] =	wrdreg s23;
	s2 =	sor.u32 s22, s21;
	s28 =	sshrl.u32 s1, $0x1  }
0x8: {  	[dreg:$0x6] =	wrdreg s24;
	s3 =	sshrl.u32 s2, $0x3;
	s1 =	ssub.s32 s1, s28  }
0x9: {  	s2 =	sshll.u32 s2, $0x4;
	s3 =	sadd.s32 s3, s0;
	s31 =	smax.u32 s1, $0x1  }
0xa: {  	s0 =	sadd.s32 s2, s0;
	s25 =	sadd.s32 $0x1C6E00, s3;
	[dreg:$0xc] =	wrdreg s31  }
0xb: {  	v0 =	vimm.s32 $0xECA86420;
	vm0 =	vcmask $0xB08;
	s26 =	sadd.s32 $0x3ABC00, s0;
	[dreg:$0x7] =	wrdreg s25  }
0xc: {  	vm1 =	vcmask $0x1310;
	vm2 =	vcmask $0x1B18;
	vm3 =	vcmask $0x300;
	s29 =	sadd.s32 $0x3EBC00, s0;
	[dreg:$0x8] =	wrdreg s26  }
0xd: {  	vm4 =	vcmask $0x2320;
	vm5 =	vcmask $0x2B28;
	v0 =	vunpack.c.l.s4.s8 v0;
	s30 =	sadd.s32 $0x42BC00, s0;
	[dreg:$0x9] =	wrdreg s29  }
0xe: {  	vm6 =	vcmask $0x3330;
	v1 =	vlaneseq.u32;
	vm7 =	vcmask $0x3B38;
	s0 =	sadd.s32 $0x46BC00, s0;
	[dreg:$0xa] =	wrdreg s30  }
0xf: {  	vm8 =	vmmov $0xff;
	v1 =	vmul.u32 $0x2, v1;
	v0 =	vunpack.c.0.s8.s32 v0;
	s1 =	simm.s32 $0x2;
	s2 =	simm.s32 $0x0;
	[dreg:$0xb] =	wrdreg s0  }
.LBB2_1:
0x10: {  	[dreg:$0xd] =	wrdreg s2  }
0x11: {  	s0 =	rddreg [dreg:$0x7]  }
0x12: {  	[tilespmem:s5], [sflag:$0x2] =	stream.linear.gather [hbm4b:s0+s5], $0x200, $0x38;
	[tilespmem:$0x10400] =	vst v63  }
0x13: {  	_ =	swait.ge [sflag:s1], $0x200  }
0x14: {  	[sflag:s1] =	ssyncset.done $0x0  }
0x15: {  	s0 =	simm.s32 $0x0;
	[sflag:s1] =	ssyncadd.s32 $0xFFFFFE00;
	s1 =	simm.s32 $0x400  }
.LBB2_2:
0x16: {  	s25 =	sshra.s32 s0, $0x2  }
0x17: {  	v3 =	vld [tilespmem:s25+$0x0];
	_ =	sdelay $0x4  }
0x18: {  	(v2sf) =	vpush v3, $0xD  }
0x19: {  	(v2sf) =	vpush v3, $0xC;
	_ =	sdelay $0x2  }
0x1a: {  	(v2sf) =	vpush v3, $0xE;
	_ =	sdelay $0x1  }
0x1b: {  	(v2sf) =	vpush v3, $0xF  }
0x1c: {  	(v2sf) =	vpush v3, $0x9;
	_ =	sdelay $0x2  }
0x1d: {  	(v2sf) =	vpush v3, $0x8;
	_ =	sdelay $0x1  }
0x1e: {  	(v2sf) =	vpush v3, $0xA  }
0x1f: {  	(v2sf) =	vpush v3, $0xB;
	_ =	sdelay $0x1  }
0x20: {  	[dreg:$0x15] =	wrdreg s0;
	s0 =	spop (v2sf)  }
0x21: {  	(v2sf) =	vpush v3, $0x1;
	s17 =	sshra.s32 s0, $0x1F;
	s3 =	spop (v2sf)  }
0x22: {  	[dreg:$0x14] =	wrdreg s1;
	s1 =	smul.u32 $0xC22E4507, s17;
	s2 =	sshra.s32 s3, $0x1F  }
0x23: {  	(v2sf) =	vpush v3, $0x0;
	s2 =	smul.u32 $0xC22E4507, s2  }
0x24: {  	(v2sf) =	vpush v3, $0x2;
	[smem:$0x708] =	sst s1;
	s1 =	spop (v2sf)  }
0x25: {  	[smem:$0x709] =	sst s2;
	s18 =	sshra.s32 s1, $0x1F  }
0x26: {  	(v2sf) =	vpush v3, $0x3;
	s4 =	spop (v2sf);
	s2 =	smul.u32 $0xC22E4507, s18  }
0x27: {  	s19 =	sshra.s32 s4, $0x1F;
	s8 =	spop (v2sf)  }
0x28: {  	(v2sf) =	vpush v3, $0x4;
	s5 =	sshra.s32 s8, $0x1F;
	[smem:$0x70A] =	sst s2;
	s2 =	smul.u32 $0xC22E4507, s19  }
0x29: {  	s5 =	smul.u32 $0xC22E4507, s5  }
0x2a: {  	(v2sf) =	vpush v3, $0x5;
	[smem:$0x70B] =	sst s2;
	s2 =	spop (v2sf)  }
0x2b: {  	v2 =	vld [tilespmem:s25+$0x10];
	[smem:$0x70C] =	sst s5;
	s6 =	sshra.s32 s2, $0x1F  }
0x2c: {  	s5 =	spop (v2sf);
	s6 =	smul.u32 $0xC22E4507, s6  }
0x2d: {  	(v2sf) =	vpush v3, $0x6;
	s20 =	sshra.s32 s5, $0x1F;
	s13 =	spop (v2sf)  }
0x2e: {  	s7 =	sshra.s32 s13, $0x1F;
	[smem:$0x70D] =	sst s6;
	s6 =	smul.u32 $0xC22E4507, s20  }
0x2f: {  	(v2sf) =	vpush v3, $0x7;
	s7 =	smul.u32 $0xC22E4507, s7  }
0x30: {  	(v2sf) =	vpush v2, $0xD;
	[smem:$0x70E] =	sst s6;
	s6 =	spop (v2sf)  }
0x31: {  	[smem:$0x70F] =	sst s7;
	s21 =	sshra.s32 s6, $0x1F  }
0x32: {  	s11 =	spop (v2sf);
	s7 =	smul.u32 $0xC22E4507, s21  }
0x33: {  	(v2sf) =	vpush v2, $0xC;
	s22 =	sshra.s32 s11, $0x1F;
	s15 =	spop (v2sf)  }
0x34: {  	(v2sf) =	vpush v2, $0xE;
	[smem:$0x710] =	sst s7;
	s7 =	smul.u32 $0xC22E4507, s22  }
0x35: {  	(v2sf) =	vpush v2, $0xF;
	s23 =	sshra.s32 s15, $0x1F;
	s12 =	spop (v2sf)  }
0x36: {  	(v2sf) =	vpush v2, $0x9;
	[smem:$0x711] =	sst s7;
	s7 =	smul.u32 $0xC22E4507, s23  }
0x37: {  	s24 =	sshra.s32 s12, $0x1F;
	s17 =	spop (v2sf)  }
0x38: {  	(v2sf) =	vpush v2, $0x8;
	[smem:$0x712] =	sst s7;
	s7 =	smul.u32 $0xC22E4507, s24  }
0x39: {  	(v2sf) =	vpush v2, $0xA;
	s26 =	sshra.s32 s17, $0x1F;
	s9 =	spop (v2sf)  }
0x3a: {  	s10 =	sshra.s32 s9, $0x1F;
	[smem:$0x713] =	sst s7;
	s7 =	smul.u32 $0xC22E4507, s26  }
0x3b: {  	s10 =	smul.u32 $0xC22E4507, s10  }
0x3c: {  	(v2sf) =	vpush v2, $0xB;
	[smem:$0x714] =	sst s7;
	s7 =	spop (v2sf)  }
0x3d: {  	(v2sf) =	vpush v2, $0x1;
	[smem:$0x715] =	sst s10;
	s14 =	sshra.s32 s7, $0x1F  }
0x3e: {  	(v2sf) =	vpush v2, $0x0;
	s10 =	spop (v2sf);
	s14 =	smul.u32 $0xC22E4507, s14  }
0x3f: {  	s28 =	sshra.s32 s10, $0x1F;
	s18 =	spop (v2sf)  }
0x40: {  	s19 =	sshra.s32 s18, $0x1F;
	[smem:$0x716] =	sst s14;
	s14 =	smul.u32 $0xC22E4507, s28  }
0x41: {  	(v2sf) =	vpush v2, $0x2;
	s16 =	smul.u32 $0xC22E4507, s19  }
0x42: {  	(v2sf) =	vpush v2, $0x3;
	[smem:$0x717] =	sst s14;
	s14 =	spop (v2sf)  }
0x43: {  	[smem:$0x718] =	sst s16;
	s20 =	sshra.s32 s14, $0x1F;
	s19 =	spop (v2sf)  }
0x44: {  	(v2sf) =	vpush v2, $0x4;
	s29 =	smul.u32 $0xC22E4507, s20;
	s30 =	sshra.s32 s19, $0x1F;
	s24 =	spop (v2sf)  }
0x45: {  	s31 =	smul.u32 $0xC22E4507, s30;
	s16 =	sshra.s32 s24, $0x1F;
	s21 =	spop (v2sf)  }
0x46: {  	(v2sf) =	vpush v2, $0x5;
	[smem:$0x719] =	sst s29;
	s22 =	smul.u32 $0xC22E4507, s16  }
0x47: {  	v4 =	vld [tilespmem:s25+$0x20];
	s23 =	sshra.s32 s21, $0x1F;
	s26 =	spop (v2sf);
	[smem:$0x71A] =	sst s31  }
0x48: {  	(v2sf) =	vpush v2, $0x6;
	s28 =	smul.u32 $0xC22E4507, s23;
	s29 =	sshra.s32 s26, $0x1F;
	s30 =	spop (v2sf)  }
0x49: {  	[smem:$0x71B] =	sst s22;
	s31 =	smul.u32 $0xC22E4507, s29;
	s16 =	sshra.s32 s30, $0x1F  }
0x4a: {  	(v2sf) =	vpush v2, $0x7;
	[smem:$0x71C] =	sst s28;
	s22 =	smul.u32 $0xC22E4507, s16  }
0x4b: {  	s28 =	spop (v2sf);
	[smem:$0x71D] =	sst s31  }
0x4c: {  	(v2sf) =	vpush v4, $0xD;
	s23 =	sshra.s32 s28, $0x1F;
	s31 =	spop (v2sf);
	[smem:$0x71E] =	sst s22  }
0x4d: {  	s29 =	smul.u32 $0xC22E4507, s23;
	s16 =	sshra.s32 s31, $0x1F;
	s22 =	spop (v2sf)  }
0x4e: {  	(v2sf) =	vpush v4, $0xC;
	[smem:$0x720] =	sst s22;
	s20 =	smul.u32 $0xC22E4507, s16  }
0x4f: {  	[smem:$0x71F] =	sst s29  }
0x50: {  	(v2sf) =	vpush v4, $0xE;
	s29 =	spop (v2sf);
	[smem:$0x722] =	sst s20  }
0x51: {  	s23 =	sshra.s32 s22, $0x1F;
	[smem:$0x721] =	sst s29;
	s22 =	spop (v2sf)  }
0x52: {  	(v2sf) =	vpush v4, $0xF;
	s20 =	smul.u32 $0xC22E4507, s23;
	s16 =	sshra.s32 s29, $0x1F;
	[smem:$0x724] =	sst s22  }
0x53: {  	s16 =	smul.u32 $0xC22E4507, s16;
	s23 =	sshra.s32 s22, $0x1F;
	s29 =	spop (v2sf)  }
0x54: {  	(v2sf) =	vpush v4, $0x9;
	[smem:$0x723] =	sst s20;
	s20 =	smul.u32 $0xC22E4507, s23  }
0x55: {  	s22 =	spop (v2sf);
	[smem:$0x725] =	sst s16;
	s16 =	sshra.s32 s29, $0x1F  }
0x56: {  	(v2sf) =	vpush v4, $0x8;
	[smem:$0x728] =	sst s20;
	s20 =	smul.u32 $0xC22E4507, s16  }
0x57: {  	[smem:$0x726] =	sst s29;
	s23 =	sshra.s32 s22, $0x1F;
	s29 =	spop (v2sf)  }
0x58: {  	(v2sf) =	vpush v4, $0xA;
	[smem:$0x729] =	sst s20;
	s20 =	smul.u32 $0xC22E4507, s23  }
0x59: {  	[smem:$0x727] =	sst s22;
	s16 =	sshra.s32 s29, $0x1F;
	s22 =	spop (v2sf)  }
0x5a: {  	(v2sf) =	vpush v4, $0xB;
	[smem:$0x72B] =	sst s20;
	s20 =	smul.u32 $0xC22E4507, s16  }
0x5b: {  	[smem:$0x72A] =	sst s29;
	s29 =	spop (v2sf);
	s23 =	sshra.s32 s22, $0x1F  }
0x5c: {  	(v2sf) =	vpush v4, $0x1;
	[smem:$0x72E] =	sst s20;
	s20 =	smul.u32 $0xC22E4507, s23  }
0x5d: {  	[smem:$0x72C] =	sst s22;
	s22 =	sshra.s32 s29, $0x1F;
	s23 =	spop (v2sf)  }
0x5e: {  	(v2sf) =	vpush v4, $0x0;
	[smem:$0x72F] =	sst s20;
	s20 =	smul.u32 $0xC22E4507, s22  }
0x5f: {  	[smem:$0x72D] =	sst s29;
	s29 =	sshra.s32 s23, $0x1F;
	s16 =	spop (v2sf)  }
0x60: {  	(v2sf) =	vpush v4, $0x2;
	[smem:$0x731] =	sst s20;
	s20 =	smul.u32 $0xC22E4507, s29  }
0x61: {  	[smem:$0x730] =	sst s23;
	s23 =	sshra.s32 s16, $0x1F;
	s29 =	spop (v2sf)  }
0x62: {  	(v2sf) =	vpush v4, $0x3;
	[smem:$0x734] =	sst s20;
	s20 =	smul.u32 $0xC22E4507, s23  }
0x63: {  	[smem:$0x732] =	sst s16;
	s22 =	sshra.s32 s29, $0x1F;
	s23 =	spop (v2sf)  }
0x64: {  	(v2sf) =	vpush v4, $0x4;
	[smem:$0x735] =	sst s20;
	s20 =	smul.u32 $0xC22E4507, s22  }
0x65: {  	[smem:$0x733] =	sst s29;
	s29 =	sshra.s32 s23, $0x1F;
	s16 =	spop (v2sf)  }
0x66: {  	(v2sf) =	vpush v4, $0x5;
	[smem:$0x737] =	sst s20;
	s20 =	smul.u32 $0xC22E4507, s29  }
0x67: {  	v5 =	vld [tilespmem:s25+$0x30];
	[smem:$0x736] =	sst s23;
	s22 =	sshra.s32 s16, $0x1F;
	s23 =	spop (v2sf)  }
0x68: {  	(v2sf) =	vpush v4, $0x6;
	[smem:$0x73A] =	sst s20;
	s20 =	smul.u32 $0xC22E4507, s22  }
0x69: {  	[smem:$0x738] =	sst s16;
	s16 =	spop (v2sf);
	s29 =	sshra.s32 s23, $0x1F  }
0x6a: {  	(v2sf) =	vpush v4, $0x7;
	[smem:$0x73B] =	sst s20;
	s20 =	smul.u32 $0xC22E4507, s29  }
0x6b: {  	[smem:$0x739] =	sst s23;
	s23 =	spop (v2sf);
	s22 =	sshra.s32 s16, $0x1F  }
0x6c: {  	(v2sf) =	vpush v5, $0xD;
	[smem:$0x73D] =	sst s20;
	s20 =	smul.u32 $0xC22E4507, s22  }
0x6d: {  	[smem:$0x73C] =	sst s16;
	s16 =	spop (v2sf);
	s29 =	sshra.s32 s23, $0x1F  }
0x6e: {  	(v2sf) =	vpush v5, $0xC;
	[smem:$0x740] =	sst s20;
	s20 =	smul.u32 $0xC22E4507, s29  }
0x6f: {  	[smem:$0x73E] =	sst s23;
	s23 =	spop (v2sf);
	s22 =	sshra.s32 s16, $0x1F  }
0x70: {  	(v2sf) =	vpush v5, $0xE;
	[smem:$0x741] =	sst s20;
	s20 =	smul.u32 $0xC22E4507, s22  }
0x71: {  	[smem:$0x73F] =	sst s16;
	s16 =	spop (v2sf);
	s29 =	sshra.s32 s23, $0x1F  }
0x72: {  	(v2sf) =	vpush v5, $0xF;
	[smem:$0x743] =	sst s20;
	s20 =	smul.u32 $0xC22E4507, s29  }
0x73: {  	[smem:$0x742] =	sst s23;
	s23 =	spop (v2sf);
	s22 =	sshra.s32 s16, $0x1F  }
0x74: {  	(v2sf) =	vpush v5, $0x9;
	[smem:$0x746] =	sst s20;
	s20 =	smul.u32 $0xC22E4507, s22  }
0x75: {  	[smem:$0x744] =	sst s16;
	s16 =	spop (v2sf);
	s29 =	sshra.s32 s23, $0x1F  }
0x76: {  	(v2sf) =	vpush v5, $0x8;
	[smem:$0x747] =	sst s20;
	s20 =	smul.u32 $0xC22E4507, s29  }
0x77: {  	[smem:$0x745] =	sst s23;
	s23 =	spop (v2sf);
	s22 =	sshra.s32 s16, $0x1F  }
0x78: {  	(v2sf) =	vpush v5, $0xA;
	[smem:$0x749] =	sst s20;
	s20 =	smul.u32 $0xC22E4507, s22  }
0x79: {  	[smem:$0x748] =	sst s16;
	s16 =	spop (v2sf);
	s29 =	sshra.s32 s23, $0x1F  }
0x7a: {  	(v2sf) =	vpush v5, $0xB;
	[smem:$0x74C] =	sst s20;
	s20 =	smul.u32 $0xC22E4507, s29  }
0x7b: {  	[smem:$0x74A] =	sst s23;
	s23 =	spop (v2sf);
	s22 =	sshra.s32 s16, $0x1F  }
0x7c: {  	(v2sf) =	vpush v5, $0x1;
	[smem:$0x74D] =	sst s20;
	s20 =	smul.u32 $0xC22E4507, s22  }
0x7d: {  	[smem:$0x74B] =	sst s16;
	s16 =	spop (v2sf);
	s29 =	sshra.s32 s23, $0x1F  }
0x7e: {  	(v2sf) =	vpush v5, $0x0;
	[smem:$0x74F] =	sst s20;
	s20 =	smul.u32 $0xC22E4507, s29  }
0x7f: {  	[smem:$0x74E] =	sst s23;
	s23 =	spop (v2sf);
	s22 =	sshra.s32 s16, $0x1F  }
0x80: {  	(v2sf) =	vpush v5, $0x2;
	[smem:$0x752] =	sst s20;
	s20 =	smul.u32 $0xC22E4507, s22  }
0x81: {  	[smem:$0x750] =	sst s16;
	s16 =	spop (v2sf);
	s29 =	sshra.s32 s23, $0x1F  }
0x82: {  	(v2sf) =	vpush v5, $0x3;
	[smem:$0x753] =	sst s20;
	s20 =	smul.u32 $0xC22E4507, s29  }
0x83: {  	[smem:$0x751] =	sst s23;
	s23 =	spop (v2sf);
	s22 =	sshra.s32 s16, $0x1F  }
0x84: {  	(v2sf) =	vpush v5, $0x4;
	[smem:$0x755] =	sst s20;
	s20 =	smul.u32 $0xC22E4507, s22  }
0x85: {  	[smem:$0x754] =	sst s16;
	s16 =	spop (v2sf);
	s29 =	sshra.s32 s23, $0x1F  }
0x86: {  	(v2sf) =	vpush v5, $0x5;
	[smem:$0x758] =	sst s20;
	s20 =	smul.u32 $0xC22E4507, s29  }
0x87: {  	v6 =	vld [tilespmem:s25+$0x40];
	[smem:$0x756] =	sst s23;
	s23 =	spop (v2sf);
	s22 =	sshra.s32 s16, $0x1F  }
0x88: {  	(v2sf) =	vpush v5, $0x6;
	[smem:$0x759] =	sst s20;
	s20 =	smul.u32 $0xC22E4507, s22  }
0x89: {  	[smem:$0x757] =	sst s16;
	s16 =	spop (v2sf);
	s29 =	sshra.s32 s23, $0x1F  }
0x8a: {  	(v2sf) =	vpush v5, $0x7;
	[smem:$0x75B] =	sst s20;
	s20 =	smul.u32 $0xC22E4507, s29  }
0x8b: {  	[smem:$0x75A] =	sst s23;
	s23 =	spop (v2sf);
	s22 =	sshra.s32 s16, $0x1F  }
0x8c: {  	(v2sf) =	vpush v6, $0xD;
	[smem:$0x75E] =	sst s20;
	s20 =	smul.u32 $0xC22E4507, s22  }
0x8d: {  	[smem:$0x75C] =	sst s16;
	s16 =	spop (v2sf);
	s29 =	sshra.s32 s23, $0x1F  }
0x8e: {  	(v2sf) =	vpush v6, $0xC;
	[smem:$0x75F] =	sst s20;
	s20 =	smul.u32 $0xC22E4507, s29  }
0x8f: {  	[smem:$0x75D] =	sst s23;
	s23 =	spop (v2sf);
	s22 =	sshra.s32 s16, $0x1F  }
0x90: {  	(v2sf) =	vpush v6, $0xE;
	[smem:$0x761] =	sst s20;
	s20 =	smul.u32 $0xC22E4507, s22  }
0x91: {  	[smem:$0x760] =	sst s16;
	s16 =	spop (v2sf);
	s29 =	sshra.s32 s23, $0x1F  }
0x92: {  	(v2sf) =	vpush v6, $0xF;
	[smem:$0x764] =	sst s20;
	s20 =	smul.u32 $0xC22E4507, s29  }
0x93: {  	[smem:$0x762] =	sst s23;
	s23 =	sshra.s32 s16, $0x1F;
	s29 =	spop (v2sf)  }
0x94: {  	(v2sf) =	vpush v6, $0x9;
	[smem:$0x765] =	sst s20;
	s20 =	smul.u32 $0xC22E4507, s23  }
0x95: {  	[smem:$0x763] =	sst s16;
	s22 =	spop (v2sf);
	s16 =	sshra.s32 s29, $0x1F  }
0x96: {  	(v2sf) =	vpush v6, $0x8;
	[smem:$0x766] =	sst s20;
	s20 =	smul.u32 $0xC22E4507, s16  }
0x97: {  	[smem:$0x767] =	sst s22;
	s23 =	spop (v2sf);
	s22 =	sshra.s32 s22, $0x1F  }
0x98: {  	(v2sf) =	vpush v6, $0xA;
	[smem:$0x769] =	sst s20;
	s20 =	smul.u32 $0xC22E4507, s22  }
0x99: {  	[smem:$0x768] =	sst s23;
	s23 =	sshra.s32 s23, $0x1F;
	s16 =	spop (v2sf)  }
0x9a: {  	(v2sf) =	vpush v6, $0xB;
	[smem:$0x76A] =	sst s20;
	s20 =	smul.u32 $0xC22E4507, s23  }
0x9b: {  	[smem:$0x76B] =	sst s16;
	s22 =	spop (v2sf);
	s23 =	sshra.s32 s16, $0x1F  }
0x9c: {  	(v2sf) =	vpush v6, $0x1;
	[smem:$0x76C] =	sst s20;
	s20 =	smul.u32 $0xC22E4507, s23  }
0x9d: {  	[smem:$0x76D] =	sst s22;
	s22 =	sshra.s32 s22, $0x1F;
	s16 =	spop (v2sf)  }
0x9e: {  	(v2sf) =	vpush v6, $0x0;
	[smem:$0x76F] =	sst s20;
	s20 =	smul.u32 $0xC22E4507, s22  }
0x9f: {  	[smem:$0x76E] =	sst s16;
	s16 =	sshra.s32 s16, $0x1F;
	s22 =	spop (v2sf)  }
0xa0: {  	[smem:$0x770] =	sst s20;
	s20 =	smul.u32 $0xC22E4507, s16  }
0xa1: {  	[smem:$0x771] =	sst s22;
	s22 =	sshra.s32 s22, $0x1F;
	s23 =	spop (v2sf)  }
0xa2: {  	(v2sf) =	vpush v6, $0x2;
	[smem:$0x772] =	sst s20;
	s20 =	smul.u32 $0xC22E4507, s22  }
0xa3: {  	[smem:$0x773] =	sst s23;
	s16 =	spop (v2sf);
	s22 =	sshra.s32 s23, $0x1F  }
0xa4: {  	(v2sf) =	vpush v6, $0x3;
	[smem:$0x775] =	sst s20;
	s20 =	smul.u32 $0xC22E4507, s22  }
0xa5: {  	[smem:$0x774] =	sst s16;
	s23 =	sshra.s32 s16, $0x1F;
	s16 =	spop (v2sf)  }
0xa6: {  	(v2sf) =	vpush v6, $0x4;
	[smem:$0x776] =	sst s20;
	s20 =	smul.u32 $0xC22E4507, s23  }
0xa7: {  	[smem:$0x777] =	sst s16;
	s23 =	sshra.s32 s16, $0x1F;
	s16 =	spop (v2sf)  }
0xa8: {  	[smem:$0x778] =	sst s20;
	s20 =	smul.u32 $0xC22E4507, s23  }
0xa9: {  	[smem:$0x779] =	sst s16;
	s23 =	sshra.s32 s16, $0x1F;
	s16 =	spop (v2sf)  }
0xaa: {  	[smem:$0x77B] =	sst s20;
	s20 =	smul.u32 $0xC22E4507, s23  }
0xab: {  	[smem:$0x77A] =	sst s16;
	s23 =	sshra.s32 s16, $0x1F;
	s16 =	spop (v2sf)  }
0xac: {  	[smem:$0x77C] =	sst s20;
	s20 =	smul.u32 $0xC22E4507, s23  }
0xad: {  	[smem:$0x77D] =	sst s16;
	s23 =	sshra.s32 s16, $0x1F;
	s16 =	spop (v2sf)  }
0xae: {  	[smem:$0x77E] =	sst s20;
	s20 =	smul.u32 $0xC22E4507, s23  }
0xaf: {  	(v2sf) =	vpush v6, $0x5;
	[smem:$0x77F] =	sst s16  }
0xb0: {  	(v2sf) =	vpush v6, $0x6;
	s23 =	sshra.s32 s16, $0x1F;
	[smem:$0x781] =	sst s20  }
0xb1: {  	s20 =	smul.u32 $0xC22E4507, s23;
	s16 =	spop (v2sf)  }
0xb2: {  	[smem:$0x780] =	sst s16  }
0xb3: {  	[smem:$0x782] =	sst s20;
	s23 =	sshra.s32 s16, $0x1F;
	s16 =	spop (v2sf)  }
0xb4: {  	[smem:$0x783] =	sst s16;
	s20 =	smul.u32 $0xC22E4507, s23  }
0xb5: {  	s22 =	sshra.s32 s16, $0x1F;
	s23 =	smulhi.u32 $0xC22E4507, s0;
	s16 =	spop (v2sf)  }
0xb6: {  	[smem:$0x785] =	sst s16  }
0xb7: {  	s0 =	ssub.s32 s23, s0;
	s23 =	sshra.s32 s16, $0x1F;
	s16 =	sld [smem:$0x708]  }
0xb8: {  	[smem:$0x784] =	sst s20;
	s20 =	smul.u32 $0xC22E4507, s22  }
0xb9: {  	s22 =	smulhi.u32 $0xC22E4507, s3  }
0xba: {  	[smem:$0x787] =	sst s20;
	s20 =	smulhi.u32 $0xC22E4507, s1;
	s0 =	sadd.s32 s16, s0  }
0xbb: {  	s16 =	ssub.s32 s22, s3;
	s22 =	smul.u32 $0xC22E4507, s23;
	s23 =	sld [smem:$0x709]  }
0xbc: {  	[dreg:$0x1e] =	wrdreg s0  }
0xbd: {  	s3 =	ssub.s32 s20, s1;
	s20 =	sld [smem:$0x70A]  }
0xbe: {  	[smem:$0x788] =	sst s22;
	s22 =	spop (v2sf)  }
0xbf: {  	s0 =	sadd.s32 s23, s16;
	[smem:$0x786] =	sst s22  }
0xc0: {  	s16 =	smulhi.u32 $0xC22E4507, s4;
	s23 =	sshra.s32 s22, $0x1F;
	[smem:$0x78F] =	sst s0  }
0xc1: {  	s0 =	sadd.s32 s20, s3;
	s22 =	smul.u32 $0xC22E4507, s23;
	s23 =	sld [smem:$0x70C]  }
0xc2: {  	[dreg:$0x16] =	wrdreg s0  }
0xc3: {  	s20 =	spop (v2sf);
	s1 =	ssub.s32 s16, s4;
	s16 =	sld [smem:$0x70B]  }
0xc4: {  	s3 =	smulhi.u32 $0xC22E4507, s2;
	[smem:$0x789] =	sst s20  }
0xc5: {  	(v2sf) =	vpush v6, $0x7;
	s0 =	smulhi.u32 $0xC22E4507, s8;
	[smem:$0x78A] =	sst s22  }
0xc6: {  	s3 =	ssub.s32 s3, s2;
	s2 =	sld [smem:$0x727]  }
0xc7: {  	v7 =	vld [tilespmem:s25+$0x50];
	s0 =	ssub.s32 s0, s8;
	s8 =	sld [smem:$0x70D]  }
0xc8: {  	s1 =	sadd.s32 s16, s1;
	s0 =	sadd.s32 s23, s0;
	s23 =	sld [smem:$0x70E]  }
0xc9: {  	s4 =	smulhi.u32 $0xC22E4507, s5;
	[dreg:$0x1a] =	wrdreg s1  }
0xca: {  	s22 =	smulhi.u32 $0xC22E4507, s6;
	[smem:$0x795] =	sst s0  }
0xcb: {  	s16 =	smulhi.u32 $0xC22E4507, s13;
	s0 =	sadd.s32 s8, s3;
	s8 =	sld [smem:$0x70F]  }
0xcc: {  	(v2sf) =	vpush v7, $0xD;
	s1 =	ssub.s32 s4, s5;
	s3 =	sshra.s32 s20, $0x1F;
	s20 =	sld [smem:$0x710]  }
0xcd: {  	[smem:$0x793] =	sst s0;
	s1 =	sadd.s32 s23, s1;
	s0 =	ssub.s32 s16, s13  }
0xce: {  	s5 =	smul.u32 $0xC22E4507, s3;
	s13 =	ssub.s32 s22, s6;
	s6 =	sld [smem:$0x711]  }
0xcf: {  	s16 =	smulhi.u32 $0xC22E4507, s11;
	[smem:$0x798] =	sst s1  }
0xd0: {  	[smem:$0x78B] =	sst s5  }
0xd1: {  	(v2sf) =	vpush v7, $0xC;
	s0 =	sadd.s32 s8, s0;
	s1 =	ssub.s32 s16, s11;
	s11 =	sld [smem:$0x712]  }
0xd2: {  	s22 =	smulhi.u32 $0xC22E4507, s15;
	[smem:$0x79B] =	sst s0  }
0xd3: {  	s0 =	sadd.s32 s20, s13;
	s1 =	sadd.s32 s6, s1;
	s6 =	sld [smem:$0x714]  }
0xd4: {  	s20 =	spop (v2sf);
	[smem:$0x794] =	sst s0  }
0xd5: {  	s13 =	smulhi.u32 $0xC22E4507, s17;
	[smem:$0x790] =	sst s1  }
0xd6: {  	s0 =	ssub.s32 s22, s15;
	s15 =	sld [smem:$0x713];
	s22 =	smulhi.u32 $0xC22E4507, s7  }
0xd7: {  	(v2sf) =	vpush v7, $0xE;
	s0 =	sadd.s32 s11, s0;
	s1 =	ssub.s32 s13, s17;
	s13 =	sld [smem:$0x716]  }
0xd8: {  	s23 =	smulhi.u32 $0xC22E4507, s12;
	s5 =	sshra.s32 s20, $0x1F;
	[smem:$0x796] =	sst s0  }
0xd9: {  	s8 =	smul.u32 $0xC22E4507, s5;
	s11 =	ssub.s32 s22, s7;
	s22 =	sld [smem:$0x717]  }
0xda: {  	s12 =	ssub.s32 s23, s12;
	s16 =	smulhi.u32 $0xC22E4507, s9;
	s7 =	sld [smem:$0x718]  }
0xdb: {  	s3 =	spop (v2sf);
	s1 =	sadd.s32 s6, s1;
	[smem:$0x78C] =	sst s8  }
0xdc: {  	s23 =	sshra.s32 s3, $0x1F;
	s0 =	sadd.s32 s15, s12;
	[smem:$0x79C] =	sst s1  }
0xdd: {  	s8 =	smul.u32 $0xC22E4507, s23;
	[smem:$0x799] =	sst s0  }
0xde: {  	s12 =	smulhi.u32 $0xC22E4507, s10;
	s0 =	ssub.s32 s16, s9;
	s9 =	sld [smem:$0x715]  }
0xdf: {  	s16 =	smulhi.u32 $0xC22E4507, s14;
	[smem:$0x78D] =	sst s8  }
0xe0: {  	s23 =	spop (v2sf);
	s1 =	ssub.s32 s12, s10;
	s10 =	sld [smem:$0x719]  }
0xe1: {  	s17 =	sshra.s32 s23, $0x1F;
	s8 =	ssub.s32 s16, s14;
	s14 =	sld [smem:$0x71A]  }
0xe2: {  	s6 =	smul.u32 $0xC22E4507, s17;
	s1 =	sadd.s32 s22, s1;
	s16 =	sld [smem:$0x71B]  }
0xe3: {  	[smem:$0x7A4] =	sst s1  }
0xe4: {  	s15 =	smulhi.u32 $0xC22E4507, s18;
	s0 =	sadd.s32 s9, s0;
	[smem:$0x78E] =	sst s6  }
0xe5: {  	(v2sf) =	vpush v7, $0xF;
	s9 =	smulhi.u32 $0xC22E4507, s19;
	[smem:$0x79F] =	sst s0;
	s0 =	sadd.s32 s13, s11  }
0xe6: {  	s4 =	spop (v2sf);
	[smem:$0x7A0] =	sst s0  }
0xe7: {  	s13 =	sshra.s32 s4, $0x1F;
	s1 =	ssub.s32 s9, s19;
	s19 =	sld [smem:$0x71C]  }
0xe8: {  	s0 =	ssub.s32 s15, s18;
	s15 =	smul.u32 $0xC22E4507, s13;
	s13 =	sld [smem:$0x721]  }
0xe9: {  	s0 =	sadd.s32 s7, s0;
	s7 =	sld [smem:$0x71E]  }
0xea: {  	s1 =	sadd.s32 s14, s1;
	[smem:$0x7A5] =	sst s0  }
0xeb: {  	s18 =	smulhi.u32 $0xC22E4507, s26;
	[smem:$0x7A8] =	sst s1  }
0xec: {  	[smem:$0x791] =	sst s15  }
0xed: {  	s1 =	ssub.s32 s18, s26;
	s26 =	sld [smem:$0x71D]  }
0xee: {  	s22 =	smulhi.u32 $0xC22E4507, s28;
	s0 =	sadd.s32 s10, s8;
	s10 =	sld [smem:$0x71F]  }
0xef: {  	(v2sf) =	vpush v7, $0x9;
	s18 =	sld [smem:$0x723]  }
0xf0: {  	s8 =	ssub.s32 s22, s28;
	s22 =	sld [smem:$0x724]  }
0xf1: {  	s11 =	smulhi.u32 $0xC22E4507, s24;
	s28 =	sld [smem:$0x726]  }
0xf2: {  	[smem:$0x7A1] =	sst s0  }
0xf3: {  	s12 =	smulhi.u32 $0xC22E4507, s21;
	s0 =	ssub.s32 s11, s24;
	s11 =	sld [smem:$0x720]  }
0xf4: {  	s5 =	spop (v2sf);
	s0 =	sadd.s32 s16, s0;
	s16 =	sld [smem:$0x722]  }
0xf5: {  	s17 =	ssub.s32 s12, s21;
	s14 =	smulhi.u32 $0xC22E4507, s13;
	[smem:$0x7AE] =	sst s0  }
0xf6: {  	(v2sf) =	vpush v7, $0x8;
	s24 =	sshra.s32 s5, $0x1F;
	s1 =	sadd.s32 s26, s1;
	s26 =	sld [smem:$0x725]  }
0xf7: {  	s0 =	sadd.s32 s19, s17;
	s19 =	ssub.s32 s14, s13;
	s14 =	sld [smem:$0x729]  }
0xf8: {  	s6 =	smul.u32 $0xC22E4507, s24;
	[smem:$0x7AC] =	sst s0  }
0xf9: {  	s9 =	smulhi.u32 $0xC22E4507, s31;
	[smem:$0x7A9] =	sst s1  }
0xfa: {  	s21 =	smulhi.u32 $0xC22E4507, s30;
	[smem:$0x792] =	sst s6  }
0xfb: {  	s1 =	ssub.s32 s9, s31;
	s9 =	sld [smem:$0x742]  }
0xfc: {  	s0 =	ssub.s32 s21, s30;
	s1 =	sadd.s32 s16, s1;
	s16 =	sld [smem:$0x72A]  }
0xfd: {  	s24 =	smulhi.u32 $0xC22E4507, s22;
	s0 =	sadd.s32 s7, s0;
	s7 =	sld [smem:$0x741]  }
0xfe: {  	(v2sf) =	vpush v7, $0xA;
	s21 =	spop (v2sf);
	[smem:$0x7AF] =	sst s0  }
0xff: {  	s12 =	smulhi.u32 $0xC22E4507, s11;
	s15 =	sshra.s32 s21, $0x1F;
	[smem:$0x7A2] =	sst s1  }
0x100: {  	s0 =	sadd.s32 s10, s8;
	s1 =	ssub.s32 s24, s22;
	s24 =	sld [smem:$0x72D]  }
0x101: {  	s17 =	smul.u32 $0xC22E4507, s15;
	[smem:$0x7B2] =	sst s0  }
0x102: {  	s0 =	ssub.s32 s12, s11;
	s12 =	sld [smem:$0x728]  }
0x103: {  	s10 =	smulhi.u32 $0xC22E4507, s2;
	[smem:$0x797] =	sst s17  }
0x104: {  	s0 =	sadd.s32 s18, s0;
	s18 =	sld [smem:$0x72B]  }
0x105: {  	s30 =	spop (v2sf);
	s15 =	ssub.s32 s10, s2;
	s10 =	sld [smem:$0x72E]  }
0x106: {  	s11 =	sshra.s32 s30, $0x1F;
	[smem:$0x79D] =	sst s0  }
0x107: {  	s13 =	smul.u32 $0xC22E4507, s11;
	s0 =	sadd.s32 s26, s19;
	s19 =	sld [smem:$0x72C]  }
0x108: {  	[smem:$0x7A6] =	sst s0  }
0x109: {  	s31 =	smulhi.u32 $0xC22E4507, s28;
	[smem:$0x79A] =	sst s13  }
0x10a: {  	(v2sf) =	vpush v7, $0xB;
	s1 =	sadd.s32 s12, s1;
	s12 =	sld [smem:$0x72F]  }
0x10b: {  	s17 =	smulhi.u32 $0xC22E4507, s16;
	s0 =	ssub.s32 s31, s28;
	[smem:$0x7AA] =	sst s1  }
0x10c: {  	s0 =	sadd.s32 s14, s0;
	s14 =	sld [smem:$0x730]  }
0x10d: {  	s26 =	spop (v2sf);
	s1 =	ssub.s32 s17, s16;
	s16 =	sld [smem:$0x731]  }
0x10e: {  	s31 =	sshra.s32 s26, $0x1F;
	s17 =	sld [smem:$0x732]  }
0x10f: {  	s11 =	smul.u32 $0xC22E4507, s31;
	s31 =	sld [smem:$0x734]  }
0x110: {  	(v2sf) =	vpush v7, $0x1;
	[smem:$0x7AD] =	sst s0;
	s0 =	sadd.s32 s18, s15  }
0x111: {  	s1 =	sadd.s32 s10, s1;
	[smem:$0x7B0] =	sst s0  }
0x112: {  	s22 =	smulhi.u32 $0xC22E4507, s19;
	[smem:$0x7B3] =	sst s1  }
0x113: {  	[smem:$0x79E] =	sst s11  }
0x114: {  	s28 =	smulhi.u32 $0xC22E4507, s24;
	s11 =	sld [smem:$0x735];
	s0 =	ssub.s32 s22, s19  }
0x115: {  	s22 =	sld [smem:$0x733];
	s0 =	sadd.s32 s12, s0  }
0x116: {  	s13 =	ssub.s32 s28, s24;
	s15 =	smulhi.u32 $0xC22E4507, s14;
	[smem:$0x7B6] =	sst s0  }
0x117: {  	s0 =	sadd.s32 s16, s13;
	s13 =	sld [smem:$0x736]  }
0x118: {  	s1 =	ssub.s32 s15, s14;
	s15 =	sld [smem:$0x737]  }
0x119: {  	s19 =	spop (v2sf);
	s16 =	sld [smem:$0x738]  }
0x11a: {  	s18 =	smulhi.u32 $0xC22E4507, s17;
	s28 =	sshra.s32 s19, $0x1F;
	[smem:$0x7BB] =	sst s0  }
0x11b: {  	s10 =	smul.u32 $0xC22E4507, s28;
	s1 =	sadd.s32 s31, s1;
	s31 =	sld [smem:$0x73A]  }
0x11c: {  	(v2sf) =	vpush v7, $0x0;
	[smem:$0x7B7] =	sst s1  }
0x11d: {  	s0 =	ssub.s32 s18, s17;
	[smem:$0x7A3] =	sst s10  }
0x11e: {  	s24 =	smulhi.u32 $0xC22E4507, s22;
	s0 =	sadd.s32 s11, s0;
	s10 =	sld [smem:$0x73B]  }
0x11f: {  	s18 =	spop (v2sf);
	[smem:$0x7BF] =	sst s0  }
0x120: {  	s28 =	sshra.s32 s18, $0x1F;
	s12 =	ssub.s32 s24, s22;
	s22 =	sld [smem:$0x739]  }
0x121: {  	s8 =	smul.u32 $0xC22E4507, s28;
	s28 =	sld [smem:$0x740]  }
0x122: {  	s0 =	sadd.s32 s15, s12;
	s12 =	sld [smem:$0x73C]  }
0x123: {  	s14 =	smulhi.u32 $0xC22E4507, s13;
	s15 =	sld [smem:$0x73E]  }
0x124: {  	s17 =	smulhi.u32 $0xC22E4507, s16;
	[smem:$0x7C3] =	sst s0  }
0x125: {  	(v2sf) =	vpush v7, $0x2;
	[smem:$0x7A7] =	sst s8  }
0x126: {  	s1 =	ssub.s32 s14, s13;
	s0 =	ssub.s32 s17, s16;
	s14 =	sld [smem:$0x73D]  }
0x127: {  	s17 =	sld [smem:$0x73F];
	s24 =	smulhi.u32 $0xC22E4507, s22;
	s1 =	sadd.s32 s31, s1  }
0x128: {  	s0 =	sadd.s32 s10, s0;
	[smem:$0x7BC] =	sst s1  }
0x129: {  	[smem:$0x7B9] =	sst s0;
	s13 =	smulhi.u32 $0xC22E4507, s12;
	s11 =	ssub.s32 s24, s22  }
0x12a: {  	s0 =	sadd.s32 s14, s11;
	s11 =	sld [smem:$0x743]  }
0x12b: {  	s31 =	spop (v2sf);
	s1 =	ssub.s32 s13, s12;
	s12 =	sld [smem:$0x744]  }
0x12c: {  	s22 =	smulhi.u32 $0xC22E4507, s17;
	s14 =	sld [smem:$0x745]  }
0x12d: {  	s16 =	smulhi.u32 $0xC22E4507, s15;
	[smem:$0x7C0] =	sst s0  }
0x12e: {  	(v2sf) =	vpush v7, $0x3;
	s24 =	sshra.s32 s31, $0x1F;
	s8 =	ssub.s32 s22, s17;
	s22 =	sld [smem:$0x746]  }
0x12f: {  	s6 =	smul.u32 $0xC22E4507, s24;
	s1 =	sadd.s32 s28, s1;
	s28 =	sld [smem:$0x747]  }
0x130: {  	[smem:$0x7C4] =	sst s1  }
0x131: {  	s10 =	smulhi.u32 $0xC22E4507, s9;
	s0 =	ssub.s32 s16, s15;
	[smem:$0x7AB] =	sst s6  }
0x132: {  	s0 =	sadd.s32 s7, s0;
	s7 =	sld [smem:$0x748]  }
0x133: {  	s1 =	ssub.s32 s10, s9;
	s9 =	sld [smem:$0x749]  }
0x134: {  	s17 =	spop (v2sf);
	s10 =	sld [smem:$0x74A]  }
0x135: {  	s16 =	sshra.s32 s17, $0x1F;
	[smem:$0x7BA] =	sst s0  }
0x136: {  	(v2sf) =	vpush v7, $0x4;
	s0 =	sadd.s32 s11, s8;
	s24 =	smul.u32 $0xC22E4507, s16;
	s16 =	sld [smem:$0x74C]  }
0x137: {  	[smem:$0x7B4] =	sst s0;
	s1 =	sadd.s32 s22, s1  }
0x138: {  	s13 =	smulhi.u32 $0xC22E4507, s12;
	[smem:$0x7BD] =	sst s1  }
0x139: {  	[smem:$0x7B1] =	sst s24  }
0x13a: {  	s15 =	smulhi.u32 $0xC22E4507, s14;
	s0 =	ssub.s32 s13, s12;
	s12 =	sld [smem:$0x74B]  }
0x13b: {  	s8 =	smulhi.u32 $0xC22E4507, s7;
	s24 =	sld [smem:$0x74D];
	s0 =	sadd.s32 s28, s0  }
0x13c: {  	s6 =	ssub.s32 s15, s14;
	s11 =	smulhi.u32 $0xC22E4507, s10;
	[smem:$0x7C1] =	sst s0  }
0x13d: {  	s15 =	spop (v2sf);
	s1 =	ssub.s32 s8, s7;
	s8 =	sld [smem:$0x74F]  }
0x13e: {  	s14 =	sshra.s32 s15, $0x1F;
	s0 =	sadd.s32 s9, s6;
	s9 =	sld [smem:$0x750]  }
0x13f: {  	s22 =	smul.u32 $0xC22E4507, s14;
	s14 =	sld [smem:$0x752]  }
0x140: {  	[smem:$0x7C5] =	sst s0  }
0x141: {  	s1 =	sadd.s32 s16, s1;
	s0 =	ssub.s32 s11, s10;
	s11 =	sld [smem:$0x751]  }
0x142: {  	(v2sf) =	vpush v7, $0x5;
	[smem:$0x7C7] =	sst s1  }
0x143: {  	[smem:$0x7B5] =	sst s22  }
0x144: {  	s13 =	smulhi.u32 $0xC22E4507, s12;
	s1 =	sld [smem:$0x74E]  }
0x145: {  	s0 =	sadd.s32 s24, s0;
	s22 =	spop (v2sf);
	s24 =	sld [smem:$0x753]  }
0x146: {  	[smem:$0x7C9] =	sst s0;
	s28 =	ssub.s32 s13, s12;
	s10 =	smulhi.u32 $0xC22E4507, s9  }
0x147: {  	s13 =	sshra.s32 s22, $0x1F;
	s0 =	sadd.s32 s8, s28;
	s8 =	sld [smem:$0x755]  }
0x148: {  	s16 =	smul.u32 $0xC22E4507, s13;
	[smem:$0x7CC] =	sst s0  }
0x149: {  	s12 =	smulhi.u32 $0xC22E4507, s11;
	s0 =	ssub.s32 s10, s9;
	s9 =	sld [smem:$0x756]  }
0x14a: {  	[smem:$0x7B8] =	sst s16  }
0x14b: {  	s28 =	ssub.s32 s12, s11;
	s11 =	sld [smem:$0x757]  }
0x14c: {  	s7 =	smulhi.u32 $0xC22E4507, s1;
	s0 =	sadd.s32 s24, s0;
	s16 =	sld [smem:$0x758]  }
0x14d: {  	[smem:$0x7CA] =	sst s0  }
0x14e: {  	s1 =	ssub.s32 s7, s1;
	s0 =	sadd.s32 s8, s28;
	s28 =	sld [smem:$0x759]  }
0x14f: {  	(v2sf) =	vpush v7, $0x6;
	s1 =	sadd.s32 s14, s1;
	[smem:$0x7D0] =	sst s0  }
0x150: {  	s10 =	smulhi.u32 $0xC22E4507, s9;
	[smem:$0x7CD] =	sst s1  }
0x151: {  	s14 =	spop (v2sf);
	s1 =	sld [smem:$0x754]  }
0x152: {  	s12 =	smulhi.u32 $0xC22E4507, s11;
	s0 =	ssub.s32 s10, s9;
	s9 =	sld [smem:$0x75B]  }
0x153: {  	s13 =	sshra.s32 s14, $0x1F;
	s10 =	sld [smem:$0x75C]  }
0x154: {  	(v2sf) =	vpush v7, $0x7;
	s24 =	smul.u32 $0xC22E4507, s13;
	s6 =	ssub.s32 s12, s11;
	s12 =	sld [smem:$0x75D]  }
0x155: {  	s0 =	sadd.s32 s28, s0;
	s28 =	sld [smem:$0x75E]  }
0x156: {  	[smem:$0x7BE] =	sst s24  }
0x157: {  	[smem:$0x7D4] =	sst s0  }
0x158: {  	s7 =	smulhi.u32 $0xC22E4507, s1;
	s0 =	sadd.s32 s9, s6;
	s6 =	sld [smem:$0x763]  }
0x159: {  	s9 =	sld [smem:$0x767]  }
0x15a: {  	v8 =	vld [tilespmem:s25+$0x60];
	s11 =	smulhi.u32 $0xC22E4507, s10;
	s1 =	ssub.s32 s7, s1;
	s7 =	sld [smem:$0x75A]  }
0x15b: {  	[smem:$0x7D1] =	sst s0;
	s1 =	sadd.s32 s16, s1  }
0x15c: {  	s16 =	smulhi.u32 $0xC22E4507, s12;
	s0 =	ssub.s32 s11, s10;
	s11 =	sld [smem:$0x760]  }
0x15d: {  	[smem:$0x7D6] =	sst s1;
	s8 =	smulhi.u32 $0xC22E4507, s7  }
0x15e: {  	s13 =	spop (v2sf);
	s10 =	ssub.s32 s16, s12;
	s16 =	sld [smem:$0x761]  }
0x15f: {  	(v2sf) =	vpush v8, $0xD;
	s24 =	sshra.s32 s13, $0x1F;
	s1 =	ssub.s32 s8, s7;
	s8 =	sld [smem:$0x75F]  }
0x160: {  	s7 =	smul.u32 $0xC22E4507, s24;
	s24 =	sld [smem:$0x762];
	s1 =	sadd.s32 s28, s1  }
0x161: {  	[smem:$0x7D7] =	sst s1  }
0x162: {  	s12 =	smulhi.u32 $0xC22E4507, s11;
	[smem:$0x7C2] =	sst s7  }
0x163: {  	s2 =	spop (v2sf);
	s0 =	sadd.s32 s8, s0;
	s8 =	sld [smem:$0x766]  }
0x164: {  	s1 =	ssub.s32 s12, s11;
	s28 =	smulhi.u32 $0xC22E4507, s24;
	[smem:$0x7DD] =	sst s0  }
0x165: {  	s12 =	sshra.s32 s2, $0x1F;
	s0 =	sadd.s32 s16, s10;
	s16 =	sld [smem:$0x764]  }
0x166: {  	[smem:$0x7CE] =	sst s0;
	s0 =	ssub.s32 s28, s24;
	s24 =	smul.u32 $0xC22E4507, s12  }
0x167: {  	s28 =	sld [smem:$0x765]  }
0x168: {  	[smem:$0x7C6] =	sst s24  }
0x169: {  	s7 =	smulhi.u32 $0xC22E4507, s29;
	s1 =	sadd.s32 s16, s1;
	s16 =	sld [smem:$0x768]  }
0x16a: {  	(v2sf) =	vpush v8, $0xC;
	[smem:$0x7C8] =	sst s1  }
0x16b: {  	s11 =	smulhi.u32 $0xC22E4507, s6;
	s1 =	ssub.s32 s7, s29;
	s29 =	sld [smem:$0x769]  }
0x16c: {  	s0 =	sadd.s32 s28, s0;
	s7 =	sld [smem:$0x774]  }
0x16d: {  	s6 =	ssub.s32 s11, s6;
	s11 =	smulhi.u32 $0xC22E4507, s9;
	[smem:$0x7D2] =	sst s0  }
0x16e: {  	s12 =	spop (v2sf);
	s0 =	sadd.s32 s8, s6;
	s6 =	sld [smem:$0x76D]  }
0x16f: {  	s28 =	sshra.s32 s12, $0x1F;
	[smem:$0x7D5] =	sst s0  }
0x170: {  	s10 =	smul.u32 $0xC22E4507, s28;
	s0 =	ssub.s32 s11, s9;
	s11 =	sld [smem:$0x76A]  }
0x171: {  	s9 =	sld [smem:$0x770]  }
0x172: {  	[smem:$0x7CB] =	sst s10  }
0x173: {  	(v2sf) =	vpush v8, $0xE;
	s24 =	smulhi.u32 $0xC22E4507, s16;
	s1 =	sadd.s32 s29, s1;
	s29 =	sld [smem:$0x76C]  }
0x174: {  	[smem:$0x7D8] =	sst s1  }
0x175: {  	s16 =	ssub.s32 s24, s16;
	s24 =	sld [smem:$0x76B]  }
0x176: {  	s10 =	smulhi.u32 $0xC22E4507, s6;
	s0 =	sadd.s32 s11, s0;
	s11 =	sld [smem:$0x76E]  }
0x177: {  	[smem:$0x7DA] =	sst s0;
	s0 =	sadd.s32 s29, s16  }
0x178: {  	s28 =	smulhi.u32 $0xC22E4507, s24;
	[smem:$0x7DE] =	sst s0;
	s0 =	ssub.s32 s10, s6  }
0x179: {  	s29 =	spop (v2sf);
	s16 =	smulhi.u32 $0xC22E4507, s11;
	s0 =	sadd.s32 s9, s0  }
0x17a: {  	s9 =	sld [smem:$0x776];
	s1 =	ssub.s32 s28, s24;
	s24 =	sshra.s32 s29, $0x1F  }
0x17b: {  	s28 =	sld [smem:$0x76F];
	s8 =	smul.u32 $0xC22E4507, s24  }
0x17c: {  	s11 =	ssub.s32 s16, s11;
	s16 =	sld [smem:$0x771]  }
0x17d: {  	(v2sf) =	vpush v8, $0xF;
	[smem:$0x7CF] =	sst s8  }
0x17e: {  	s1 =	sadd.s32 s28, s1;
	s28 =	sld [smem:$0x772]  }
0x17f: {  	s8 =	sld [smem:$0x773]  }
0x180: {  	[smem:$0x7E3] =	sst s0  }
0x181: {  	[smem:$0x7E2] =	sst s1;
	s24 =	smulhi.u32 $0xC22E4507, s16  }
0x182: {  	s1 =	spop (v2sf);
	s0 =	sadd.s32 s28, s11;
	s10 =	smulhi.u32 $0xC22E4507, s8  }
0x183: {  	s6 =	ssub.s32 s24, s16;
	s16 =	smulhi.u32 $0xC22E4507, s7;
	s28 =	sld [smem:$0x775]  }
0x184: {  	s24 =	sshra.s32 s1, $0x1F;
	[smem:$0x7E0] =	sst s0  }
0x185: {  	s0 =	ssub.s32 s10, s8;
	s11 =	ssub.s32 s16, s7;
	s16 =	sld [smem:$0x777]  }
0x186: {  	s8 =	smul.u32 $0xC22E4507, s24;
	s6 =	sadd.s32 s28, s6;
	s28 =	sld [smem:$0x778]  }
0x187: {  	[smem:$0x7E9] =	sst s6  }
0x188: {  	s0 =	sadd.s32 s9, s0;
	[smem:$0x7D3] =	sst s8  }
0x189: {  	[smem:$0x7EE] =	sst s0  }
0x18a: {  	(v2sf) =	vpush v8, $0x9;
	s0 =	sadd.s32 s28, s11;
	s28 =	sld [smem:$0x77B]  }
0x18b: {  	s24 =	smulhi.u32 $0xC22E4507, s16;
	[smem:$0x7EA] =	sst s0  }
0x18c: {  	s8 =	spop (v2sf);
	s0 =	sld [smem:$0x779]  }
0x18d: {  	s6 =	ssub.s32 s24, s16;
	s16 =	sld [smem:$0x77A];
	s24 =	sshra.s32 s8, $0x1F  }
0x18e: {  	s11 =	smul.u32 $0xC22E4507, s24  }
0x18f: {  	s24 =	sld [smem:$0x77C];
	s6 =	sadd.s32 s28, s6;
	s9 =	smulhi.u32 $0xC22E4507, s0  }
0x190: {  	s7 =	smulhi.u32 $0xC22E4507, s16;
	[smem:$0x7E6] =	sst s6  }
0x191: {  	(v2sf) =	vpush v8, $0x8;
	s6 =	sld [smem:$0x77D]  }
0x192: {  	s0 =	ssub.s32 s9, s0;
	s28 =	ssub.s32 s7, s16;
	s16 =	sld [smem:$0x77F]  }
0x193: {  	s0 =	sadd.s32 s24, s0;
	s24 =	sld [smem:$0x77E]  }
0x194: {  	[smem:$0x7D9] =	sst s11  }
0x195: {  	s10 =	smulhi.u32 $0xC22E4507, s6;
	[smem:$0x7EC] =	sst s0  }
0x196: {  	s7 =	smulhi.u32 $0xC22E4507, s16;
	s0 =	sadd.s32 s24, s28;
	s28 =	sld [smem:$0x781]  }
0x197: {  	s24 =	sld [smem:$0x780]  }
0x198: {  	s6 =	ssub.s32 s10, s6;
	s16 =	ssub.s32 s7, s16;
	s7 =	sld [smem:$0x782]  }
0x199: {  	s11 =	spop (v2sf);
	[smem:$0x7EF] =	sst s0;
	s0 =	sadd.s32 s28, s6  }
0x19a: {  	s10 =	sshra.s32 s11, $0x1F;
	s9 =	smulhi.u32 $0xC22E4507, s24;
	[smem:$0x7E1] =	sst s0  }
0x19b: {  	(v2sf) =	vpush v8, $0xA;
	s28 =	smul.u32 $0xC22E4507, s10;
	s0 =	sadd.s32 s7, s16;
	s16 =	sld [smem:$0x784]  }
0x19c: {  	s10 =	ssub.s32 s9, s24;
	s24 =	sld [smem:$0x783]  }
0x19d: {  	[smem:$0x7DC] =	sst s28  }
0x19e: {  	[smem:$0x7DB] =	sst s0  }
0x19f: {  	s0 =	sld [smem:$0x787];
	s28 =	smulhi.u32 $0xC22E4507, s24  }
0x1a0: {  	(v2sf) =	vpush v8, $0xB;
	s6 =	sadd.s32 s16, s10;
	s16 =	sld [smem:$0x785];
	s10 =	spop (v2sf)  }
0x1a1: {  	s7 =	ssub.s32 s28, s24;
	s28 =	sld [smem:$0x786];
	s24 =	sshra.s32 s10, $0x1F  }
0x1a2: {  	[smem:$0x7E4] =	sst s6;
	s24 =	smul.u32 $0xC22E4507, s24  }
0x1a3: {  	s6 =	smulhi.u32 $0xC22E4507, s16;
	s0 =	sadd.s32 s0, s7;
	s7 =	sld [smem:$0x788]  }
0x1a4: {  	s9 =	smulhi.u32 $0xC22E4507, s28;
	[smem:$0x7DF] =	sst s24  }
0x1a5: {  	s24 =	sld [smem:$0x789]  }
0x1a6: {  	s6 =	ssub.s32 s6, s16;
	s16 =	ssub.s32 s9, s28;
	s9 =	sld [smem:$0x78A]  }
0x1a7: {  	[smem:$0x7E7] =	sst s0;
	s0 =	sadd.s32 s7, s6;
	s6 =	smulhi.u32 $0xC22E4507, s20  }
0x1a8: {  	[smem:$0x7EB] =	sst s0;
	s28 =	smulhi.u32 $0xC22E4507, s24  }
0x1a9: {  	s0 =	sadd.s32 s9, s16;
	s16 =	sld [smem:$0x78B]  }
0x1aa: {  	s6 =	ssub.s32 s6, s20;
	s9 =	spop (v2sf);
	s7 =	ssub.s32 s28, s24  }
0x1ab: {  	s24 =	smulhi.u32 $0xC22E4507, s3;
	[smem:$0x7ED] =	sst s0;
	s28 =	sshra.s32 s9, $0x1F  }
0x1ac: {  	s20 =	smul.u32 $0xC22E4507, s28;
	s28 =	sld [smem:$0x78C];
	s0 =	sadd.s32 s16, s7  }
0x1ad: {  	s3 =	ssub.s32 s24, s3;
	s24 =	smulhi.u32 $0xC22E4507, s4;
	[smem:$0x7F0] =	sst s0  }
0x1ae: {  	s7 =	smulhi.u32 $0xC22E4507, s23;
	[smem:$0x7E5] =	sst s20  }
0x1af: {  	s16 =	spop (v2sf);
	s20 =	sld [smem:$0x78D]  }
0x1b0: {  	s0 =	sadd.s32 s28, s6;
	s6 =	ssub.s32 s7, s23;
	s7 =	sld [smem:$0x78E]  }
0x1b1: {  	s28 =	sshra.s32 s16, $0x1F;
	[smem:$0x7F3] =	sst s0  }
0x1b2: {  	s0 =	sadd.s32 s20, s3;
	s3 =	ssub.s32 s24, s4;
	s24 =	sld [smem:$0x78F]  }
0x1b3: {  	s20 =	smul.u32 $0xC22E4507, s28;
	s28 =	sld [smem:$0x790]  }
0x1b4: {  	s23 =	smulhi.u32 $0xC22E4507, s5;
	s4 =	sld [smem:$0x791]  }
0x1b5: {  	[smem:$0x7F4] =	sst s0  }
0x1b6: {  	(v2sf) =	vpush v8, $0x1;
	s0 =	sadd.s32 s7, s6;
	s6 =	ssub.s32 s23, s5;
	s23 =	rddreg [dreg:$0x1e]  }
0x1b7: {  	s5 =	sld [smem:$0x794]  }
0x1b8: {  	[smem:$0x7F2] =	sst s0  }
0x1b9: {  	[smem:$0x7E8] =	sst s20  }
0x1ba: {  	s7 =	smulhi.u32 $0xC22E4507, s21;
	v9 =	vmov s24;
	s24 =	sld [smem:$0x792]  }
0x1bb: {  	v10 =	vmov s28;
	s28 =	sld [smem:$0x793]  }
0x1bc: {  	s0 =	sadd.s32 s4, s3;
	s4 =	ssub.s32 s7, s21;
	s7 =	rddreg [dreg:$0x16]  }
0x1bd: {  	s21 =	sld [smem:$0x79A]  }
0x1be: {  	[smem:$0x7F5] =	sst s0  }
0x1bf: {  	s3 =	smulhi.u32 $0xC22E4507, s30;
	v9 =	vsel vm0, s23, v9;
	s23 =	sld [smem:$0x795]  }
0x1c0: {  	v9 =	vsel vm1, s7, v9;
	s7 =	sld [smem:$0x799]  }
0x1c1: {  	s3 =	ssub.s32 s3, s30;
	s30 =	sld [smem:$0x79C]  }
0x1c2: {  	v10 =	vnsel vm3, $0x0, v10;
	s0 =	sadd.s32 s24, s6;
	s24 =	sld [smem:$0x796]  }
0x1c3: {  	v10 =	vsel vm0, s5, v10;
	s5 =	smulhi.u32 $0xC22E4507, s26;
	v11 =	vmov s28;
	s28 =	sld [smem:$0x797]  }
0x1c4: {  	[smem:$0x7F7] =	sst s0  }
0x1c5: {  	s20 =	spop (v2sf);
	v11 =	vsel vm0, s23, v11;
	s23 =	ssub.s32 s5, s26;
	s5 =	sld [smem:$0x79D]  }
0x1c6: {  	s6 =	sshra.s32 s20, $0x1F;
	s0 =	sadd.s32 s28, s4;
	s4 =	rddreg [dreg:$0x1a]  }
0x1c7: {  	v12 =	vsel vm1, s24, v10;
	s24 =	smul.u32 $0xC22E4507, s6;
	s6 =	sld [smem:$0x798]  }
0x1c8: {  	s28 =	sld [smem:$0x79B]  }
0x1c9: {  	(v2sf) =	vpush v8, $0x0;
	s26 =	smulhi.u32 $0xC22E4507, s19;
	[smem:$0x7FA] =	sst s0  }
0x1ca: {  	s0 =	sadd.s32 s21, s3;
	s21 =	sld [smem:$0x79F]  }
0x1cb: {  	v43 =	vsel vm2, s4, v9;
	s4 =	ssub.s32 s26, s19;
	s26 =	sld [smem:$0x7A0]  }
0x1cc: {  	v48 =	vmov s5;
	s5 =	sld [smem:$0x7A3]  }
0x1cd: {  	v45 =	vsel vm2, s7, v12;
	[smem:$0x7F8] =	sst s0  }
0x1ce: {  	s7 =	smulhi.u32 $0xC22E4507, s18;
	v47 =	vsel vm4, s30, v45;
	s30 =	sld [smem:$0x7A2]  }
0x1cf: {  	v44 =	vsel vm1, s6, v11;
	s6 =	sld [smem:$0x79E]  }
0x1d0: {  	s3 =	ssub.s32 s7, s18;
	s18 =	sld [smem:$0x7A4]  }
0x1d1: {  	v46 =	vsel vm2, s28, v44;
	s28 =	sld [smem:$0x7A1]  }
0x1d2: {  	v9 =	vsel vm5, s21, v47;
	s21 =	sld [smem:$0x7A5]  }
0x1d3: {  	s19 =	smulhi.u32 $0xC22E4507, s31;
	v9 =	vsel vm6, s26, v9;
	s26 =	sld [smem:$0x7A7];
	s0 =	sadd.s32 s6, s23  }
0x1d4: {  	[smem:$0x7FC] =	sst s0  }
0x1d5: {  	v11 =	vnsel vm3, $0x0, v48;
	v13 =	vmov s28;
	s28 =	ssub.s32 s19, s31;
	s31 =	sld [smem:$0x7A8]  }
0x1d6: {  	v11 =	vsel vm0, s30, v11;
	s30 =	smulhi.u32 $0xC22E4507, s17;
	s0 =	sadd.s32 s5, s4;
	s4 =	sld [smem:$0x7A9]  }
0x1d7: {  	s5 =	sld [smem:$0x7AA]  }
0x1d8: {  	s6 =	spop (v2sf);
	s17 =	ssub.s32 s30, s17;
	s30 =	sld [smem:$0x7AE]  }
0x1d9: {  	s23 =	sshra.s32 s6, $0x1F;
	[smem:$0x7FD] =	sst s0  }
0x1da: {  	(v2sf) =	vpush v8, $0x2;
	s7 =	smul.u32 $0xC22E4507, s23;
	s23 =	sld [smem:$0x7A6]  }
0x1db: {  	s19 =	smulhi.u32 $0xC22E4507, s15;
	v49 =	vsel vm0, s21, v13;
	s0 =	sadd.s32 s26, s3;
	s21 =	sld [smem:$0x7AC]  }
0x1dc: {  	[smem:$0x7F6] =	sst s0  }
0x1dd: {  	s3 =	ssub.s32 s19, s15;
	s15 =	sld [smem:$0x7B2]  }
0x1de: {  	s19 =	sld [smem:$0x7B4]  }
0x1df: {  	[smem:$0x7F1] =	sst s7  }
0x1e0: {  	s7 =	sld [smem:$0x7AB]  }
0x1e1: {  	v14 =	vsel vm7, s18, v9;
	v9 =	vsel vm1, s31, v49;
	s31 =	sld [smem:$0x7AF]  }
0x1e2: {  	v50 =	vmov s4;
	s4 =	sld [smem:$0x7B0]  }
0x1e3: {  	(v2sf) =	vpush v8, $0x3;
	v11 =	vsel vm1, s23, v11;
	s23 =	sld [smem:$0x7AD]  }
0x1e4: {  	v51 =	vsel vm2, s30, v9;
	s30 =	smulhi.u32 $0xC22E4507, s14;
	v11 =	vsel vm2, s5, v11;
	s5 =	sld [smem:$0x7B1]  }
0x1e5: {  	v16 =	vmov s19;
	s19 =	sld [smem:$0x7B9]  }
0x1e6: {  	s14 =	ssub.s32 s30, s14;
	s30 =	sld [smem:$0x7BC]  }
0x1e7: {  	v15 =	vsel vm0, s21, v50;
	v11 =	vsel vm4, s23, v11;
	s23 =	sld [smem:$0x7B5]  }
0x1e8: {  	s18 =	smulhi.u32 $0xC22E4507, s22;
	v52 =	vsel vm1, s31, v15;
	s31 =	sadd.s32 s5, s17;
	s17 =	sld [smem:$0x7B3]  }
0x1e9: {  	s28 =	sadd.s32 s7, s28;
	s7 =	spop (v2sf);
	v11 =	vsel vm5, s4, v11;
	s4 =	sld [smem:$0x7B6]  }
0x1ea: {  	s26 =	sshra.s32 s7, $0x1F;
	s5 =	sld [smem:$0x7B7]  }
0x1eb: {  	s21 =	smul.u32 $0xC22E4507, s26;
	s26 =	ssub.s32 s18, s22;
	s22 =	sld [smem:$0x7BA]  }
0x1ec: {  	v15 =	vsel vm2, s15, v52;
	s15 =	smulhi.u32 $0xC22E4507, s2;
	v18 =	vmov s19;
	s19 =	sld [smem:$0x7BF]  }
0x1ed: {  	v18 =	vsel vm0, s30, v18;
	s30 =	sld [smem:$0x7C2]  }
0x1ee: {  	s2 =	ssub.s32 s15, s2;
	s15 =	sld [smem:$0x7C5]  }
0x1ef: {  	s0 =	sadd.s32 s23, s3;
	s3 =	sld [smem:$0x7BD]  }
0x1f0: {  	(v2sf) =	vpush v8, $0x4;
	[smem:$0x7F9] =	sst s0  }
0x1f1: {  	v16 =	vnsel vm3, $0x0, v16;
	s18 =	smulhi.u32 $0xC22E4507, s13;
	v53 =	vsel vm6, s17, v11;
	s17 =	sld [smem:$0x7B8]  }
0x1f2: {  	v17 =	vmov s5;
	s5 =	spop (v2sf);
	v16 =	vsel vm0, s22, v16;
	s22 =	sld [smem:$0x7C0]  }
0x1f3: {  	v11 =	vsel vm7, s4, v53;
	s23 =	sshra.s32 s5, $0x1F;
	s4 =	sld [smem:$0x7BE]  }
0x1f4: {  	s13 =	ssub.s32 s18, s13;
	s18 =	smul.u32 $0xC22E4507, s23;
	s23 =	sld [smem:$0x7C1]  }
0x1f5: {  	v16 =	vsel vm1, s3, v16;
	s3 =	smulhi.u32 $0xC22E4507, s12;
	s0 =	sadd.s32 s17, s26;
	s26 =	sld [smem:$0x7BB]  }
0x1f6: {  	s17 =	sld [smem:$0x7C6]  }
0x1f7: {  	s12 =	ssub.s32 s3, s12;
	s3 =	sld [smem:$0x7C9]  }
0x1f8: {  	v19 =	vsel vm2, s23, v16;
	s23 =	sadd.s32 s30, s13;
	s30 =	sld [smem:$0x7C8]  }
0x1f9: {  	v17 =	vsel vm0, s26, v17;
	s26 =	sadd.s32 s4, s14;
	s4 =	sld [smem:$0x7C3]  }
0x1fa: {  	s14 =	sld [smem:$0x7C4]  }
0x1fb: {  	v56 =	vsel vm4, s15, v19;
	s15 =	smulhi.u32 $0xC22E4507, s29;
	v17 =	vsel vm1, s19, v17;
	s19 =	sld [smem:$0x7C7]  }
0x1fc: {  	v18 =	vsel vm1, s22, v18;
	s22 =	sadd.s32 s17, s2;
	s17 =	smulhi.u32 $0xC22E4507, s1;
	v57 =	vmov s30;
	s30 =	sld [smem:$0x7CC]  }
0x1fd: {  	s29 =	ssub.s32 s15, s29;
	s15 =	sld [smem:$0x7D0]  }
0x1fe: {  	s1 =	ssub.s32 s17, s1;
	s17 =	sld [smem:$0x7D1]  }
0x1ff: {  	v54 =	vsel vm2, s4, v17;
	v55 =	vsel vm2, s14, v18;
	s4 =	spop (v2sf);
	s14 =	sld [smem:$0x7CA]  }
0x200: {  	v18 =	vsel vm5, s19, v56;
	s2 =	sshra.s32 s4, $0x1F;
	s19 =	sld [smem:$0x7CB]  }
0x201: {  	s13 =	smul.u32 $0xC22E4507, s2;
	s2 =	sld [smem:$0x7CD]  }
0x202: {  	(v2sf) =	vpush v8, $0x5;
	v18 =	vsel vm6, s3, v18;
	s3 =	sld [smem:$0x7CE]  }
0x203: {  	v20 =	vmov s14;
	s14 =	sld [smem:$0x7CF]  }
0x204: {  	v18 =	vsel vm7, s30, v18;
	s30 =	sld [smem:$0x7D3]  }
0x205: {  	v20 =	vsel vm0, s2, v20;
	s2 =	sld [smem:$0x7D5]  }
0x206: {  	s14 =	sadd.s32 s14, s29;
	s29 =	sld [smem:$0x7D2]  }
0x207: {  	v19 =	vnsel vm3, $0x0, v57;
	v21 =	vmov s17;
	v20 =	vsel vm1, s15, v20;
	s17 =	sadd.s32 s30, s1;
	s15 =	smulhi.u32 $0xC22E4507, s11;
	s1 =	sld [smem:$0x7D4]  }
0x208: {  	v19 =	vsel vm0, s3, v19;
	s30 =	sld [smem:$0x7D7]  }
0x209: {  	s11 =	ssub.s32 s15, s11;
	s15 =	sld [smem:$0x7DA];
	v19 =	vsel vm1, s29, v19  }
0x20a: {  	s19 =	sadd.s32 s19, s12;
	s12 =	smulhi.u32 $0xC22E4507, s8;
	v21 =	vsel vm0, s1, v21;
	v22 =	vsel vm2, s2, v19;
	s2 =	sld [smem:$0x7D8]  }
0x20b: {  	v59 =	vsel vm1, s30, v21;
	s30 =	sld [smem:$0x7DC]  }
0x20c: {  	s8 =	ssub.s32 s12, s8;
	s12 =	sld [smem:$0x7D6]  }
0x20d: {  	(v2sf) =	vpush v8, $0x6;
	v60 =	vsel vm4, s2, v22  }
0x20e: {  	v21 =	vsel vm5, s15, v60;
	s15 =	sadd.s32 s30, s11;
	s30 =	sld [smem:$0x7E0]  }
0x20f: {  	v58 =	vsel vm2, s12, v20;
	s12 =	sld [smem:$0x7D9]  }
0x210: {  	s11 =	sld [smem:$0x7DE]  }
0x211: {  	s3 =	spop (v2sf);
	v23 =	vmov s30;
	s30 =	sld [smem:$0x7E2]  }
0x212: {  	s29 =	sshra.s32 s3, $0x1F  }
0x213: {  	s12 =	sadd.s32 s12, s8;
	s8 =	smul.u32 $0xC22E4507, s29;
	s29 =	sld [smem:$0x7DB];
	v21 =	vsel vm6, s11, v21  }
0x214: {  	v21 =	vsel vm7, s30, v21;
	s30 =	sld [smem:$0x7E3];
	_ =	sdelay $0x1  }
0x215: {  	s1 =	sld [smem:$0x7E1]  }
0x216: {  	v61 =	vmov s29;
	v23 =	vsel vm0, s30, v23;
	s30 =	sld [smem:$0x7E4]  }
0x217: {  	[smem:$0x7FB] =	sst s0;
	s0 =	smulhi.u32 $0xC22E4507, s10;
	v22 =	vnsel vm3, $0x0, v61  }
0x218: {  	s2 =	sld [smem:$0x7DD];
	v22 =	vsel vm0, s1, v22  }
0x219: {  	s0 =	ssub.s32 s0, s10;
	s10 =	smulhi.u32 $0xC22E4507, s9;
	v22 =	vsel vm1, s30, v22;
	s30 =	sld [smem:$0x7E5]  }
0x21a: {  	_ = 	snop  }
0x21b: {  	s9 =	ssub.s32 s10, s9;
	s29 =	sld [smem:$0x7DF];
	v20 =	vsel vm2, s2, v59;
	s2 =	spop (v2sf)  }
0x21c: {  	s11 =	smulhi.u32 $0xC22E4507, s16;
	s9 =	sadd.s32 s30, s9;
	s30 =	sld [smem:$0x7E7]  }
0x21d: {  	s10 =	sshra.s32 s2, $0x1F  }
0x21e: {  	s11 =	ssub.s32 s11, s16;
	s16 =	smul.u32 $0xC22E4507, s10;
	s10 =	sld [smem:$0x7E6]  }
0x21f: {  	s29 =	sadd.s32 s29, s0;
	s0 =	smulhi.u32 $0xC22E4507, s20;
	v22 =	vsel vm2, s30, v22;
	s30 =	sld [smem:$0x7EA]  }
0x220: {  	_ = 	snop  }
0x221: {  	s0 =	ssub.s32 s0, s20;
	s20 =	sld [smem:$0x7E9];
	v24 =	vmov s10  }
0x222: {  	v24 =	vsel vm0, s30, v24;
	s30 =	sld [smem:$0x7EC];
	_ =	sdelay $0x1  }
0x223: {  	v23 =	vsel vm1, s20, v23;
	s20 =	sld [smem:$0x7EB]  }
0x224: {  	v24 =	vsel vm1, s30, v24;
	s30 =	sld [smem:$0x7ED];
	_ =	sdelay $0x1  }
0x225: {  	v22 =	vsel vm4, s20, v22  }
0x226: {  	v9 =	vld [tilespmem:s25+$0x70];
	(v2sf) =	vpush v8, $0x7;
	v22 =	vsel vm5, s30, v22;
	s30 =	sld [smem:$0x7EE];
	_ =	sdelay $0x2  }
0x227: {  	v23 =	vsel vm2, s30, v23;
	s30 =	sld [smem:$0x7EF];
	_ =	sdelay $0x1  }
0x228: {  	(v2sf) =	vpush v9, $0xD;
	s10 =	sld [smem:$0x7E8]  }
0x229: {  	v24 =	vsel vm2, s30, v24;
	s30 =	sld [smem:$0x7F0];
	_ =	sdelay $0x2  }
0x22a: {  	s10 =	sadd.s32 s10, s11;
	s11 =	smulhi.u32 $0xC22E4507, s6;
	v22 =	vsel vm6, s30, v22;
	s30 =	sld [smem:$0x7F1]  }
0x22b: {  	(v2sf) =	vpush v9, $0xC  }
0x22c: {  	(v2sf) =	vpush v9, $0xE;
	s6 =	ssub.s32 s11, s6  }
0x22d: {  	s1 =	smulhi.u32 $0xC22E4507, s7;
	s6 =	sadd.s32 s30, s6;
	s30 =	sld [smem:$0x7F2]  }
0x22e: {  	(v2sf) =	vpush v9, $0xF;
	s11 =	smulhi.u32 $0xC22E4507, s5  }
0x22f: {  	v26 =	vmov s28;
	s28 =	sld [smem:$0x7F4];
	s1 =	ssub.s32 s1, s7  }
0x230: {  	s20 =	sadd.s32 s24, s0;
	s24 =	spop (v2sf);
	v25 =	vmov s30;
	s30 =	ssub.s32 s11, s5  }
0x231: {  	(v2sf) =	vpush v9, $0x9;
	s11 =	smulhi.u32 $0xC22E4507, s4;
	s5 =	sadd.s32 s18, s30;
	s30 =	sld [smem:$0x7F5]  }
0x232: {  	v10 =	vcombine.low v46, v43;
	s1 =	sadd.s32 s21, s1;
	s0 =	sshra.s32 s24, $0x1F;
	v25 =	vsel vm0, s28, v25;
	s28 =	sld [smem:$0x7F6]  }
0x233: {  	(v2sf) =	vpush v9, $0x8;
	s21 =	sld [smem:$0x7F3];
	s7 =	smul.u32 $0xC22E4507, s0;
	s4 =	ssub.s32 s11, s4  }
0x234: {  	v37 =	vperm.xlane v10, v0;
	v14 =	vperm.xlane v14, v1;
	v26 =	vnsel vm3, $0x0, v26;
	s0 =	smulhi.u32 $0xC22E4507, s3;
	s11 =	sadd.s32 s13, s4;
	s13 =	sld [smem:$0x7F9]  }
0x235: {  	(v2sf) =	vpush v9, $0xA;
	s18 =	spop (v2sf);
	v25 =	vsel vm1, s30, v25;
	v26 =	vsel vm0, s28, v26;
	s30 =	sld [smem:$0x7F7]  }
0x236: {  	v22 =	vsel vm7, s21, v22;
	s21 =	smulhi.u32 $0xC22E4507, s2;
	s28 =	sshra.s32 s18, $0x1F;
	v26 =	vsel vm1, s31, v26;
	s31 =	sld [smem:$0x7F8]  }
0x237: {  	v14 =	vsel vm8, v14, v37;
	s0 =	ssub.s32 s0, s3;
	(v2sf) =	vpush v9, $0xB;
	s4 =	smul.u32 $0xC22E4507, s28;
	v26 =	vsel vm2, s13, v26;
	s13 =	sld [smem:$0x7FB]  }
0x238: {  	v14 =	vadd.s32 v3, v14;
	s28 =	ssub.s32 s21, s2;
	s21 =	sld [smem:$0x7FC];
	v25 =	vsel vm2, s30, v25;
	s30 =	smulhi.u32 $0xC22E4507, s18  }
0x239: {  	v28 =	vmov s14;
	s3 =	sadd.s32 s8, s0;
	(v2sf) =	vpush v9, $0x1;
	s2 =	smulhi.u32 $0xC22E4507, s24;
	v27 =	vmov s31;
	s31 =	sld [smem:$0x7FA]  }
0x23a: {  	v29 =	vsel vm0, s19, v28;
	(v2sf) =	vpush v9, $0x0;
	s0 =	sadd.s32 s16, s28;
	v26 =	vsel vm4, s13, v26;
	s13 =	spop (v2sf);
	s8 =	ssub.s32 s30, s18  }
0x23b: {  	v41 =	vshrl.u32 v14, $0x1F;
	v14 =	vshra.s32 v14, $0xF;
	v29 =	vsel vm1, s17, v29;
	s28 =	smulhi.u32 $0xC22E4507, s13;
	s30 =	sshra.s32 s13, $0x1F;
	s17 =	spop (v2sf)  }
0x23c: {  	v14 =	vadd.s32 v41, v14;
	v13 =	vcombine.low v15, v51;
	v27 =	vsel vm0, s31, v27;
	s31 =	sld [smem:$0x7FD];
	s16 =	smul.u32 $0xC22E4507, s30  }
0x23d: {  	v14 =	vmul.u32 $0xA8C0, v14;
	v26 =	vsel vm5, s26, v26;
	s19 =	smulhi.u32 $0xC22E4507, s17;
	s26 =	spop (v2sf)  }
0x23e: {  	v13 =	vperm.xlane v13, v0;
	(v2sf) =	vpush v9, $0x2;
	v27 =	vsel vm1, s21, v27;
	s18 =	ssub.s32 s28, s13;
	s21 =	sshra.s32 s17, $0x1F;
	s28 =	smulhi.u32 $0xC22E4507, s26  }
0x23f: {  	v11 =	vperm.xlane v11, v1;
	v34 =	vmov s29;
	s2 =	ssub.s32 s2, s24;
	v26 =	vsel vm6, s23, v26;
	s29 =	sshra.s32 s26, $0x1F;
	s23 =	smul.u32 $0xC22E4507, s21  }
0x240: {  	(v2sf) =	vpush v9, $0x3;
	v63 =	vsel vm7, s22, v26;
	s22 =	sadd.s32 s16, s18;
	s30 =	smul.u32 $0xC22E4507, s29;
	v62 =	vsel vm2, s31, v27;
	s31 =	spop (v2sf)  }
0x241: {  	v3 =	vsub.s32 v3, v14;
	v30 =	vmov s6;
	s13 =	ssub.s32 s19, s17;
	s16 =	smulhi.u32 $0xC22E4507, s31;
	s17 =	sshra.s32 s31, $0x1F  }
0x242: {  	v11 =	vsel vm8, v11, v13;
	v36 =	vnsel vm3, $0x0, v30;
	s4 =	sadd.s32 s4, s8;
	(v2sf) =	vpush v9, $0x4;
	s19 =	spop (v2sf);
	s18 =	smul.u32 $0xC22E4507, s17  }
0x243: {  	v11 =	vadd.s32 v2, v11;
	v33 =	vsel vm2, s12, v29;
	v29 =	vsel vm0, s20, v36;
	s14 =	ssub.s32 s28, s26;
	s20 =	smulhi.u32 $0xC22E4507, s19;
	s21 =	sshra.s32 s19, $0x1F  }
0x244: {  	v42 =	vcombine.low v55, v54;
	v40 =	vmov s22;
	s8 =	sadd.s32 s23, s13;
	(v2sf) =	vpush v9, $0x5;
	s23 =	spop (v2sf);
	s22 =	smul.u32 $0xC22E4507, s21  }
0x245: {  	v44 =	vshrl.u32 v11, $0x1F;
	v35 =	vsel vm0, s15, v34;
	v39 =	vsel vm1, s1, v29;
	s1 =	sadd.s32 s30, s14;
	s28 =	smulhi.u32 $0xC22E4507, s23;
	s29 =	sshra.s32 s23, $0x1F  }
0x246: {  	v13 =	vperm.xlane v42, v0;
	v38 =	vsel vm1, s9, v35;
	(v2sf) =	vpush v9, $0x6;
	s9 =	ssub.s32 s16, s31;
	s30 =	spop (v2sf);
	s31 =	smul.u32 $0xC22E4507, s29  }
0x247: {  	v45 =	vperm.xlane v18, v1;
	v10 =	vsel vm2, s10, v38;
	s2 =	sadd.s32 s7, s2;
	v29 =	vsel vm0, s4, v40;
	s10 =	smulhi.u32 $0xC22E4507, s30;
	s12 =	sshra.s32 s30, $0x1F  }
0x248: {  	v12 =	vsel vm2, s5, v39;
	v29 =	vsel vm1, s8, v29;
	s5 =	sadd.s32 s18, s9;
	s13 =	spop (v2sf);
	(v2sf) =	vpush v9, $0x7;
	s8 =	smul.u32 $0xC22E4507, s12  }
0x249: {  	v11 =	vshra.s32 v11, $0xF;
	v46 =	vcombine.low v20, v58;
	v12 =	vsel vm4, s11, v12;
	s26 =	ssub.s32 s20, s19;
	s15 =	spop (v2sf);
	s19 =	smulhi.u32 $0xC22E4507, s13  }
0x24a: {  	v11 =	vadd.s32 v44, v11;
	v13 =	vsel vm8, v45, v13;
	v12 =	vsel vm5, s3, v12;
	s3 =	sadd.s32 s22, s26;
	s20 =	sshra.s32 s13, $0x1F;
	s16 =	smulhi.u32 $0xC22E4507, s15  }
0x24b: {  	v11 =	vmul.u32 $0xA8C0, v11;
	v13 =	vadd.s32 v4, v13;
	v14 =	vperm.xlane v46, v0;
	s14 =	ssub.s32 s28, s23;
	s17 =	sshra.s32 s15, $0x1F;
	s4 =	smul.u32 $0xC22E4507, s20  }
0x24c: {  	v48 =	vperm.xlane v21, v1;
	v12 =	vsel vm6, s0, v12;
	v29 =	vsel vm2, s1, v29;
	s0 =	ssub.s32 s10, s30;
	s1 =	sadd.s32 s31, s14;
	s18 =	smul.u32 $0xC22E4507, s17  }
0x24d: {  	v49 =	vshrl.u32 v13, $0x1F;
	v13 =	vshra.s32 v13, $0xF;
	v43 =	vmov s3;
	s0 =	sadd.s32 s8, s0;
	s3 =	ssub.s32 s16, s15;
	s22 =	spop (v2sf)  }
0x24e: {  	v2 =	vsub.s32 v2, v11;
	v11 =	vadd.s32 v49, v13;
	v50 =	vsel vm8, v48, v14;
	s21 =	sadd.s32 s18, s3;
	s23 =	smulhi.u32 $0xC22E4507, s22;
	s26 =	sshra.s32 s22, $0x1F  }
0x24f: {  	v13 =	vadd.s32 v5, v50;
	v15 =	vsel vm0, s5, v43;
	s5 =	ssub.s32 s19, s13;
	v47 =	vmov s21;
	s28 =	spop (v2sf);
	s6 =	smul.u32 $0xC22E4507, s26  }
0x250: {  	v11 =	vmul.u32 $0xA8C0, v11;
	v53 =	vshrl.u32 v13, $0x1F;
	s4 =	sadd.s32 s4, s5;
	v16 =	vnsel vm3, $0x0, v47;
	s29 =	smulhi.u32 $0xC22E4507, s28;
	s30 =	sshra.s32 s28, $0x1F  }
0x251: {  	v13 =	vshra.s32 v13, $0xF;
	v15 =	vsel vm1, s1, v15;
	v16 =	vsel vm0, s4, v16;
	s1 =	ssub.s32 s23, s22;
	s4 =	smul.u32 $0xC22E4507, s30;
	s31 =	spop (v2sf)  }
0x252: {  	v54 =	vadd.s32 v53, v13;
	s1 =	sadd.s32 s6, s1;
	s9 =	smulhi.u32 $0xC22E4507, s31;
	s10 =	sshra.s32 s31, $0x1F  }
0x253: {  	v4 =	vsub.s32 v4, v11;
	v11 =	vmul.u32 $0xA8C0, v54;
	v10 =	vcombine.low v10, v33;
	s8 =	ssub.s32 s29, s28;
	s11 =	spop (v2sf);
	s5 =	smul.u32 $0xC22E4507, s10  }
0x254: {  	v12 =	vsel vm7, s2, v12;
	v51 =	vsel vm1, s1, v16;
	s1 =	sadd.s32 s4, s8;
	s13 =	smulhi.u32 $0xC22E4507, s11;
	s14 =	sshra.s32 s11, $0x1F  }
0x255: {  	v5 =	vsub.s32 v5, v11;
	v10 =	vperm.xlane v10, v0;
	v12 =	vperm.xlane v12, v1;
	s15 =	spop (v2sf);
	s12 =	ssub.s32 s9, s31;
	s6 =	smul.u32 $0xC22E4507, s14  }
0x256: {  	v52 =	vcombine.low v24, v23;
	v55 =	vcombine.low v62, v25;
	v14 =	vsel vm2, s1, v51;
	s17 =	smulhi.u32 $0xC22E4507, s15;
	s18 =	sshra.s32 s15, $0x1F;
	s1 =	sadd.s32 s5, s12  }
0x257: {  	v56 =	vperm.xlane v22, v1;
	v10 =	vsel vm8, v12, v10;
	v57 =	vperm.xlane v63, v1;
	s16 =	ssub.s32 s13, s11;
	s4 =	smul.u32 $0xC22E4507, s18;
	s19 =	spop (v2sf)  }
0x258: {  	v10 =	vadd.s32 v8, v10;
	v13 =	vperm.xlane v55, v0;
	v14 =	vsel vm4, s1, v14;
	s1 =	sadd.s32 s6, s16;
	s20 =	smulhi.u32 $0xC22E4507, s19;
	s21 =	sshra.s32 s19, $0x1F  }
0x259: {  	[tilespmem:s25+$0x210] =	vst v2;
	v2 =	vshrl.u32 v10, $0x1F;
	v10 =	vshra.s32 v10, $0xF;
	s3 =	ssub.s32 s17, s15;
	v14 =	vsel vm5, s1, v14;
	s1 =	smul.u32 $0xC22E4507, s21  }
0x25a: {  	v2 =	vadd.s32 v2, v10;
	v58 =	vsel vm8, v57, v13;
	v15 =	vsel vm2, s0, v15;
	s3 =	sadd.s32 s4, s3;
	s0 =	ssub.s32 s20, s19  }
0x25b: {  	v15 =	vcombine.low v15, v29;
	v16 =	vperm.xlane v52, v0;
	v14 =	vsel vm6, s3, v14;
	s0 =	sadd.s32 s1, s0  }
0x25c: {  	v2 =	vmul.u32 $0xA8C0, v2;
	v11 =	vadd.s32 v7, v58;
	v14 =	vsel vm7, s0, v14  }
0x25d: {  	v15 =	vperm.xlane v15, v0;
	v16 =	vsel vm8, v56, v16;
	v14 =	vperm.xlane v14, v1  }
0x25e: {  	v60 =	vshrl.u32 v11, $0x1F;
	v11 =	vshra.s32 v11, $0xF;
	v59 =	vadd.s32 v6, v16  }
0x25f: {  	v16 =	vshrl.u32 v59, $0x1F;
	v13 =	vshra.s32 v59, $0xF;
	v61 =	vsel vm8, v14, v15  }
0x260: {  	[tilespmem:s25+$0x200] =	vst v3;
	v11 =	vadd.s32 v60, v11;
	v13 =	vadd.s32 v16, v13;
	v12 =	vadd.s32 v9, v61  }
0x261: {  	[tilespmem:s25+$0x220] =	vst v4;
	v3 =	vmul.u32 $0xA8C0, v13;
	v62 =	vshrl.u32 v12, $0x1F;
	v63 =	vshra.s32 v12, $0xF  }
0x262: {  	[tilespmem:s25+$0x230] =	vst v5;
	v2 =	vsub.s32 v8, v2;
	v11 =	vmul.u32 $0xA8C0, v11;
	v4 =	vadd.s32 v62, v63  }
0x263: {  	[tilespmem:s25+$0x260] =	vst v2;
	v3 =	vsub.s32 v6, v3;
	v4 =	vmul.u32 $0xA8C0, v4  }
0x264: {  	[tilespmem:s25+$0x240] =	vst v3;
	v3 =	vsub.s32 v7, v11  }
0x265: {  	s24 =	sadd.s32 $0x200, s25;
	s26 =	rddreg [dreg:$0x14];
	[tilespmem:s25+$0x250] =	vst v3;
	v2 =	vsub.s32 v9, v4  }
0x266: {  	s22 =	simm.s32 $0x80;
	s23 =	rddreg [dreg:$0x3];
	s29 =	simm.s32 $0x1;
	[tilespmem:s25+$0x270] =	vst v2  }
0x267: {  	[tilespmem:s26], [sflag:$0x1] =	stream.indirect.gather [hbm4b:s23+s22], $0x80, s24, s22, $0xb8;
	[tilespmem:$0x10400] =	vst v63  }
0x268: {  	s28 =	rddreg [dreg:$0x14];
	_ =	swait.ge [sflag:s29], $0x4000  }
0x269: {  	s30 =	rddreg [dreg:$0x15]  }
0x26a: {  	p0 =	sne.s32 s30, $0x600  }
.Ltmp0:
0x26b: {  	_ = 	snop;
	(pc) =	sbr.rel @p0 .LBB2_2-.Ltmp0, $3  }
0x26c: {  	_ =	sdelay $0x1  }
0x26d: {  	[sflag:s29] =	ssyncset.done $0x0;
	s31 =	rddreg [dreg:$0x15]  }
0x26e: {  	s1 =	sadd.s32 $0x4000, s28;
	[sflag:s29] =	ssyncadd.s32 $0xFFFFC000;
	s0 =	sadd.s32 $0x200, s31  }
0x26f: {  	s1 =	simm.s32 $0x0  }
0x270: {  	s2 =	simm.s32 $0x400;
	s0 =	rddreg [dreg:$0x8];
	s31 =	simm.s32 $0x2  }
0x271: {  	[hbm4b:s0+s1] =	stream.linear.scatter [tilespmem:s2], [sflag:$0x2], $0x10000, $0x38;
	[tilespmem:$0x10400] =	vst v63  }
0x272: {  	_ =	swait.ge [sflag:s31], $0x10000  }
0x273: {  	[sflag:s31] =	ssyncset.done $0x0  }
0x274: {  	[sflag:s31] =	ssyncadd.s32 $0xFFFF0000  }
.LBB2_4:
0x275: {  	s25 =	sshra.s32 s1, $0x2  }
0x276: {  	v3 =	vld [tilespmem:s25+$0x0];
	_ =	sdelay $0x4  }
0x277: {  	(v2sf) =	vpush v3, $0xD  }
0x278: {  	(v2sf) =	vpush v3, $0xC;
	_ =	sdelay $0x2  }
0x279: {  	(v2sf) =	vpush v3, $0xE;
	_ =	sdelay $0x1  }
0x27a: {  	(v2sf) =	vpush v3, $0xF  }
0x27b: {  	(v2sf) =	vpush v3, $0x9;
	_ =	sdelay $0x2  }
0x27c: {  	(v2sf) =	vpush v3, $0x8;
	_ =	sdelay $0x1  }
0x27d: {  	(v2sf) =	vpush v3, $0xA  }
0x27e: {  	(v2sf) =	vpush v3, $0xB;
	_ =	sdelay $0x1  }
0x27f: {  	s0 =	spop (v2sf)  }
0x280: {  	(v2sf) =	vpush v3, $0x1;
	s16 =	sshra.s32 s0, $0x1F;
	s3 =	spop (v2sf)  }
0x281: {  	[dreg:$0xe] =	wrdreg s1;
	s1 =	smul.u32 $0x91A2B3C5, s16;
	s17 =	sshra.s32 s3, $0x1F  }
0x282: {  	[dreg:$0x11] =	wrdreg s2;
	(v2sf) =	vpush v3, $0x0;
	s2 =	smul.u32 $0x91A2B3C5, s17  }
0x283: {  	(v2sf) =	vpush v3, $0x2;
	[smem:$0x612] =	sst s1;
	s1 =	spop (v2sf)  }
0x284: {  	[smem:$0x613] =	sst s2;
	s18 =	sshra.s32 s1, $0x1F  }
0x285: {  	(v2sf) =	vpush v3, $0x3;
	s4 =	spop (v2sf);
	s2 =	smul.u32 $0x91A2B3C5, s18  }
0x286: {  	s19 =	sshra.s32 s4, $0x1F;
	s8 =	spop (v2sf)  }
0x287: {  	(v2sf) =	vpush v3, $0x4;
	s5 =	sshra.s32 s8, $0x1F;
	[smem:$0x614] =	sst s2;
	s2 =	smul.u32 $0x91A2B3C5, s19  }
0x288: {  	s5 =	smul.u32 $0x91A2B3C5, s5  }
0x289: {  	(v2sf) =	vpush v3, $0x5;
	[smem:$0x615] =	sst s2;
	s2 =	spop (v2sf)  }
0x28a: {  	v2 =	vld [tilespmem:s25+$0x10];
	[smem:$0x616] =	sst s5;
	s6 =	sshra.s32 s2, $0x1F  }
0x28b: {  	s5 =	spop (v2sf);
	s6 =	smul.u32 $0x91A2B3C5, s6  }
0x28c: {  	(v2sf) =	vpush v3, $0x6;
	s20 =	sshra.s32 s5, $0x1F;
	s13 =	spop (v2sf)  }
0x28d: {  	s7 =	sshra.s32 s13, $0x1F;
	[smem:$0x617] =	sst s6;
	s6 =	smul.u32 $0x91A2B3C5, s20  }
0x28e: {  	(v2sf) =	vpush v3, $0x7;
	s7 =	smul.u32 $0x91A2B3C5, s7  }
0x28f: {  	(v2sf) =	vpush v2, $0xD;
	[smem:$0x618] =	sst s6;
	s6 =	spop (v2sf)  }
0x290: {  	[smem:$0x619] =	sst s7;
	s21 =	sshra.s32 s6, $0x1F  }
0x291: {  	s11 =	spop (v2sf);
	s7 =	smul.u32 $0x91A2B3C5, s21  }
0x292: {  	(v2sf) =	vpush v2, $0xC;
	s22 =	sshra.s32 s11, $0x1F;
	s15 =	spop (v2sf)  }
0x293: {  	(v2sf) =	vpush v2, $0xE;
	[smem:$0x61A] =	sst s7;
	s7 =	smul.u32 $0x91A2B3C5, s22  }
0x294: {  	(v2sf) =	vpush v2, $0xF;
	s23 =	sshra.s32 s15, $0x1F;
	s12 =	spop (v2sf)  }
0x295: {  	(v2sf) =	vpush v2, $0x9;
	[smem:$0x61B] =	sst s7;
	s7 =	smul.u32 $0x91A2B3C5, s23  }
0x296: {  	s24 =	sshra.s32 s12, $0x1F;
	s17 =	spop (v2sf)  }
0x297: {  	(v2sf) =	vpush v2, $0x8;
	[smem:$0x61C] =	sst s7;
	s7 =	smul.u32 $0x91A2B3C5, s24  }
0x298: {  	(v2sf) =	vpush v2, $0xA;
	s26 =	sshra.s32 s17, $0x1F;
	s9 =	spop (v2sf)  }
0x299: {  	s10 =	sshra.s32 s9, $0x1F;
	[smem:$0x61D] =	sst s7;
	s7 =	smul.u32 $0x91A2B3C5, s26  }
0x29a: {  	s10 =	smul.u32 $0x91A2B3C5, s10  }
0x29b: {  	(v2sf) =	vpush v2, $0xB;
	[smem:$0x61E] =	sst s7;
	s7 =	spop (v2sf)  }
0x29c: {  	(v2sf) =	vpush v2, $0x1;
	[smem:$0x61F] =	sst s10;
	s14 =	sshra.s32 s7, $0x1F  }
0x29d: {  	(v2sf) =	vpush v2, $0x0;
	s10 =	spop (v2sf);
	s14 =	smul.u32 $0x91A2B3C5, s14  }
0x29e: {  	s28 =	sshra.s32 s10, $0x1F;
	s18 =	spop (v2sf)  }
0x29f: {  	s19 =	sshra.s32 s18, $0x1F;
	[smem:$0x620] =	sst s14;
	s14 =	smul.u32 $0x91A2B3C5, s28  }
0x2a0: {  	(v2sf) =	vpush v2, $0x2;
	s16 =	smul.u32 $0x91A2B3C5, s19  }
0x2a1: {  	(v2sf) =	vpush v2, $0x3;
	[smem:$0x621] =	sst s14;
	s14 =	spop (v2sf)  }
0x2a2: {  	[smem:$0x622] =	sst s16;
	s20 =	sshra.s32 s14, $0x1F;
	s19 =	spop (v2sf)  }
0x2a3: {  	(v2sf) =	vpush v2, $0x4;
	s29 =	smul.u32 $0x91A2B3C5, s20;
	s30 =	sshra.s32 s19, $0x1F;
	s24 =	spop (v2sf)  }
0x2a4: {  	s31 =	smul.u32 $0x91A2B3C5, s30;
	s16 =	sshra.s32 s24, $0x1F;
	s21 =	spop (v2sf)  }
0x2a5: {  	(v2sf) =	vpush v2, $0x5;
	[smem:$0x623] =	sst s29;
	s22 =	smul.u32 $0x91A2B3C5, s16  }
0x2a6: {  	v4 =	vld [tilespmem:s25+$0x20];
	s23 =	sshra.s32 s21, $0x1F;
	s26 =	spop (v2sf);
	[smem:$0x624] =	sst s31  }
0x2a7: {  	(v2sf) =	vpush v2, $0x6;
	s28 =	smul.u32 $0x91A2B3C5, s23;
	s29 =	sshra.s32 s26, $0x1F;
	s30 =	spop (v2sf)  }
0x2a8: {  	[smem:$0x625] =	sst s22;
	s31 =	smul.u32 $0x91A2B3C5, s29;
	s16 =	sshra.s32 s30, $0x1F  }
0x2a9: {  	(v2sf) =	vpush v2, $0x7;
	[smem:$0x626] =	sst s28;
	s22 =	smul.u32 $0x91A2B3C5, s16  }
0x2aa: {  	s28 =	spop (v2sf);
	[smem:$0x627] =	sst s31  }
0x2ab: {  	(v2sf) =	vpush v4, $0xD;
	s23 =	sshra.s32 s28, $0x1F;
	s31 =	spop (v2sf);
	[smem:$0x628] =	sst s22  }
0x2ac: {  	s29 =	smul.u32 $0x91A2B3C5, s23;
	s16 =	sshra.s32 s31, $0x1F;
	s22 =	spop (v2sf)  }
0x2ad: {  	(v2sf) =	vpush v4, $0xC;
	[smem:$0x62A] =	sst s22;
	s20 =	smul.u32 $0x91A2B3C5, s16  }
0x2ae: {  	[smem:$0x629] =	sst s29  }
0x2af: {  	(v2sf) =	vpush v4, $0xE;
	s29 =	spop (v2sf);
	[smem:$0x62C] =	sst s20  }
0x2b0: {  	s23 =	sshra.s32 s22, $0x1F;
	[smem:$0x62B] =	sst s29;
	s22 =	spop (v2sf)  }
0x2b1: {  	(v2sf) =	vpush v4, $0xF;
	s20 =	smul.u32 $0x91A2B3C5, s23;
	s16 =	sshra.s32 s29, $0x1F;
	[smem:$0x62E] =	sst s22  }
0x2b2: {  	s16 =	smul.u32 $0x91A2B3C5, s16;
	s23 =	sshra.s32 s22, $0x1F;
	s29 =	spop (v2sf)  }
0x2b3: {  	(v2sf) =	vpush v4, $0x9;
	[smem:$0x62D] =	sst s20;
	s20 =	smul.u32 $0x91A2B3C5, s23  }
0x2b4: {  	s22 =	spop (v2sf);
	[smem:$0x62F] =	sst s16;
	s16 =	sshra.s32 s29, $0x1F  }
0x2b5: {  	(v2sf) =	vpush v4, $0x8;
	[smem:$0x632] =	sst s20;
	s20 =	smul.u32 $0x91A2B3C5, s16  }
0x2b6: {  	[smem:$0x630] =	sst s29;
	s23 =	sshra.s32 s22, $0x1F;
	s29 =	spop (v2sf)  }
0x2b7: {  	(v2sf) =	vpush v4, $0xA;
	[smem:$0x633] =	sst s20;
	s20 =	smul.u32 $0x91A2B3C5, s23  }
0x2b8: {  	[smem:$0x631] =	sst s22;
	s16 =	sshra.s32 s29, $0x1F;
	s22 =	spop (v2sf)  }
0x2b9: {  	(v2sf) =	vpush v4, $0xB;
	[smem:$0x635] =	sst s20;
	s20 =	smul.u32 $0x91A2B3C5, s16  }
0x2ba: {  	[smem:$0x634] =	sst s29;
	s29 =	spop (v2sf);
	s23 =	sshra.s32 s22, $0x1F  }
0x2bb: {  	(v2sf) =	vpush v4, $0x1;
	[smem:$0x638] =	sst s20;
	s20 =	smul.u32 $0x91A2B3C5, s23  }
0x2bc: {  	[smem:$0x636] =	sst s22;
	s22 =	sshra.s32 s29, $0x1F;
	s23 =	spop (v2sf)  }
0x2bd: {  	(v2sf) =	vpush v4, $0x0;
	[smem:$0x639] =	sst s20;
	s20 =	smul.u32 $0x91A2B3C5, s22  }
0x2be: {  	[smem:$0x637] =	sst s29;
	s29 =	sshra.s32 s23, $0x1F;
	s16 =	spop (v2sf)  }
0x2bf: {  	(v2sf) =	vpush v4, $0x2;
	[smem:$0x63B] =	sst s20;
	s20 =	smul.u32 $0x91A2B3C5, s29  }
0x2c0: {  	[smem:$0x63A] =	sst s23;
	s23 =	sshra.s32 s16, $0x1F;
	s29 =	spop (v2sf)  }
0x2c1: {  	(v2sf) =	vpush v4, $0x3;
	[smem:$0x63E] =	sst s20;
	s20 =	smul.u32 $0x91A2B3C5, s23  }
0x2c2: {  	[smem:$0x63C] =	sst s16;
	s22 =	sshra.s32 s29, $0x1F;
	s23 =	spop (v2sf)  }
0x2c3: {  	(v2sf) =	vpush v4, $0x4;
	[smem:$0x63F] =	sst s20;
	s20 =	smul.u32 $0x91A2B3C5, s22  }
0x2c4: {  	[smem:$0x63D] =	sst s29;
	s29 =	sshra.s32 s23, $0x1F;
	s16 =	spop (v2sf)  }
0x2c5: {  	(v2sf) =	vpush v4, $0x5;
	[smem:$0x641] =	sst s20;
	s20 =	smul.u32 $0x91A2B3C5, s29  }
0x2c6: {  	v5 =	vld [tilespmem:s25+$0x30];
	[smem:$0x640] =	sst s23;
	s22 =	sshra.s32 s16, $0x1F;
	s23 =	spop (v2sf)  }
0x2c7: {  	(v2sf) =	vpush v4, $0x6;
	[smem:$0x644] =	sst s20;
	s20 =	smul.u32 $0x91A2B3C5, s22  }
0x2c8: {  	[smem:$0x642] =	sst s16;
	s16 =	spop (v2sf);
	s29 =	sshra.s32 s23, $0x1F  }
0x2c9: {  	(v2sf) =	vpush v4, $0x7;
	[smem:$0x645] =	sst s20;
	s20 =	smul.u32 $0x91A2B3C5, s29  }
0x2ca: {  	[smem:$0x643] =	sst s23;
	s23 =	spop (v2sf);
	s22 =	sshra.s32 s16, $0x1F  }
0x2cb: {  	(v2sf) =	vpush v5, $0xD;
	[smem:$0x647] =	sst s20;
	s20 =	smul.u32 $0x91A2B3C5, s22  }
0x2cc: {  	[smem:$0x646] =	sst s16;
	s16 =	spop (v2sf);
	s29 =	sshra.s32 s23, $0x1F  }
0x2cd: {  	(v2sf) =	vpush v5, $0xC;
	[smem:$0x64A] =	sst s20;
	s20 =	smul.u32 $0x91A2B3C5, s29  }
0x2ce: {  	[smem:$0x648] =	sst s23;
	s23 =	spop (v2sf);
	s22 =	sshra.s32 s16, $0x1F  }
0x2cf: {  	(v2sf) =	vpush v5, $0xE;
	[smem:$0x64B] =	sst s20;
	s20 =	smul.u32 $0x91A2B3C5, s22  }
0x2d0: {  	[smem:$0x649] =	sst s16;
	s16 =	spop (v2sf);
	s29 =	sshra.s32 s23, $0x1F  }
0x2d1: {  	(v2sf) =	vpush v5, $0xF;
	[smem:$0x64D] =	sst s20;
	s20 =	smul.u32 $0x91A2B3C5, s29  }
0x2d2: {  	[smem:$0x64C] =	sst s23;
	s23 =	spop (v2sf);
	s22 =	sshra.s32 s16, $0x1F  }
0x2d3: {  	(v2sf) =	vpush v5, $0x9;
	[smem:$0x650] =	sst s20;
	s20 =	smul.u32 $0x91A2B3C5, s22  }
0x2d4: {  	[smem:$0x64E] =	sst s16;
	s16 =	spop (v2sf);
	s29 =	sshra.s32 s23, $0x1F  }
0x2d5: {  	(v2sf) =	vpush v5, $0x8;
	[smem:$0x651] =	sst s20;
	s20 =	smul.u32 $0x91A2B3C5, s29  }
0x2d6: {  	[smem:$0x64F] =	sst s23;
	s23 =	spop (v2sf);
	s22 =	sshra.s32 s16, $0x1F  }
0x2d7: {  	(v2sf) =	vpush v5, $0xA;
	[smem:$0x653] =	sst s20;
	s20 =	smul.u32 $0x91A2B3C5, s22  }
0x2d8: {  	[smem:$0x652] =	sst s16;
	s16 =	spop (v2sf);
	s29 =	sshra.s32 s23, $0x1F  }
0x2d9: {  	(v2sf) =	vpush v5, $0xB;
	[smem:$0x656] =	sst s20;
	s20 =	smul.u32 $0x91A2B3C5, s29  }
0x2da: {  	[smem:$0x654] =	sst s23;
	s23 =	spop (v2sf);
	s22 =	sshra.s32 s16, $0x1F  }
0x2db: {  	(v2sf) =	vpush v5, $0x1;
	[smem:$0x657] =	sst s20;
	s20 =	smul.u32 $0x91A2B3C5, s22  }
0x2dc: {  	[smem:$0x655] =	sst s16;
	s16 =	spop (v2sf);
	s29 =	sshra.s32 s23, $0x1F  }
0x2dd: {  	(v2sf) =	vpush v5, $0x0;
	[smem:$0x659] =	sst s20;
	s20 =	smul.u32 $0x91A2B3C5, s29  }
0x2de: {  	[smem:$0x658] =	sst s23;
	s23 =	spop (v2sf);
	s22 =	sshra.s32 s16, $0x1F  }
0x2df: {  	(v2sf) =	vpush v5, $0x2;
	[smem:$0x65C] =	sst s20;
	s20 =	smul.u32 $0x91A2B3C5, s22  }
0x2e0: {  	[smem:$0x65A] =	sst s16;
	s16 =	spop (v2sf);
	s29 =	sshra.s32 s23, $0x1F  }
0x2e1: {  	(v2sf) =	vpush v5, $0x3;
	[smem:$0x65D] =	sst s20;
	s20 =	smul.u32 $0x91A2B3C5, s29  }
0x2e2: {  	[smem:$0x65B] =	sst s23;
	s23 =	spop (v2sf);
	s22 =	sshra.s32 s16, $0x1F  }
0x2e3: {  	(v2sf) =	vpush v5, $0x4;
	[smem:$0x65F] =	sst s20;
	s20 =	smul.u32 $0x91A2B3C5, s22  }
0x2e4: {  	[smem:$0x65E] =	sst s16;
	s16 =	spop (v2sf);
	s29 =	sshra.s32 s23, $0x1F  }
0x2e5: {  	(v2sf) =	vpush v5, $0x5;
	[smem:$0x662] =	sst s20;
	s20 =	smul.u32 $0x91A2B3C5, s29  }
0x2e6: {  	v6 =	vld [tilespmem:s25+$0x40];
	[smem:$0x660] =	sst s23;
	s23 =	spop (v2sf);
	s22 =	sshra.s32 s16, $0x1F  }
0x2e7: {  	(v2sf) =	vpush v5, $0x6;
	[smem:$0x663] =	sst s20;
	s20 =	smul.u32 $0x91A2B3C5, s22  }
0x2e8: {  	[smem:$0x661] =	sst s16;
	s16 =	spop (v2sf);
	s29 =	sshra.s32 s23, $0x1F  }
0x2e9: {  	(v2sf) =	vpush v5, $0x7;
	[smem:$0x665] =	sst s20;
	s20 =	smul.u32 $0x91A2B3C5, s29  }
0x2ea: {  	[smem:$0x664] =	sst s23;
	s23 =	spop (v2sf);
	s22 =	sshra.s32 s16, $0x1F  }
0x2eb: {  	(v2sf) =	vpush v6, $0xD;
	[smem:$0x668] =	sst s20;
	s20 =	smul.u32 $0x91A2B3C5, s22  }
0x2ec: {  	[smem:$0x666] =	sst s16;
	s16 =	spop (v2sf);
	s29 =	sshra.s32 s23, $0x1F  }
0x2ed: {  	(v2sf) =	vpush v6, $0xC;
	[smem:$0x669] =	sst s20;
	s20 =	smul.u32 $0x91A2B3C5, s29  }
0x2ee: {  	[smem:$0x667] =	sst s23;
	s23 =	spop (v2sf);
	s22 =	sshra.s32 s16, $0x1F  }
0x2ef: {  	(v2sf) =	vpush v6, $0xE;
	[smem:$0x66B] =	sst s20;
	s20 =	smul.u32 $0x91A2B3C5, s22  }
0x2f0: {  	[smem:$0x66A] =	sst s16;
	s16 =	spop (v2sf);
	s29 =	sshra.s32 s23, $0x1F  }
0x2f1: {  	(v2sf) =	vpush v6, $0xF;
	[smem:$0x66E] =	sst s20;
	s20 =	smul.u32 $0x91A2B3C5, s29  }
0x2f2: {  	[smem:$0x66C] =	sst s23;
	s23 =	sshra.s32 s16, $0x1F;
	s29 =	spop (v2sf)  }
0x2f3: {  	(v2sf) =	vpush v6, $0x9;
	[smem:$0x66F] =	sst s20;
	s20 =	smul.u32 $0x91A2B3C5, s23  }
0x2f4: {  	[smem:$0x66D] =	sst s16;
	s22 =	spop (v2sf);
	s16 =	sshra.s32 s29, $0x1F  }
0x2f5: {  	(v2sf) =	vpush v6, $0x8;
	[smem:$0x670] =	sst s20;
	s20 =	smul.u32 $0x91A2B3C5, s16  }
0x2f6: {  	[smem:$0x671] =	sst s22;
	s23 =	spop (v2sf);
	s22 =	sshra.s32 s22, $0x1F  }
0x2f7: {  	(v2sf) =	vpush v6, $0xA;
	[smem:$0x673] =	sst s20;
	s20 =	smul.u32 $0x91A2B3C5, s22  }
0x2f8: {  	[smem:$0x672] =	sst s23;
	s23 =	sshra.s32 s23, $0x1F;
	s16 =	spop (v2sf)  }
0x2f9: {  	(v2sf) =	vpush v6, $0xB;
	[smem:$0x674] =	sst s20;
	s20 =	smul.u32 $0x91A2B3C5, s23  }
0x2fa: {  	[smem:$0x675] =	sst s16;
	s22 =	spop (v2sf);
	s23 =	sshra.s32 s16, $0x1F  }
0x2fb: {  	(v2sf) =	vpush v6, $0x1;
	[smem:$0x676] =	sst s20;
	s20 =	smul.u32 $0x91A2B3C5, s23  }
0x2fc: {  	[smem:$0x677] =	sst s22;
	s22 =	sshra.s32 s22, $0x1F;
	s16 =	spop (v2sf)  }
0x2fd: {  	(v2sf) =	vpush v6, $0x0;
	[smem:$0x679] =	sst s20;
	s20 =	smul.u32 $0x91A2B3C5, s22  }
0x2fe: {  	[smem:$0x678] =	sst s16;
	s16 =	sshra.s32 s16, $0x1F;
	s22 =	spop (v2sf)  }
0x2ff: {  	[smem:$0x67A] =	sst s20;
	s20 =	smul.u32 $0x91A2B3C5, s16  }
0x300: {  	(v2sf) =	vpush v6, $0x2;
	[smem:$0x67B] =	sst s22;
	s22 =	sshra.s32 s22, $0x1F;
	s23 =	spop (v2sf)  }
0x301: {  	[smem:$0x67C] =	sst s20;
	s20 =	smul.u32 $0x91A2B3C5, s22  }
0x302: {  	(v2sf) =	vpush v6, $0x3;
	[smem:$0x67D] =	sst s23;
	s16 =	spop (v2sf);
	s22 =	sshra.s32 s23, $0x1F  }
0x303: {  	[smem:$0x67F] =	sst s20;
	s20 =	smul.u32 $0x91A2B3C5, s22  }
0x304: {  	[smem:$0x67E] =	sst s16;
	s23 =	sshra.s32 s16, $0x1F;
	s16 =	spop (v2sf)  }
0x305: {  	(v2sf) =	vpush v6, $0x4;
	[smem:$0x680] =	sst s20;
	s20 =	smul.u32 $0x91A2B3C5, s23  }
0x306: {  	[smem:$0x681] =	sst s16;
	s23 =	sshra.s32 s16, $0x1F;
	s16 =	spop (v2sf)  }
0x307: {  	[smem:$0x682] =	sst s20;
	s20 =	smul.u32 $0x91A2B3C5, s23  }
0x308: {  	[smem:$0x683] =	sst s16;
	s23 =	sshra.s32 s16, $0x1F;
	s16 =	spop (v2sf)  }
0x309: {  	[smem:$0x685] =	sst s20;
	s20 =	smul.u32 $0x91A2B3C5, s23  }
0x30a: {  	[smem:$0x684] =	sst s16;
	s23 =	sshra.s32 s16, $0x1F;
	s16 =	spop (v2sf)  }
0x30b: {  	[smem:$0x686] =	sst s20;
	s20 =	smul.u32 $0x91A2B3C5, s23  }
0x30c: {  	[smem:$0x687] =	sst s16;
	s23 =	sshra.s32 s16, $0x1F;
	s16 =	spop (v2sf)  }
0x30d: {  	(v2sf) =	vpush v6, $0x5;
	[smem:$0x688] =	sst s20;
	s20 =	smul.u32 $0x91A2B3C5, s23  }
0x30e: {  	(v2sf) =	vpush v6, $0x6;
	[smem:$0x689] =	sst s16  }
0x30f: {  	s23 =	sshra.s32 s16, $0x1F;
	s16 =	spop (v2sf);
	[smem:$0x68B] =	sst s20  }
0x310: {  	[smem:$0x68A] =	sst s16  }
0x311: {  	s20 =	smul.u32 $0x91A2B3C5, s23;
	s23 =	sshra.s32 s16, $0x1F;
	s16 =	spop (v2sf)  }
0x312: {  	[smem:$0x68D] =	sst s16  }
0x313: {  	[smem:$0x68C] =	sst s20;
	s20 =	smul.u32 $0x91A2B3C5, s23  }
0x314: {  	s22 =	sshra.s32 s16, $0x1F;
	s16 =	spop (v2sf);
	s23 =	smulhi.u32 $0x91A2B3C5, s0  }
0x315: {  	[smem:$0x68F] =	sst s16  }
0x316: {  	s0 =	ssub.s32 s23, s0;
	s23 =	sshra.s32 s16, $0x1F;
	s16 =	sld [smem:$0x612]  }
0x317: {  	[smem:$0x68E] =	sst s20;
	s20 =	smul.u32 $0x91A2B3C5, s22  }
0x318: {  	s22 =	smulhi.u32 $0x91A2B3C5, s3  }
0x319: {  	[smem:$0x691] =	sst s20;
	s20 =	smulhi.u32 $0x91A2B3C5, s1;
	s0 =	sadd.s32 s16, s0  }
0x31a: {  	s16 =	ssub.s32 s22, s3;
	s22 =	smul.u32 $0x91A2B3C5, s23;
	s23 =	sld [smem:$0x613]  }
0x31b: {  	[dreg:$0x1f] =	wrdreg s0  }
0x31c: {  	s3 =	ssub.s32 s20, s1;
	s20 =	sld [smem:$0x614]  }
0x31d: {  	[smem:$0x692] =	sst s22;
	s22 =	spop (v2sf)  }
0x31e: {  	s0 =	sadd.s32 s23, s16;
	[smem:$0x690] =	sst s22  }
0x31f: {  	s16 =	smulhi.u32 $0x91A2B3C5, s4;
	s23 =	sshra.s32 s22, $0x1F;
	[smem:$0x699] =	sst s0  }
0x320: {  	s0 =	sadd.s32 s20, s3;
	s22 =	smul.u32 $0x91A2B3C5, s23;
	s23 =	sld [smem:$0x616]  }
0x321: {  	[dreg:$0x17] =	wrdreg s0  }
0x322: {  	s20 =	spop (v2sf);
	s1 =	ssub.s32 s16, s4;
	s16 =	sld [smem:$0x615]  }
0x323: {  	s3 =	smulhi.u32 $0x91A2B3C5, s2;
	[smem:$0x693] =	sst s20  }
0x324: {  	(v2sf) =	vpush v6, $0x7;
	s0 =	smulhi.u32 $0x91A2B3C5, s8;
	[smem:$0x694] =	sst s22  }
0x325: {  	s3 =	ssub.s32 s3, s2;
	s2 =	sld [smem:$0x631]  }
0x326: {  	v7 =	vld [tilespmem:s25+$0x50];
	s0 =	ssub.s32 s0, s8;
	s8 =	sld [smem:$0x617]  }
0x327: {  	s1 =	sadd.s32 s16, s1;
	s0 =	sadd.s32 s23, s0;
	s23 =	sld [smem:$0x618]  }
0x328: {  	s4 =	smulhi.u32 $0x91A2B3C5, s5;
	[dreg:$0x1b] =	wrdreg s1  }
0x329: {  	s22 =	smulhi.u32 $0x91A2B3C5, s6;
	[smem:$0x69F] =	sst s0  }
0x32a: {  	s16 =	smulhi.u32 $0x91A2B3C5, s13;
	s0 =	sadd.s32 s8, s3;
	s8 =	sld [smem:$0x619]  }
0x32b: {  	(v2sf) =	vpush v7, $0xD;
	s1 =	ssub.s32 s4, s5;
	s3 =	sshra.s32 s20, $0x1F;
	s20 =	sld [smem:$0x61A]  }
0x32c: {  	[smem:$0x69D] =	sst s0;
	s1 =	sadd.s32 s23, s1;
	s0 =	ssub.s32 s16, s13  }
0x32d: {  	s5 =	smul.u32 $0x91A2B3C5, s3;
	s13 =	ssub.s32 s22, s6;
	s6 =	sld [smem:$0x61B]  }
0x32e: {  	s16 =	smulhi.u32 $0x91A2B3C5, s11;
	[smem:$0x6A2] =	sst s1  }
0x32f: {  	[smem:$0x695] =	sst s5  }
0x330: {  	(v2sf) =	vpush v7, $0xC;
	s0 =	sadd.s32 s8, s0;
	s1 =	ssub.s32 s16, s11;
	s11 =	sld [smem:$0x61C]  }
0x331: {  	s22 =	smulhi.u32 $0x91A2B3C5, s15;
	[smem:$0x6A5] =	sst s0  }
0x332: {  	s0 =	sadd.s32 s20, s13;
	s1 =	sadd.s32 s6, s1;
	s6 =	sld [smem:$0x61E]  }
0x333: {  	s20 =	spop (v2sf);
	[smem:$0x69E] =	sst s0  }
0x334: {  	s13 =	smulhi.u32 $0x91A2B3C5, s17;
	[smem:$0x69A] =	sst s1  }
0x335: {  	s0 =	ssub.s32 s22, s15;
	s15 =	sld [smem:$0x61D];
	s22 =	smulhi.u32 $0x91A2B3C5, s7  }
0x336: {  	(v2sf) =	vpush v7, $0xE;
	s0 =	sadd.s32 s11, s0;
	s1 =	ssub.s32 s13, s17;
	s13 =	sld [smem:$0x620]  }
0x337: {  	s23 =	smulhi.u32 $0x91A2B3C5, s12;
	s5 =	sshra.s32 s20, $0x1F;
	[smem:$0x6A0] =	sst s0  }
0x338: {  	s8 =	smul.u32 $0x91A2B3C5, s5;
	s11 =	ssub.s32 s22, s7;
	s22 =	sld [smem:$0x621]  }
0x339: {  	s12 =	ssub.s32 s23, s12;
	s16 =	smulhi.u32 $0x91A2B3C5, s9;
	s7 =	sld [smem:$0x622]  }
0x33a: {  	s3 =	spop (v2sf);
	s1 =	sadd.s32 s6, s1;
	[smem:$0x696] =	sst s8  }
0x33b: {  	s23 =	sshra.s32 s3, $0x1F;
	s0 =	sadd.s32 s15, s12;
	[smem:$0x6A6] =	sst s1  }
0x33c: {  	s8 =	smul.u32 $0x91A2B3C5, s23;
	[smem:$0x6A3] =	sst s0  }
0x33d: {  	s12 =	smulhi.u32 $0x91A2B3C5, s10;
	s0 =	ssub.s32 s16, s9;
	s9 =	sld [smem:$0x61F]  }
0x33e: {  	s16 =	smulhi.u32 $0x91A2B3C5, s14;
	[smem:$0x697] =	sst s8  }
0x33f: {  	s23 =	spop (v2sf);
	s1 =	ssub.s32 s12, s10;
	s10 =	sld [smem:$0x623]  }
0x340: {  	s17 =	sshra.s32 s23, $0x1F;
	s8 =	ssub.s32 s16, s14;
	s14 =	sld [smem:$0x624]  }
0x341: {  	s6 =	smul.u32 $0x91A2B3C5, s17;
	s1 =	sadd.s32 s22, s1;
	s16 =	sld [smem:$0x625]  }
0x342: {  	[smem:$0x6AE] =	sst s1  }
0x343: {  	s15 =	smulhi.u32 $0x91A2B3C5, s18;
	s0 =	sadd.s32 s9, s0;
	[smem:$0x698] =	sst s6  }
0x344: {  	(v2sf) =	vpush v7, $0xF;
	s9 =	smulhi.u32 $0x91A2B3C5, s19;
	[smem:$0x6A9] =	sst s0;
	s0 =	sadd.s32 s13, s11  }
0x345: {  	s4 =	spop (v2sf);
	[smem:$0x6AA] =	sst s0  }
0x346: {  	s13 =	sshra.s32 s4, $0x1F;
	s1 =	ssub.s32 s9, s19;
	s19 =	sld [smem:$0x626]  }
0x347: {  	s0 =	ssub.s32 s15, s18;
	s15 =	smul.u32 $0x91A2B3C5, s13;
	s13 =	sld [smem:$0x62B]  }
0x348: {  	s0 =	sadd.s32 s7, s0;
	s7 =	sld [smem:$0x628]  }
0x349: {  	s1 =	sadd.s32 s14, s1;
	[smem:$0x6AF] =	sst s0  }
0x34a: {  	s18 =	smulhi.u32 $0x91A2B3C5, s26;
	[smem:$0x6B2] =	sst s1  }
0x34b: {  	[smem:$0x69B] =	sst s15  }
0x34c: {  	s1 =	ssub.s32 s18, s26;
	s26 =	sld [smem:$0x627]  }
0x34d: {  	s22 =	smulhi.u32 $0x91A2B3C5, s28;
	s0 =	sadd.s32 s10, s8;
	s10 =	sld [smem:$0x629]  }
0x34e: {  	(v2sf) =	vpush v7, $0x9;
	s18 =	sld [smem:$0x62D]  }
0x34f: {  	s8 =	ssub.s32 s22, s28;
	s22 =	sld [smem:$0x62E]  }
0x350: {  	s11 =	smulhi.u32 $0x91A2B3C5, s24;
	s28 =	sld [smem:$0x630]  }
0x351: {  	[smem:$0x6AB] =	sst s0  }
0x352: {  	s12 =	smulhi.u32 $0x91A2B3C5, s21;
	s0 =	ssub.s32 s11, s24;
	s11 =	sld [smem:$0x62A]  }
0x353: {  	s5 =	spop (v2sf);
	s0 =	sadd.s32 s16, s0;
	s16 =	sld [smem:$0x62C]  }
0x354: {  	s17 =	ssub.s32 s12, s21;
	s14 =	smulhi.u32 $0x91A2B3C5, s13;
	[smem:$0x6B8] =	sst s0  }
0x355: {  	(v2sf) =	vpush v7, $0x8;
	s24 =	sshra.s32 s5, $0x1F;
	s1 =	sadd.s32 s26, s1;
	s26 =	sld [smem:$0x62F]  }
0x356: {  	s0 =	sadd.s32 s19, s17;
	s19 =	ssub.s32 s14, s13;
	s14 =	sld [smem:$0x633]  }
0x357: {  	s6 =	smul.u32 $0x91A2B3C5, s24;
	[smem:$0x6B6] =	sst s0  }
0x358: {  	s9 =	smulhi.u32 $0x91A2B3C5, s31;
	[smem:$0x6B3] =	sst s1  }
0x359: {  	s21 =	smulhi.u32 $0x91A2B3C5, s30;
	[smem:$0x69C] =	sst s6  }
0x35a: {  	s1 =	ssub.s32 s9, s31;
	s9 =	sld [smem:$0x64C]  }
0x35b: {  	s0 =	ssub.s32 s21, s30;
	s1 =	sadd.s32 s16, s1;
	s16 =	sld [smem:$0x634]  }
0x35c: {  	s24 =	smulhi.u32 $0x91A2B3C5, s22;
	s0 =	sadd.s32 s7, s0;
	s7 =	sld [smem:$0x64B]  }
0x35d: {  	(v2sf) =	vpush v7, $0xA;
	s21 =	spop (v2sf);
	[smem:$0x6B9] =	sst s0  }
0x35e: {  	s12 =	smulhi.u32 $0x91A2B3C5, s11;
	s15 =	sshra.s32 s21, $0x1F;
	[smem:$0x6AC] =	sst s1  }
0x35f: {  	s0 =	sadd.s32 s10, s8;
	s1 =	ssub.s32 s24, s22;
	s24 =	sld [smem:$0x637]  }
0x360: {  	s17 =	smul.u32 $0x91A2B3C5, s15;
	[smem:$0x6BC] =	sst s0  }
0x361: {  	s0 =	ssub.s32 s12, s11;
	s12 =	sld [smem:$0x632]  }
0x362: {  	s10 =	smulhi.u32 $0x91A2B3C5, s2;
	[smem:$0x6A1] =	sst s17  }
0x363: {  	s0 =	sadd.s32 s18, s0;
	s18 =	sld [smem:$0x635]  }
0x364: {  	s30 =	spop (v2sf);
	s15 =	ssub.s32 s10, s2;
	s10 =	sld [smem:$0x638]  }
0x365: {  	s11 =	sshra.s32 s30, $0x1F;
	[smem:$0x6A7] =	sst s0  }
0x366: {  	s13 =	smul.u32 $0x91A2B3C5, s11;
	s0 =	sadd.s32 s26, s19;
	s19 =	sld [smem:$0x636]  }
0x367: {  	[smem:$0x6B0] =	sst s0  }
0x368: {  	s31 =	smulhi.u32 $0x91A2B3C5, s28;
	[smem:$0x6A4] =	sst s13  }
0x369: {  	(v2sf) =	vpush v7, $0xB;
	s1 =	sadd.s32 s12, s1;
	s12 =	sld [smem:$0x639]  }
0x36a: {  	s17 =	smulhi.u32 $0x91A2B3C5, s16;
	s0 =	ssub.s32 s31, s28;
	[smem:$0x6B4] =	sst s1  }
0x36b: {  	s0 =	sadd.s32 s14, s0;
	s14 =	sld [smem:$0x63A]  }
0x36c: {  	s26 =	spop (v2sf);
	s1 =	ssub.s32 s17, s16;
	s16 =	sld [smem:$0x63B]  }
0x36d: {  	s31 =	sshra.s32 s26, $0x1F;
	s17 =	sld [smem:$0x63C]  }
0x36e: {  	s11 =	smul.u32 $0x91A2B3C5, s31;
	s31 =	sld [smem:$0x63E]  }
0x36f: {  	(v2sf) =	vpush v7, $0x1;
	[smem:$0x6B7] =	sst s0;
	s0 =	sadd.s32 s18, s15  }
0x370: {  	s1 =	sadd.s32 s10, s1;
	[smem:$0x6BA] =	sst s0  }
0x371: {  	s22 =	smulhi.u32 $0x91A2B3C5, s19;
	[smem:$0x6BD] =	sst s1  }
0x372: {  	[smem:$0x6A8] =	sst s11  }
0x373: {  	s28 =	smulhi.u32 $0x91A2B3C5, s24;
	s11 =	sld [smem:$0x63F];
	s0 =	ssub.s32 s22, s19  }
0x374: {  	s22 =	sld [smem:$0x63D];
	s0 =	sadd.s32 s12, s0  }
0x375: {  	s13 =	ssub.s32 s28, s24;
	s15 =	smulhi.u32 $0x91A2B3C5, s14;
	[smem:$0x6C0] =	sst s0  }
0x376: {  	s0 =	sadd.s32 s16, s13;
	s13 =	sld [smem:$0x640]  }
0x377: {  	s1 =	ssub.s32 s15, s14;
	s15 =	sld [smem:$0x641]  }
0x378: {  	s19 =	spop (v2sf);
	s16 =	sld [smem:$0x642]  }
0x379: {  	s18 =	smulhi.u32 $0x91A2B3C5, s17;
	s28 =	sshra.s32 s19, $0x1F;
	[smem:$0x6C5] =	sst s0  }
0x37a: {  	s10 =	smul.u32 $0x91A2B3C5, s28;
	s1 =	sadd.s32 s31, s1;
	s31 =	sld [smem:$0x644]  }
0x37b: {  	(v2sf) =	vpush v7, $0x0;
	[smem:$0x6C1] =	sst s1  }
0x37c: {  	s0 =	ssub.s32 s18, s17;
	[smem:$0x6AD] =	sst s10  }
0x37d: {  	s24 =	smulhi.u32 $0x91A2B3C5, s22;
	s0 =	sadd.s32 s11, s0;
	s10 =	sld [smem:$0x645]  }
0x37e: {  	s18 =	spop (v2sf);
	[smem:$0x6C9] =	sst s0  }
0x37f: {  	s28 =	sshra.s32 s18, $0x1F;
	s12 =	ssub.s32 s24, s22;
	s22 =	sld [smem:$0x643]  }
0x380: {  	s8 =	smul.u32 $0x91A2B3C5, s28;
	s28 =	sld [smem:$0x64A]  }
0x381: {  	s0 =	sadd.s32 s15, s12;
	s12 =	sld [smem:$0x646]  }
0x382: {  	s14 =	smulhi.u32 $0x91A2B3C5, s13;
	s15 =	sld [smem:$0x648]  }
0x383: {  	s17 =	smulhi.u32 $0x91A2B3C5, s16;
	[smem:$0x6CD] =	sst s0  }
0x384: {  	(v2sf) =	vpush v7, $0x2;
	[smem:$0x6B1] =	sst s8  }
0x385: {  	s1 =	ssub.s32 s14, s13;
	s0 =	ssub.s32 s17, s16;
	s14 =	sld [smem:$0x647]  }
0x386: {  	s17 =	sld [smem:$0x649];
	s24 =	smulhi.u32 $0x91A2B3C5, s22;
	s1 =	sadd.s32 s31, s1  }
0x387: {  	s0 =	sadd.s32 s10, s0;
	[smem:$0x6C6] =	sst s1  }
0x388: {  	[smem:$0x6C3] =	sst s0;
	s13 =	smulhi.u32 $0x91A2B3C5, s12;
	s11 =	ssub.s32 s24, s22  }
0x389: {  	s0 =	sadd.s32 s14, s11;
	s11 =	sld [smem:$0x64D]  }
0x38a: {  	s31 =	spop (v2sf);
	s1 =	ssub.s32 s13, s12;
	s12 =	sld [smem:$0x64E]  }
0x38b: {  	s22 =	smulhi.u32 $0x91A2B3C5, s17;
	s14 =	sld [smem:$0x64F]  }
0x38c: {  	s16 =	smulhi.u32 $0x91A2B3C5, s15;
	[smem:$0x6CA] =	sst s0  }
0x38d: {  	(v2sf) =	vpush v7, $0x3;
	s24 =	sshra.s32 s31, $0x1F;
	s8 =	ssub.s32 s22, s17;
	s22 =	sld [smem:$0x650]  }
0x38e: {  	s6 =	smul.u32 $0x91A2B3C5, s24;
	s1 =	sadd.s32 s28, s1;
	s28 =	sld [smem:$0x651]  }
0x38f: {  	[smem:$0x6CE] =	sst s1  }
0x390: {  	s10 =	smulhi.u32 $0x91A2B3C5, s9;
	s0 =	ssub.s32 s16, s15;
	[smem:$0x6B5] =	sst s6  }
0x391: {  	s0 =	sadd.s32 s7, s0;
	s7 =	sld [smem:$0x652]  }
0x392: {  	s1 =	ssub.s32 s10, s9;
	s9 =	sld [smem:$0x653]  }
0x393: {  	s17 =	spop (v2sf);
	s10 =	sld [smem:$0x654]  }
0x394: {  	s16 =	sshra.s32 s17, $0x1F;
	[smem:$0x6C4] =	sst s0  }
0x395: {  	(v2sf) =	vpush v7, $0x4;
	s0 =	sadd.s32 s11, s8;
	s24 =	smul.u32 $0x91A2B3C5, s16;
	s16 =	sld [smem:$0x656]  }
0x396: {  	[smem:$0x6BE] =	sst s0;
	s1 =	sadd.s32 s22, s1  }
0x397: {  	s13 =	smulhi.u32 $0x91A2B3C5, s12;
	[smem:$0x6C7] =	sst s1  }
0x398: {  	[smem:$0x6BB] =	sst s24  }
0x399: {  	s15 =	smulhi.u32 $0x91A2B3C5, s14;
	s0 =	ssub.s32 s13, s12;
	s12 =	sld [smem:$0x655]  }
0x39a: {  	s8 =	smulhi.u32 $0x91A2B3C5, s7;
	s24 =	sld [smem:$0x657];
	s0 =	sadd.s32 s28, s0  }
0x39b: {  	s6 =	ssub.s32 s15, s14;
	s11 =	smulhi.u32 $0x91A2B3C5, s10;
	[smem:$0x6CB] =	sst s0  }
0x39c: {  	s15 =	spop (v2sf);
	s1 =	ssub.s32 s8, s7;
	s8 =	sld [smem:$0x659]  }
0x39d: {  	s14 =	sshra.s32 s15, $0x1F;
	s0 =	sadd.s32 s9, s6;
	s9 =	sld [smem:$0x65A]  }
0x39e: {  	s22 =	smul.u32 $0x91A2B3C5, s14;
	s14 =	sld [smem:$0x65C]  }
0x39f: {  	[smem:$0x6CF] =	sst s0  }
0x3a0: {  	s1 =	sadd.s32 s16, s1;
	s0 =	ssub.s32 s11, s10;
	s11 =	sld [smem:$0x65B]  }
0x3a1: {  	(v2sf) =	vpush v7, $0x5;
	[smem:$0x6D1] =	sst s1  }
0x3a2: {  	[smem:$0x6BF] =	sst s22  }
0x3a3: {  	s13 =	smulhi.u32 $0x91A2B3C5, s12;
	s1 =	sld [smem:$0x658]  }
0x3a4: {  	s0 =	sadd.s32 s24, s0;
	s22 =	spop (v2sf);
	s24 =	sld [smem:$0x65D]  }
0x3a5: {  	[smem:$0x6D3] =	sst s0;
	s28 =	ssub.s32 s13, s12;
	s10 =	smulhi.u32 $0x91A2B3C5, s9  }
0x3a6: {  	s13 =	sshra.s32 s22, $0x1F;
	s0 =	sadd.s32 s8, s28;
	s8 =	sld [smem:$0x65F]  }
0x3a7: {  	s16 =	smul.u32 $0x91A2B3C5, s13;
	[smem:$0x6D6] =	sst s0  }
0x3a8: {  	s12 =	smulhi.u32 $0x91A2B3C5, s11;
	s0 =	ssub.s32 s10, s9;
	s9 =	sld [smem:$0x660]  }
0x3a9: {  	[smem:$0x6C2] =	sst s16  }
0x3aa: {  	s28 =	ssub.s32 s12, s11;
	s11 =	sld [smem:$0x661]  }
0x3ab: {  	s7 =	smulhi.u32 $0x91A2B3C5, s1;
	s0 =	sadd.s32 s24, s0;
	s16 =	sld [smem:$0x662]  }
0x3ac: {  	[smem:$0x6D4] =	sst s0  }
0x3ad: {  	s1 =	ssub.s32 s7, s1;
	s0 =	sadd.s32 s8, s28;
	s28 =	sld [smem:$0x663]  }
0x3ae: {  	(v2sf) =	vpush v7, $0x6;
	s1 =	sadd.s32 s14, s1;
	[smem:$0x6DA] =	sst s0  }
0x3af: {  	s10 =	smulhi.u32 $0x91A2B3C5, s9;
	[smem:$0x6D7] =	sst s1  }
0x3b0: {  	s14 =	spop (v2sf);
	s1 =	sld [smem:$0x65E]  }
0x3b1: {  	s12 =	smulhi.u32 $0x91A2B3C5, s11;
	s0 =	ssub.s32 s10, s9;
	s9 =	sld [smem:$0x665]  }
0x3b2: {  	s13 =	sshra.s32 s14, $0x1F;
	s10 =	sld [smem:$0x666]  }
0x3b3: {  	(v2sf) =	vpush v7, $0x7;
	s24 =	smul.u32 $0x91A2B3C5, s13;
	s6 =	ssub.s32 s12, s11;
	s12 =	sld [smem:$0x667]  }
0x3b4: {  	s0 =	sadd.s32 s28, s0;
	s28 =	sld [smem:$0x668]  }
0x3b5: {  	[smem:$0x6C8] =	sst s24  }
0x3b6: {  	[smem:$0x6DE] =	sst s0  }
0x3b7: {  	s7 =	smulhi.u32 $0x91A2B3C5, s1;
	s0 =	sadd.s32 s9, s6;
	s6 =	sld [smem:$0x66D]  }
0x3b8: {  	s9 =	sld [smem:$0x671]  }
0x3b9: {  	v8 =	vld [tilespmem:s25+$0x60];
	s11 =	smulhi.u32 $0x91A2B3C5, s10;
	s1 =	ssub.s32 s7, s1;
	s7 =	sld [smem:$0x664]  }
0x3ba: {  	[smem:$0x6DB] =	sst s0;
	s1 =	sadd.s32 s16, s1  }
0x3bb: {  	s16 =	smulhi.u32 $0x91A2B3C5, s12;
	s0 =	ssub.s32 s11, s10;
	s11 =	sld [smem:$0x66A]  }
0x3bc: {  	[smem:$0x6E0] =	sst s1;
	s8 =	smulhi.u32 $0x91A2B3C5, s7  }
0x3bd: {  	s13 =	spop (v2sf);
	s10 =	ssub.s32 s16, s12;
	s16 =	sld [smem:$0x66B]  }
0x3be: {  	(v2sf) =	vpush v8, $0xD;
	s24 =	sshra.s32 s13, $0x1F;
	s1 =	ssub.s32 s8, s7;
	s8 =	sld [smem:$0x669]  }
0x3bf: {  	s7 =	smul.u32 $0x91A2B3C5, s24;
	s24 =	sld [smem:$0x66C];
	s1 =	sadd.s32 s28, s1  }
0x3c0: {  	[smem:$0x6E1] =	sst s1  }
0x3c1: {  	s12 =	smulhi.u32 $0x91A2B3C5, s11;
	[smem:$0x6CC] =	sst s7  }
0x3c2: {  	s2 =	spop (v2sf);
	s0 =	sadd.s32 s8, s0;
	s8 =	sld [smem:$0x670]  }
0x3c3: {  	s1 =	ssub.s32 s12, s11;
	s28 =	smulhi.u32 $0x91A2B3C5, s24;
	[smem:$0x6E7] =	sst s0  }
0x3c4: {  	s12 =	sshra.s32 s2, $0x1F;
	s0 =	sadd.s32 s16, s10;
	s16 =	sld [smem:$0x66E]  }
0x3c5: {  	[smem:$0x6D8] =	sst s0;
	s0 =	ssub.s32 s28, s24;
	s24 =	smul.u32 $0x91A2B3C5, s12  }
0x3c6: {  	s28 =	sld [smem:$0x66F]  }
0x3c7: {  	[smem:$0x6D0] =	sst s24  }
0x3c8: {  	s7 =	smulhi.u32 $0x91A2B3C5, s29;
	s1 =	sadd.s32 s16, s1;
	s16 =	sld [smem:$0x672]  }
0x3c9: {  	(v2sf) =	vpush v8, $0xC;
	[smem:$0x6D2] =	sst s1  }
0x3ca: {  	s11 =	smulhi.u32 $0x91A2B3C5, s6;
	s1 =	ssub.s32 s7, s29;
	s29 =	sld [smem:$0x673]  }
0x3cb: {  	s0 =	sadd.s32 s28, s0;
	s7 =	sld [smem:$0x67E]  }
0x3cc: {  	s6 =	ssub.s32 s11, s6;
	s11 =	smulhi.u32 $0x91A2B3C5, s9;
	[smem:$0x6DC] =	sst s0  }
0x3cd: {  	s12 =	spop (v2sf);
	s0 =	sadd.s32 s8, s6;
	s6 =	sld [smem:$0x677]  }
0x3ce: {  	s28 =	sshra.s32 s12, $0x1F;
	[smem:$0x6DF] =	sst s0  }
0x3cf: {  	s10 =	smul.u32 $0x91A2B3C5, s28;
	s0 =	ssub.s32 s11, s9;
	s11 =	sld [smem:$0x674]  }
0x3d0: {  	s9 =	sld [smem:$0x67A]  }
0x3d1: {  	[smem:$0x6D5] =	sst s10  }
0x3d2: {  	(v2sf) =	vpush v8, $0xE;
	s24 =	smulhi.u32 $0x91A2B3C5, s16;
	s1 =	sadd.s32 s29, s1;
	s29 =	sld [smem:$0x676]  }
0x3d3: {  	[smem:$0x6E2] =	sst s1  }
0x3d4: {  	s16 =	ssub.s32 s24, s16;
	s24 =	sld [smem:$0x675]  }
0x3d5: {  	s10 =	smulhi.u32 $0x91A2B3C5, s6;
	s0 =	sadd.s32 s11, s0;
	s11 =	sld [smem:$0x678]  }
0x3d6: {  	[smem:$0x6E4] =	sst s0;
	s0 =	sadd.s32 s29, s16  }
0x3d7: {  	s28 =	smulhi.u32 $0x91A2B3C5, s24;
	[smem:$0x6E8] =	sst s0;
	s0 =	ssub.s32 s10, s6  }
0x3d8: {  	s29 =	spop (v2sf);
	s16 =	smulhi.u32 $0x91A2B3C5, s11;
	s0 =	sadd.s32 s9, s0  }
0x3d9: {  	s9 =	sld [smem:$0x680];
	s1 =	ssub.s32 s28, s24;
	s24 =	sshra.s32 s29, $0x1F  }
0x3da: {  	s28 =	sld [smem:$0x679];
	s8 =	smul.u32 $0x91A2B3C5, s24  }
0x3db: {  	s11 =	ssub.s32 s16, s11;
	s16 =	sld [smem:$0x67B]  }
0x3dc: {  	(v2sf) =	vpush v8, $0xF;
	[smem:$0x6D9] =	sst s8  }
0x3dd: {  	s1 =	sadd.s32 s28, s1;
	s28 =	sld [smem:$0x67C]  }
0x3de: {  	s8 =	sld [smem:$0x67D]  }
0x3df: {  	[smem:$0x6ED] =	sst s0  }
0x3e0: {  	[smem:$0x6EC] =	sst s1;
	s24 =	smulhi.u32 $0x91A2B3C5, s16  }
0x3e1: {  	s1 =	spop (v2sf);
	s0 =	sadd.s32 s28, s11;
	s10 =	smulhi.u32 $0x91A2B3C5, s8  }
0x3e2: {  	s6 =	ssub.s32 s24, s16;
	s16 =	smulhi.u32 $0x91A2B3C5, s7;
	s28 =	sld [smem:$0x67F]  }
0x3e3: {  	s24 =	sshra.s32 s1, $0x1F;
	[smem:$0x6EA] =	sst s0  }
0x3e4: {  	s0 =	ssub.s32 s10, s8;
	s11 =	ssub.s32 s16, s7;
	s16 =	sld [smem:$0x681]  }
0x3e5: {  	s8 =	smul.u32 $0x91A2B3C5, s24;
	s6 =	sadd.s32 s28, s6;
	s28 =	sld [smem:$0x682]  }
0x3e6: {  	[smem:$0x6F3] =	sst s6  }
0x3e7: {  	s0 =	sadd.s32 s9, s0;
	[smem:$0x6DD] =	sst s8  }
0x3e8: {  	[smem:$0x6F8] =	sst s0  }
0x3e9: {  	(v2sf) =	vpush v8, $0x9;
	s0 =	sadd.s32 s28, s11;
	s28 =	sld [smem:$0x685]  }
0x3ea: {  	s24 =	smulhi.u32 $0x91A2B3C5, s16;
	[smem:$0x6F4] =	sst s0  }
0x3eb: {  	s8 =	spop (v2sf);
	s0 =	sld [smem:$0x683]  }
0x3ec: {  	s6 =	ssub.s32 s24, s16;
	s16 =	sld [smem:$0x684];
	s24 =	sshra.s32 s8, $0x1F  }
0x3ed: {  	s11 =	smul.u32 $0x91A2B3C5, s24  }
0x3ee: {  	s24 =	sld [smem:$0x686];
	s6 =	sadd.s32 s28, s6;
	s9 =	smulhi.u32 $0x91A2B3C5, s0  }
0x3ef: {  	s7 =	smulhi.u32 $0x91A2B3C5, s16;
	[smem:$0x6F0] =	sst s6  }
0x3f0: {  	(v2sf) =	vpush v8, $0x8;
	s6 =	sld [smem:$0x687]  }
0x3f1: {  	s0 =	ssub.s32 s9, s0;
	s28 =	ssub.s32 s7, s16;
	s16 =	sld [smem:$0x689]  }
0x3f2: {  	s0 =	sadd.s32 s24, s0;
	s24 =	sld [smem:$0x688]  }
0x3f3: {  	[smem:$0x6E3] =	sst s11  }
0x3f4: {  	s10 =	smulhi.u32 $0x91A2B3C5, s6;
	[smem:$0x6F6] =	sst s0  }
0x3f5: {  	s7 =	smulhi.u32 $0x91A2B3C5, s16;
	s0 =	sadd.s32 s24, s28;
	s28 =	sld [smem:$0x68B]  }
0x3f6: {  	s24 =	sld [smem:$0x68A]  }
0x3f7: {  	s6 =	ssub.s32 s10, s6;
	s16 =	ssub.s32 s7, s16;
	s7 =	sld [smem:$0x68C]  }
0x3f8: {  	s11 =	spop (v2sf);
	[smem:$0x6F9] =	sst s0;
	s0 =	sadd.s32 s28, s6  }
0x3f9: {  	s10 =	sshra.s32 s11, $0x1F;
	s9 =	smulhi.u32 $0x91A2B3C5, s24;
	[smem:$0x6EB] =	sst s0  }
0x3fa: {  	(v2sf) =	vpush v8, $0xA;
	s28 =	smul.u32 $0x91A2B3C5, s10;
	s0 =	sadd.s32 s7, s16;
	s16 =	sld [smem:$0x68E]  }
0x3fb: {  	s10 =	ssub.s32 s9, s24;
	s24 =	sld [smem:$0x68D]  }
0x3fc: {  	[smem:$0x6E6] =	sst s28  }
0x3fd: {  	[smem:$0x6E5] =	sst s0  }
0x3fe: {  	s0 =	sld [smem:$0x691];
	s28 =	smulhi.u32 $0x91A2B3C5, s24  }
0x3ff: {  	(v2sf) =	vpush v8, $0xB;
	s6 =	sadd.s32 s16, s10;
	s16 =	sld [smem:$0x68F];
	s10 =	spop (v2sf)  }
0x400: {  	s7 =	ssub.s32 s28, s24;
	s28 =	sld [smem:$0x690];
	s24 =	sshra.s32 s10, $0x1F  }
0x401: {  	[smem:$0x6EE] =	sst s6;
	s24 =	smul.u32 $0x91A2B3C5, s24  }
0x402: {  	s6 =	smulhi.u32 $0x91A2B3C5, s16;
	s0 =	sadd.s32 s0, s7;
	s7 =	sld [smem:$0x692]  }
0x403: {  	s9 =	smulhi.u32 $0x91A2B3C5, s28;
	[smem:$0x6E9] =	sst s24  }
0x404: {  	s24 =	sld [smem:$0x693]  }
0x405: {  	s6 =	ssub.s32 s6, s16;
	s16 =	ssub.s32 s9, s28;
	s9 =	sld [smem:$0x694]  }
0x406: {  	[smem:$0x6F1] =	sst s0;
	s0 =	sadd.s32 s7, s6;
	s6 =	smulhi.u32 $0x91A2B3C5, s20  }
0x407: {  	[smem:$0x6F5] =	sst s0;
	s28 =	smulhi.u32 $0x91A2B3C5, s24  }
0x408: {  	s0 =	sadd.s32 s9, s16;
	s16 =	sld [smem:$0x695]  }
0x409: {  	s6 =	ssub.s32 s6, s20;
	s9 =	spop (v2sf);
	s7 =	ssub.s32 s28, s24  }
0x40a: {  	s24 =	smulhi.u32 $0x91A2B3C5, s3;
	[smem:$0x6F7] =	sst s0;
	s28 =	sshra.s32 s9, $0x1F  }
0x40b: {  	s20 =	smul.u32 $0x91A2B3C5, s28;
	s28 =	sld [smem:$0x696];
	s0 =	sadd.s32 s16, s7  }
0x40c: {  	s3 =	ssub.s32 s24, s3;
	s24 =	smulhi.u32 $0x91A2B3C5, s4;
	[smem:$0x6FA] =	sst s0  }
0x40d: {  	s7 =	smulhi.u32 $0x91A2B3C5, s23;
	[smem:$0x6EF] =	sst s20  }
0x40e: {  	s16 =	spop (v2sf);
	s20 =	sld [smem:$0x697]  }
0x40f: {  	s0 =	sadd.s32 s28, s6;
	s6 =	ssub.s32 s7, s23;
	s7 =	sld [smem:$0x698]  }
0x410: {  	s28 =	sshra.s32 s16, $0x1F;
	[smem:$0x6FD] =	sst s0  }
0x411: {  	s0 =	sadd.s32 s20, s3;
	s3 =	ssub.s32 s24, s4;
	s24 =	sld [smem:$0x699]  }
0x412: {  	s20 =	smul.u32 $0x91A2B3C5, s28;
	s28 =	sld [smem:$0x69A]  }
0x413: {  	s23 =	smulhi.u32 $0x91A2B3C5, s5;
	s4 =	sld [smem:$0x69B]  }
0x414: {  	[smem:$0x6FE] =	sst s0  }
0x415: {  	(v2sf) =	vpush v8, $0x1;
	s0 =	sadd.s32 s7, s6;
	s6 =	ssub.s32 s23, s5;
	s23 =	rddreg [dreg:$0x1f]  }
0x416: {  	s5 =	sld [smem:$0x69E]  }
0x417: {  	[smem:$0x6FC] =	sst s0  }
0x418: {  	[smem:$0x6F2] =	sst s20  }
0x419: {  	s7 =	smulhi.u32 $0x91A2B3C5, s21;
	v9 =	vmov s24;
	s24 =	sld [smem:$0x69C]  }
0x41a: {  	v10 =	vmov s28;
	s28 =	sld [smem:$0x69D]  }
0x41b: {  	s0 =	sadd.s32 s4, s3;
	s4 =	ssub.s32 s7, s21;
	s7 =	rddreg [dreg:$0x17]  }
0x41c: {  	s21 =	sld [smem:$0x6A4]  }
0x41d: {  	[smem:$0x6FF] =	sst s0  }
0x41e: {  	s3 =	smulhi.u32 $0x91A2B3C5, s30;
	v9 =	vsel vm0, s23, v9;
	s23 =	sld [smem:$0x69F]  }
0x41f: {  	v9 =	vsel vm1, s7, v9;
	s7 =	sld [smem:$0x6A3]  }
0x420: {  	s3 =	ssub.s32 s3, s30;
	s30 =	sld [smem:$0x6A6]  }
0x421: {  	v10 =	vnsel vm3, $0x0, v10;
	s0 =	sadd.s32 s24, s6;
	s24 =	sld [smem:$0x6A0]  }
0x422: {  	v10 =	vsel vm0, s5, v10;
	s5 =	smulhi.u32 $0x91A2B3C5, s26;
	v11 =	vmov s28;
	s28 =	sld [smem:$0x6A1]  }
0x423: {  	[smem:$0x701] =	sst s0  }
0x424: {  	s20 =	spop (v2sf);
	v11 =	vsel vm0, s23, v11;
	s23 =	ssub.s32 s5, s26;
	s5 =	sld [smem:$0x6A7]  }
0x425: {  	s6 =	sshra.s32 s20, $0x1F;
	s0 =	sadd.s32 s28, s4;
	s4 =	rddreg [dreg:$0x1b]  }
0x426: {  	v12 =	vsel vm1, s24, v10;
	s24 =	smul.u32 $0x91A2B3C5, s6;
	s6 =	sld [smem:$0x6A2]  }
0x427: {  	s28 =	sld [smem:$0x6A5]  }
0x428: {  	(v2sf) =	vpush v8, $0x0;
	s26 =	smulhi.u32 $0x91A2B3C5, s19;
	[smem:$0x704] =	sst s0  }
0x429: {  	s0 =	sadd.s32 s21, s3;
	s21 =	sld [smem:$0x6A9]  }
0x42a: {  	v43 =	vsel vm2, s4, v9;
	s4 =	ssub.s32 s26, s19;
	s26 =	sld [smem:$0x6AA]  }
0x42b: {  	v48 =	vmov s5;
	s5 =	sld [smem:$0x6AD]  }
0x42c: {  	v45 =	vsel vm2, s7, v12;
	[smem:$0x702] =	sst s0  }
0x42d: {  	s7 =	smulhi.u32 $0x91A2B3C5, s18;
	v47 =	vsel vm4, s30, v45;
	s30 =	sld [smem:$0x6AC]  }
0x42e: {  	v44 =	vsel vm1, s6, v11;
	s6 =	sld [smem:$0x6A8]  }
0x42f: {  	s3 =	ssub.s32 s7, s18;
	s18 =	sld [smem:$0x6AE]  }
0x430: {  	v46 =	vsel vm2, s28, v44;
	s28 =	sld [smem:$0x6AB]  }
0x431: {  	v9 =	vsel vm5, s21, v47;
	s21 =	sld [smem:$0x6AF]  }
0x432: {  	s19 =	smulhi.u32 $0x91A2B3C5, s31;
	v9 =	vsel vm6, s26, v9;
	s26 =	sld [smem:$0x6B1];
	s0 =	sadd.s32 s6, s23  }
0x433: {  	[smem:$0x706] =	sst s0  }
0x434: {  	v11 =	vnsel vm3, $0x0, v48;
	v13 =	vmov s28;
	s28 =	ssub.s32 s19, s31;
	s31 =	sld [smem:$0x6B2]  }
0x435: {  	v11 =	vsel vm0, s30, v11;
	s30 =	smulhi.u32 $0x91A2B3C5, s17;
	s0 =	sadd.s32 s5, s4;
	s4 =	sld [smem:$0x6B3]  }
0x436: {  	s5 =	sld [smem:$0x6B4]  }
0x437: {  	s6 =	spop (v2sf);
	s17 =	ssub.s32 s30, s17;
	s30 =	sld [smem:$0x6B8]  }
0x438: {  	s23 =	sshra.s32 s6, $0x1F;
	[smem:$0x707] =	sst s0  }
0x439: {  	(v2sf) =	vpush v8, $0x2;
	s7 =	smul.u32 $0x91A2B3C5, s23;
	s23 =	sld [smem:$0x6B0]  }
0x43a: {  	s19 =	smulhi.u32 $0x91A2B3C5, s15;
	v49 =	vsel vm0, s21, v13;
	s0 =	sadd.s32 s26, s3;
	s21 =	sld [smem:$0x6B6]  }
0x43b: {  	[smem:$0x700] =	sst s0  }
0x43c: {  	s3 =	ssub.s32 s19, s15;
	s15 =	sld [smem:$0x6BC]  }
0x43d: {  	s19 =	sld [smem:$0x6BE]  }
0x43e: {  	[smem:$0x6FB] =	sst s7  }
0x43f: {  	s7 =	sld [smem:$0x6B5]  }
0x440: {  	v14 =	vsel vm7, s18, v9;
	v9 =	vsel vm1, s31, v49;
	s31 =	sld [smem:$0x6B9]  }
0x441: {  	v50 =	vmov s4;
	s4 =	sld [smem:$0x6BA]  }
0x442: {  	(v2sf) =	vpush v8, $0x3;
	v11 =	vsel vm1, s23, v11;
	s23 =	sld [smem:$0x6B7]  }
0x443: {  	v51 =	vsel vm2, s30, v9;
	s30 =	smulhi.u32 $0x91A2B3C5, s14;
	v11 =	vsel vm2, s5, v11;
	s5 =	sld [smem:$0x6BB]  }
0x444: {  	v16 =	vmov s19;
	s19 =	sld [smem:$0x6C3]  }
0x445: {  	s14 =	ssub.s32 s30, s14;
	s30 =	sld [smem:$0x6C6]  }
0x446: {  	v15 =	vsel vm0, s21, v50;
	v11 =	vsel vm4, s23, v11;
	s23 =	sld [smem:$0x6BF]  }
0x447: {  	s18 =	smulhi.u32 $0x91A2B3C5, s22;
	v52 =	vsel vm1, s31, v15;
	s31 =	sadd.s32 s5, s17;
	s17 =	sld [smem:$0x6BD]  }
0x448: {  	s28 =	sadd.s32 s7, s28;
	s7 =	spop (v2sf);
	v11 =	vsel vm5, s4, v11;
	s4 =	sld [smem:$0x6C0]  }
0x449: {  	s26 =	sshra.s32 s7, $0x1F;
	s5 =	sld [smem:$0x6C1]  }
0x44a: {  	s21 =	smul.u32 $0x91A2B3C5, s26;
	s26 =	ssub.s32 s18, s22;
	s22 =	sld [smem:$0x6C4]  }
0x44b: {  	v15 =	vsel vm2, s15, v52;
	s15 =	smulhi.u32 $0x91A2B3C5, s2;
	v18 =	vmov s19;
	s19 =	sld [smem:$0x6C9]  }
0x44c: {  	v18 =	vsel vm0, s30, v18;
	s30 =	sld [smem:$0x6CC]  }
0x44d: {  	s2 =	ssub.s32 s15, s2;
	s15 =	sld [smem:$0x6CF]  }
0x44e: {  	s0 =	sadd.s32 s23, s3;
	s3 =	sld [smem:$0x6C7]  }
0x44f: {  	(v2sf) =	vpush v8, $0x4;
	[smem:$0x703] =	sst s0  }
0x450: {  	v16 =	vnsel vm3, $0x0, v16;
	s18 =	smulhi.u32 $0x91A2B3C5, s13;
	v53 =	vsel vm6, s17, v11;
	s17 =	sld [smem:$0x6C2]  }
0x451: {  	v17 =	vmov s5;
	s5 =	spop (v2sf);
	v16 =	vsel vm0, s22, v16;
	s22 =	sld [smem:$0x6CA]  }
0x452: {  	v11 =	vsel vm7, s4, v53;
	s23 =	sshra.s32 s5, $0x1F;
	s4 =	sld [smem:$0x6C8]  }
0x453: {  	s13 =	ssub.s32 s18, s13;
	s18 =	smul.u32 $0x91A2B3C5, s23;
	s23 =	sld [smem:$0x6CB]  }
0x454: {  	v16 =	vsel vm1, s3, v16;
	s3 =	smulhi.u32 $0x91A2B3C5, s12;
	s0 =	sadd.s32 s17, s26;
	s26 =	sld [smem:$0x6C5]  }
0x455: {  	s17 =	sld [smem:$0x6D0]  }
0x456: {  	s12 =	ssub.s32 s3, s12;
	s3 =	sld [smem:$0x6D3]  }
0x457: {  	v19 =	vsel vm2, s23, v16;
	s23 =	sadd.s32 s30, s13;
	s30 =	sld [smem:$0x6D2]  }
0x458: {  	v17 =	vsel vm0, s26, v17;
	s26 =	sadd.s32 s4, s14;
	s4 =	sld [smem:$0x6CD]  }
0x459: {  	s14 =	sld [smem:$0x6CE]  }
0x45a: {  	v56 =	vsel vm4, s15, v19;
	s15 =	smulhi.u32 $0x91A2B3C5, s29;
	v17 =	vsel vm1, s19, v17;
	s19 =	sld [smem:$0x6D1]  }
0x45b: {  	v18 =	vsel vm1, s22, v18;
	s22 =	sadd.s32 s17, s2;
	s17 =	smulhi.u32 $0x91A2B3C5, s1;
	v57 =	vmov s30;
	s30 =	sld [smem:$0x6D6]  }
0x45c: {  	s29 =	ssub.s32 s15, s29;
	s15 =	sld [smem:$0x6DA]  }
0x45d: {  	s1 =	ssub.s32 s17, s1;
	s17 =	sld [smem:$0x6DB]  }
0x45e: {  	v54 =	vsel vm2, s4, v17;
	v55 =	vsel vm2, s14, v18;
	s4 =	spop (v2sf);
	s14 =	sld [smem:$0x6D4]  }
0x45f: {  	v18 =	vsel vm5, s19, v56;
	s2 =	sshra.s32 s4, $0x1F;
	s19 =	sld [smem:$0x6D5]  }
0x460: {  	s13 =	smul.u32 $0x91A2B3C5, s2;
	s2 =	sld [smem:$0x6D7]  }
0x461: {  	(v2sf) =	vpush v8, $0x5;
	v18 =	vsel vm6, s3, v18;
	s3 =	sld [smem:$0x6D8]  }
0x462: {  	v20 =	vmov s14;
	s14 =	sld [smem:$0x6D9]  }
0x463: {  	v18 =	vsel vm7, s30, v18;
	s30 =	sld [smem:$0x6DD]  }
0x464: {  	v20 =	vsel vm0, s2, v20;
	s2 =	sld [smem:$0x6DF]  }
0x465: {  	s14 =	sadd.s32 s14, s29;
	s29 =	sld [smem:$0x6DC]  }
0x466: {  	v19 =	vnsel vm3, $0x0, v57;
	v21 =	vmov s17;
	v20 =	vsel vm1, s15, v20;
	s17 =	sadd.s32 s30, s1;
	s15 =	smulhi.u32 $0x91A2B3C5, s11;
	s1 =	sld [smem:$0x6DE]  }
0x467: {  	v19 =	vsel vm0, s3, v19;
	s30 =	sld [smem:$0x6E1]  }
0x468: {  	s11 =	ssub.s32 s15, s11;
	s15 =	sld [smem:$0x6E4];
	v19 =	vsel vm1, s29, v19  }
0x469: {  	s19 =	sadd.s32 s19, s12;
	s12 =	smulhi.u32 $0x91A2B3C5, s8;
	v21 =	vsel vm0, s1, v21;
	v22 =	vsel vm2, s2, v19;
	s2 =	sld [smem:$0x6E2]  }
0x46a: {  	v59 =	vsel vm1, s30, v21;
	s30 =	sld [smem:$0x6E6]  }
0x46b: {  	s8 =	ssub.s32 s12, s8;
	s12 =	sld [smem:$0x6E0]  }
0x46c: {  	(v2sf) =	vpush v8, $0x6;
	v60 =	vsel vm4, s2, v22  }
0x46d: {  	v21 =	vsel vm5, s15, v60;
	s15 =	sadd.s32 s30, s11;
	s30 =	sld [smem:$0x6EA]  }
0x46e: {  	v58 =	vsel vm2, s12, v20;
	s12 =	sld [smem:$0x6E3]  }
0x46f: {  	s11 =	sld [smem:$0x6E8]  }
0x470: {  	s3 =	spop (v2sf);
	v23 =	vmov s30;
	s30 =	sld [smem:$0x6EC]  }
0x471: {  	s29 =	sshra.s32 s3, $0x1F  }
0x472: {  	s12 =	sadd.s32 s12, s8;
	s8 =	smul.u32 $0x91A2B3C5, s29;
	s29 =	sld [smem:$0x6E5];
	v21 =	vsel vm6, s11, v21  }
0x473: {  	v21 =	vsel vm7, s30, v21;
	s30 =	sld [smem:$0x6ED];
	_ =	sdelay $0x1  }
0x474: {  	s1 =	sld [smem:$0x6EB]  }
0x475: {  	v61 =	vmov s29;
	v23 =	vsel vm0, s30, v23;
	s30 =	sld [smem:$0x6EE]  }
0x476: {  	[smem:$0x705] =	sst s0;
	s0 =	smulhi.u32 $0x91A2B3C5, s10;
	v22 =	vnsel vm3, $0x0, v61  }
0x477: {  	s2 =	sld [smem:$0x6E7];
	v22 =	vsel vm0, s1, v22  }
0x478: {  	s0 =	ssub.s32 s0, s10;
	s10 =	smulhi.u32 $0x91A2B3C5, s9;
	v22 =	vsel vm1, s30, v22;
	s30 =	sld [smem:$0x6EF]  }
0x479: {  	_ = 	snop  }
0x47a: {  	s9 =	ssub.s32 s10, s9;
	s29 =	sld [smem:$0x6E9];
	v20 =	vsel vm2, s2, v59;
	s2 =	spop (v2sf)  }
0x47b: {  	s11 =	smulhi.u32 $0x91A2B3C5, s16;
	s9 =	sadd.s32 s30, s9;
	s30 =	sld [smem:$0x6F1]  }
0x47c: {  	s10 =	sshra.s32 s2, $0x1F  }
0x47d: {  	s11 =	ssub.s32 s11, s16;
	s16 =	smul.u32 $0x91A2B3C5, s10;
	s10 =	sld [smem:$0x6F0]  }
0x47e: {  	s29 =	sadd.s32 s29, s0;
	s0 =	smulhi.u32 $0x91A2B3C5, s20;
	v22 =	vsel vm2, s30, v22;
	s30 =	sld [smem:$0x6F4]  }
0x47f: {  	_ = 	snop  }
0x480: {  	s0 =	ssub.s32 s0, s20;
	s20 =	sld [smem:$0x6F3];
	v24 =	vmov s10  }
0x481: {  	v24 =	vsel vm0, s30, v24;
	s30 =	sld [smem:$0x6F6];
	_ =	sdelay $0x1  }
0x482: {  	v23 =	vsel vm1, s20, v23;
	s20 =	sld [smem:$0x6F5]  }
0x483: {  	v24 =	vsel vm1, s30, v24;
	s30 =	sld [smem:$0x6F7];
	_ =	sdelay $0x1  }
0x484: {  	v22 =	vsel vm4, s20, v22  }
0x485: {  	v9 =	vld [tilespmem:s25+$0x70];
	(v2sf) =	vpush v8, $0x7;
	v22 =	vsel vm5, s30, v22;
	s30 =	sld [smem:$0x6F8];
	_ =	sdelay $0x2  }
0x486: {  	v23 =	vsel vm2, s30, v23;
	s30 =	sld [smem:$0x6F9];
	_ =	sdelay $0x1  }
0x487: {  	(v2sf) =	vpush v9, $0xD;
	s10 =	sld [smem:$0x6F2]  }
0x488: {  	v24 =	vsel vm2, s30, v24;
	s30 =	sld [smem:$0x6FA];
	_ =	sdelay $0x2  }
0x489: {  	s10 =	sadd.s32 s10, s11;
	s11 =	smulhi.u32 $0x91A2B3C5, s6;
	v22 =	vsel vm6, s30, v22;
	s30 =	sld [smem:$0x6FB]  }
0x48a: {  	(v2sf) =	vpush v9, $0xC  }
0x48b: {  	(v2sf) =	vpush v9, $0xE;
	s6 =	ssub.s32 s11, s6  }
0x48c: {  	s1 =	smulhi.u32 $0x91A2B3C5, s7;
	s6 =	sadd.s32 s30, s6;
	s30 =	sld [smem:$0x6FC]  }
0x48d: {  	(v2sf) =	vpush v9, $0xF;
	s11 =	smulhi.u32 $0x91A2B3C5, s5  }
0x48e: {  	v26 =	vmov s28;
	s28 =	sld [smem:$0x6FE];
	s1 =	ssub.s32 s1, s7  }
0x48f: {  	s20 =	sadd.s32 s24, s0;
	s24 =	spop (v2sf);
	v25 =	vmov s30;
	s30 =	ssub.s32 s11, s5  }
0x490: {  	(v2sf) =	vpush v9, $0x9;
	s11 =	smulhi.u32 $0x91A2B3C5, s4;
	s5 =	sadd.s32 s18, s30;
	s30 =	sld [smem:$0x6FF]  }
0x491: {  	v10 =	vcombine.low v46, v43;
	s1 =	sadd.s32 s21, s1;
	s0 =	sshra.s32 s24, $0x1F;
	v25 =	vsel vm0, s28, v25;
	s28 =	sld [smem:$0x700]  }
0x492: {  	(v2sf) =	vpush v9, $0x8;
	s21 =	sld [smem:$0x6FD];
	s7 =	smul.u32 $0x91A2B3C5, s0;
	s4 =	ssub.s32 s11, s4  }
0x493: {  	v37 =	vperm.xlane v10, v0;
	v26 =	vnsel vm3, $0x0, v26;
	s0 =	smulhi.u32 $0x91A2B3C5, s3;
	s11 =	sadd.s32 s13, s4;
	s13 =	sld [smem:$0x703]  }
0x494: {  	(v2sf) =	vpush v9, $0xA;
	s18 =	spop (v2sf);
	v25 =	vsel vm1, s30, v25;
	v26 =	vsel vm0, s28, v26;
	s30 =	sld [smem:$0x701]  }
0x495: {  	v14 =	vperm.xlane v14, v1;
	v22 =	vsel vm7, s21, v22;
	s21 =	smulhi.u32 $0x91A2B3C5, s2;
	s28 =	sshra.s32 s18, $0x1F;
	v26 =	vsel vm1, s31, v26;
	s31 =	sld [smem:$0x702]  }
0x496: {  	s0 =	ssub.s32 s0, s3;
	(v2sf) =	vpush v9, $0xB;
	s4 =	smul.u32 $0x91A2B3C5, s28;
	v26 =	vsel vm2, s13, v26;
	s13 =	sld [smem:$0x705]  }
0x497: {  	v14 =	vsel vm8, v14, v37;
	s28 =	ssub.s32 s21, s2;
	s21 =	sld [smem:$0x706];
	v25 =	vsel vm2, s30, v25;
	s30 =	smulhi.u32 $0x91A2B3C5, s18  }
0x498: {  	v14 =	vadd.s32 v3, v14;
	s3 =	sadd.s32 s8, s0;
	(v2sf) =	vpush v9, $0x1;
	s2 =	smulhi.u32 $0x91A2B3C5, s24;
	v27 =	vmov s31;
	s31 =	sld [smem:$0x704]  }
0x499: {  	v28 =	vmov s14;
	(v2sf) =	vpush v9, $0x0;
	s0 =	sadd.s32 s16, s28;
	v26 =	vsel vm4, s13, v26;
	s13 =	spop (v2sf);
	s8 =	ssub.s32 s30, s18  }
0x49a: {  	v41 =	vshrl.u32 v14, $0x1F;
	v14 =	vshra.s32 v14, $0xE;
	v29 =	vsel vm0, s19, v28;
	s28 =	smulhi.u32 $0x91A2B3C5, s13;
	s30 =	sshra.s32 s13, $0x1F;
	s18 =	spop (v2sf)  }
0x49b: {  	v29 =	vsel vm1, s17, v29;
	v26 =	vsel vm5, s26, v26;
	v27 =	vsel vm0, s31, v27;
	s31 =	sld [smem:$0x707];
	s17 =	smul.u32 $0x91A2B3C5, s30  }
0x49c: {  	v13 =	vcombine.low v15, v51;
	v26 =	vsel vm6, s23, v26;
	s26 =	spop (v2sf);
	v27 =	vsel vm1, s21, v27;
	s21 =	smulhi.u32 $0x91A2B3C5, s18  }
0x49d: {  	v14 =	vadd.s32 v41, v14;
	(v2sf) =	vpush v9, $0x2;
	v63 =	vsel vm7, s22, v26;
	s19 =	ssub.s32 s28, s13;
	s22 =	sshra.s32 s18, $0x1F;
	s28 =	smulhi.u32 $0x91A2B3C5, s26  }
0x49e: {  	v13 =	vperm.xlane v13, v0;
	v11 =	vperm.xlane v11, v1;
	v34 =	vmov s29;
	s2 =	ssub.s32 s2, s24;
	s29 =	sshra.s32 s26, $0x1F;
	s23 =	smul.u32 $0x91A2B3C5, s22  }
0x49f: {  	v30 =	vmov s6;
	(v2sf) =	vpush v9, $0x3;
	s6 =	sadd.s32 s17, s19;
	s30 =	smul.u32 $0x91A2B3C5, s29;
	v62 =	vsel vm2, s31, v27;
	s31 =	spop (v2sf)  }
0x4a0: {  	v14 =	vmul.u32 $0x7080, v14;
	v11 =	vsel vm8, v11, v13;
	v36 =	vnsel vm3, $0x0, v30;
	s13 =	ssub.s32 s21, s18;
	s17 =	smulhi.u32 $0x91A2B3C5, s31;
	s18 =	sshra.s32 s31, $0x1F  }
0x4a1: {  	v33 =	vsel vm2, s12, v29;
	v29 =	vsel vm0, s20, v36;
	s4 =	sadd.s32 s4, s8;
	(v2sf) =	vpush v9, $0x4;
	s20 =	spop (v2sf);
	s19 =	smul.u32 $0x91A2B3C5, s18  }
0x4a2: {  	v3 =	vsub.s32 v3, v14;
	v11 =	vadd.s32 v2, v11;
	s16 =	ssub.s32 s28, s26;
	s21 =	smulhi.u32 $0x91A2B3C5, s20;
	s22 =	sshra.s32 s20, $0x1F  }
0x4a3: {  	v44 =	vshrl.u32 v11, $0x1F;
	v35 =	vsel vm0, s15, v34;
	s8 =	sadd.s32 s23, s13;
	(v2sf) =	vpush v9, $0x5;
	s26 =	spop (v2sf);
	s23 =	smul.u32 $0x91A2B3C5, s22  }
0x4a4: {  	v42 =	vcombine.low v55, v54;
	v38 =	vsel vm1, s9, v35;
	v39 =	vsel vm1, s1, v29;
	s1 =	sadd.s32 s30, s16;
	s29 =	smulhi.u32 $0x91A2B3C5, s26;
	s30 =	sshra.s32 s26, $0x1F  }
0x4a5: {  	v10 =	vsel vm2, s10, v38;
	v40 =	vmov s6;
	(v2sf) =	vpush v9, $0x6;
	s9 =	ssub.s32 s17, s31;
	s31 =	spop (v2sf);
	s10 =	smul.u32 $0x91A2B3C5, s30  }
0x4a6: {  	v13 =	vperm.xlane v42, v0;
	v45 =	vperm.xlane v18, v1;
	s2 =	sadd.s32 s7, s2;
	v29 =	vsel vm0, s4, v40;
	s12 =	smulhi.u32 $0x91A2B3C5, s31;
	s13 =	sshra.s32 s31, $0x1F  }
0x4a7: {  	v12 =	vsel vm2, s5, v39;
	v29 =	vsel vm1, s8, v29;
	s5 =	sadd.s32 s19, s9;
	s14 =	spop (v2sf);
	(v2sf) =	vpush v9, $0x7;
	s8 =	smul.u32 $0x91A2B3C5, s13  }
0x4a8: {  	v11 =	vshra.s32 v11, $0xE;
	v46 =	vcombine.low v20, v58;
	v12 =	vsel vm4, s11, v12;
	s28 =	ssub.s32 s21, s20;
	s16 =	spop (v2sf);
	s20 =	smulhi.u32 $0x91A2B3C5, s14  }
0x4a9: {  	v11 =	vadd.s32 v44, v11;
	v13 =	vsel vm8, v45, v13;
	v12 =	vsel vm5, s3, v12;
	s3 =	sadd.s32 s23, s28;
	s21 =	sshra.s32 s14, $0x1F;
	s17 =	smulhi.u32 $0x91A2B3C5, s16  }
0x4aa: {  	v11 =	vmul.u32 $0x7080, v11;
	v13 =	vadd.s32 v4, v13;
	v14 =	vperm.xlane v46, v0;
	s15 =	ssub.s32 s29, s26;
	s18 =	sshra.s32 s16, $0x1F;
	s4 =	smul.u32 $0x91A2B3C5, s21  }
0x4ab: {  	v48 =	vperm.xlane v21, v1;
	v12 =	vsel vm6, s0, v12;
	v29 =	vsel vm2, s1, v29;
	s0 =	ssub.s32 s12, s31;
	s1 =	sadd.s32 s10, s15;
	s19 =	smul.u32 $0x91A2B3C5, s18  }
0x4ac: {  	v49 =	vshrl.u32 v13, $0x1F;
	v13 =	vshra.s32 v13, $0xE;
	v43 =	vmov s3;
	s0 =	sadd.s32 s8, s0;
	s3 =	ssub.s32 s17, s16;
	s23 =	spop (v2sf)  }
0x4ad: {  	v2 =	vsub.s32 v2, v11;
	v11 =	vadd.s32 v49, v13;
	v50 =	vsel vm8, v48, v14;
	s22 =	sadd.s32 s19, s3;
	s26 =	smulhi.u32 $0x91A2B3C5, s23;
	s28 =	sshra.s32 s23, $0x1F  }
0x4ae: {  	v13 =	vadd.s32 v5, v50;
	v15 =	vsel vm0, s5, v43;
	s5 =	ssub.s32 s20, s14;
	v47 =	vmov s22;
	s29 =	spop (v2sf);
	s6 =	smul.u32 $0x91A2B3C5, s28  }
0x4af: {  	v11 =	vmul.u32 $0x7080, v11;
	v53 =	vshrl.u32 v13, $0x1F;
	s4 =	sadd.s32 s4, s5;
	v16 =	vnsel vm3, $0x0, v47;
	s30 =	smulhi.u32 $0x91A2B3C5, s29;
	s31 =	sshra.s32 s29, $0x1F  }
0x4b0: {  	v13 =	vshra.s32 v13, $0xE;
	v15 =	vsel vm1, s1, v15;
	v16 =	vsel vm0, s4, v16;
	s1 =	ssub.s32 s26, s23;
	s4 =	smul.u32 $0x91A2B3C5, s31;
	s8 =	spop (v2sf)  }
0x4b1: {  	v54 =	vadd.s32 v53, v13;
	s1 =	sadd.s32 s6, s1;
	s10 =	smulhi.u32 $0x91A2B3C5, s8;
	s11 =	sshra.s32 s8, $0x1F  }
0x4b2: {  	v4 =	vsub.s32 v4, v11;
	v11 =	vmul.u32 $0x7080, v54;
	v10 =	vcombine.low v10, v33;
	s9 =	ssub.s32 s30, s29;
	s12 =	spop (v2sf);
	s5 =	smul.u32 $0x91A2B3C5, s11  }
0x4b3: {  	v12 =	vsel vm7, s2, v12;
	v51 =	vsel vm1, s1, v16;
	s1 =	sadd.s32 s4, s9;
	s14 =	smulhi.u32 $0x91A2B3C5, s12;
	s15 =	sshra.s32 s12, $0x1F  }
0x4b4: {  	v5 =	vsub.s32 v5, v11;
	v10 =	vperm.xlane v10, v0;
	v12 =	vperm.xlane v12, v1;
	s16 =	spop (v2sf);
	s13 =	ssub.s32 s10, s8;
	s6 =	smul.u32 $0x91A2B3C5, s15  }
0x4b5: {  	v52 =	vcombine.low v24, v23;
	v55 =	vcombine.low v62, v25;
	v14 =	vsel vm2, s1, v51;
	s18 =	smulhi.u32 $0x91A2B3C5, s16;
	s19 =	sshra.s32 s16, $0x1F;
	s1 =	sadd.s32 s5, s13  }
0x4b6: {  	v56 =	vperm.xlane v22, v1;
	v10 =	vsel vm8, v12, v10;
	v57 =	vperm.xlane v63, v1;
	s17 =	ssub.s32 s14, s12;
	s4 =	smul.u32 $0x91A2B3C5, s19;
	s20 =	spop (v2sf)  }
0x4b7: {  	v10 =	vadd.s32 v8, v10;
	v13 =	vperm.xlane v55, v0;
	v14 =	vsel vm4, s1, v14;
	s1 =	sadd.s32 s6, s17;
	s21 =	smulhi.u32 $0x91A2B3C5, s20;
	s22 =	sshra.s32 s20, $0x1F  }
0x4b8: {  	[tilespmem:s25+$0x210] =	vst v2;
	v2 =	vshrl.u32 v10, $0x1F;
	v10 =	vshra.s32 v10, $0xE;
	s3 =	ssub.s32 s18, s16;
	v14 =	vsel vm5, s1, v14;
	s1 =	smul.u32 $0x91A2B3C5, s22  }
0x4b9: {  	v2 =	vadd.s32 v2, v10;
	v58 =	vsel vm8, v57, v13;
	v15 =	vsel vm2, s0, v15;
	s3 =	sadd.s32 s4, s3;
	s0 =	ssub.s32 s21, s20  }
0x4ba: {  	v15 =	vcombine.low v15, v29;
	v16 =	vperm.xlane v52, v0;
	v14 =	vsel vm6, s3, v14;
	s0 =	sadd.s32 s1, s0  }
0x4bb: {  	v2 =	vmul.u32 $0x7080, v2;
	v11 =	vadd.s32 v7, v58;
	v14 =	vsel vm7, s0, v14  }
0x4bc: {  	v15 =	vperm.xlane v15, v0;
	v16 =	vsel vm8, v56, v16;
	v14 =	vperm.xlane v14, v1  }
0x4bd: {  	v60 =	vshrl.u32 v11, $0x1F;
	v11 =	vshra.s32 v11, $0xE;
	v59 =	vadd.s32 v6, v16  }
0x4be: {  	v16 =	vshrl.u32 v59, $0x1F;
	v13 =	vshra.s32 v59, $0xE;
	v61 =	vsel vm8, v14, v15  }
0x4bf: {  	[tilespmem:s25+$0x200] =	vst v3;
	v11 =	vadd.s32 v60, v11;
	v13 =	vadd.s32 v16, v13;
	v12 =	vadd.s32 v9, v61  }
0x4c0: {  	[tilespmem:s25+$0x220] =	vst v4;
	v3 =	vmul.u32 $0x7080, v13;
	v62 =	vshrl.u32 v12, $0x1F;
	v63 =	vshra.s32 v12, $0xE  }
0x4c1: {  	[tilespmem:s25+$0x230] =	vst v5;
	v2 =	vsub.s32 v8, v2;
	v11 =	vmul.u32 $0x7080, v11;
	v4 =	vadd.s32 v62, v63  }
0x4c2: {  	s24 =	rddreg [dreg:$0x4];
	[tilespmem:s25+$0x260] =	vst v2;
	v3 =	vsub.s32 v6, v3;
	v4 =	vmul.u32 $0x7080, v4  }
0x4c3: {  	s30 =	rddreg [dreg:$0xe];
	[tilespmem:s25+$0x240] =	vst v3;
	v3 =	vsub.s32 v7, v11  }
0x4c4: {  	s28 =	rddreg [dreg:$0x11];
	s23 =	simm.s32 $0x80;
	p0 =	sne.s32 s30, $0x600;
	[tilespmem:s25+$0x250] =	vst v3;
	v2 =	vsub.s32 v9, v4  }
.Ltmp1:
0x4c5: {  	s26 =	sadd.s32 $0x200, s25;
	s31 =	simm.s32 $0x1;
	[tilespmem:s25+$0x270] =	vst v2;
	(pc) =	sbr.rel @p0 .LBB2_4-.Ltmp1, $4  }
0x4c6: {  	[tilespmem:s28], [sflag:$0x1] =	stream.indirect.gather [hbm4b:s24+s23], $0x80, s26, s23, $0xb8;
	[tilespmem:$0x10400] =	vst v63  }
0x4c7: {  	s29 =	rddreg [dreg:$0x11];
	_ =	swait.ge [sflag:s31], $0x4000  }
0x4c8: {  	[sflag:s31] =	ssyncset.done $0x0  }
0x4c9: {  	s2 =	sadd.s32 $0x4000, s29;
	s1 =	sadd.s32 $0x200, s30;
	[sflag:s31] =	ssyncadd.s32 $0xFFFFC000  }
0x4ca: {  	s1 =	simm.s32 $0x0  }
0x4cb: {  	s2 =	simm.s32 $0x400;
	s0 =	rddreg [dreg:$0x9];
	s31 =	simm.s32 $0x2  }
0x4cc: {  	[hbm4b:s0+s1] =	stream.linear.scatter [tilespmem:s2], [sflag:$0x2], $0x10000, $0x38;
	[tilespmem:$0x10400] =	vst v63  }
0x4cd: {  	_ =	swait.ge [sflag:s31], $0x10000  }
0x4ce: {  	[sflag:s31] =	ssyncset.done $0x0  }
0x4cf: {  	[sflag:s31] =	ssyncadd.s32 $0xFFFF0000  }
.LBB2_6:
0x4d0: {  	s25 =	sshra.s32 s1, $0x2  }
0x4d1: {  	v3 =	vld [tilespmem:s25+$0x0];
	_ =	sdelay $0x4  }
0x4d2: {  	(v2sf) =	vpush v3, $0xD  }
0x4d3: {  	(v2sf) =	vpush v3, $0xC;
	_ =	sdelay $0x2  }
0x4d4: {  	(v2sf) =	vpush v3, $0xE;
	_ =	sdelay $0x1  }
0x4d5: {  	(v2sf) =	vpush v3, $0xF  }
0x4d6: {  	(v2sf) =	vpush v3, $0x9;
	_ =	sdelay $0x2  }
0x4d7: {  	(v2sf) =	vpush v3, $0x8;
	_ =	sdelay $0x1  }
0x4d8: {  	(v2sf) =	vpush v3, $0xA  }
0x4d9: {  	(v2sf) =	vpush v3, $0xB;
	_ =	sdelay $0x1  }
0x4da: {  	s0 =	spop (v2sf)  }
0x4db: {  	(v2sf) =	vpush v3, $0x1;
	s16 =	sshra.s32 s0, $0x1F;
	s3 =	spop (v2sf)  }
0x4dc: {  	[dreg:$0xf] =	wrdreg s1;
	s1 =	smul.u32 $0xC22E4507, s16;
	s17 =	sshra.s32 s3, $0x1F  }
0x4dd: {  	[dreg:$0x12] =	wrdreg s2;
	(v2sf) =	vpush v3, $0x0;
	s2 =	smul.u32 $0xC22E4507, s17  }
0x4de: {  	(v2sf) =	vpush v3, $0x2;
	[smem:$0x51B] =	sst s1;
	s1 =	spop (v2sf)  }
0x4df: {  	[smem:$0x51C] =	sst s2;
	s18 =	sshra.s32 s1, $0x1F  }
0x4e0: {  	(v2sf) =	vpush v3, $0x3;
	s4 =	spop (v2sf);
	s2 =	smul.u32 $0xC22E4507, s18  }
0x4e1: {  	s19 =	sshra.s32 s4, $0x1F;
	s8 =	spop (v2sf)  }
0x4e2: {  	(v2sf) =	vpush v3, $0x4;
	s5 =	sshra.s32 s8, $0x1F;
	[smem:$0x51D] =	sst s2;
	s2 =	smul.u32 $0xC22E4507, s19  }
0x4e3: {  	s5 =	smul.u32 $0xC22E4507, s5  }
0x4e4: {  	(v2sf) =	vpush v3, $0x5;
	[smem:$0x51E] =	sst s2;
	s2 =	spop (v2sf)  }
0x4e5: {  	v2 =	vld [tilespmem:s25+$0x10];
	[smem:$0x51F] =	sst s5;
	s6 =	sshra.s32 s2, $0x1F  }
0x4e6: {  	s5 =	spop (v2sf);
	s6 =	smul.u32 $0xC22E4507, s6  }
0x4e7: {  	(v2sf) =	vpush v3, $0x6;
	s20 =	sshra.s32 s5, $0x1F;
	s13 =	spop (v2sf)  }
0x4e8: {  	s7 =	sshra.s32 s13, $0x1F;
	[smem:$0x520] =	sst s6;
	s6 =	smul.u32 $0xC22E4507, s20  }
0x4e9: {  	(v2sf) =	vpush v3, $0x7;
	s7 =	smul.u32 $0xC22E4507, s7  }
0x4ea: {  	(v2sf) =	vpush v2, $0xD;
	[smem:$0x521] =	sst s6;
	s6 =	spop (v2sf)  }
0x4eb: {  	[smem:$0x522] =	sst s7;
	s21 =	sshra.s32 s6, $0x1F  }
0x4ec: {  	s11 =	spop (v2sf);
	s7 =	smul.u32 $0xC22E4507, s21  }
0x4ed: {  	(v2sf) =	vpush v2, $0xC;
	s22 =	sshra.s32 s11, $0x1F;
	s15 =	spop (v2sf)  }
0x4ee: {  	(v2sf) =	vpush v2, $0xE;
	[smem:$0x523] =	sst s7;
	s7 =	smul.u32 $0xC22E4507, s22  }
0x4ef: {  	(v2sf) =	vpush v2, $0xF;
	s23 =	sshra.s32 s15, $0x1F;
	s12 =	spop (v2sf)  }
0x4f0: {  	(v2sf) =	vpush v2, $0x9;
	[smem:$0x524] =	sst s7;
	s7 =	smul.u32 $0xC22E4507, s23  }
0x4f1: {  	s24 =	sshra.s32 s12, $0x1F;
	s17 =	spop (v2sf)  }
0x4f2: {  	(v2sf) =	vpush v2, $0x8;
	[smem:$0x525] =	sst s7;
	s7 =	smul.u32 $0xC22E4507, s24  }
0x4f3: {  	(v2sf) =	vpush v2, $0xA;
	s26 =	sshra.s32 s17, $0x1F;
	s9 =	spop (v2sf)  }
0x4f4: {  	s10 =	sshra.s32 s9, $0x1F;
	[smem:$0x526] =	sst s7;
	s7 =	smul.u32 $0xC22E4507, s26  }
0x4f5: {  	s10 =	smul.u32 $0xC22E4507, s10  }
0x4f6: {  	(v2sf) =	vpush v2, $0xB;
	[smem:$0x527] =	sst s7;
	s7 =	spop (v2sf)  }
0x4f7: {  	(v2sf) =	vpush v2, $0x1;
	[smem:$0x528] =	sst s10;
	s14 =	sshra.s32 s7, $0x1F  }
0x4f8: {  	(v2sf) =	vpush v2, $0x0;
	s10 =	spop (v2sf);
	s14 =	smul.u32 $0xC22E4507, s14  }
0x4f9: {  	s28 =	sshra.s32 s10, $0x1F;
	s18 =	spop (v2sf)  }
0x4fa: {  	s19 =	sshra.s32 s18, $0x1F;
	[smem:$0x529] =	sst s14;
	s14 =	smul.u32 $0xC22E4507, s28  }
0x4fb: {  	(v2sf) =	vpush v2, $0x2;
	s16 =	smul.u32 $0xC22E4507, s19  }
0x4fc: {  	(v2sf) =	vpush v2, $0x3;
	[smem:$0x52A] =	sst s14;
	s14 =	spop (v2sf)  }
0x4fd: {  	[smem:$0x52B] =	sst s16;
	s20 =	sshra.s32 s14, $0x1F;
	s19 =	spop (v2sf)  }
0x4fe: {  	(v2sf) =	vpush v2, $0x4;
	s29 =	smul.u32 $0xC22E4507, s20;
	s30 =	sshra.s32 s19, $0x1F;
	s24 =	spop (v2sf)  }
0x4ff: {  	s31 =	smul.u32 $0xC22E4507, s30;
	s16 =	sshra.s32 s24, $0x1F;
	s21 =	spop (v2sf)  }
0x500: {  	(v2sf) =	vpush v2, $0x5;
	[smem:$0x52C] =	sst s29;
	s22 =	smul.u32 $0xC22E4507, s16  }
0x501: {  	v4 =	vld [tilespmem:s25+$0x20];
	s23 =	sshra.s32 s21, $0x1F;
	s26 =	spop (v2sf);
	[smem:$0x52D] =	sst s31  }
0x502: {  	(v2sf) =	vpush v2, $0x6;
	s28 =	smul.u32 $0xC22E4507, s23;
	s29 =	sshra.s32 s26, $0x1F;
	s30 =	spop (v2sf)  }
0x503: {  	[smem:$0x52E] =	sst s22;
	s31 =	smul.u32 $0xC22E4507, s29;
	s16 =	sshra.s32 s30, $0x1F  }
0x504: {  	(v2sf) =	vpush v2, $0x7;
	[smem:$0x52F] =	sst s28;
	s22 =	smul.u32 $0xC22E4507, s16  }
0x505: {  	s28 =	spop (v2sf);
	[smem:$0x530] =	sst s31  }
0x506: {  	(v2sf) =	vpush v4, $0xD;
	s23 =	sshra.s32 s28, $0x1F;
	s31 =	spop (v2sf);
	[smem:$0x531] =	sst s22  }
0x507: {  	s29 =	smul.u32 $0xC22E4507, s23;
	s16 =	sshra.s32 s31, $0x1F;
	s22 =	spop (v2sf)  }
0x508: {  	(v2sf) =	vpush v4, $0xC;
	[smem:$0x533] =	sst s22;
	s20 =	smul.u32 $0xC22E4507, s16  }
0x509: {  	[smem:$0x532] =	sst s29  }
0x50a: {  	(v2sf) =	vpush v4, $0xE;
	s29 =	spop (v2sf);
	[smem:$0x535] =	sst s20  }
0x50b: {  	s23 =	sshra.s32 s22, $0x1F;
	[smem:$0x534] =	sst s29;
	s22 =	spop (v2sf)  }
0x50c: {  	(v2sf) =	vpush v4, $0xF;
	s20 =	smul.u32 $0xC22E4507, s23;
	s16 =	sshra.s32 s29, $0x1F;
	[smem:$0x537] =	sst s22  }
0x50d: {  	s16 =	smul.u32 $0xC22E4507, s16;
	s23 =	sshra.s32 s22, $0x1F;
	s29 =	spop (v2sf)  }
0x50e: {  	(v2sf) =	vpush v4, $0x9;
	[smem:$0x536] =	sst s20;
	s20 =	smul.u32 $0xC22E4507, s23  }
0x50f: {  	s22 =	spop (v2sf);
	[smem:$0x538] =	sst s16;
	s16 =	sshra.s32 s29, $0x1F  }
0x510: {  	(v2sf) =	vpush v4, $0x8;
	[smem:$0x53B] =	sst s20;
	s20 =	smul.u32 $0xC22E4507, s16  }
0x511: {  	[smem:$0x539] =	sst s29;
	s23 =	sshra.s32 s22, $0x1F;
	s29 =	spop (v2sf)  }
0x512: {  	(v2sf) =	vpush v4, $0xA;
	[smem:$0x53C] =	sst s20;
	s20 =	smul.u32 $0xC22E4507, s23  }
0x513: {  	[smem:$0x53A] =	sst s22;
	s16 =	sshra.s32 s29, $0x1F;
	s22 =	spop (v2sf)  }
0x514: {  	(v2sf) =	vpush v4, $0xB;
	[smem:$0x53E] =	sst s20;
	s20 =	smul.u32 $0xC22E4507, s16  }
0x515: {  	[smem:$0x53D] =	sst s29;
	s29 =	spop (v2sf);
	s23 =	sshra.s32 s22, $0x1F  }
0x516: {  	(v2sf) =	vpush v4, $0x1;
	[smem:$0x541] =	sst s20;
	s20 =	smul.u32 $0xC22E4507, s23  }
0x517: {  	[smem:$0x53F] =	sst s22;
	s22 =	sshra.s32 s29, $0x1F;
	s23 =	spop (v2sf)  }
0x518: {  	(v2sf) =	vpush v4, $0x0;
	[smem:$0x542] =	sst s20;
	s20 =	smul.u32 $0xC22E4507, s22  }
0x519: {  	[smem:$0x540] =	sst s29;
	s29 =	sshra.s32 s23, $0x1F;
	s16 =	spop (v2sf)  }
0x51a: {  	(v2sf) =	vpush v4, $0x2;
	[smem:$0x544] =	sst s20;
	s20 =	smul.u32 $0xC22E4507, s29  }
0x51b: {  	[smem:$0x543] =	sst s23;
	s23 =	sshra.s32 s16, $0x1F;
	s29 =	spop (v2sf)  }
0x51c: {  	(v2sf) =	vpush v4, $0x3;
	[smem:$0x547] =	sst s20;
	s20 =	smul.u32 $0xC22E4507, s23  }
0x51d: {  	[smem:$0x545] =	sst s16;
	s22 =	sshra.s32 s29, $0x1F;
	s23 =	spop (v2sf)  }
0x51e: {  	(v2sf) =	vpush v4, $0x4;
	[smem:$0x548] =	sst s20;
	s20 =	smul.u32 $0xC22E4507, s22  }
0x51f: {  	[smem:$0x546] =	sst s29;
	s29 =	sshra.s32 s23, $0x1F;
	s16 =	spop (v2sf)  }
0x520: {  	(v2sf) =	vpush v4, $0x5;
	[smem:$0x54A] =	sst s20;
	s20 =	smul.u32 $0xC22E4507, s29  }
0x521: {  	v5 =	vld [tilespmem:s25+$0x30];
	[smem:$0x549] =	sst s23;
	s22 =	sshra.s32 s16, $0x1F;
	s23 =	spop (v2sf)  }
0x522: {  	(v2sf) =	vpush v4, $0x6;
	[smem:$0x54D] =	sst s20;
	s20 =	smul.u32 $0xC22E4507, s22  }
0x523: {  	[smem:$0x54B] =	sst s16;
	s16 =	spop (v2sf);
	s29 =	sshra.s32 s23, $0x1F  }
0x524: {  	(v2sf) =	vpush v4, $0x7;
	[smem:$0x54E] =	sst s20;
	s20 =	smul.u32 $0xC22E4507, s29  }
0x525: {  	[smem:$0x54C] =	sst s23;
	s23 =	spop (v2sf);
	s22 =	sshra.s32 s16, $0x1F  }
0x526: {  	(v2sf) =	vpush v5, $0xD;
	[smem:$0x550] =	sst s20;
	s20 =	smul.u32 $0xC22E4507, s22  }
0x527: {  	[smem:$0x54F] =	sst s16;
	s16 =	spop (v2sf);
	s29 =	sshra.s32 s23, $0x1F  }
0x528: {  	(v2sf) =	vpush v5, $0xC;
	[smem:$0x553] =	sst s20;
	s20 =	smul.u32 $0xC22E4507, s29  }
0x529: {  	[smem:$0x551] =	sst s23;
	s23 =	spop (v2sf);
	s22 =	sshra.s32 s16, $0x1F  }
0x52a: {  	(v2sf) =	vpush v5, $0xE;
	[smem:$0x554] =	sst s20;
	s20 =	smul.u32 $0xC22E4507, s22  }
0x52b: {  	[smem:$0x552] =	sst s16;
	s16 =	spop (v2sf);
	s29 =	sshra.s32 s23, $0x1F  }
0x52c: {  	(v2sf) =	vpush v5, $0xF;
	[smem:$0x556] =	sst s20;
	s20 =	smul.u32 $0xC22E4507, s29  }
0x52d: {  	[smem:$0x555] =	sst s23;
	s23 =	spop (v2sf);
	s22 =	sshra.s32 s16, $0x1F  }
0x52e: {  	(v2sf) =	vpush v5, $0x9;
	[smem:$0x559] =	sst s20;
	s20 =	smul.u32 $0xC22E4507, s22  }
0x52f: {  	[smem:$0x557] =	sst s16;
	s16 =	spop (v2sf);
	s29 =	sshra.s32 s23, $0x1F  }
0x530: {  	(v2sf) =	vpush v5, $0x8;
	[smem:$0x55A] =	sst s20;
	s20 =	smul.u32 $0xC22E4507, s29  }
0x531: {  	[smem:$0x558] =	sst s23;
	s23 =	spop (v2sf);
	s22 =	sshra.s32 s16, $0x1F  }
0x532: {  	(v2sf) =	vpush v5, $0xA;
	[smem:$0x55C] =	sst s20;
	s20 =	smul.u32 $0xC22E4507, s22  }
0x533: {  	[smem:$0x55B] =	sst s16;
	s16 =	spop (v2sf);
	s29 =	sshra.s32 s23, $0x1F  }
0x534: {  	(v2sf) =	vpush v5, $0xB;
	[smem:$0x55F] =	sst s20;
	s20 =	smul.u32 $0xC22E4507, s29  }
0x535: {  	[smem:$0x55D] =	sst s23;
	s23 =	spop (v2sf);
	s22 =	sshra.s32 s16, $0x1F  }
0x536: {  	(v2sf) =	vpush v5, $0x1;
	[smem:$0x560] =	sst s20;
	s20 =	smul.u32 $0xC22E4507, s22  }
0x537: {  	[smem:$0x55E] =	sst s16;
	s16 =	spop (v2sf);
	s29 =	sshra.s32 s23, $0x1F  }
0x538: {  	(v2sf) =	vpush v5, $0x0;
	[smem:$0x562] =	sst s20;
	s20 =	smul.u32 $0xC22E4507, s29  }
0x539: {  	[smem:$0x561] =	sst s23;
	s23 =	spop (v2sf);
	s22 =	sshra.s32 s16, $0x1F  }
0x53a: {  	(v2sf) =	vpush v5, $0x2;
	[smem:$0x565] =	sst s20;
	s20 =	smul.u32 $0xC22E4507, s22  }
0x53b: {  	[smem:$0x563] =	sst s16;
	s16 =	spop (v2sf);
	s29 =	sshra.s32 s23, $0x1F  }
0x53c: {  	(v2sf) =	vpush v5, $0x3;
	[smem:$0x566] =	sst s20;
	s20 =	smul.u32 $0xC22E4507, s29  }
0x53d: {  	[smem:$0x564] =	sst s23;
	s23 =	spop (v2sf);
	s22 =	sshra.s32 s16, $0x1F  }
0x53e: {  	(v2sf) =	vpush v5, $0x4;
	[smem:$0x568] =	sst s20;
	s20 =	smul.u32 $0xC22E4507, s22  }
0x53f: {  	[smem:$0x567] =	sst s16;
	s16 =	spop (v2sf);
	s29 =	sshra.s32 s23, $0x1F  }
0x540: {  	(v2sf) =	vpush v5, $0x5;
	[smem:$0x56B] =	sst s20;
	s20 =	smul.u32 $0xC22E4507, s29  }
0x541: {  	v6 =	vld [tilespmem:s25+$0x40];
	[smem:$0x569] =	sst s23;
	s23 =	spop (v2sf);
	s22 =	sshra.s32 s16, $0x1F  }
0x542: {  	(v2sf) =	vpush v5, $0x6;
	[smem:$0x56C] =	sst s20;
	s20 =	smul.u32 $0xC22E4507, s22  }
0x543: {  	[smem:$0x56A] =	sst s16;
	s16 =	spop (v2sf);
	s29 =	sshra.s32 s23, $0x1F  }
0x544: {  	(v2sf) =	vpush v5, $0x7;
	[smem:$0x56E] =	sst s20;
	s20 =	smul.u32 $0xC22E4507, s29  }
0x545: {  	[smem:$0x56D] =	sst s23;
	s23 =	spop (v2sf);
	s22 =	sshra.s32 s16, $0x1F  }
0x546: {  	(v2sf) =	vpush v6, $0xD;
	[smem:$0x571] =	sst s20;
	s20 =	smul.u32 $0xC22E4507, s22  }
0x547: {  	[smem:$0x56F] =	sst s16;
	s16 =	spop (v2sf);
	s29 =	sshra.s32 s23, $0x1F  }
0x548: {  	(v2sf) =	vpush v6, $0xC;
	[smem:$0x572] =	sst s20;
	s20 =	smul.u32 $0xC22E4507, s29  }
0x549: {  	[smem:$0x570] =	sst s23;
	s23 =	spop (v2sf);
	s22 =	sshra.s32 s16, $0x1F  }
0x54a: {  	(v2sf) =	vpush v6, $0xE;
	[smem:$0x574] =	sst s20;
	s20 =	smul.u32 $0xC22E4507, s22  }
0x54b: {  	[smem:$0x573] =	sst s16;
	s16 =	spop (v2sf);
	s29 =	sshra.s32 s23, $0x1F  }
0x54c: {  	(v2sf) =	vpush v6, $0xF;
	[smem:$0x577] =	sst s20;
	s20 =	smul.u32 $0xC22E4507, s29  }
0x54d: {  	[smem:$0x575] =	sst s23;
	s23 =	sshra.s32 s16, $0x1F;
	s29 =	spop (v2sf)  }
0x54e: {  	(v2sf) =	vpush v6, $0x9;
	[smem:$0x578] =	sst s20;
	s20 =	smul.u32 $0xC22E4507, s23  }
0x54f: {  	[smem:$0x576] =	sst s16;
	s22 =	spop (v2sf);
	s16 =	sshra.s32 s29, $0x1F  }
0x550: {  	(v2sf) =	vpush v6, $0x8;
	[smem:$0x579] =	sst s20;
	s20 =	smul.u32 $0xC22E4507, s16  }
0x551: {  	[smem:$0x57A] =	sst s22;
	s23 =	spop (v2sf);
	s22 =	sshra.s32 s22, $0x1F  }
0x552: {  	(v2sf) =	vpush v6, $0xA;
	[smem:$0x57C] =	sst s20;
	s20 =	smul.u32 $0xC22E4507, s22  }
0x553: {  	[smem:$0x57B] =	sst s23;
	s23 =	sshra.s32 s23, $0x1F;
	s16 =	spop (v2sf)  }
0x554: {  	(v2sf) =	vpush v6, $0xB;
	[smem:$0x57D] =	sst s20;
	s20 =	smul.u32 $0xC22E4507, s23  }
0x555: {  	[smem:$0x57E] =	sst s16;
	s22 =	spop (v2sf);
	s23 =	sshra.s32 s16, $0x1F  }
0x556: {  	(v2sf) =	vpush v6, $0x1;
	[smem:$0x57F] =	sst s20;
	s20 =	smul.u32 $0xC22E4507, s23  }
0x557: {  	[smem:$0x580] =	sst s22;
	s22 =	sshra.s32 s22, $0x1F;
	s16 =	spop (v2sf)  }
0x558: {  	(v2sf) =	vpush v6, $0x0;
	[smem:$0x582] =	sst s20;
	s20 =	smul.u32 $0xC22E4507, s22  }
0x559: {  	[smem:$0x581] =	sst s16;
	s16 =	sshra.s32 s16, $0x1F;
	s22 =	spop (v2sf)  }
0x55a: {  	[smem:$0x583] =	sst s20;
	s20 =	smul.u32 $0xC22E4507, s16  }
0x55b: {  	(v2sf) =	vpush v6, $0x2;
	[smem:$0x584] =	sst s22;
	s22 =	sshra.s32 s22, $0x1F;
	s23 =	spop (v2sf)  }
0x55c: {  	[smem:$0x585] =	sst s20;
	s20 =	smul.u32 $0xC22E4507, s22  }
0x55d: {  	(v2sf) =	vpush v6, $0x3;
	[smem:$0x586] =	sst s23;
	s16 =	spop (v2sf);
	s22 =	sshra.s32 s23, $0x1F  }
0x55e: {  	[smem:$0x588] =	sst s20;
	s20 =	smul.u32 $0xC22E4507, s22  }
0x55f: {  	[smem:$0x587] =	sst s16;
	s23 =	sshra.s32 s16, $0x1F;
	s16 =	spop (v2sf)  }
0x560: {  	(v2sf) =	vpush v6, $0x4;
	[smem:$0x589] =	sst s20;
	s20 =	smul.u32 $0xC22E4507, s23  }
0x561: {  	[smem:$0x58A] =	sst s16;
	s23 =	sshra.s32 s16, $0x1F;
	s16 =	spop (v2sf)  }
0x562: {  	[smem:$0x58B] =	sst s20;
	s20 =	smul.u32 $0xC22E4507, s23  }
0x563: {  	[smem:$0x58C] =	sst s16;
	s23 =	sshra.s32 s16, $0x1F;
	s16 =	spop (v2sf)  }
0x564: {  	[smem:$0x58E] =	sst s20;
	s20 =	smul.u32 $0xC22E4507, s23  }
0x565: {  	[smem:$0x58D] =	sst s16;
	s23 =	sshra.s32 s16, $0x1F;
	s16 =	spop (v2sf)  }
0x566: {  	[smem:$0x58F] =	sst s20;
	s20 =	smul.u32 $0xC22E4507, s23  }
0x567: {  	[smem:$0x590] =	sst s16;
	s23 =	sshra.s32 s16, $0x1F;
	s16 =	spop (v2sf)  }
0x568: {  	(v2sf) =	vpush v6, $0x5;
	[smem:$0x591] =	sst s20;
	s20 =	smul.u32 $0xC22E4507, s23  }
0x569: {  	(v2sf) =	vpush v6, $0x6;
	[smem:$0x592] =	sst s16  }
0x56a: {  	s23 =	sshra.s32 s16, $0x1F;
	s16 =	spop (v2sf);
	[smem:$0x594] =	sst s20  }
0x56b: {  	[smem:$0x593] =	sst s16  }
0x56c: {  	s20 =	smul.u32 $0xC22E4507, s23;
	s23 =	sshra.s32 s16, $0x1F;
	s16 =	spop (v2sf)  }
0x56d: {  	[smem:$0x596] =	sst s16  }
0x56e: {  	[smem:$0x595] =	sst s20;
	s20 =	smul.u32 $0xC22E4507, s23  }
0x56f: {  	s22 =	sshra.s32 s16, $0x1F;
	s16 =	spop (v2sf);
	s23 =	smulhi.u32 $0xC22E4507, s0  }
0x570: {  	[smem:$0x598] =	sst s16  }
0x571: {  	s0 =	ssub.s32 s23, s0;
	s23 =	sshra.s32 s16, $0x1F;
	s16 =	sld [smem:$0x51B]  }
0x572: {  	[smem:$0x597] =	sst s20;
	s20 =	smul.u32 $0xC22E4507, s22  }
0x573: {  	s22 =	smulhi.u32 $0xC22E4507, s3  }
0x574: {  	[smem:$0x59A] =	sst s20;
	s20 =	smulhi.u32 $0xC22E4507, s1;
	s0 =	sadd.s32 s16, s0  }
0x575: {  	s16 =	ssub.s32 s22, s3;
	s22 =	smul.u32 $0xC22E4507, s23;
	s23 =	sld [smem:$0x51C]  }
0x576: {  	[smem:$0x5A5] =	sst s0  }
0x577: {  	s3 =	ssub.s32 s20, s1;
	s20 =	sld [smem:$0x51D]  }
0x578: {  	[smem:$0x59B] =	sst s22;
	s22 =	spop (v2sf)  }
0x579: {  	s0 =	sadd.s32 s23, s16;
	[smem:$0x599] =	sst s22  }
0x57a: {  	s16 =	smulhi.u32 $0xC22E4507, s4;
	s23 =	sshra.s32 s22, $0x1F;
	[smem:$0x5A2] =	sst s0  }
0x57b: {  	s0 =	sadd.s32 s20, s3;
	s22 =	smul.u32 $0xC22E4507, s23;
	s23 =	sld [smem:$0x51F]  }
0x57c: {  	[dreg:$0x18] =	wrdreg s0  }
0x57d: {  	s20 =	spop (v2sf);
	s1 =	ssub.s32 s16, s4;
	s16 =	sld [smem:$0x51E]  }
0x57e: {  	s3 =	smulhi.u32 $0xC22E4507, s2;
	[smem:$0x59C] =	sst s20  }
0x57f: {  	(v2sf) =	vpush v6, $0x7;
	s0 =	smulhi.u32 $0xC22E4507, s8;
	[smem:$0x59D] =	sst s22  }
0x580: {  	s3 =	ssub.s32 s3, s2;
	s2 =	sld [smem:$0x53A]  }
0x581: {  	v7 =	vld [tilespmem:s25+$0x50];
	s0 =	ssub.s32 s0, s8;
	s8 =	sld [smem:$0x520]  }
0x582: {  	s1 =	sadd.s32 s16, s1;
	s0 =	sadd.s32 s23, s0;
	s23 =	sld [smem:$0x521]  }
0x583: {  	s4 =	smulhi.u32 $0xC22E4507, s5;
	[dreg:$0x1c] =	wrdreg s1  }
0x584: {  	s22 =	smulhi.u32 $0xC22E4507, s6;
	[smem:$0x5A9] =	sst s0  }
0x585: {  	s16 =	smulhi.u32 $0xC22E4507, s13;
	s0 =	sadd.s32 s8, s3;
	s8 =	sld [smem:$0x522]  }
0x586: {  	(v2sf) =	vpush v7, $0xD;
	s1 =	ssub.s32 s4, s5;
	s3 =	sshra.s32 s20, $0x1F;
	s20 =	sld [smem:$0x523]  }
0x587: {  	[smem:$0x5A7] =	sst s0;
	s1 =	sadd.s32 s23, s1;
	s0 =	ssub.s32 s16, s13  }
0x588: {  	s5 =	smul.u32 $0xC22E4507, s3;
	s13 =	ssub.s32 s22, s6;
	s6 =	sld [smem:$0x524]  }
0x589: {  	s16 =	smulhi.u32 $0xC22E4507, s11;
	[smem:$0x5AC] =	sst s1  }
0x58a: {  	[smem:$0x59E] =	sst s5  }
0x58b: {  	(v2sf) =	vpush v7, $0xC;
	s0 =	sadd.s32 s8, s0;
	s1 =	ssub.s32 s16, s11;
	s11 =	sld [smem:$0x525]  }
0x58c: {  	s22 =	smulhi.u32 $0xC22E4507, s15;
	[smem:$0x5AF] =	sst s0  }
0x58d: {  	s0 =	sadd.s32 s20, s13;
	s1 =	sadd.s32 s6, s1;
	s6 =	sld [smem:$0x527]  }
0x58e: {  	s20 =	spop (v2sf);
	[smem:$0x5A8] =	sst s0  }
0x58f: {  	s13 =	smulhi.u32 $0xC22E4507, s17;
	[smem:$0x5A3] =	sst s1  }
0x590: {  	s0 =	ssub.s32 s22, s15;
	s15 =	sld [smem:$0x526];
	s22 =	smulhi.u32 $0xC22E4507, s7  }
0x591: {  	(v2sf) =	vpush v7, $0xE;
	s0 =	sadd.s32 s11, s0;
	s1 =	ssub.s32 s13, s17;
	s13 =	sld [smem:$0x529]  }
0x592: {  	s23 =	smulhi.u32 $0xC22E4507, s12;
	s5 =	sshra.s32 s20, $0x1F;
	[smem:$0x5AA] =	sst s0  }
0x593: {  	s8 =	smul.u32 $0xC22E4507, s5;
	s11 =	ssub.s32 s22, s7;
	s22 =	sld [smem:$0x52A]  }
0x594: {  	s12 =	ssub.s32 s23, s12;
	s16 =	smulhi.u32 $0xC22E4507, s9;
	s7 =	sld [smem:$0x52B]  }
0x595: {  	s3 =	spop (v2sf);
	s1 =	sadd.s32 s6, s1;
	[smem:$0x59F] =	sst s8  }
0x596: {  	s23 =	sshra.s32 s3, $0x1F;
	s0 =	sadd.s32 s15, s12;
	[smem:$0x5B0] =	sst s1  }
0x597: {  	s8 =	smul.u32 $0xC22E4507, s23;
	[smem:$0x5AD] =	sst s0  }
0x598: {  	s12 =	smulhi.u32 $0xC22E4507, s10;
	s0 =	ssub.s32 s16, s9;
	s9 =	sld [smem:$0x528]  }
0x599: {  	s16 =	smulhi.u32 $0xC22E4507, s14;
	[smem:$0x5A0] =	sst s8  }
0x59a: {  	s23 =	spop (v2sf);
	s1 =	ssub.s32 s12, s10;
	s10 =	sld [smem:$0x52C]  }
0x59b: {  	s17 =	sshra.s32 s23, $0x1F;
	s8 =	ssub.s32 s16, s14;
	s14 =	sld [smem:$0x52D]  }
0x59c: {  	s6 =	smul.u32 $0xC22E4507, s17;
	s1 =	sadd.s32 s22, s1;
	s16 =	sld [smem:$0x52E]  }
0x59d: {  	[smem:$0x5B8] =	sst s1  }
0x59e: {  	s15 =	smulhi.u32 $0xC22E4507, s18;
	s0 =	sadd.s32 s9, s0;
	[smem:$0x5A1] =	sst s6  }
0x59f: {  	(v2sf) =	vpush v7, $0xF;
	s9 =	smulhi.u32 $0xC22E4507, s19;
	[smem:$0x5B3] =	sst s0;
	s0 =	sadd.s32 s13, s11  }
0x5a0: {  	s4 =	spop (v2sf);
	[smem:$0x5B4] =	sst s0  }
0x5a1: {  	s13 =	sshra.s32 s4, $0x1F;
	s1 =	ssub.s32 s9, s19;
	s19 =	sld [smem:$0x52F]  }
0x5a2: {  	s0 =	ssub.s32 s15, s18;
	s15 =	smul.u32 $0xC22E4507, s13;
	s13 =	sld [smem:$0x534]  }
0x5a3: {  	s0 =	sadd.s32 s7, s0;
	s7 =	sld [smem:$0x531]  }
0x5a4: {  	s1 =	sadd.s32 s14, s1;
	[smem:$0x5B9] =	sst s0  }
0x5a5: {  	s18 =	smulhi.u32 $0xC22E4507, s26;
	[smem:$0x5BC] =	sst s1  }
0x5a6: {  	[smem:$0x5A4] =	sst s15  }
0x5a7: {  	s1 =	ssub.s32 s18, s26;
	s26 =	sld [smem:$0x530]  }
0x5a8: {  	s22 =	smulhi.u32 $0xC22E4507, s28;
	s0 =	sadd.s32 s10, s8;
	s10 =	sld [smem:$0x532]  }
0x5a9: {  	(v2sf) =	vpush v7, $0x9;
	s18 =	sld [smem:$0x536]  }
0x5aa: {  	s8 =	ssub.s32 s22, s28;
	s22 =	sld [smem:$0x537]  }
0x5ab: {  	s11 =	smulhi.u32 $0xC22E4507, s24;
	s28 =	sld [smem:$0x539]  }
0x5ac: {  	[smem:$0x5B5] =	sst s0  }
0x5ad: {  	s12 =	smulhi.u32 $0xC22E4507, s21;
	s0 =	ssub.s32 s11, s24;
	s11 =	sld [smem:$0x533]  }
0x5ae: {  	s5 =	spop (v2sf);
	s0 =	sadd.s32 s16, s0;
	s16 =	sld [smem:$0x535]  }
0x5af: {  	s17 =	ssub.s32 s12, s21;
	s14 =	smulhi.u32 $0xC22E4507, s13;
	[smem:$0x5C2] =	sst s0  }
0x5b0: {  	(v2sf) =	vpush v7, $0x8;
	s24 =	sshra.s32 s5, $0x1F;
	s1 =	sadd.s32 s26, s1;
	s26 =	sld [smem:$0x538]  }
0x5b1: {  	s0 =	sadd.s32 s19, s17;
	s19 =	ssub.s32 s14, s13;
	s14 =	sld [smem:$0x53C]  }
0x5b2: {  	s6 =	smul.u32 $0xC22E4507, s24;
	[smem:$0x5C0] =	sst s0  }
0x5b3: {  	s9 =	smulhi.u32 $0xC22E4507, s31;
	[smem:$0x5BD] =	sst s1  }
0x5b4: {  	s21 =	smulhi.u32 $0xC22E4507, s30;
	[smem:$0x5A6] =	sst s6  }
0x5b5: {  	s1 =	ssub.s32 s9, s31;
	s9 =	sld [smem:$0x555]  }
0x5b6: {  	s0 =	ssub.s32 s21, s30;
	s1 =	sadd.s32 s16, s1;
	s16 =	sld [smem:$0x53D]  }
0x5b7: {  	s24 =	smulhi.u32 $0xC22E4507, s22;
	s0 =	sadd.s32 s7, s0;
	s7 =	sld [smem:$0x554]  }
0x5b8: {  	(v2sf) =	vpush v7, $0xA;
	s21 =	spop (v2sf);
	[smem:$0x5C3] =	sst s0  }
0x5b9: {  	s12 =	smulhi.u32 $0xC22E4507, s11;
	s15 =	sshra.s32 s21, $0x1F;
	[smem:$0x5B6] =	sst s1  }
0x5ba: {  	s0 =	sadd.s32 s10, s8;
	s1 =	ssub.s32 s24, s22;
	s24 =	sld [smem:$0x540]  }
0x5bb: {  	s17 =	smul.u32 $0xC22E4507, s15;
	[smem:$0x5C6] =	sst s0  }
0x5bc: {  	s0 =	ssub.s32 s12, s11;
	s12 =	sld [smem:$0x53B]  }
0x5bd: {  	s10 =	smulhi.u32 $0xC22E4507, s2;
	[smem:$0x5AB] =	sst s17  }
0x5be: {  	s0 =	sadd.s32 s18, s0;
	s18 =	sld [smem:$0x53E]  }
0x5bf: {  	s30 =	spop (v2sf);
	s15 =	ssub.s32 s10, s2;
	s10 =	sld [smem:$0x541]  }
0x5c0: {  	s11 =	sshra.s32 s30, $0x1F;
	[smem:$0x5B1] =	sst s0  }
0x5c1: {  	s13 =	smul.u32 $0xC22E4507, s11;
	s0 =	sadd.s32 s26, s19;
	s19 =	sld [smem:$0x53F]  }
0x5c2: {  	[smem:$0x5BA] =	sst s0  }
0x5c3: {  	s31 =	smulhi.u32 $0xC22E4507, s28;
	[smem:$0x5AE] =	sst s13  }
0x5c4: {  	(v2sf) =	vpush v7, $0xB;
	s1 =	sadd.s32 s12, s1;
	s12 =	sld [smem:$0x542]  }
0x5c5: {  	s17 =	smulhi.u32 $0xC22E4507, s16;
	s0 =	ssub.s32 s31, s28;
	[smem:$0x5BE] =	sst s1  }
0x5c6: {  	s0 =	sadd.s32 s14, s0;
	s14 =	sld [smem:$0x543]  }
0x5c7: {  	s26 =	spop (v2sf);
	s1 =	ssub.s32 s17, s16;
	s16 =	sld [smem:$0x544]  }
0x5c8: {  	s31 =	sshra.s32 s26, $0x1F;
	s17 =	sld [smem:$0x545]  }
0x5c9: {  	s11 =	smul.u32 $0xC22E4507, s31;
	s31 =	sld [smem:$0x547]  }
0x5ca: {  	(v2sf) =	vpush v7, $0x1;
	[smem:$0x5C1] =	sst s0;
	s0 =	sadd.s32 s18, s15  }
0x5cb: {  	s1 =	sadd.s32 s10, s1;
	[smem:$0x5C4] =	sst s0  }
0x5cc: {  	s22 =	smulhi.u32 $0xC22E4507, s19;
	[smem:$0x5C7] =	sst s1  }
0x5cd: {  	[smem:$0x5B2] =	sst s11  }
0x5ce: {  	s28 =	smulhi.u32 $0xC22E4507, s24;
	s11 =	sld [smem:$0x548];
	s0 =	ssub.s32 s22, s19  }
0x5cf: {  	s22 =	sld [smem:$0x546];
	s0 =	sadd.s32 s12, s0  }
0x5d0: {  	s13 =	ssub.s32 s28, s24;
	s15 =	smulhi.u32 $0xC22E4507, s14;
	[smem:$0x5CA] =	sst s0  }
0x5d1: {  	s0 =	sadd.s32 s16, s13;
	s13 =	sld [smem:$0x549]  }
0x5d2: {  	s1 =	ssub.s32 s15, s14;
	s15 =	sld [smem:$0x54A]  }
0x5d3: {  	s19 =	spop (v2sf);
	s16 =	sld [smem:$0x54B]  }
0x5d4: {  	s18 =	smulhi.u32 $0xC22E4507, s17;
	s28 =	sshra.s32 s19, $0x1F;
	[smem:$0x5CF] =	sst s0  }
0x5d5: {  	s10 =	smul.u32 $0xC22E4507, s28;
	s1 =	sadd.s32 s31, s1;
	s31 =	sld [smem:$0x54D]  }
0x5d6: {  	(v2sf) =	vpush v7, $0x0;
	[smem:$0x5CB] =	sst s1  }
0x5d7: {  	s0 =	ssub.s32 s18, s17;
	[smem:$0x5B7] =	sst s10  }
0x5d8: {  	s24 =	smulhi.u32 $0xC22E4507, s22;
	s0 =	sadd.s32 s11, s0;
	s10 =	sld [smem:$0x54E]  }
0x5d9: {  	s18 =	spop (v2sf);
	[smem:$0x5D3] =	sst s0  }
0x5da: {  	s28 =	sshra.s32 s18, $0x1F;
	s12 =	ssub.s32 s24, s22;
	s22 =	sld [smem:$0x54C]  }
0x5db: {  	s8 =	smul.u32 $0xC22E4507, s28;
	s28 =	sld [smem:$0x553]  }
0x5dc: {  	s0 =	sadd.s32 s15, s12;
	s12 =	sld [smem:$0x54F]  }
0x5dd: {  	s14 =	smulhi.u32 $0xC22E4507, s13;
	s15 =	sld [smem:$0x551]  }
0x5de: {  	s17 =	smulhi.u32 $0xC22E4507, s16;
	[smem:$0x5D7] =	sst s0  }
0x5df: {  	(v2sf) =	vpush v7, $0x2;
	[smem:$0x5BB] =	sst s8  }
0x5e0: {  	s1 =	ssub.s32 s14, s13;
	s0 =	ssub.s32 s17, s16;
	s14 =	sld [smem:$0x550]  }
0x5e1: {  	s17 =	sld [smem:$0x552];
	s24 =	smulhi.u32 $0xC22E4507, s22;
	s1 =	sadd.s32 s31, s1  }
0x5e2: {  	s0 =	sadd.s32 s10, s0;
	[smem:$0x5D0] =	sst s1  }
0x5e3: {  	[smem:$0x5CD] =	sst s0;
	s13 =	smulhi.u32 $0xC22E4507, s12;
	s11 =	ssub.s32 s24, s22  }
0x5e4: {  	s0 =	sadd.s32 s14, s11;
	s11 =	sld [smem:$0x556]  }
0x5e5: {  	s31 =	spop (v2sf);
	s1 =	ssub.s32 s13, s12;
	s12 =	sld [smem:$0x557]  }
0x5e6: {  	s22 =	smulhi.u32 $0xC22E4507, s17;
	s14 =	sld [smem:$0x558]  }
0x5e7: {  	s16 =	smulhi.u32 $0xC22E4507, s15;
	[smem:$0x5D4] =	sst s0  }
0x5e8: {  	(v2sf) =	vpush v7, $0x3;
	s24 =	sshra.s32 s31, $0x1F;
	s8 =	ssub.s32 s22, s17;
	s22 =	sld [smem:$0x559]  }
0x5e9: {  	s6 =	smul.u32 $0xC22E4507, s24;
	s1 =	sadd.s32 s28, s1;
	s28 =	sld [smem:$0x55A]  }
0x5ea: {  	[smem:$0x5D8] =	sst s1  }
0x5eb: {  	s10 =	smulhi.u32 $0xC22E4507, s9;
	s0 =	ssub.s32 s16, s15;
	[smem:$0x5BF] =	sst s6  }
0x5ec: {  	s0 =	sadd.s32 s7, s0;
	s7 =	sld [smem:$0x55B]  }
0x5ed: {  	s1 =	ssub.s32 s10, s9;
	s9 =	sld [smem:$0x55C]  }
0x5ee: {  	s17 =	spop (v2sf);
	s10 =	sld [smem:$0x55D]  }
0x5ef: {  	s16 =	sshra.s32 s17, $0x1F;
	[smem:$0x5CE] =	sst s0  }
0x5f0: {  	(v2sf) =	vpush v7, $0x4;
	s0 =	sadd.s32 s11, s8;
	s24 =	smul.u32 $0xC22E4507, s16;
	s16 =	sld [smem:$0x55F]  }
0x5f1: {  	[smem:$0x5C8] =	sst s0;
	s1 =	sadd.s32 s22, s1  }
0x5f2: {  	s13 =	smulhi.u32 $0xC22E4507, s12;
	[smem:$0x5D1] =	sst s1  }
0x5f3: {  	[smem:$0x5C5] =	sst s24  }
0x5f4: {  	s15 =	smulhi.u32 $0xC22E4507, s14;
	s0 =	ssub.s32 s13, s12;
	s12 =	sld [smem:$0x55E]  }
0x5f5: {  	s8 =	smulhi.u32 $0xC22E4507, s7;
	s24 =	sld [smem:$0x560];
	s0 =	sadd.s32 s28, s0  }
0x5f6: {  	s6 =	ssub.s32 s15, s14;
	s11 =	smulhi.u32 $0xC22E4507, s10;
	[smem:$0x5D5] =	sst s0  }
0x5f7: {  	s15 =	spop (v2sf);
	s1 =	ssub.s32 s8, s7;
	s8 =	sld [smem:$0x562]  }
0x5f8: {  	s14 =	sshra.s32 s15, $0x1F;
	s0 =	sadd.s32 s9, s6;
	s9 =	sld [smem:$0x563]  }
0x5f9: {  	s22 =	smul.u32 $0xC22E4507, s14;
	s14 =	sld [smem:$0x565]  }
0x5fa: {  	[smem:$0x5D9] =	sst s0  }
0x5fb: {  	s1 =	sadd.s32 s16, s1;
	s0 =	ssub.s32 s11, s10;
	s11 =	sld [smem:$0x564]  }
0x5fc: {  	(v2sf) =	vpush v7, $0x5;
	[smem:$0x5DB] =	sst s1  }
0x5fd: {  	[smem:$0x5C9] =	sst s22  }
0x5fe: {  	s13 =	smulhi.u32 $0xC22E4507, s12;
	s1 =	sld [smem:$0x561]  }
0x5ff: {  	s0 =	sadd.s32 s24, s0;
	s22 =	spop (v2sf);
	s24 =	sld [smem:$0x566]  }
0x600: {  	[smem:$0x5DD] =	sst s0;
	s28 =	ssub.s32 s13, s12;
	s10 =	smulhi.u32 $0xC22E4507, s9  }
0x601: {  	s13 =	sshra.s32 s22, $0x1F;
	s0 =	sadd.s32 s8, s28;
	s8 =	sld [smem:$0x568]  }
0x602: {  	s16 =	smul.u32 $0xC22E4507, s13;
	[smem:$0x5E0] =	sst s0  }
0x603: {  	s12 =	smulhi.u32 $0xC22E4507, s11;
	s0 =	ssub.s32 s10, s9;
	s9 =	sld [smem:$0x569]  }
0x604: {  	[smem:$0x5CC] =	sst s16  }
0x605: {  	s28 =	ssub.s32 s12, s11;
	s11 =	sld [smem:$0x56A]  }
0x606: {  	s7 =	smulhi.u32 $0xC22E4507, s1;
	s0 =	sadd.s32 s24, s0;
	s16 =	sld [smem:$0x56B]  }
0x607: {  	[smem:$0x5DE] =	sst s0  }
0x608: {  	s1 =	ssub.s32 s7, s1;
	s0 =	sadd.s32 s8, s28;
	s28 =	sld [smem:$0x56C]  }
0x609: {  	(v2sf) =	vpush v7, $0x6;
	s1 =	sadd.s32 s14, s1;
	[smem:$0x5E4] =	sst s0  }
0x60a: {  	s10 =	smulhi.u32 $0xC22E4507, s9;
	[smem:$0x5E1] =	sst s1  }
0x60b: {  	s14 =	spop (v2sf);
	s1 =	sld [smem:$0x567]  }
0x60c: {  	s12 =	smulhi.u32 $0xC22E4507, s11;
	s0 =	ssub.s32 s10, s9;
	s9 =	sld [smem:$0x56E]  }
0x60d: {  	s13 =	sshra.s32 s14, $0x1F;
	s10 =	sld [smem:$0x56F]  }
0x60e: {  	(v2sf) =	vpush v7, $0x7;
	s24 =	smul.u32 $0xC22E4507, s13;
	s6 =	ssub.s32 s12, s11;
	s12 =	sld [smem:$0x570]  }
0x60f: {  	s0 =	sadd.s32 s28, s0;
	s28 =	sld [smem:$0x571]  }
0x610: {  	[smem:$0x5D2] =	sst s24  }
0x611: {  	[smem:$0x5E8] =	sst s0  }
0x612: {  	s7 =	smulhi.u32 $0xC22E4507, s1;
	s0 =	sadd.s32 s9, s6;
	s6 =	sld [smem:$0x576]  }
0x613: {  	s9 =	sld [smem:$0x57A]  }
0x614: {  	v8 =	vld [tilespmem:s25+$0x60];
	s11 =	smulhi.u32 $0xC22E4507, s10;
	s1 =	ssub.s32 s7, s1;
	s7 =	sld [smem:$0x56D]  }
0x615: {  	[smem:$0x5E5] =	sst s0;
	s1 =	sadd.s32 s16, s1  }
0x616: {  	s16 =	smulhi.u32 $0xC22E4507, s12;
	s0 =	ssub.s32 s11, s10;
	s11 =	sld [smem:$0x573]  }
0x617: {  	[smem:$0x5EA] =	sst s1;
	s8 =	smulhi.u32 $0xC22E4507, s7  }
0x618: {  	s13 =	spop (v2sf);
	s10 =	ssub.s32 s16, s12;
	s16 =	sld [smem:$0x574]  }
0x619: {  	(v2sf) =	vpush v8, $0xD;
	s24 =	sshra.s32 s13, $0x1F;
	s1 =	ssub.s32 s8, s7;
	s8 =	sld [smem:$0x572]  }
0x61a: {  	s7 =	smul.u32 $0xC22E4507, s24;
	s24 =	sld [smem:$0x575];
	s1 =	sadd.s32 s28, s1  }
0x61b: {  	[smem:$0x5EB] =	sst s1  }
0x61c: {  	s12 =	smulhi.u32 $0xC22E4507, s11;
	[smem:$0x5D6] =	sst s7  }
0x61d: {  	s2 =	spop (v2sf);
	s0 =	sadd.s32 s8, s0;
	s8 =	sld [smem:$0x579]  }
0x61e: {  	s1 =	ssub.s32 s12, s11;
	s28 =	smulhi.u32 $0xC22E4507, s24;
	[smem:$0x5F1] =	sst s0  }
0x61f: {  	s12 =	sshra.s32 s2, $0x1F;
	s0 =	sadd.s32 s16, s10;
	s16 =	sld [smem:$0x577]  }
0x620: {  	[smem:$0x5E2] =	sst s0;
	s0 =	ssub.s32 s28, s24;
	s24 =	smul.u32 $0xC22E4507, s12  }
0x621: {  	s28 =	sld [smem:$0x578]  }
0x622: {  	[smem:$0x5DA] =	sst s24  }
0x623: {  	s7 =	smulhi.u32 $0xC22E4507, s29;
	s1 =	sadd.s32 s16, s1;
	s16 =	sld [smem:$0x57B]  }
0x624: {  	(v2sf) =	vpush v8, $0xC;
	[smem:$0x5DC] =	sst s1  }
0x625: {  	s11 =	smulhi.u32 $0xC22E4507, s6;
	s1 =	ssub.s32 s7, s29;
	s29 =	sld [smem:$0x57C]  }
0x626: {  	s0 =	sadd.s32 s28, s0;
	s7 =	sld [smem:$0x587]  }
0x627: {  	s6 =	ssub.s32 s11, s6;
	s11 =	smulhi.u32 $0xC22E4507, s9;
	[smem:$0x5E6] =	sst s0  }
0x628: {  	s12 =	spop (v2sf);
	s0 =	sadd.s32 s8, s6;
	s6 =	sld [smem:$0x580]  }
0x629: {  	s28 =	sshra.s32 s12, $0x1F;
	[smem:$0x5E9] =	sst s0  }
0x62a: {  	s10 =	smul.u32 $0xC22E4507, s28;
	s0 =	ssub.s32 s11, s9;
	s11 =	sld [smem:$0x57D]  }
0x62b: {  	s9 =	sld [smem:$0x583]  }
0x62c: {  	[smem:$0x5DF] =	sst s10  }
0x62d: {  	(v2sf) =	vpush v8, $0xE;
	s24 =	smulhi.u32 $0xC22E4507, s16;
	s1 =	sadd.s32 s29, s1;
	s29 =	sld [smem:$0x57F]  }
0x62e: {  	[smem:$0x5EC] =	sst s1  }
0x62f: {  	s16 =	ssub.s32 s24, s16;
	s24 =	sld [smem:$0x57E]  }
0x630: {  	s10 =	smulhi.u32 $0xC22E4507, s6;
	s0 =	sadd.s32 s11, s0;
	s11 =	sld [smem:$0x581]  }
0x631: {  	[smem:$0x5EE] =	sst s0;
	s0 =	sadd.s32 s29, s16  }
0x632: {  	s28 =	smulhi.u32 $0xC22E4507, s24;
	[smem:$0x5F2] =	sst s0;
	s0 =	ssub.s32 s10, s6  }
0x633: {  	s29 =	spop (v2sf);
	s16 =	smulhi.u32 $0xC22E4507, s11;
	s0 =	sadd.s32 s9, s0  }
0x634: {  	s9 =	sld [smem:$0x589];
	s1 =	ssub.s32 s28, s24;
	s24 =	sshra.s32 s29, $0x1F  }
0x635: {  	s28 =	sld [smem:$0x582];
	s8 =	smul.u32 $0xC22E4507, s24  }
0x636: {  	s11 =	ssub.s32 s16, s11;
	s16 =	sld [smem:$0x584]  }
0x637: {  	(v2sf) =	vpush v8, $0xF;
	[smem:$0x5E3] =	sst s8  }
0x638: {  	s1 =	sadd.s32 s28, s1;
	s28 =	sld [smem:$0x585]  }
0x639: {  	s8 =	sld [smem:$0x586]  }
0x63a: {  	[smem:$0x5F7] =	sst s0  }
0x63b: {  	[smem:$0x5F6] =	sst s1;
	s24 =	smulhi.u32 $0xC22E4507, s16  }
0x63c: {  	s1 =	spop (v2sf);
	s0 =	sadd.s32 s28, s11;
	s10 =	smulhi.u32 $0xC22E4507, s8  }
0x63d: {  	s6 =	ssub.s32 s24, s16;
	s16 =	smulhi.u32 $0xC22E4507, s7;
	s28 =	sld [smem:$0x588]  }
0x63e: {  	s24 =	sshra.s32 s1, $0x1F;
	[smem:$0x5F4] =	sst s0  }
0x63f: {  	s0 =	ssub.s32 s10, s8;
	s11 =	ssub.s32 s16, s7;
	s16 =	sld [smem:$0x58A]  }
0x640: {  	s8 =	smul.u32 $0xC22E4507, s24;
	s6 =	sadd.s32 s28, s6;
	s28 =	sld [smem:$0x58B]  }
0x641: {  	[smem:$0x5FD] =	sst s6  }
0x642: {  	s0 =	sadd.s32 s9, s0;
	[smem:$0x5E7] =	sst s8  }
0x643: {  	[smem:$0x602] =	sst s0  }
0x644: {  	(v2sf) =	vpush v8, $0x9;
	s0 =	sadd.s32 s28, s11;
	s28 =	sld [smem:$0x58E]  }
0x645: {  	s24 =	smulhi.u32 $0xC22E4507, s16;
	[smem:$0x5FE] =	sst s0  }
0x646: {  	s8 =	spop (v2sf);
	s0 =	sld [smem:$0x58C]  }
0x647: {  	s6 =	ssub.s32 s24, s16;
	s16 =	sld [smem:$0x58D];
	s24 =	sshra.s32 s8, $0x1F  }
0x648: {  	s11 =	smul.u32 $0xC22E4507, s24  }
0x649: {  	s24 =	sld [smem:$0x58F];
	s6 =	sadd.s32 s28, s6;
	s9 =	smulhi.u32 $0xC22E4507, s0  }
0x64a: {  	s7 =	smulhi.u32 $0xC22E4507, s16;
	[smem:$0x5FA] =	sst s6  }
0x64b: {  	(v2sf) =	vpush v8, $0x8;
	s6 =	sld [smem:$0x590]  }
0x64c: {  	s0 =	ssub.s32 s9, s0;
	s28 =	ssub.s32 s7, s16;
	s16 =	sld [smem:$0x592]  }
0x64d: {  	s0 =	sadd.s32 s24, s0;
	s24 =	sld [smem:$0x591]  }
0x64e: {  	[smem:$0x5ED] =	sst s11  }
0x64f: {  	s10 =	smulhi.u32 $0xC22E4507, s6;
	[smem:$0x600] =	sst s0  }
0x650: {  	s7 =	smulhi.u32 $0xC22E4507, s16;
	s0 =	sadd.s32 s24, s28;
	s28 =	sld [smem:$0x594]  }
0x651: {  	s24 =	sld [smem:$0x593]  }
0x652: {  	s6 =	ssub.s32 s10, s6;
	s16 =	ssub.s32 s7, s16;
	s7 =	sld [smem:$0x595]  }
0x653: {  	s11 =	spop (v2sf);
	[smem:$0x603] =	sst s0;
	s0 =	sadd.s32 s28, s6  }
0x654: {  	s10 =	sshra.s32 s11, $0x1F;
	s9 =	smulhi.u32 $0xC22E4507, s24;
	[smem:$0x5F5] =	sst s0  }
0x655: {  	(v2sf) =	vpush v8, $0xA;
	s28 =	smul.u32 $0xC22E4507, s10;
	s0 =	sadd.s32 s7, s16;
	s16 =	sld [smem:$0x597]  }
0x656: {  	s10 =	ssub.s32 s9, s24;
	s24 =	sld [smem:$0x596]  }
0x657: {  	[smem:$0x5F0] =	sst s28  }
0x658: {  	[smem:$0x5EF] =	sst s0  }
0x659: {  	s0 =	sld [smem:$0x59A];
	s28 =	smulhi.u32 $0xC22E4507, s24  }
0x65a: {  	(v2sf) =	vpush v8, $0xB;
	s6 =	sadd.s32 s16, s10;
	s16 =	sld [smem:$0x598];
	s10 =	spop (v2sf)  }
0x65b: {  	s7 =	ssub.s32 s28, s24;
	s28 =	sld [smem:$0x599];
	s24 =	sshra.s32 s10, $0x1F  }
0x65c: {  	[smem:$0x5F8] =	sst s6;
	s24 =	smul.u32 $0xC22E4507, s24  }
0x65d: {  	s6 =	smulhi.u32 $0xC22E4507, s16;
	s0 =	sadd.s32 s0, s7;
	s7 =	sld [smem:$0x59B]  }
0x65e: {  	s9 =	smulhi.u32 $0xC22E4507, s28;
	[smem:$0x5F3] =	sst s24  }
0x65f: {  	s24 =	sld [smem:$0x59C]  }
0x660: {  	s6 =	ssub.s32 s6, s16;
	s16 =	ssub.s32 s9, s28;
	s9 =	sld [smem:$0x59D]  }
0x661: {  	[smem:$0x5FB] =	sst s0;
	s0 =	sadd.s32 s7, s6;
	s6 =	smulhi.u32 $0xC22E4507, s20  }
0x662: {  	[smem:$0x5FF] =	sst s0;
	s28 =	smulhi.u32 $0xC22E4507, s24  }
0x663: {  	s0 =	sadd.s32 s9, s16;
	s16 =	sld [smem:$0x59E]  }
0x664: {  	s6 =	ssub.s32 s6, s20;
	s9 =	spop (v2sf);
	s7 =	ssub.s32 s28, s24  }
0x665: {  	s24 =	smulhi.u32 $0xC22E4507, s3;
	[smem:$0x601] =	sst s0;
	s28 =	sshra.s32 s9, $0x1F  }
0x666: {  	s20 =	smul.u32 $0xC22E4507, s28;
	s28 =	sld [smem:$0x59F];
	s0 =	sadd.s32 s16, s7  }
0x667: {  	s3 =	ssub.s32 s24, s3;
	s24 =	smulhi.u32 $0xC22E4507, s4;
	[smem:$0x604] =	sst s0  }
0x668: {  	s7 =	smulhi.u32 $0xC22E4507, s23;
	[smem:$0x5F9] =	sst s20  }
0x669: {  	s16 =	spop (v2sf);
	s20 =	sld [smem:$0x5A0]  }
0x66a: {  	s0 =	sadd.s32 s28, s6;
	s6 =	ssub.s32 s7, s23;
	s7 =	sld [smem:$0x5A1]  }
0x66b: {  	s28 =	sshra.s32 s16, $0x1F;
	[smem:$0x607] =	sst s0  }
0x66c: {  	s0 =	sadd.s32 s20, s3;
	s3 =	ssub.s32 s24, s4;
	s24 =	sld [smem:$0x5A2]  }
0x66d: {  	s20 =	smul.u32 $0xC22E4507, s28;
	s28 =	sld [smem:$0x5A3]  }
0x66e: {  	s23 =	smulhi.u32 $0xC22E4507, s5;
	s4 =	sld [smem:$0x5A4]  }
0x66f: {  	[smem:$0x608] =	sst s0  }
0x670: {  	(v2sf) =	vpush v8, $0x1;
	s0 =	sadd.s32 s7, s6;
	s6 =	ssub.s32 s23, s5;
	s23 =	sld [smem:$0x5A5]  }
0x671: {  	s5 =	sld [smem:$0x5A8]  }
0x672: {  	[smem:$0x606] =	sst s0  }
0x673: {  	[smem:$0x5FC] =	sst s20  }
0x674: {  	s7 =	smulhi.u32 $0xC22E4507, s21;
	v9 =	vmov s24;
	s24 =	sld [smem:$0x5A6]  }
0x675: {  	v10 =	vmov s28;
	s28 =	sld [smem:$0x5A7]  }
0x676: {  	s0 =	sadd.s32 s4, s3;
	s4 =	ssub.s32 s7, s21;
	s7 =	rddreg [dreg:$0x18]  }
0x677: {  	s21 =	sld [smem:$0x5AE]  }
0x678: {  	[smem:$0x609] =	sst s0  }
0x679: {  	s3 =	smulhi.u32 $0xC22E4507, s30;
	v9 =	vsel vm0, s23, v9;
	s23 =	sld [smem:$0x5A9]  }
0x67a: {  	v9 =	vsel vm1, s7, v9;
	s7 =	sld [smem:$0x5AD]  }
0x67b: {  	s3 =	ssub.s32 s3, s30;
	s30 =	sld [smem:$0x5B0]  }
0x67c: {  	v10 =	vnsel vm3, $0x0, v10;
	s0 =	sadd.s32 s24, s6;
	s24 =	sld [smem:$0x5AA]  }
0x67d: {  	v10 =	vsel vm0, s5, v10;
	s5 =	smulhi.u32 $0xC22E4507, s26;
	v11 =	vmov s28;
	s28 =	sld [smem:$0x5AB]  }
0x67e: {  	[smem:$0x60B] =	sst s0  }
0x67f: {  	s20 =	spop (v2sf);
	v11 =	vsel vm0, s23, v11;
	s23 =	ssub.s32 s5, s26;
	s5 =	sld [smem:$0x5B1]  }
0x680: {  	s6 =	sshra.s32 s20, $0x1F;
	s0 =	sadd.s32 s28, s4;
	s4 =	rddreg [dreg:$0x1c]  }
0x681: {  	v12 =	vsel vm1, s24, v10;
	s24 =	smul.u32 $0xC22E4507, s6;
	s6 =	sld [smem:$0x5AC]  }
0x682: {  	s28 =	sld [smem:$0x5AF]  }
0x683: {  	(v2sf) =	vpush v8, $0x0;
	s26 =	smulhi.u32 $0xC22E4507, s19;
	[smem:$0x60E] =	sst s0  }
0x684: {  	s0 =	sadd.s32 s21, s3;
	s21 =	sld [smem:$0x5B3]  }
0x685: {  	v43 =	vsel vm2, s4, v9;
	s4 =	ssub.s32 s26, s19;
	s26 =	sld [smem:$0x5B4]  }
0x686: {  	v48 =	vmov s5;
	s5 =	sld [smem:$0x5B7]  }
0x687: {  	v45 =	vsel vm2, s7, v12;
	[smem:$0x60C] =	sst s0  }
0x688: {  	s7 =	smulhi.u32 $0xC22E4507, s18;
	v47 =	vsel vm4, s30, v45;
	s30 =	sld [smem:$0x5B6]  }
0x689: {  	v44 =	vsel vm1, s6, v11;
	s6 =	sld [smem:$0x5B2]  }
0x68a: {  	s3 =	ssub.s32 s7, s18;
	s18 =	sld [smem:$0x5B8]  }
0x68b: {  	v46 =	vsel vm2, s28, v44;
	s28 =	sld [smem:$0x5B5]  }
0x68c: {  	v9 =	vsel vm5, s21, v47;
	s21 =	sld [smem:$0x5B9]  }
0x68d: {  	s19 =	smulhi.u32 $0xC22E4507, s31;
	v9 =	vsel vm6, s26, v9;
	s26 =	sld [smem:$0x5BB];
	s0 =	sadd.s32 s6, s23  }
0x68e: {  	[smem:$0x610] =	sst s0  }
0x68f: {  	v11 =	vnsel vm3, $0x0, v48;
	v13 =	vmov s28;
	s28 =	ssub.s32 s19, s31;
	s31 =	sld [smem:$0x5BC]  }
0x690: {  	v11 =	vsel vm0, s30, v11;
	s30 =	smulhi.u32 $0xC22E4507, s17;
	s0 =	sadd.s32 s5, s4;
	s4 =	sld [smem:$0x5BD]  }
0x691: {  	s5 =	sld [smem:$0x5BE]  }
0x692: {  	s6 =	spop (v2sf);
	s17 =	ssub.s32 s30, s17;
	s30 =	sld [smem:$0x5C2]  }
0x693: {  	s23 =	sshra.s32 s6, $0x1F;
	[smem:$0x611] =	sst s0  }
0x694: {  	(v2sf) =	vpush v8, $0x2;
	s7 =	smul.u32 $0xC22E4507, s23;
	s23 =	sld [smem:$0x5BA]  }
0x695: {  	s19 =	smulhi.u32 $0xC22E4507, s15;
	v49 =	vsel vm0, s21, v13;
	s0 =	sadd.s32 s26, s3;
	s21 =	sld [smem:$0x5C0]  }
0x696: {  	[smem:$0x60A] =	sst s0  }
0x697: {  	s3 =	ssub.s32 s19, s15;
	s15 =	sld [smem:$0x5C6]  }
0x698: {  	s19 =	sld [smem:$0x5C8]  }
0x699: {  	[smem:$0x605] =	sst s7  }
0x69a: {  	s7 =	sld [smem:$0x5BF]  }
0x69b: {  	v14 =	vsel vm7, s18, v9;
	v9 =	vsel vm1, s31, v49;
	s31 =	sld [smem:$0x5C3]  }
0x69c: {  	v50 =	vmov s4;
	s4 =	sld [smem:$0x5C4]  }
0x69d: {  	(v2sf) =	vpush v8, $0x3;
	v11 =	vsel vm1, s23, v11;
	s23 =	sld [smem:$0x5C1]  }
0x69e: {  	v51 =	vsel vm2, s30, v9;
	s30 =	smulhi.u32 $0xC22E4507, s14;
	v11 =	vsel vm2, s5, v11;
	s5 =	sld [smem:$0x5C5]  }
0x69f: {  	v16 =	vmov s19;
	s19 =	sld [smem:$0x5CD]  }
0x6a0: {  	s14 =	ssub.s32 s30, s14;
	s30 =	sld [smem:$0x5D0]  }
0x6a1: {  	v15 =	vsel vm0, s21, v50;
	v11 =	vsel vm4, s23, v11;
	s23 =	sld [smem:$0x5C9]  }
0x6a2: {  	s18 =	smulhi.u32 $0xC22E4507, s22;
	v52 =	vsel vm1, s31, v15;
	s31 =	sadd.s32 s5, s17;
	s17 =	sld [smem:$0x5C7]  }
0x6a3: {  	s28 =	sadd.s32 s7, s28;
	s7 =	spop (v2sf);
	v11 =	vsel vm5, s4, v11;
	s4 =	sld [smem:$0x5CA]  }
0x6a4: {  	s26 =	sshra.s32 s7, $0x1F;
	s5 =	sld [smem:$0x5CB]  }
0x6a5: {  	s21 =	smul.u32 $0xC22E4507, s26;
	s26 =	ssub.s32 s18, s22;
	s22 =	sld [smem:$0x5CE]  }
0x6a6: {  	v15 =	vsel vm2, s15, v52;
	s15 =	smulhi.u32 $0xC22E4507, s2;
	v18 =	vmov s19;
	s19 =	sld [smem:$0x5D3]  }
0x6a7: {  	v18 =	vsel vm0, s30, v18;
	s30 =	sld [smem:$0x5D6]  }
0x6a8: {  	s2 =	ssub.s32 s15, s2;
	s15 =	sld [smem:$0x5D9]  }
0x6a9: {  	s0 =	sadd.s32 s23, s3;
	s3 =	sld [smem:$0x5D1]  }
0x6aa: {  	(v2sf) =	vpush v8, $0x4;
	[smem:$0x60D] =	sst s0  }
0x6ab: {  	v16 =	vnsel vm3, $0x0, v16;
	s18 =	smulhi.u32 $0xC22E4507, s13;
	v53 =	vsel vm6, s17, v11;
	s17 =	sld [smem:$0x5CC]  }
0x6ac: {  	v17 =	vmov s5;
	s5 =	spop (v2sf);
	v16 =	vsel vm0, s22, v16;
	s22 =	sld [smem:$0x5D4]  }
0x6ad: {  	v11 =	vsel vm7, s4, v53;
	s23 =	sshra.s32 s5, $0x1F;
	s4 =	sld [smem:$0x5D2]  }
0x6ae: {  	s13 =	ssub.s32 s18, s13;
	s18 =	smul.u32 $0xC22E4507, s23;
	s23 =	sld [smem:$0x5D5]  }
0x6af: {  	v16 =	vsel vm1, s3, v16;
	s3 =	smulhi.u32 $0xC22E4507, s12;
	s0 =	sadd.s32 s17, s26;
	s26 =	sld [smem:$0x5CF]  }
0x6b0: {  	s17 =	sld [smem:$0x5DA]  }
0x6b1: {  	s12 =	ssub.s32 s3, s12;
	s3 =	sld [smem:$0x5DD]  }
0x6b2: {  	v19 =	vsel vm2, s23, v16;
	s23 =	sadd.s32 s30, s13;
	s30 =	sld [smem:$0x5DC]  }
0x6b3: {  	v17 =	vsel vm0, s26, v17;
	s26 =	sadd.s32 s4, s14;
	s4 =	sld [smem:$0x5D7]  }
0x6b4: {  	s14 =	sld [smem:$0x5D8]  }
0x6b5: {  	v56 =	vsel vm4, s15, v19;
	s15 =	smulhi.u32 $0xC22E4507, s29;
	v17 =	vsel vm1, s19, v17;
	s19 =	sld [smem:$0x5DB]  }
0x6b6: {  	v18 =	vsel vm1, s22, v18;
	s22 =	sadd.s32 s17, s2;
	s17 =	smulhi.u32 $0xC22E4507, s1;
	v57 =	vmov s30;
	s30 =	sld [smem:$0x5E0]  }
0x6b7: {  	s29 =	ssub.s32 s15, s29;
	s15 =	sld [smem:$0x5E4]  }
0x6b8: {  	s1 =	ssub.s32 s17, s1;
	s17 =	sld [smem:$0x5E5]  }
0x6b9: {  	v54 =	vsel vm2, s4, v17;
	v55 =	vsel vm2, s14, v18;
	s4 =	spop (v2sf);
	s14 =	sld [smem:$0x5DE]  }
0x6ba: {  	v18 =	vsel vm5, s19, v56;
	s2 =	sshra.s32 s4, $0x1F;
	s19 =	sld [smem:$0x5DF]  }
0x6bb: {  	s13 =	smul.u32 $0xC22E4507, s2;
	s2 =	sld [smem:$0x5E1]  }
0x6bc: {  	(v2sf) =	vpush v8, $0x5;
	v18 =	vsel vm6, s3, v18;
	s3 =	sld [smem:$0x5E2]  }
0x6bd: {  	v20 =	vmov s14;
	s14 =	sld [smem:$0x5E3]  }
0x6be: {  	v18 =	vsel vm7, s30, v18;
	s30 =	sld [smem:$0x5E7]  }
0x6bf: {  	v20 =	vsel vm0, s2, v20;
	s2 =	sld [smem:$0x5E9]  }
0x6c0: {  	s14 =	sadd.s32 s14, s29;
	s29 =	sld [smem:$0x5E6]  }
0x6c1: {  	v19 =	vnsel vm3, $0x0, v57;
	v21 =	vmov s17;
	v20 =	vsel vm1, s15, v20;
	s17 =	sadd.s32 s30, s1;
	s15 =	smulhi.u32 $0xC22E4507, s11;
	s1 =	sld [smem:$0x5E8]  }
0x6c2: {  	v19 =	vsel vm0, s3, v19;
	s30 =	sld [smem:$0x5EB]  }
0x6c3: {  	s11 =	ssub.s32 s15, s11;
	s15 =	sld [smem:$0x5EE];
	v19 =	vsel vm1, s29, v19  }
0x6c4: {  	s19 =	sadd.s32 s19, s12;
	s12 =	smulhi.u32 $0xC22E4507, s8;
	v21 =	vsel vm0, s1, v21;
	v22 =	vsel vm2, s2, v19;
	s2 =	sld [smem:$0x5EC]  }
0x6c5: {  	v59 =	vsel vm1, s30, v21;
	s30 =	sld [smem:$0x5F0]  }
0x6c6: {  	s8 =	ssub.s32 s12, s8;
	s12 =	sld [smem:$0x5EA]  }
0x6c7: {  	(v2sf) =	vpush v8, $0x6;
	v60 =	vsel vm4, s2, v22  }
0x6c8: {  	v21 =	vsel vm5, s15, v60;
	s15 =	sadd.s32 s30, s11;
	s30 =	sld [smem:$0x5F4]  }
0x6c9: {  	v58 =	vsel vm2, s12, v20;
	s12 =	sld [smem:$0x5ED]  }
0x6ca: {  	s11 =	sld [smem:$0x5F2]  }
0x6cb: {  	s3 =	spop (v2sf);
	v23 =	vmov s30;
	s30 =	sld [smem:$0x5F6]  }
0x6cc: {  	s29 =	sshra.s32 s3, $0x1F  }
0x6cd: {  	s12 =	sadd.s32 s12, s8;
	s8 =	smul.u32 $0xC22E4507, s29;
	s29 =	sld [smem:$0x5EF];
	v21 =	vsel vm6, s11, v21  }
0x6ce: {  	v21 =	vsel vm7, s30, v21;
	s30 =	sld [smem:$0x5F7];
	_ =	sdelay $0x1  }
0x6cf: {  	s1 =	sld [smem:$0x5F5]  }
0x6d0: {  	v61 =	vmov s29;
	v23 =	vsel vm0, s30, v23;
	s30 =	sld [smem:$0x5F8]  }
0x6d1: {  	[smem:$0x60F] =	sst s0;
	s0 =	smulhi.u32 $0xC22E4507, s10;
	v22 =	vnsel vm3, $0x0, v61  }
0x6d2: {  	s2 =	sld [smem:$0x5F1];
	v22 =	vsel vm0, s1, v22  }
0x6d3: {  	s0 =	ssub.s32 s0, s10;
	s10 =	smulhi.u32 $0xC22E4507, s9;
	v22 =	vsel vm1, s30, v22;
	s30 =	sld [smem:$0x5F9]  }
0x6d4: {  	_ = 	snop  }
0x6d5: {  	s9 =	ssub.s32 s10, s9;
	s29 =	sld [smem:$0x5F3];
	v20 =	vsel vm2, s2, v59;
	s2 =	spop (v2sf)  }
0x6d6: {  	s11 =	smulhi.u32 $0xC22E4507, s16;
	s9 =	sadd.s32 s30, s9;
	s30 =	sld [smem:$0x5FB]  }
0x6d7: {  	s10 =	sshra.s32 s2, $0x1F  }
0x6d8: {  	s11 =	ssub.s32 s11, s16;
	s16 =	smul.u32 $0xC22E4507, s10;
	s10 =	sld [smem:$0x5FA]  }
0x6d9: {  	s29 =	sadd.s32 s29, s0;
	s0 =	smulhi.u32 $0xC22E4507, s20;
	v22 =	vsel vm2, s30, v22;
	s30 =	sld [smem:$0x5FE]  }
0x6da: {  	_ = 	snop  }
0x6db: {  	s0 =	ssub.s32 s0, s20;
	s20 =	sld [smem:$0x5FD];
	v24 =	vmov s10  }
0x6dc: {  	v24 =	vsel vm0, s30, v24;
	s30 =	sld [smem:$0x600];
	_ =	sdelay $0x1  }
0x6dd: {  	v23 =	vsel vm1, s20, v23;
	s20 =	sld [smem:$0x5FF]  }
0x6de: {  	v24 =	vsel vm1, s30, v24;
	s30 =	sld [smem:$0x601];
	_ =	sdelay $0x1  }
0x6df: {  	v22 =	vsel vm4, s20, v22  }
0x6e0: {  	v9 =	vld [tilespmem:s25+$0x70];
	(v2sf) =	vpush v8, $0x7;
	v22 =	vsel vm5, s30, v22;
	s30 =	sld [smem:$0x602];
	_ =	sdelay $0x2  }
0x6e1: {  	v23 =	vsel vm2, s30, v23;
	s30 =	sld [smem:$0x603];
	_ =	sdelay $0x1  }
0x6e2: {  	(v2sf) =	vpush v9, $0xD;
	s10 =	sld [smem:$0x5FC]  }
0x6e3: {  	v24 =	vsel vm2, s30, v24;
	s30 =	sld [smem:$0x604];
	_ =	sdelay $0x2  }
0x6e4: {  	s10 =	sadd.s32 s10, s11;
	s11 =	smulhi.u32 $0xC22E4507, s6;
	v22 =	vsel vm6, s30, v22;
	s30 =	sld [smem:$0x605]  }
0x6e5: {  	(v2sf) =	vpush v9, $0xC  }
0x6e6: {  	(v2sf) =	vpush v9, $0xE;
	s6 =	ssub.s32 s11, s6  }
0x6e7: {  	s1 =	smulhi.u32 $0xC22E4507, s7;
	s6 =	sadd.s32 s30, s6;
	s30 =	sld [smem:$0x606]  }
0x6e8: {  	(v2sf) =	vpush v9, $0xF;
	s11 =	smulhi.u32 $0xC22E4507, s5  }
0x6e9: {  	v26 =	vmov s28;
	s28 =	sld [smem:$0x608];
	s1 =	ssub.s32 s1, s7  }
0x6ea: {  	s20 =	sadd.s32 s24, s0;
	s24 =	spop (v2sf);
	v25 =	vmov s30;
	s30 =	ssub.s32 s11, s5  }
0x6eb: {  	(v2sf) =	vpush v9, $0x9;
	s11 =	smulhi.u32 $0xC22E4507, s4;
	s5 =	sadd.s32 s18, s30;
	s30 =	sld [smem:$0x609]  }
0x6ec: {  	v10 =	vcombine.low v46, v43;
	s1 =	sadd.s32 s21, s1;
	s0 =	sshra.s32 s24, $0x1F;
	v25 =	vsel vm0, s28, v25;
	s28 =	sld [smem:$0x60A]  }
0x6ed: {  	(v2sf) =	vpush v9, $0x8;
	s21 =	sld [smem:$0x607];
	s7 =	smul.u32 $0xC22E4507, s0;
	s4 =	ssub.s32 s11, s4  }
0x6ee: {  	v37 =	vperm.xlane v10, v0;
	v26 =	vnsel vm3, $0x0, v26;
	s0 =	smulhi.u32 $0xC22E4507, s3;
	s11 =	sadd.s32 s13, s4;
	s13 =	sld [smem:$0x60D]  }
0x6ef: {  	(v2sf) =	vpush v9, $0xA;
	s18 =	spop (v2sf);
	v25 =	vsel vm1, s30, v25;
	v26 =	vsel vm0, s28, v26;
	s30 =	sld [smem:$0x60B]  }
0x6f0: {  	v14 =	vperm.xlane v14, v1;
	v22 =	vsel vm7, s21, v22;
	s21 =	smulhi.u32 $0xC22E4507, s2;
	s28 =	sshra.s32 s18, $0x1F;
	v26 =	vsel vm1, s31, v26;
	s31 =	sld [smem:$0x60C]  }
0x6f1: {  	s0 =	ssub.s32 s0, s3;
	(v2sf) =	vpush v9, $0xB;
	s4 =	smul.u32 $0xC22E4507, s28;
	v26 =	vsel vm2, s13, v26;
	s13 =	sld [smem:$0x60F]  }
0x6f2: {  	v14 =	vsel vm8, v14, v37;
	s28 =	ssub.s32 s21, s2;
	s21 =	sld [smem:$0x610];
	v25 =	vsel vm2, s30, v25;
	s30 =	smulhi.u32 $0xC22E4507, s18  }
0x6f3: {  	v14 =	vadd.s32 v3, v14;
	s3 =	sadd.s32 s8, s0;
	(v2sf) =	vpush v9, $0x1;
	s2 =	smulhi.u32 $0xC22E4507, s24;
	v27 =	vmov s31;
	s31 =	sld [smem:$0x60E]  }
0x6f4: {  	v28 =	vmov s14;
	(v2sf) =	vpush v9, $0x0;
	s0 =	sadd.s32 s16, s28;
	v26 =	vsel vm4, s13, v26;
	s13 =	spop (v2sf);
	s8 =	ssub.s32 s30, s18  }
0x6f5: {  	v41 =	vshrl.u32 v14, $0x1F;
	v14 =	vshra.s32 v14, $0xE;
	v29 =	vsel vm0, s19, v28;
	s28 =	smulhi.u32 $0xC22E4507, s13;
	s30 =	sshra.s32 s13, $0x1F;
	s18 =	spop (v2sf)  }
0x6f6: {  	v29 =	vsel vm1, s17, v29;
	v26 =	vsel vm5, s26, v26;
	v27 =	vsel vm0, s31, v27;
	s31 =	sld [smem:$0x611];
	s17 =	smul.u32 $0xC22E4507, s30  }
0x6f7: {  	v13 =	vcombine.low v15, v51;
	v26 =	vsel vm6, s23, v26;
	s26 =	spop (v2sf);
	v27 =	vsel vm1, s21, v27;
	s21 =	smulhi.u32 $0xC22E4507, s18  }
0x6f8: {  	v14 =	vadd.s32 v41, v14;
	(v2sf) =	vpush v9, $0x2;
	v63 =	vsel vm7, s22, v26;
	s19 =	ssub.s32 s28, s13;
	s22 =	sshra.s32 s18, $0x1F;
	s28 =	smulhi.u32 $0xC22E4507, s26  }
0x6f9: {  	v13 =	vperm.xlane v13, v0;
	v11 =	vperm.xlane v11, v1;
	v34 =	vmov s29;
	s2 =	ssub.s32 s2, s24;
	s29 =	sshra.s32 s26, $0x1F;
	s23 =	smul.u32 $0xC22E4507, s22  }
0x6fa: {  	v30 =	vmov s6;
	(v2sf) =	vpush v9, $0x3;
	s6 =	sadd.s32 s17, s19;
	s30 =	smul.u32 $0xC22E4507, s29;
	v62 =	vsel vm2, s31, v27;
	s31 =	spop (v2sf)  }
0x6fb: {  	v14 =	vmul.u32 $0x5460, v14;
	v11 =	vsel vm8, v11, v13;
	v36 =	vnsel vm3, $0x0, v30;
	s13 =	ssub.s32 s21, s18;
	s17 =	smulhi.u32 $0xC22E4507, s31;
	s18 =	sshra.s32 s31, $0x1F  }
0x6fc: {  	v33 =	vsel vm2, s12, v29;
	v29 =	vsel vm0, s20, v36;
	s4 =	sadd.s32 s4, s8;
	(v2sf) =	vpush v9, $0x4;
	s20 =	spop (v2sf);
	s19 =	smul.u32 $0xC22E4507, s18  }
0x6fd: {  	v3 =	vsub.s32 v3, v14;
	v11 =	vadd.s32 v2, v11;
	s16 =	ssub.s32 s28, s26;
	s21 =	smulhi.u32 $0xC22E4507, s20;
	s22 =	sshra.s32 s20, $0x1F  }
0x6fe: {  	v44 =	vshrl.u32 v11, $0x1F;
	v35 =	vsel vm0, s15, v34;
	s8 =	sadd.s32 s23, s13;
	(v2sf) =	vpush v9, $0x5;
	s26 =	spop (v2sf);
	s23 =	smul.u32 $0xC22E4507, s22  }
0x6ff: {  	v42 =	vcombine.low v55, v54;
	v38 =	vsel vm1, s9, v35;
	v39 =	vsel vm1, s1, v29;
	s1 =	sadd.s32 s30, s16;
	s29 =	smulhi.u32 $0xC22E4507, s26;
	s30 =	sshra.s32 s26, $0x1F  }
0x700: {  	v10 =	vsel vm2, s10, v38;
	v40 =	vmov s6;
	(v2sf) =	vpush v9, $0x6;
	s9 =	ssub.s32 s17, s31;
	s31 =	spop (v2sf);
	s10 =	smul.u32 $0xC22E4507, s30  }
0x701: {  	v13 =	vperm.xlane v42, v0;
	v45 =	vperm.xlane v18, v1;
	s2 =	sadd.s32 s7, s2;
	v29 =	vsel vm0, s4, v40;
	s12 =	smulhi.u32 $0xC22E4507, s31;
	s13 =	sshra.s32 s31, $0x1F  }
0x702: {  	v12 =	vsel vm2, s5, v39;
	v29 =	vsel vm1, s8, v29;
	s5 =	sadd.s32 s19, s9;
	s14 =	spop (v2sf);
	(v2sf) =	vpush v9, $0x7;
	s8 =	smul.u32 $0xC22E4507, s13  }
0x703: {  	v11 =	vshra.s32 v11, $0xE;
	v46 =	vcombine.low v20, v58;
	v12 =	vsel vm4, s11, v12;
	s28 =	ssub.s32 s21, s20;
	s16 =	spop (v2sf);
	s20 =	smulhi.u32 $0xC22E4507, s14  }
0x704: {  	v11 =	vadd.s32 v44, v11;
	v13 =	vsel vm8, v45, v13;
	v12 =	vsel vm5, s3, v12;
	s3 =	sadd.s32 s23, s28;
	s21 =	sshra.s32 s14, $0x1F;
	s17 =	smulhi.u32 $0xC22E4507, s16  }
0x705: {  	v11 =	vmul.u32 $0x5460, v11;
	v13 =	vadd.s32 v4, v13;
	v14 =	vperm.xlane v46, v0;
	s15 =	ssub.s32 s29, s26;
	s18 =	sshra.s32 s16, $0x1F;
	s4 =	smul.u32 $0xC22E4507, s21  }
0x706: {  	v48 =	vperm.xlane v21, v1;
	v12 =	vsel vm6, s0, v12;
	v29 =	vsel vm2, s1, v29;
	s0 =	ssub.s32 s12, s31;
	s1 =	sadd.s32 s10, s15;
	s19 =	smul.u32 $0xC22E4507, s18  }
0x707: {  	v49 =	vshrl.u32 v13, $0x1F;
	v13 =	vshra.s32 v13, $0xE;
	v43 =	vmov s3;
	s0 =	sadd.s32 s8, s0;
	s3 =	ssub.s32 s17, s16;
	s23 =	spop (v2sf)  }
0x708: {  	v2 =	vsub.s32 v2, v11;
	v11 =	vadd.s32 v49, v13;
	v50 =	vsel vm8, v48, v14;
	s22 =	sadd.s32 s19, s3;
	s26 =	smulhi.u32 $0xC22E4507, s23;
	s28 =	sshra.s32 s23, $0x1F  }
0x709: {  	v13 =	vadd.s32 v5, v50;
	v15 =	vsel vm0, s5, v43;
	s5 =	ssub.s32 s20, s14;
	v47 =	vmov s22;
	s29 =	spop (v2sf);
	s6 =	smul.u32 $0xC22E4507, s28  }
0x70a: {  	v11 =	vmul.u32 $0x5460, v11;
	v53 =	vshrl.u32 v13, $0x1F;
	s4 =	sadd.s32 s4, s5;
	v16 =	vnsel vm3, $0x0, v47;
	s30 =	smulhi.u32 $0xC22E4507, s29;
	s31 =	sshra.s32 s29, $0x1F  }
0x70b: {  	v13 =	vshra.s32 v13, $0xE;
	v15 =	vsel vm1, s1, v15;
	v16 =	vsel vm0, s4, v16;
	s1 =	ssub.s32 s26, s23;
	s4 =	smul.u32 $0xC22E4507, s31;
	s8 =	spop (v2sf)  }
0x70c: {  	v54 =	vadd.s32 v53, v13;
	s1 =	sadd.s32 s6, s1;
	s10 =	smulhi.u32 $0xC22E4507, s8;
	s11 =	sshra.s32 s8, $0x1F  }
0x70d: {  	v4 =	vsub.s32 v4, v11;
	v11 =	vmul.u32 $0x5460, v54;
	v10 =	vcombine.low v10, v33;
	s9 =	ssub.s32 s30, s29;
	s12 =	spop (v2sf);
	s5 =	smul.u32 $0xC22E4507, s11  }
0x70e: {  	v12 =	vsel vm7, s2, v12;
	v51 =	vsel vm1, s1, v16;
	s1 =	sadd.s32 s4, s9;
	s14 =	smulhi.u32 $0xC22E4507, s12;
	s15 =	sshra.s32 s12, $0x1F  }
0x70f: {  	v5 =	vsub.s32 v5, v11;
	v10 =	vperm.xlane v10, v0;
	v12 =	vperm.xlane v12, v1;
	s16 =	spop (v2sf);
	s13 =	ssub.s32 s10, s8;
	s6 =	smul.u32 $0xC22E4507, s15  }
0x710: {  	v52 =	vcombine.low v24, v23;
	v55 =	vcombine.low v62, v25;
	v14 =	vsel vm2, s1, v51;
	s18 =	smulhi.u32 $0xC22E4507, s16;
	s19 =	sshra.s32 s16, $0x1F;
	s1 =	sadd.s32 s5, s13  }
0x711: {  	v56 =	vperm.xlane v22, v1;
	v10 =	vsel vm8, v12, v10;
	v57 =	vperm.xlane v63, v1;
	s17 =	ssub.s32 s14, s12;
	s4 =	smul.u32 $0xC22E4507, s19;
	s20 =	spop (v2sf)  }
0x712: {  	v10 =	vadd.s32 v8, v10;
	v13 =	vperm.xlane v55, v0;
	v14 =	vsel vm4, s1, v14;
	s1 =	sadd.s32 s6, s17;
	s21 =	smulhi.u32 $0xC22E4507, s20;
	s22 =	sshra.s32 s20, $0x1F  }
0x713: {  	[tilespmem:s25+$0x210] =	vst v2;
	v2 =	vshrl.u32 v10, $0x1F;
	v10 =	vshra.s32 v10, $0xE;
	s3 =	ssub.s32 s18, s16;
	v14 =	vsel vm5, s1, v14;
	s1 =	smul.u32 $0xC22E4507, s22  }
0x714: {  	v2 =	vadd.s32 v2, v10;
	v58 =	vsel vm8, v57, v13;
	v15 =	vsel vm2, s0, v15;
	s3 =	sadd.s32 s4, s3;
	s0 =	ssub.s32 s21, s20  }
0x715: {  	v15 =	vcombine.low v15, v29;
	v16 =	vperm.xlane v52, v0;
	v14 =	vsel vm6, s3, v14;
	s0 =	sadd.s32 s1, s0  }
0x716: {  	v2 =	vmul.u32 $0x5460, v2;
	v11 =	vadd.s32 v7, v58;
	v14 =	vsel vm7, s0, v14  }
0x717: {  	v15 =	vperm.xlane v15, v0;
	v16 =	vsel vm8, v56, v16;
	v14 =	vperm.xlane v14, v1  }
0x718: {  	v60 =	vshrl.u32 v11, $0x1F;
	v11 =	vshra.s32 v11, $0xE;
	v59 =	vadd.s32 v6, v16  }
0x719: {  	v16 =	vshrl.u32 v59, $0x1F;
	v13 =	vshra.s32 v59, $0xE;
	v61 =	vsel vm8, v14, v15  }
0x71a: {  	[tilespmem:s25+$0x200] =	vst v3;
	v11 =	vadd.s32 v60, v11;
	v13 =	vadd.s32 v16, v13;
	v12 =	vadd.s32 v9, v61  }
0x71b: {  	[tilespmem:s25+$0x220] =	vst v4;
	v3 =	vmul.u32 $0x5460, v13;
	v62 =	vshrl.u32 v12, $0x1F;
	v63 =	vshra.s32 v12, $0xE  }
0x71c: {  	[tilespmem:s25+$0x230] =	vst v5;
	v2 =	vsub.s32 v8, v2;
	v11 =	vmul.u32 $0x5460, v11;
	v4 =	vadd.s32 v62, v63  }
0x71d: {  	s24 =	rddreg [dreg:$0x5];
	[tilespmem:s25+$0x260] =	vst v2;
	v3 =	vsub.s32 v6, v3;
	v4 =	vmul.u32 $0x5460, v4  }
0x71e: {  	s30 =	rddreg [dreg:$0xf];
	[tilespmem:s25+$0x240] =	vst v3;
	v3 =	vsub.s32 v7, v11  }
0x71f: {  	s28 =	rddreg [dreg:$0x12];
	s23 =	simm.s32 $0x80;
	p0 =	sne.s32 s30, $0x600;
	[tilespmem:s25+$0x250] =	vst v3;
	v2 =	vsub.s32 v9, v4  }
.Ltmp2:
0x720: {  	s26 =	sadd.s32 $0x200, s25;
	s31 =	simm.s32 $0x1;
	[tilespmem:s25+$0x270] =	vst v2;
	(pc) =	sbr.rel @p0 .LBB2_6-.Ltmp2, $4  }
0x721: {  	[tilespmem:s28], [sflag:$0x1] =	stream.indirect.gather [hbm4b:s24+s23], $0x80, s26, s23, $0xb8;
	[tilespmem:$0x10400] =	vst v63  }
0x722: {  	s29 =	rddreg [dreg:$0x12];
	_ =	swait.ge [sflag:s31], $0x4000  }
0x723: {  	[sflag:s31] =	ssyncset.done $0x0  }
0x724: {  	s2 =	sadd.s32 $0x4000, s29;
	s1 =	sadd.s32 $0x200, s30;
	[sflag:s31] =	ssyncadd.s32 $0xFFFFC000  }
0x725: {  	s1 =	simm.s32 $0x0  }
0x726: {  	s2 =	simm.s32 $0x400;
	s0 =	rddreg [dreg:$0xa];
	s31 =	simm.s32 $0x2  }
0x727: {  	[hbm4b:s0+s1] =	stream.linear.scatter [tilespmem:s2], [sflag:$0x2], $0x10000, $0x38;
	[tilespmem:$0x10400] =	vst v63  }
0x728: {  	_ =	swait.ge [sflag:s31], $0x10000  }
0x729: {  	[sflag:s31] =	ssyncset.done $0x0  }
0x72a: {  	[sflag:s31] =	ssyncadd.s32 $0xFFFF0000  }
.LBB2_8:
0x72b: {  	s25 =	sshra.s32 s1, $0x2  }
0x72c: {  	v3 =	vld [tilespmem:s25+$0x0];
	_ =	sdelay $0x4  }
0x72d: {  	(v2sf) =	vpush v3, $0xD  }
0x72e: {  	(v2sf) =	vpush v3, $0xC;
	_ =	sdelay $0x2  }
0x72f: {  	(v2sf) =	vpush v3, $0xE;
	_ =	sdelay $0x1  }
0x730: {  	(v2sf) =	vpush v3, $0xF  }
0x731: {  	(v2sf) =	vpush v3, $0x9;
	_ =	sdelay $0x2  }
0x732: {  	(v2sf) =	vpush v3, $0x8;
	_ =	sdelay $0x1  }
0x733: {  	(v2sf) =	vpush v3, $0xA  }
0x734: {  	(v2sf) =	vpush v3, $0xB;
	_ =	sdelay $0x1  }
0x735: {  	s0 =	spop (v2sf)  }
0x736: {  	(v2sf) =	vpush v3, $0x1;
	s16 =	sshra.s32 s0, $0x1F;
	s3 =	spop (v2sf)  }
0x737: {  	[dreg:$0x10] =	wrdreg s1;
	s1 =	smul.u32 $0x91A2B3C5, s16;
	s17 =	sshra.s32 s3, $0x1F  }
0x738: {  	[dreg:$0x13] =	wrdreg s2;
	(v2sf) =	vpush v3, $0x0;
	s2 =	smul.u32 $0x91A2B3C5, s17  }
0x739: {  	(v2sf) =	vpush v3, $0x2;
	[smem:$0x424] =	sst s1;
	s1 =	spop (v2sf)  }
0x73a: {  	[smem:$0x425] =	sst s2;
	s18 =	sshra.s32 s1, $0x1F  }
0x73b: {  	(v2sf) =	vpush v3, $0x3;
	s4 =	spop (v2sf);
	s2 =	smul.u32 $0x91A2B3C5, s18  }
0x73c: {  	s19 =	sshra.s32 s4, $0x1F;
	s8 =	spop (v2sf)  }
0x73d: {  	(v2sf) =	vpush v3, $0x4;
	s5 =	sshra.s32 s8, $0x1F;
	[smem:$0x426] =	sst s2;
	s2 =	smul.u32 $0x91A2B3C5, s19  }
0x73e: {  	s5 =	smul.u32 $0x91A2B3C5, s5  }
0x73f: {  	(v2sf) =	vpush v3, $0x5;
	[smem:$0x427] =	sst s2;
	s2 =	spop (v2sf)  }
0x740: {  	v2 =	vld [tilespmem:s25+$0x10];
	[smem:$0x428] =	sst s5;
	s6 =	sshra.s32 s2, $0x1F  }
0x741: {  	s5 =	spop (v2sf);
	s6 =	smul.u32 $0x91A2B3C5, s6  }
0x742: {  	(v2sf) =	vpush v3, $0x6;
	s20 =	sshra.s32 s5, $0x1F;
	s13 =	spop (v2sf)  }
0x743: {  	s7 =	sshra.s32 s13, $0x1F;
	[smem:$0x429] =	sst s6;
	s6 =	smul.u32 $0x91A2B3C5, s20  }
0x744: {  	(v2sf) =	vpush v3, $0x7;
	s7 =	smul.u32 $0x91A2B3C5, s7  }
0x745: {  	(v2sf) =	vpush v2, $0xD;
	[smem:$0x42A] =	sst s6;
	s6 =	spop (v2sf)  }
0x746: {  	[smem:$0x42B] =	sst s7;
	s21 =	sshra.s32 s6, $0x1F  }
0x747: {  	s11 =	spop (v2sf);
	s7 =	smul.u32 $0x91A2B3C5, s21  }
0x748: {  	(v2sf) =	vpush v2, $0xC;
	s22 =	sshra.s32 s11, $0x1F;
	s15 =	spop (v2sf)  }
0x749: {  	(v2sf) =	vpush v2, $0xE;
	[smem:$0x42C] =	sst s7;
	s7 =	smul.u32 $0x91A2B3C5, s22  }
0x74a: {  	(v2sf) =	vpush v2, $0xF;
	s23 =	sshra.s32 s15, $0x1F;
	s12 =	spop (v2sf)  }
0x74b: {  	(v2sf) =	vpush v2, $0x9;
	[smem:$0x42D] =	sst s7;
	s7 =	smul.u32 $0x91A2B3C5, s23  }
0x74c: {  	s24 =	sshra.s32 s12, $0x1F;
	s17 =	spop (v2sf)  }
0x74d: {  	(v2sf) =	vpush v2, $0x8;
	[smem:$0x42E] =	sst s7;
	s7 =	smul.u32 $0x91A2B3C5, s24  }
0x74e: {  	(v2sf) =	vpush v2, $0xA;
	s26 =	sshra.s32 s17, $0x1F;
	s9 =	spop (v2sf)  }
0x74f: {  	s10 =	sshra.s32 s9, $0x1F;
	[smem:$0x42F] =	sst s7;
	s7 =	smul.u32 $0x91A2B3C5, s26  }
0x750: {  	s10 =	smul.u32 $0x91A2B3C5, s10  }
0x751: {  	(v2sf) =	vpush v2, $0xB;
	[smem:$0x430] =	sst s7;
	s7 =	spop (v2sf)  }
0x752: {  	(v2sf) =	vpush v2, $0x1;
	[smem:$0x431] =	sst s10;
	s14 =	sshra.s32 s7, $0x1F  }
0x753: {  	(v2sf) =	vpush v2, $0x0;
	s10 =	spop (v2sf);
	s14 =	smul.u32 $0x91A2B3C5, s14  }
0x754: {  	s28 =	sshra.s32 s10, $0x1F;
	s18 =	spop (v2sf)  }
0x755: {  	s19 =	sshra.s32 s18, $0x1F;
	[smem:$0x432] =	sst s14;
	s14 =	smul.u32 $0x91A2B3C5, s28  }
0x756: {  	(v2sf) =	vpush v2, $0x2;
	s16 =	smul.u32 $0x91A2B3C5, s19  }
0x757: {  	(v2sf) =	vpush v2, $0x3;
	[smem:$0x433] =	sst s14;
	s14 =	spop (v2sf)  }
0x758: {  	[smem:$0x434] =	sst s16;
	s20 =	sshra.s32 s14, $0x1F;
	s19 =	spop (v2sf)  }
0x759: {  	(v2sf) =	vpush v2, $0x4;
	s29 =	smul.u32 $0x91A2B3C5, s20;
	s30 =	sshra.s32 s19, $0x1F;
	s24 =	spop (v2sf)  }
0x75a: {  	s31 =	smul.u32 $0x91A2B3C5, s30;
	s16 =	sshra.s32 s24, $0x1F;
	s21 =	spop (v2sf)  }
0x75b: {  	(v2sf) =	vpush v2, $0x5;
	[smem:$0x435] =	sst s29;
	s22 =	smul.u32 $0x91A2B3C5, s16  }
0x75c: {  	v4 =	vld [tilespmem:s25+$0x20];
	s23 =	sshra.s32 s21, $0x1F;
	s26 =	spop (v2sf);
	[smem:$0x436] =	sst s31  }
0x75d: {  	(v2sf) =	vpush v2, $0x6;
	s28 =	smul.u32 $0x91A2B3C5, s23;
	s29 =	sshra.s32 s26, $0x1F;
	s30 =	spop (v2sf)  }
0x75e: {  	[smem:$0x437] =	sst s22;
	s31 =	smul.u32 $0x91A2B3C5, s29;
	s16 =	sshra.s32 s30, $0x1F  }
0x75f: {  	(v2sf) =	vpush v2, $0x7;
	[smem:$0x438] =	sst s28;
	s22 =	smul.u32 $0x91A2B3C5, s16  }
0x760: {  	s28 =	spop (v2sf);
	[smem:$0x439] =	sst s31  }
0x761: {  	(v2sf) =	vpush v4, $0xD;
	s23 =	sshra.s32 s28, $0x1F;
	s31 =	spop (v2sf);
	[smem:$0x43A] =	sst s22  }
0x762: {  	s29 =	smul.u32 $0x91A2B3C5, s23;
	s16 =	sshra.s32 s31, $0x1F;
	s22 =	spop (v2sf)  }
0x763: {  	(v2sf) =	vpush v4, $0xC;
	[smem:$0x43C] =	sst s22;
	s20 =	smul.u32 $0x91A2B3C5, s16  }
0x764: {  	[smem:$0x43B] =	sst s29  }
0x765: {  	(v2sf) =	vpush v4, $0xE;
	s29 =	spop (v2sf);
	[smem:$0x43E] =	sst s20  }
0x766: {  	s23 =	sshra.s32 s22, $0x1F;
	[smem:$0x43D] =	sst s29;
	s22 =	spop (v2sf)  }
0x767: {  	(v2sf) =	vpush v4, $0xF;
	s20 =	smul.u32 $0x91A2B3C5, s23;
	s16 =	sshra.s32 s29, $0x1F;
	[smem:$0x440] =	sst s22  }
0x768: {  	s16 =	smul.u32 $0x91A2B3C5, s16;
	s23 =	sshra.s32 s22, $0x1F;
	s29 =	spop (v2sf)  }
0x769: {  	(v2sf) =	vpush v4, $0x9;
	[smem:$0x43F] =	sst s20;
	s20 =	smul.u32 $0x91A2B3C5, s23  }
0x76a: {  	s22 =	spop (v2sf);
	[smem:$0x441] =	sst s16;
	s16 =	sshra.s32 s29, $0x1F  }
0x76b: {  	(v2sf) =	vpush v4, $0x8;
	[smem:$0x444] =	sst s20;
	s20 =	smul.u32 $0x91A2B3C5, s16  }
0x76c: {  	[smem:$0x442] =	sst s29;
	s23 =	sshra.s32 s22, $0x1F;
	s29 =	spop (v2sf)  }
0x76d: {  	(v2sf) =	vpush v4, $0xA;
	[smem:$0x445] =	sst s20;
	s20 =	smul.u32 $0x91A2B3C5, s23  }
0x76e: {  	[smem:$0x443] =	sst s22;
	s16 =	sshra.s32 s29, $0x1F;
	s22 =	spop (v2sf)  }
0x76f: {  	(v2sf) =	vpush v4, $0xB;
	[smem:$0x447] =	sst s20;
	s20 =	smul.u32 $0x91A2B3C5, s16  }
0x770: {  	[smem:$0x446] =	sst s29;
	s29 =	spop (v2sf);
	s23 =	sshra.s32 s22, $0x1F  }
0x771: {  	(v2sf) =	vpush v4, $0x1;
	[smem:$0x44A] =	sst s20;
	s20 =	smul.u32 $0x91A2B3C5, s23  }
0x772: {  	[smem:$0x448] =	sst s22;
	s22 =	sshra.s32 s29, $0x1F;
	s23 =	spop (v2sf)  }
0x773: {  	(v2sf) =	vpush v4, $0x0;
	[smem:$0x44B] =	sst s20;
	s20 =	smul.u32 $0x91A2B3C5, s22  }
0x774: {  	[smem:$0x449] =	sst s29;
	s29 =	sshra.s32 s23, $0x1F;
	s16 =	spop (v2sf)  }
0x775: {  	(v2sf) =	vpush v4, $0x2;
	[smem:$0x44D] =	sst s20;
	s20 =	smul.u32 $0x91A2B3C5, s29  }
0x776: {  	[smem:$0x44C] =	sst s23;
	s23 =	sshra.s32 s16, $0x1F;
	s29 =	spop (v2sf)  }
0x777: {  	(v2sf) =	vpush v4, $0x3;
	[smem:$0x450] =	sst s20;
	s20 =	smul.u32 $0x91A2B3C5, s23  }
0x778: {  	[smem:$0x44E] =	sst s16;
	s22 =	sshra.s32 s29, $0x1F;
	s23 =	spop (v2sf)  }
0x779: {  	(v2sf) =	vpush v4, $0x4;
	[smem:$0x451] =	sst s20;
	s20 =	smul.u32 $0x91A2B3C5, s22  }
0x77a: {  	[smem:$0x44F] =	sst s29;
	s29 =	sshra.s32 s23, $0x1F;
	s16 =	spop (v2sf)  }
0x77b: {  	(v2sf) =	vpush v4, $0x5;
	[smem:$0x453] =	sst s20;
	s20 =	smul.u32 $0x91A2B3C5, s29  }
0x77c: {  	v5 =	vld [tilespmem:s25+$0x30];
	[smem:$0x452] =	sst s23;
	s22 =	sshra.s32 s16, $0x1F;
	s23 =	spop (v2sf)  }
0x77d: {  	(v2sf) =	vpush v4, $0x6;
	[smem:$0x456] =	sst s20;
	s20 =	smul.u32 $0x91A2B3C5, s22  }
0x77e: {  	[smem:$0x454] =	sst s16;
	s16 =	spop (v2sf);
	s29 =	sshra.s32 s23, $0x1F  }
0x77f: {  	(v2sf) =	vpush v4, $0x7;
	[smem:$0x457] =	sst s20;
	s20 =	smul.u32 $0x91A2B3C5, s29  }
0x780: {  	[smem:$0x455] =	sst s23;
	s23 =	spop (v2sf);
	s22 =	sshra.s32 s16, $0x1F  }
0x781: {  	(v2sf) =	vpush v5, $0xD;
	[smem:$0x459] =	sst s20;
	s20 =	smul.u32 $0x91A2B3C5, s22  }
0x782: {  	[smem:$0x458] =	sst s16;
	s16 =	spop (v2sf);
	s29 =	sshra.s32 s23, $0x1F  }
0x783: {  	(v2sf) =	vpush v5, $0xC;
	[smem:$0x45C] =	sst s20;
	s20 =	smul.u32 $0x91A2B3C5, s29  }
0x784: {  	[smem:$0x45A] =	sst s23;
	s23 =	spop (v2sf);
	s22 =	sshra.s32 s16, $0x1F  }
0x785: {  	(v2sf) =	vpush v5, $0xE;
	[smem:$0x45D] =	sst s20;
	s20 =	smul.u32 $0x91A2B3C5, s22  }
0x786: {  	[smem:$0x45B] =	sst s16;
	s16 =	spop (v2sf);
	s29 =	sshra.s32 s23, $0x1F  }
0x787: {  	(v2sf) =	vpush v5, $0xF;
	[smem:$0x45F] =	sst s20;
	s20 =	smul.u32 $0x91A2B3C5, s29  }
0x788: {  	[smem:$0x45E] =	sst s23;
	s23 =	spop (v2sf);
	s22 =	sshra.s32 s16, $0x1F  }
0x789: {  	(v2sf) =	vpush v5, $0x9;
	[smem:$0x462] =	sst s20;
	s20 =	smul.u32 $0x91A2B3C5, s22  }
0x78a: {  	[smem:$0x460] =	sst s16;
	s16 =	spop (v2sf);
	s29 =	sshra.s32 s23, $0x1F  }
0x78b: {  	(v2sf) =	vpush v5, $0x8;
	[smem:$0x463] =	sst s20;
	s20 =	smul.u32 $0x91A2B3C5, s29  }
0x78c: {  	[smem:$0x461] =	sst s23;
	s23 =	spop (v2sf);
	s22 =	sshra.s32 s16, $0x1F  }
0x78d: {  	(v2sf) =	vpush v5, $0xA;
	[smem:$0x465] =	sst s20;
	s20 =	smul.u32 $0x91A2B3C5, s22  }
0x78e: {  	[smem:$0x464] =	sst s16;
	s16 =	spop (v2sf);
	s29 =	sshra.s32 s23, $0x1F  }
0x78f: {  	(v2sf) =	vpush v5, $0xB;
	[smem:$0x468] =	sst s20;
	s20 =	smul.u32 $0x91A2B3C5, s29  }
0x790: {  	[smem:$0x466] =	sst s23;
	s23 =	spop (v2sf);
	s22 =	sshra.s32 s16, $0x1F  }
0x791: {  	(v2sf) =	vpush v5, $0x1;
	[smem:$0x469] =	sst s20;
	s20 =	smul.u32 $0x91A2B3C5, s22  }
0x792: {  	[smem:$0x467] =	sst s16;
	s16 =	spop (v2sf);
	s29 =	sshra.s32 s23, $0x1F  }
0x793: {  	(v2sf) =	vpush v5, $0x0;
	[smem:$0x46B] =	sst s20;
	s20 =	smul.u32 $0x91A2B3C5, s29  }
0x794: {  	[smem:$0x46A] =	sst s23;
	s23 =	spop (v2sf);
	s22 =	sshra.s32 s16, $0x1F  }
0x795: {  	(v2sf) =	vpush v5, $0x2;
	[smem:$0x46E] =	sst s20;
	s20 =	smul.u32 $0x91A2B3C5, s22  }
0x796: {  	[smem:$0x46C] =	sst s16;
	s16 =	spop (v2sf);
	s29 =	sshra.s32 s23, $0x1F  }
0x797: {  	(v2sf) =	vpush v5, $0x3;
	[smem:$0x46F] =	sst s20;
	s20 =	smul.u32 $0x91A2B3C5, s29  }
0x798: {  	[smem:$0x46D] =	sst s23;
	s23 =	spop (v2sf);
	s22 =	sshra.s32 s16, $0x1F  }
0x799: {  	(v2sf) =	vpush v5, $0x4;
	[smem:$0x471] =	sst s20;
	s20 =	smul.u32 $0x91A2B3C5, s22  }
0x79a: {  	[smem:$0x470] =	sst s16;
	s16 =	spop (v2sf);
	s29 =	sshra.s32 s23, $0x1F  }
0x79b: {  	(v2sf) =	vpush v5, $0x5;
	[smem:$0x474] =	sst s20;
	s20 =	smul.u32 $0x91A2B3C5, s29  }
0x79c: {  	v6 =	vld [tilespmem:s25+$0x40];
	[smem:$0x472] =	sst s23;
	s23 =	spop (v2sf);
	s22 =	sshra.s32 s16, $0x1F  }
0x79d: {  	(v2sf) =	vpush v5, $0x6;
	[smem:$0x475] =	sst s20;
	s20 =	smul.u32 $0x91A2B3C5, s22  }
0x79e: {  	[smem:$0x473] =	sst s16;
	s16 =	spop (v2sf);
	s29 =	sshra.s32 s23, $0x1F  }
0x79f: {  	(v2sf) =	vpush v5, $0x7;
	[smem:$0x477] =	sst s20;
	s20 =	smul.u32 $0x91A2B3C5, s29  }
0x7a0: {  	[smem:$0x476] =	sst s23;
	s23 =	spop (v2sf);
	s22 =	sshra.s32 s16, $0x1F  }
0x7a1: {  	(v2sf) =	vpush v6, $0xD;
	[smem:$0x47A] =	sst s20;
	s20 =	smul.u32 $0x91A2B3C5, s22  }
0x7a2: {  	[smem:$0x478] =	sst s16;
	s16 =	spop (v2sf);
	s29 =	sshra.s32 s23, $0x1F  }
0x7a3: {  	(v2sf) =	vpush v6, $0xC;
	[smem:$0x47B] =	sst s20;
	s20 =	smul.u32 $0x91A2B3C5, s29  }
0x7a4: {  	[smem:$0x479] =	sst s23;
	s23 =	spop (v2sf);
	s22 =	sshra.s32 s16, $0x1F  }
0x7a5: {  	(v2sf) =	vpush v6, $0xE;
	[smem:$0x47D] =	sst s20;
	s20 =	smul.u32 $0x91A2B3C5, s22  }
0x7a6: {  	[smem:$0x47C] =	sst s16;
	s16 =	spop (v2sf);
	s29 =	sshra.s32 s23, $0x1F  }
0x7a7: {  	(v2sf) =	vpush v6, $0xF;
	[smem:$0x480] =	sst s20;
	s20 =	smul.u32 $0x91A2B3C5, s29  }
0x7a8: {  	[smem:$0x47E] =	sst s23;
	s23 =	sshra.s32 s16, $0x1F;
	s29 =	spop (v2sf)  }
0x7a9: {  	(v2sf) =	vpush v6, $0x9;
	[smem:$0x481] =	sst s20;
	s20 =	smul.u32 $0x91A2B3C5, s23  }
0x7aa: {  	[smem:$0x47F] =	sst s16;
	s22 =	spop (v2sf);
	s16 =	sshra.s32 s29, $0x1F  }
0x7ab: {  	(v2sf) =	vpush v6, $0x8;
	[smem:$0x482] =	sst s20;
	s20 =	smul.u32 $0x91A2B3C5, s16  }
0x7ac: {  	[smem:$0x483] =	sst s22;
	s23 =	spop (v2sf);
	s22 =	sshra.s32 s22, $0x1F  }
0x7ad: {  	(v2sf) =	vpush v6, $0xA;
	[smem:$0x485] =	sst s20;
	s20 =	smul.u32 $0x91A2B3C5, s22  }
0x7ae: {  	[smem:$0x484] =	sst s23;
	s23 =	sshra.s32 s23, $0x1F;
	s16 =	spop (v2sf)  }
0x7af: {  	(v2sf) =	vpush v6, $0xB;
	[smem:$0x486] =	sst s20;
	s20 =	smul.u32 $0x91A2B3C5, s23  }
0x7b0: {  	[smem:$0x487] =	sst s16;
	s22 =	spop (v2sf);
	s23 =	sshra.s32 s16, $0x1F  }
0x7b1: {  	(v2sf) =	vpush v6, $0x1;
	[smem:$0x488] =	sst s20;
	s20 =	smul.u32 $0x91A2B3C5, s23  }
0x7b2: {  	[smem:$0x489] =	sst s22;
	s22 =	sshra.s32 s22, $0x1F;
	s16 =	spop (v2sf)  }
0x7b3: {  	(v2sf) =	vpush v6, $0x0;
	[smem:$0x48B] =	sst s20;
	s20 =	smul.u32 $0x91A2B3C5, s22  }
0x7b4: {  	[smem:$0x48A] =	sst s16;
	s16 =	sshra.s32 s16, $0x1F;
	s22 =	spop (v2sf)  }
0x7b5: {  	[smem:$0x48C] =	sst s20;
	s20 =	smul.u32 $0x91A2B3C5, s16  }
0x7b6: {  	(v2sf) =	vpush v6, $0x2;
	[smem:$0x48D] =	sst s22;
	s22 =	sshra.s32 s22, $0x1F;
	s23 =	spop (v2sf)  }
0x7b7: {  	[smem:$0x48E] =	sst s20;
	s20 =	smul.u32 $0x91A2B3C5, s22  }
0x7b8: {  	(v2sf) =	vpush v6, $0x3;
	[smem:$0x48F] =	sst s23;
	s16 =	spop (v2sf);
	s22 =	sshra.s32 s23, $0x1F  }
0x7b9: {  	[smem:$0x491] =	sst s20;
	s20 =	smul.u32 $0x91A2B3C5, s22  }
0x7ba: {  	[smem:$0x490] =	sst s16;
	s23 =	sshra.s32 s16, $0x1F;
	s16 =	spop (v2sf)  }
0x7bb: {  	(v2sf) =	vpush v6, $0x4;
	[smem:$0x492] =	sst s20;
	s20 =	smul.u32 $0x91A2B3C5, s23  }
0x7bc: {  	[smem:$0x493] =	sst s16;
	s23 =	sshra.s32 s16, $0x1F;
	s16 =	spop (v2sf)  }
0x7bd: {  	[smem:$0x494] =	sst s20;
	s20 =	smul.u32 $0x91A2B3C5, s23  }
0x7be: {  	[smem:$0x495] =	sst s16;
	s23 =	sshra.s32 s16, $0x1F;
	s16 =	spop (v2sf)  }
0x7bf: {  	[smem:$0x497] =	sst s20;
	s20 =	smul.u32 $0x91A2B3C5, s23  }
0x7c0: {  	[smem:$0x496] =	sst s16;
	s23 =	sshra.s32 s16, $0x1F;
	s16 =	spop (v2sf)  }
0x7c1: {  	[smem:$0x498] =	sst s20;
	s20 =	smul.u32 $0x91A2B3C5, s23  }
0x7c2: {  	[smem:$0x499] =	sst s16;
	s23 =	sshra.s32 s16, $0x1F;
	s16 =	spop (v2sf)  }
0x7c3: {  	(v2sf) =	vpush v6, $0x5;
	[smem:$0x49A] =	sst s20;
	s20 =	smul.u32 $0x91A2B3C5, s23  }
0x7c4: {  	(v2sf) =	vpush v6, $0x6;
	[smem:$0x49B] =	sst s16  }
0x7c5: {  	s23 =	sshra.s32 s16, $0x1F;
	s16 =	spop (v2sf);
	[smem:$0x49D] =	sst s20  }
0x7c6: {  	[smem:$0x49C] =	sst s16  }
0x7c7: {  	s20 =	smul.u32 $0x91A2B3C5, s23;
	s23 =	sshra.s32 s16, $0x1F;
	s16 =	spop (v2sf)  }
0x7c8: {  	[smem:$0x49F] =	sst s16  }
0x7c9: {  	[smem:$0x49E] =	sst s20;
	s20 =	smul.u32 $0x91A2B3C5, s23  }
0x7ca: {  	s22 =	sshra.s32 s16, $0x1F;
	s16 =	spop (v2sf);
	s23 =	smulhi.u32 $0x91A2B3C5, s0  }
0x7cb: {  	[smem:$0x4A1] =	sst s16  }
0x7cc: {  	s0 =	ssub.s32 s23, s0;
	s23 =	sshra.s32 s16, $0x1F;
	s16 =	sld [smem:$0x424]  }
0x7cd: {  	[smem:$0x4A0] =	sst s20;
	s20 =	smul.u32 $0x91A2B3C5, s22  }
0x7ce: {  	s22 =	smulhi.u32 $0x91A2B3C5, s3  }
0x7cf: {  	[smem:$0x4A3] =	sst s20;
	s20 =	smulhi.u32 $0x91A2B3C5, s1;
	s0 =	sadd.s32 s16, s0  }
0x7d0: {  	s16 =	ssub.s32 s22, s3;
	s22 =	smul.u32 $0x91A2B3C5, s23;
	s23 =	sld [smem:$0x425]  }
0x7d1: {  	[smem:$0x4AE] =	sst s0  }
0x7d2: {  	s3 =	ssub.s32 s20, s1;
	s20 =	sld [smem:$0x426]  }
0x7d3: {  	[smem:$0x4A4] =	sst s22;
	s22 =	spop (v2sf)  }
0x7d4: {  	s0 =	sadd.s32 s23, s16;
	[smem:$0x4A2] =	sst s22  }
0x7d5: {  	s16 =	smulhi.u32 $0x91A2B3C5, s4;
	s23 =	sshra.s32 s22, $0x1F;
	[smem:$0x4AB] =	sst s0  }
0x7d6: {  	s0 =	sadd.s32 s20, s3;
	s22 =	smul.u32 $0x91A2B3C5, s23;
	s23 =	sld [smem:$0x428]  }
0x7d7: {  	[dreg:$0x19] =	wrdreg s0  }
0x7d8: {  	s20 =	spop (v2sf);
	s1 =	ssub.s32 s16, s4;
	s16 =	sld [smem:$0x427]  }
0x7d9: {  	s3 =	smulhi.u32 $0x91A2B3C5, s2;
	[smem:$0x4A5] =	sst s20  }
0x7da: {  	(v2sf) =	vpush v6, $0x7;
	s0 =	smulhi.u32 $0x91A2B3C5, s8;
	[smem:$0x4A6] =	sst s22  }
0x7db: {  	s3 =	ssub.s32 s3, s2;
	s2 =	sld [smem:$0x443]  }
0x7dc: {  	v7 =	vld [tilespmem:s25+$0x50];
	s0 =	ssub.s32 s0, s8;
	s8 =	sld [smem:$0x429]  }
0x7dd: {  	s1 =	sadd.s32 s16, s1;
	s0 =	sadd.s32 s23, s0;
	s23 =	sld [smem:$0x42A]  }
0x7de: {  	s4 =	smulhi.u32 $0x91A2B3C5, s5;
	[dreg:$0x1d] =	wrdreg s1  }
0x7df: {  	s22 =	smulhi.u32 $0x91A2B3C5, s6;
	[smem:$0x4B2] =	sst s0  }
0x7e0: {  	s16 =	smulhi.u32 $0x91A2B3C5, s13;
	s0 =	sadd.s32 s8, s3;
	s8 =	sld [smem:$0x42B]  }
0x7e1: {  	(v2sf) =	vpush v7, $0xD;
	s1 =	ssub.s32 s4, s5;
	s3 =	sshra.s32 s20, $0x1F;
	s20 =	sld [smem:$0x42C]  }
0x7e2: {  	[smem:$0x4B0] =	sst s0;
	s1 =	sadd.s32 s23, s1;
	s0 =	ssub.s32 s16, s13  }
0x7e3: {  	s5 =	smul.u32 $0x91A2B3C5, s3;
	s13 =	ssub.s32 s22, s6;
	s6 =	sld [smem:$0x42D]  }
0x7e4: {  	s16 =	smulhi.u32 $0x91A2B3C5, s11;
	[smem:$0x4B5] =	sst s1  }
0x7e5: {  	[smem:$0x4A7] =	sst s5  }
0x7e6: {  	(v2sf) =	vpush v7, $0xC;
	s0 =	sadd.s32 s8, s0;
	s1 =	ssub.s32 s16, s11;
	s11 =	sld [smem:$0x42E]  }
0x7e7: {  	s22 =	smulhi.u32 $0x91A2B3C5, s15;
	[smem:$0x4B8] =	sst s0  }
0x7e8: {  	s0 =	sadd.s32 s20, s13;
	s1 =	sadd.s32 s6, s1;
	s6 =	sld [smem:$0x430]  }
0x7e9: {  	s20 =	spop (v2sf);
	[smem:$0x4B1] =	sst s0  }
0x7ea: {  	s13 =	smulhi.u32 $0x91A2B3C5, s17;
	[smem:$0x4AC] =	sst s1  }
0x7eb: {  	s0 =	ssub.s32 s22, s15;
	s15 =	sld [smem:$0x42F];
	s22 =	smulhi.u32 $0x91A2B3C5, s7  }
0x7ec: {  	(v2sf) =	vpush v7, $0xE;
	s0 =	sadd.s32 s11, s0;
	s1 =	ssub.s32 s13, s17;
	s13 =	sld [smem:$0x432]  }
0x7ed: {  	s23 =	smulhi.u32 $0x91A2B3C5, s12;
	s5 =	sshra.s32 s20, $0x1F;
	[smem:$0x4B3] =	sst s0  }
0x7ee: {  	s8 =	smul.u32 $0x91A2B3C5, s5;
	s11 =	ssub.s32 s22, s7;
	s22 =	sld [smem:$0x433]  }
0x7ef: {  	s12 =	ssub.s32 s23, s12;
	s16 =	smulhi.u32 $0x91A2B3C5, s9;
	s7 =	sld [smem:$0x434]  }
0x7f0: {  	s3 =	spop (v2sf);
	s1 =	sadd.s32 s6, s1;
	[smem:$0x4A8] =	sst s8  }
0x7f1: {  	s23 =	sshra.s32 s3, $0x1F;
	s0 =	sadd.s32 s15, s12;
	[smem:$0x4B9] =	sst s1  }
0x7f2: {  	s8 =	smul.u32 $0x91A2B3C5, s23;
	[smem:$0x4B6] =	sst s0  }
0x7f3: {  	s12 =	smulhi.u32 $0x91A2B3C5, s10;
	s0 =	ssub.s32 s16, s9;
	s9 =	sld [smem:$0x431]  }
0x7f4: {  	s16 =	smulhi.u32 $0x91A2B3C5, s14;
	[smem:$0x4A9] =	sst s8  }
0x7f5: {  	s23 =	spop (v2sf);
	s1 =	ssub.s32 s12, s10;
	s10 =	sld [smem:$0x435]  }
0x7f6: {  	s17 =	sshra.s32 s23, $0x1F;
	s8 =	ssub.s32 s16, s14;
	s14 =	sld [smem:$0x436]  }
0x7f7: {  	s6 =	smul.u32 $0x91A2B3C5, s17;
	s1 =	sadd.s32 s22, s1;
	s16 =	sld [smem:$0x437]  }
0x7f8: {  	[smem:$0x4C1] =	sst s1  }
0x7f9: {  	s15 =	smulhi.u32 $0x91A2B3C5, s18;
	s0 =	sadd.s32 s9, s0;
	[smem:$0x4AA] =	sst s6  }
0x7fa: {  	(v2sf) =	vpush v7, $0xF;
	s9 =	smulhi.u32 $0x91A2B3C5, s19;
	[smem:$0x4BC] =	sst s0;
	s0 =	sadd.s32 s13, s11  }
0x7fb: {  	s4 =	spop (v2sf);
	[smem:$0x4BD] =	sst s0  }
0x7fc: {  	s13 =	sshra.s32 s4, $0x1F;
	s1 =	ssub.s32 s9, s19;
	s19 =	sld [smem:$0x438]  }
0x7fd: {  	s0 =	ssub.s32 s15, s18;
	s15 =	smul.u32 $0x91A2B3C5, s13;
	s13 =	sld [smem:$0x43D]  }
0x7fe: {  	s0 =	sadd.s32 s7, s0;
	s7 =	sld [smem:$0x43A]  }
0x7ff: {  	s1 =	sadd.s32 s14, s1;
	[smem:$0x4C2] =	sst s0  }
0x800: {  	s18 =	smulhi.u32 $0x91A2B3C5, s26;
	[smem:$0x4C5] =	sst s1  }
0x801: {  	[smem:$0x4AD] =	sst s15  }
0x802: {  	s1 =	ssub.s32 s18, s26;
	s26 =	sld [smem:$0x439]  }
0x803: {  	s22 =	smulhi.u32 $0x91A2B3C5, s28;
	s0 =	sadd.s32 s10, s8;
	s10 =	sld [smem:$0x43B]  }
0x804: {  	(v2sf) =	vpush v7, $0x9;
	s18 =	sld [smem:$0x43F]  }
0x805: {  	s8 =	ssub.s32 s22, s28;
	s22 =	sld [smem:$0x440]  }
0x806: {  	s11 =	smulhi.u32 $0x91A2B3C5, s24;
	s28 =	sld [smem:$0x442]  }
0x807: {  	[smem:$0x4BE] =	sst s0  }
0x808: {  	s12 =	smulhi.u32 $0x91A2B3C5, s21;
	s0 =	ssub.s32 s11, s24;
	s11 =	sld [smem:$0x43C]  }
0x809: {  	s5 =	spop (v2sf);
	s0 =	sadd.s32 s16, s0;
	s16 =	sld [smem:$0x43E]  }
0x80a: {  	s17 =	ssub.s32 s12, s21;
	s14 =	smulhi.u32 $0x91A2B3C5, s13;
	[smem:$0x4CB] =	sst s0  }
0x80b: {  	(v2sf) =	vpush v7, $0x8;
	s24 =	sshra.s32 s5, $0x1F;
	s1 =	sadd.s32 s26, s1;
	s26 =	sld [smem:$0x441]  }
0x80c: {  	s0 =	sadd.s32 s19, s17;
	s19 =	ssub.s32 s14, s13;
	s14 =	sld [smem:$0x445]  }
0x80d: {  	s6 =	smul.u32 $0x91A2B3C5, s24;
	[smem:$0x4C9] =	sst s0  }
0x80e: {  	s9 =	smulhi.u32 $0x91A2B3C5, s31;
	[smem:$0x4C6] =	sst s1  }
0x80f: {  	s21 =	smulhi.u32 $0x91A2B3C5, s30;
	[smem:$0x4AF] =	sst s6  }
0x810: {  	s1 =	ssub.s32 s9, s31;
	s9 =	sld [smem:$0x45E]  }
0x811: {  	s0 =	ssub.s32 s21, s30;
	s1 =	sadd.s32 s16, s1;
	s16 =	sld [smem:$0x446]  }
0x812: {  	s24 =	smulhi.u32 $0x91A2B3C5, s22;
	s0 =	sadd.s32 s7, s0;
	s7 =	sld [smem:$0x45D]  }
0x813: {  	(v2sf) =	vpush v7, $0xA;
	s21 =	spop (v2sf);
	[smem:$0x4CC] =	sst s0  }
0x814: {  	s12 =	smulhi.u32 $0x91A2B3C5, s11;
	s15 =	sshra.s32 s21, $0x1F;
	[smem:$0x4BF] =	sst s1  }
0x815: {  	s0 =	sadd.s32 s10, s8;
	s1 =	ssub.s32 s24, s22;
	s24 =	sld [smem:$0x449]  }
0x816: {  	s17 =	smul.u32 $0x91A2B3C5, s15;
	[smem:$0x4CF] =	sst s0  }
0x817: {  	s0 =	ssub.s32 s12, s11;
	s12 =	sld [smem:$0x444]  }
0x818: {  	s10 =	smulhi.u32 $0x91A2B3C5, s2;
	[smem:$0x4B4] =	sst s17  }
0x819: {  	s0 =	sadd.s32 s18, s0;
	s18 =	sld [smem:$0x447]  }
0x81a: {  	s30 =	spop (v2sf);
	s15 =	ssub.s32 s10, s2;
	s10 =	sld [smem:$0x44A]  }
0x81b: {  	s11 =	sshra.s32 s30, $0x1F;
	[smem:$0x4BA] =	sst s0  }
0x81c: {  	s13 =	smul.u32 $0x91A2B3C5, s11;
	s0 =	sadd.s32 s26, s19;
	s19 =	sld [smem:$0x448]  }
0x81d: {  	[smem:$0x4C3] =	sst s0  }
0x81e: {  	s31 =	smulhi.u32 $0x91A2B3C5, s28;
	[smem:$0x4B7] =	sst s13  }
0x81f: {  	(v2sf) =	vpush v7, $0xB;
	s1 =	sadd.s32 s12, s1;
	s12 =	sld [smem:$0x44B]  }
0x820: {  	s17 =	smulhi.u32 $0x91A2B3C5, s16;
	s0 =	ssub.s32 s31, s28;
	[smem:$0x4C7] =	sst s1  }
0x821: {  	s0 =	sadd.s32 s14, s0;
	s14 =	sld [smem:$0x44C]  }
0x822: {  	s26 =	spop (v2sf);
	s1 =	ssub.s32 s17, s16;
	s16 =	sld [smem:$0x44D]  }
0x823: {  	s31 =	sshra.s32 s26, $0x1F;
	s17 =	sld [smem:$0x44E]  }
0x824: {  	s11 =	smul.u32 $0x91A2B3C5, s31;
	s31 =	sld [smem:$0x450]  }
0x825: {  	(v2sf) =	vpush v7, $0x1;
	[smem:$0x4CA] =	sst s0;
	s0 =	sadd.s32 s18, s15  }
0x826: {  	s1 =	sadd.s32 s10, s1;
	[smem:$0x4CD] =	sst s0  }
0x827: {  	s22 =	smulhi.u32 $0x91A2B3C5, s19;
	[smem:$0x4D0] =	sst s1  }
0x828: {  	[smem:$0x4BB] =	sst s11  }
0x829: {  	s28 =	smulhi.u32 $0x91A2B3C5, s24;
	s11 =	sld [smem:$0x451];
	s0 =	ssub.s32 s22, s19  }
0x82a: {  	s22 =	sld [smem:$0x44F];
	s0 =	sadd.s32 s12, s0  }
0x82b: {  	s13 =	ssub.s32 s28, s24;
	s15 =	smulhi.u32 $0x91A2B3C5, s14;
	[smem:$0x4D3] =	sst s0  }
0x82c: {  	s0 =	sadd.s32 s16, s13;
	s13 =	sld [smem:$0x452]  }
0x82d: {  	s1 =	ssub.s32 s15, s14;
	s15 =	sld [smem:$0x453]  }
0x82e: {  	s19 =	spop (v2sf);
	s16 =	sld [smem:$0x454]  }
0x82f: {  	s18 =	smulhi.u32 $0x91A2B3C5, s17;
	s28 =	sshra.s32 s19, $0x1F;
	[smem:$0x4D8] =	sst s0  }
0x830: {  	s10 =	smul.u32 $0x91A2B3C5, s28;
	s1 =	sadd.s32 s31, s1;
	s31 =	sld [smem:$0x456]  }
0x831: {  	(v2sf) =	vpush v7, $0x0;
	[smem:$0x4D4] =	sst s1  }
0x832: {  	s0 =	ssub.s32 s18, s17;
	[smem:$0x4C0] =	sst s10  }
0x833: {  	s24 =	smulhi.u32 $0x91A2B3C5, s22;
	s0 =	sadd.s32 s11, s0;
	s10 =	sld [smem:$0x457]  }
0x834: {  	s18 =	spop (v2sf);
	[smem:$0x4DC] =	sst s0  }
0x835: {  	s28 =	sshra.s32 s18, $0x1F;
	s12 =	ssub.s32 s24, s22;
	s22 =	sld [smem:$0x455]  }
0x836: {  	s8 =	smul.u32 $0x91A2B3C5, s28;
	s28 =	sld [smem:$0x45C]  }
0x837: {  	s0 =	sadd.s32 s15, s12;
	s12 =	sld [smem:$0x458]  }
0x838: {  	s14 =	smulhi.u32 $0x91A2B3C5, s13;
	s15 =	sld [smem:$0x45A]  }
0x839: {  	s17 =	smulhi.u32 $0x91A2B3C5, s16;
	[smem:$0x4E0] =	sst s0  }
0x83a: {  	(v2sf) =	vpush v7, $0x2;
	[smem:$0x4C4] =	sst s8  }
0x83b: {  	s1 =	ssub.s32 s14, s13;
	s0 =	ssub.s32 s17, s16;
	s14 =	sld [smem:$0x459]  }
0x83c: {  	s17 =	sld [smem:$0x45B];
	s24 =	smulhi.u32 $0x91A2B3C5, s22;
	s1 =	sadd.s32 s31, s1  }
0x83d: {  	s0 =	sadd.s32 s10, s0;
	[smem:$0x4D9] =	sst s1  }
0x83e: {  	[smem:$0x4D6] =	sst s0;
	s13 =	smulhi.u32 $0x91A2B3C5, s12;
	s11 =	ssub.s32 s24, s22  }
0x83f: {  	s0 =	sadd.s32 s14, s11;
	s11 =	sld [smem:$0x45F]  }
0x840: {  	s31 =	spop (v2sf);
	s1 =	ssub.s32 s13, s12;
	s12 =	sld [smem:$0x460]  }
0x841: {  	s22 =	smulhi.u32 $0x91A2B3C5, s17;
	s14 =	sld [smem:$0x461]  }
0x842: {  	s16 =	smulhi.u32 $0x91A2B3C5, s15;
	[smem:$0x4DD] =	sst s0  }
0x843: {  	(v2sf) =	vpush v7, $0x3;
	s24 =	sshra.s32 s31, $0x1F;
	s8 =	ssub.s32 s22, s17;
	s22 =	sld [smem:$0x462]  }
0x844: {  	s6 =	smul.u32 $0x91A2B3C5, s24;
	s1 =	sadd.s32 s28, s1;
	s28 =	sld [smem:$0x463]  }
0x845: {  	[smem:$0x4E1] =	sst s1  }
0x846: {  	s10 =	smulhi.u32 $0x91A2B3C5, s9;
	s0 =	ssub.s32 s16, s15;
	[smem:$0x4C8] =	sst s6  }
0x847: {  	s0 =	sadd.s32 s7, s0;
	s7 =	sld [smem:$0x464]  }
0x848: {  	s1 =	ssub.s32 s10, s9;
	s9 =	sld [smem:$0x465]  }
0x849: {  	s17 =	spop (v2sf);
	s10 =	sld [smem:$0x466]  }
0x84a: {  	s16 =	sshra.s32 s17, $0x1F;
	[smem:$0x4D7] =	sst s0  }
0x84b: {  	(v2sf) =	vpush v7, $0x4;
	s0 =	sadd.s32 s11, s8;
	s24 =	smul.u32 $0x91A2B3C5, s16;
	s16 =	sld [smem:$0x468]  }
0x84c: {  	[smem:$0x4D1] =	sst s0;
	s1 =	sadd.s32 s22, s1  }
0x84d: {  	s13 =	smulhi.u32 $0x91A2B3C5, s12;
	[smem:$0x4DA] =	sst s1  }
0x84e: {  	[smem:$0x4CE] =	sst s24  }
0x84f: {  	s15 =	smulhi.u32 $0x91A2B3C5, s14;
	s0 =	ssub.s32 s13, s12;
	s12 =	sld [smem:$0x467]  }
0x850: {  	s8 =	smulhi.u32 $0x91A2B3C5, s7;
	s24 =	sld [smem:$0x469];
	s0 =	sadd.s32 s28, s0  }
0x851: {  	s6 =	ssub.s32 s15, s14;
	s11 =	smulhi.u32 $0x91A2B3C5, s10;
	[smem:$0x4DE] =	sst s0  }
0x852: {  	s15 =	spop (v2sf);
	s1 =	ssub.s32 s8, s7;
	s8 =	sld [smem:$0x46B]  }
0x853: {  	s14 =	sshra.s32 s15, $0x1F;
	s0 =	sadd.s32 s9, s6;
	s9 =	sld [smem:$0x46C]  }
0x854: {  	s22 =	smul.u32 $0x91A2B3C5, s14;
	s14 =	sld [smem:$0x46E]  }
0x855: {  	[smem:$0x4E2] =	sst s0  }
0x856: {  	s1 =	sadd.s32 s16, s1;
	s0 =	ssub.s32 s11, s10;
	s11 =	sld [smem:$0x46D]  }
0x857: {  	(v2sf) =	vpush v7, $0x5;
	[smem:$0x4E4] =	sst s1  }
0x858: {  	[smem:$0x4D2] =	sst s22  }
0x859: {  	s13 =	smulhi.u32 $0x91A2B3C5, s12;
	s1 =	sld [smem:$0x46A]  }
0x85a: {  	s0 =	sadd.s32 s24, s0;
	s22 =	spop (v2sf);
	s24 =	sld [smem:$0x46F]  }
0x85b: {  	[smem:$0x4E6] =	sst s0;
	s28 =	ssub.s32 s13, s12;
	s10 =	smulhi.u32 $0x91A2B3C5, s9  }
0x85c: {  	s13 =	sshra.s32 s22, $0x1F;
	s0 =	sadd.s32 s8, s28;
	s8 =	sld [smem:$0x471]  }
0x85d: {  	s16 =	smul.u32 $0x91A2B3C5, s13;
	[smem:$0x4E9] =	sst s0  }
0x85e: {  	s12 =	smulhi.u32 $0x91A2B3C5, s11;
	s0 =	ssub.s32 s10, s9;
	s9 =	sld [smem:$0x472]  }
0x85f: {  	[smem:$0x4D5] =	sst s16  }
0x860: {  	s28 =	ssub.s32 s12, s11;
	s11 =	sld [smem:$0x473]  }
0x861: {  	s7 =	smulhi.u32 $0x91A2B3C5, s1;
	s0 =	sadd.s32 s24, s0;
	s16 =	sld [smem:$0x474]  }
0x862: {  	[smem:$0x4E7] =	sst s0  }
0x863: {  	s1 =	ssub.s32 s7, s1;
	s0 =	sadd.s32 s8, s28;
	s28 =	sld [smem:$0x475]  }
0x864: {  	(v2sf) =	vpush v7, $0x6;
	s1 =	sadd.s32 s14, s1;
	[smem:$0x4ED] =	sst s0  }
0x865: {  	s10 =	smulhi.u32 $0x91A2B3C5, s9;
	[smem:$0x4EA] =	sst s1  }
0x866: {  	s14 =	spop (v2sf);
	s1 =	sld [smem:$0x470]  }
0x867: {  	s12 =	smulhi.u32 $0x91A2B3C5, s11;
	s0 =	ssub.s32 s10, s9;
	s9 =	sld [smem:$0x477]  }
0x868: {  	s13 =	sshra.s32 s14, $0x1F;
	s10 =	sld [smem:$0x478]  }
0x869: {  	(v2sf) =	vpush v7, $0x7;
	s24 =	smul.u32 $0x91A2B3C5, s13;
	s6 =	ssub.s32 s12, s11;
	s12 =	sld [smem:$0x479]  }
0x86a: {  	s0 =	sadd.s32 s28, s0;
	s28 =	sld [smem:$0x47A]  }
0x86b: {  	[smem:$0x4DB] =	sst s24  }
0x86c: {  	[smem:$0x4F1] =	sst s0  }
0x86d: {  	s7 =	smulhi.u32 $0x91A2B3C5, s1;
	s0 =	sadd.s32 s9, s6;
	s6 =	sld [smem:$0x47F]  }
0x86e: {  	s9 =	sld [smem:$0x483]  }
0x86f: {  	v8 =	vld [tilespmem:s25+$0x60];
	s11 =	smulhi.u32 $0x91A2B3C5, s10;
	s1 =	ssub.s32 s7, s1;
	s7 =	sld [smem:$0x476]  }
0x870: {  	[smem:$0x4EE] =	sst s0;
	s1 =	sadd.s32 s16, s1  }
0x871: {  	s16 =	smulhi.u32 $0x91A2B3C5, s12;
	s0 =	ssub.s32 s11, s10;
	s11 =	sld [smem:$0x47C]  }
0x872: {  	[smem:$0x4F3] =	sst s1;
	s8 =	smulhi.u32 $0x91A2B3C5, s7  }
0x873: {  	s13 =	spop (v2sf);
	s10 =	ssub.s32 s16, s12;
	s16 =	sld [smem:$0x47D]  }
0x874: {  	(v2sf) =	vpush v8, $0xD;
	s24 =	sshra.s32 s13, $0x1F;
	s1 =	ssub.s32 s8, s7;
	s8 =	sld [smem:$0x47B]  }
0x875: {  	s7 =	smul.u32 $0x91A2B3C5, s24;
	s24 =	sld [smem:$0x47E];
	s1 =	sadd.s32 s28, s1  }
0x876: {  	[smem:$0x4F4] =	sst s1  }
0x877: {  	s12 =	smulhi.u32 $0x91A2B3C5, s11;
	[smem:$0x4DF] =	sst s7  }
0x878: {  	s2 =	spop (v2sf);
	s0 =	sadd.s32 s8, s0;
	s8 =	sld [smem:$0x482]  }
0x879: {  	s1 =	ssub.s32 s12, s11;
	s28 =	smulhi.u32 $0x91A2B3C5, s24;
	[smem:$0x4FA] =	sst s0  }
0x87a: {  	s12 =	sshra.s32 s2, $0x1F;
	s0 =	sadd.s32 s16, s10;
	s16 =	sld [smem:$0x480]  }
0x87b: {  	[smem:$0x4EB] =	sst s0;
	s0 =	ssub.s32 s28, s24;
	s24 =	smul.u32 $0x91A2B3C5, s12  }
0x87c: {  	s28 =	sld [smem:$0x481]  }
0x87d: {  	[smem:$0x4E3] =	sst s24  }
0x87e: {  	s7 =	smulhi.u32 $0x91A2B3C5, s29;
	s1 =	sadd.s32 s16, s1;
	s16 =	sld [smem:$0x484]  }
0x87f: {  	(v2sf) =	vpush v8, $0xC;
	[smem:$0x4E5] =	sst s1  }
0x880: {  	s11 =	smulhi.u32 $0x91A2B3C5, s6;
	s1 =	ssub.s32 s7, s29;
	s29 =	sld [smem:$0x485]  }
0x881: {  	s0 =	sadd.s32 s28, s0;
	s7 =	sld [smem:$0x490]  }
0x882: {  	s6 =	ssub.s32 s11, s6;
	s11 =	smulhi.u32 $0x91A2B3C5, s9;
	[smem:$0x4EF] =	sst s0  }
0x883: {  	s12 =	spop (v2sf);
	s0 =	sadd.s32 s8, s6;
	s6 =	sld [smem:$0x489]  }
0x884: {  	s28 =	sshra.s32 s12, $0x1F;
	[smem:$0x4F2] =	sst s0  }
0x885: {  	s10 =	smul.u32 $0x91A2B3C5, s28;
	s0 =	ssub.s32 s11, s9;
	s11 =	sld [smem:$0x486]  }
0x886: {  	s9 =	sld [smem:$0x48C]  }
0x887: {  	[smem:$0x4E8] =	sst s10  }
0x888: {  	(v2sf) =	vpush v8, $0xE;
	s24 =	smulhi.u32 $0x91A2B3C5, s16;
	s1 =	sadd.s32 s29, s1;
	s29 =	sld [smem:$0x488]  }
0x889: {  	[smem:$0x4F5] =	sst s1  }
0x88a: {  	s16 =	ssub.s32 s24, s16;
	s24 =	sld [smem:$0x487]  }
0x88b: {  	s10 =	smulhi.u32 $0x91A2B3C5, s6;
	s0 =	sadd.s32 s11, s0;
	s11 =	sld [smem:$0x48A]  }
0x88c: {  	[smem:$0x4F7] =	sst s0;
	s0 =	sadd.s32 s29, s16  }
0x88d: {  	s28 =	smulhi.u32 $0x91A2B3C5, s24;
	[smem:$0x4FB] =	sst s0;
	s0 =	ssub.s32 s10, s6  }
0x88e: {  	s29 =	spop (v2sf);
	s16 =	smulhi.u32 $0x91A2B3C5, s11;
	s0 =	sadd.s32 s9, s0  }
0x88f: {  	s9 =	sld [smem:$0x492];
	s1 =	ssub.s32 s28, s24;
	s24 =	sshra.s32 s29, $0x1F  }
0x890: {  	s28 =	sld [smem:$0x48B];
	s8 =	smul.u32 $0x91A2B3C5, s24  }
0x891: {  	s11 =	ssub.s32 s16, s11;
	s16 =	sld [smem:$0x48D]  }
0x892: {  	(v2sf) =	vpush v8, $0xF;
	[smem:$0x4EC] =	sst s8  }
0x893: {  	s1 =	sadd.s32 s28, s1;
	s28 =	sld [smem:$0x48E]  }
0x894: {  	s8 =	sld [smem:$0x48F]  }
0x895: {  	[smem:$0x500] =	sst s0  }
0x896: {  	[smem:$0x4FF] =	sst s1;
	s24 =	smulhi.u32 $0x91A2B3C5, s16  }
0x897: {  	s1 =	spop (v2sf);
	s0 =	sadd.s32 s28, s11;
	s10 =	smulhi.u32 $0x91A2B3C5, s8  }
0x898: {  	s6 =	ssub.s32 s24, s16;
	s16 =	smulhi.u32 $0x91A2B3C5, s7;
	s28 =	sld [smem:$0x491]  }
0x899: {  	s24 =	sshra.s32 s1, $0x1F;
	[smem:$0x4FD] =	sst s0  }
0x89a: {  	s0 =	ssub.s32 s10, s8;
	s11 =	ssub.s32 s16, s7;
	s16 =	sld [smem:$0x493]  }
0x89b: {  	s8 =	smul.u32 $0x91A2B3C5, s24;
	s6 =	sadd.s32 s28, s6;
	s28 =	sld [smem:$0x494]  }
0x89c: {  	[smem:$0x506] =	sst s6  }
0x89d: {  	s0 =	sadd.s32 s9, s0;
	[smem:$0x4F0] =	sst s8  }
0x89e: {  	[smem:$0x50B] =	sst s0  }
0x89f: {  	(v2sf) =	vpush v8, $0x9;
	s0 =	sadd.s32 s28, s11;
	s28 =	sld [smem:$0x497]  }
0x8a0: {  	s24 =	smulhi.u32 $0x91A2B3C5, s16;
	[smem:$0x507] =	sst s0  }
0x8a1: {  	s8 =	spop (v2sf);
	s0 =	sld [smem:$0x495]  }
0x8a2: {  	s6 =	ssub.s32 s24, s16;
	s16 =	sld [smem:$0x496];
	s24 =	sshra.s32 s8, $0x1F  }
0x8a3: {  	s11 =	smul.u32 $0x91A2B3C5, s24  }
0x8a4: {  	s24 =	sld [smem:$0x498];
	s6 =	sadd.s32 s28, s6;
	s9 =	smulhi.u32 $0x91A2B3C5, s0  }
0x8a5: {  	s7 =	smulhi.u32 $0x91A2B3C5, s16;
	[smem:$0x503] =	sst s6  }
0x8a6: {  	(v2sf) =	vpush v8, $0x8;
	s6 =	sld [smem:$0x499]  }
0x8a7: {  	s0 =	ssub.s32 s9, s0;
	s28 =	ssub.s32 s7, s16;
	s16 =	sld [smem:$0x49B]  }
0x8a8: {  	s0 =	sadd.s32 s24, s0;
	s24 =	sld [smem:$0x49A]  }
0x8a9: {  	[smem:$0x4F6] =	sst s11  }
0x8aa: {  	s10 =	smulhi.u32 $0x91A2B3C5, s6;
	[smem:$0x509] =	sst s0  }
0x8ab: {  	s7 =	smulhi.u32 $0x91A2B3C5, s16;
	s0 =	sadd.s32 s24, s28;
	s28 =	sld [smem:$0x49D]  }
0x8ac: {  	s24 =	sld [smem:$0x49C]  }
0x8ad: {  	s6 =	ssub.s32 s10, s6;
	s16 =	ssub.s32 s7, s16;
	s7 =	sld [smem:$0x49E]  }
0x8ae: {  	s11 =	spop (v2sf);
	[smem:$0x50C] =	sst s0;
	s0 =	sadd.s32 s28, s6  }
0x8af: {  	s10 =	sshra.s32 s11, $0x1F;
	s9 =	smulhi.u32 $0x91A2B3C5, s24;
	[smem:$0x4FE] =	sst s0  }
0x8b0: {  	(v2sf) =	vpush v8, $0xA;
	s28 =	smul.u32 $0x91A2B3C5, s10;
	s0 =	sadd.s32 s7, s16;
	s16 =	sld [smem:$0x4A0]  }
0x8b1: {  	s10 =	ssub.s32 s9, s24;
	s24 =	sld [smem:$0x49F]  }
0x8b2: {  	[smem:$0x4F9] =	sst s28  }
0x8b3: {  	[smem:$0x4F8] =	sst s0  }
0x8b4: {  	s0 =	sld [smem:$0x4A3];
	s28 =	smulhi.u32 $0x91A2B3C5, s24  }
0x8b5: {  	(v2sf) =	vpush v8, $0xB;
	s6 =	sadd.s32 s16, s10;
	s16 =	sld [smem:$0x4A1];
	s10 =	spop (v2sf)  }
0x8b6: {  	s7 =	ssub.s32 s28, s24;
	s28 =	sld [smem:$0x4A2];
	s24 =	sshra.s32 s10, $0x1F  }
0x8b7: {  	[smem:$0x501] =	sst s6;
	s24 =	smul.u32 $0x91A2B3C5, s24  }
0x8b8: {  	s6 =	smulhi.u32 $0x91A2B3C5, s16;
	s0 =	sadd.s32 s0, s7;
	s7 =	sld [smem:$0x4A4]  }
0x8b9: {  	s9 =	smulhi.u32 $0x91A2B3C5, s28;
	[smem:$0x4FC] =	sst s24  }
0x8ba: {  	s24 =	sld [smem:$0x4A5]  }
0x8bb: {  	s6 =	ssub.s32 s6, s16;
	s16 =	ssub.s32 s9, s28;
	s9 =	sld [smem:$0x4A6]  }
0x8bc: {  	[smem:$0x504] =	sst s0;
	s0 =	sadd.s32 s7, s6;
	s6 =	smulhi.u32 $0x91A2B3C5, s20  }
0x8bd: {  	[smem:$0x508] =	sst s0;
	s28 =	smulhi.u32 $0x91A2B3C5, s24  }
0x8be: {  	s0 =	sadd.s32 s9, s16;
	s16 =	sld [smem:$0x4A7]  }
0x8bf: {  	s6 =	ssub.s32 s6, s20;
	s9 =	spop (v2sf);
	s7 =	ssub.s32 s28, s24  }
0x8c0: {  	s24 =	smulhi.u32 $0x91A2B3C5, s3;
	[smem:$0x50A] =	sst s0;
	s28 =	sshra.s32 s9, $0x1F  }
0x8c1: {  	s20 =	smul.u32 $0x91A2B3C5, s28;
	s28 =	sld [smem:$0x4A8];
	s0 =	sadd.s32 s16, s7  }
0x8c2: {  	s3 =	ssub.s32 s24, s3;
	s24 =	smulhi.u32 $0x91A2B3C5, s4;
	[smem:$0x50D] =	sst s0  }
0x8c3: {  	s7 =	smulhi.u32 $0x91A2B3C5, s23;
	[smem:$0x502] =	sst s20  }
0x8c4: {  	s16 =	spop (v2sf);
	s20 =	sld [smem:$0x4A9]  }
0x8c5: {  	s0 =	sadd.s32 s28, s6;
	s6 =	ssub.s32 s7, s23;
	s7 =	sld [smem:$0x4AA]  }
0x8c6: {  	s28 =	sshra.s32 s16, $0x1F;
	[smem:$0x510] =	sst s0  }
0x8c7: {  	s0 =	sadd.s32 s20, s3;
	s3 =	ssub.s32 s24, s4;
	s24 =	sld [smem:$0x4AB]  }
0x8c8: {  	s20 =	smul.u32 $0x91A2B3C5, s28;
	s28 =	sld [smem:$0x4AC]  }
0x8c9: {  	s23 =	smulhi.u32 $0x91A2B3C5, s5;
	s4 =	sld [smem:$0x4AD]  }
0x8ca: {  	[smem:$0x511] =	sst s0  }
0x8cb: {  	(v2sf) =	vpush v8, $0x1;
	s0 =	sadd.s32 s7, s6;
	s6 =	ssub.s32 s23, s5;
	s23 =	sld [smem:$0x4AE]  }
0x8cc: {  	s5 =	sld [smem:$0x4B1]  }
0x8cd: {  	[smem:$0x50F] =	sst s0  }
0x8ce: {  	[smem:$0x505] =	sst s20  }
0x8cf: {  	s7 =	smulhi.u32 $0x91A2B3C5, s21;
	v9 =	vmov s24;
	s24 =	sld [smem:$0x4AF]  }
0x8d0: {  	v10 =	vmov s28;
	s28 =	sld [smem:$0x4B0]  }
0x8d1: {  	s0 =	sadd.s32 s4, s3;
	s4 =	ssub.s32 s7, s21;
	s7 =	rddreg [dreg:$0x19]  }
0x8d2: {  	s21 =	sld [smem:$0x4B7]  }
0x8d3: {  	[smem:$0x512] =	sst s0  }
0x8d4: {  	s3 =	smulhi.u32 $0x91A2B3C5, s30;
	v9 =	vsel vm0, s23, v9;
	s23 =	sld [smem:$0x4B2]  }
0x8d5: {  	v9 =	vsel vm1, s7, v9;
	s7 =	sld [smem:$0x4B6]  }
0x8d6: {  	s3 =	ssub.s32 s3, s30;
	s30 =	sld [smem:$0x4B9]  }
0x8d7: {  	v10 =	vnsel vm3, $0x0, v10;
	s0 =	sadd.s32 s24, s6;
	s24 =	sld [smem:$0x4B3]  }
0x8d8: {  	v10 =	vsel vm0, s5, v10;
	s5 =	smulhi.u32 $0x91A2B3C5, s26;
	v11 =	vmov s28;
	s28 =	sld [smem:$0x4B4]  }
0x8d9: {  	[smem:$0x514] =	sst s0  }
0x8da: {  	s20 =	spop (v2sf);
	v11 =	vsel vm0, s23, v11;
	s23 =	ssub.s32 s5, s26;
	s5 =	sld [smem:$0x4BA]  }
0x8db: {  	s6 =	sshra.s32 s20, $0x1F;
	s0 =	sadd.s32 s28, s4;
	s4 =	rddreg [dreg:$0x1d]  }
0x8dc: {  	v12 =	vsel vm1, s24, v10;
	s24 =	smul.u32 $0x91A2B3C5, s6;
	s6 =	sld [smem:$0x4B5]  }
0x8dd: {  	s28 =	sld [smem:$0x4B8]  }
0x8de: {  	(v2sf) =	vpush v8, $0x0;
	s26 =	smulhi.u32 $0x91A2B3C5, s19;
	[smem:$0x517] =	sst s0  }
0x8df: {  	s0 =	sadd.s32 s21, s3;
	s21 =	sld [smem:$0x4BC]  }
0x8e0: {  	v43 =	vsel vm2, s4, v9;
	s4 =	ssub.s32 s26, s19;
	s26 =	sld [smem:$0x4BD]  }
0x8e1: {  	v48 =	vmov s5;
	s5 =	sld [smem:$0x4C0]  }
0x8e2: {  	v45 =	vsel vm2, s7, v12;
	[smem:$0x515] =	sst s0  }
0x8e3: {  	s7 =	smulhi.u32 $0x91A2B3C5, s18;
	v47 =	vsel vm4, s30, v45;
	s30 =	sld [smem:$0x4BF]  }
0x8e4: {  	v44 =	vsel vm1, s6, v11;
	s6 =	sld [smem:$0x4BB]  }
0x8e5: {  	s3 =	ssub.s32 s7, s18;
	s18 =	sld [smem:$0x4C1]  }
0x8e6: {  	v46 =	vsel vm2, s28, v44;
	s28 =	sld [smem:$0x4BE]  }
0x8e7: {  	v9 =	vsel vm5, s21, v47;
	s21 =	sld [smem:$0x4C2]  }
0x8e8: {  	s19 =	smulhi.u32 $0x91A2B3C5, s31;
	v9 =	vsel vm6, s26, v9;
	s26 =	sld [smem:$0x4C4];
	s0 =	sadd.s32 s6, s23  }
0x8e9: {  	[smem:$0x519] =	sst s0  }
0x8ea: {  	v11 =	vnsel vm3, $0x0, v48;
	v13 =	vmov s28;
	s28 =	ssub.s32 s19, s31;
	s31 =	sld [smem:$0x4C5]  }
0x8eb: {  	v11 =	vsel vm0, s30, v11;
	s30 =	smulhi.u32 $0x91A2B3C5, s17;
	s0 =	sadd.s32 s5, s4;
	s4 =	sld [smem:$0x4C6]  }
0x8ec: {  	s5 =	sld [smem:$0x4C7]  }
0x8ed: {  	s6 =	spop (v2sf);
	s17 =	ssub.s32 s30, s17;
	s30 =	sld [smem:$0x4CB]  }
0x8ee: {  	s23 =	sshra.s32 s6, $0x1F;
	[smem:$0x51A] =	sst s0  }
0x8ef: {  	(v2sf) =	vpush v8, $0x2;
	s7 =	smul.u32 $0x91A2B3C5, s23;
	s23 =	sld [smem:$0x4C3]  }
0x8f0: {  	s19 =	smulhi.u32 $0x91A2B3C5, s15;
	v49 =	vsel vm0, s21, v13;
	s0 =	sadd.s32 s26, s3;
	s21 =	sld [smem:$0x4C9]  }
0x8f1: {  	[smem:$0x513] =	sst s0  }
0x8f2: {  	s3 =	ssub.s32 s19, s15;
	s15 =	sld [smem:$0x4CF]  }
0x8f3: {  	s19 =	sld [smem:$0x4D1]  }
0x8f4: {  	[smem:$0x50E] =	sst s7  }
0x8f5: {  	s7 =	sld [smem:$0x4C8]  }
0x8f6: {  	v14 =	vsel vm7, s18, v9;
	v9 =	vsel vm1, s31, v49;
	s31 =	sld [smem:$0x4CC]  }
0x8f7: {  	v50 =	vmov s4;
	s4 =	sld [smem:$0x4CD]  }
0x8f8: {  	(v2sf) =	vpush v8, $0x3;
	v11 =	vsel vm1, s23, v11;
	s23 =	sld [smem:$0x4CA]  }
0x8f9: {  	v51 =	vsel vm2, s30, v9;
	s30 =	smulhi.u32 $0x91A2B3C5, s14;
	v11 =	vsel vm2, s5, v11;
	s5 =	sld [smem:$0x4CE]  }
0x8fa: {  	v16 =	vmov s19;
	s19 =	sld [smem:$0x4D6]  }
0x8fb: {  	s14 =	ssub.s32 s30, s14;
	s30 =	sld [smem:$0x4D9]  }
0x8fc: {  	v15 =	vsel vm0, s21, v50;
	v11 =	vsel vm4, s23, v11;
	s23 =	sld [smem:$0x4D2]  }
0x8fd: {  	s18 =	smulhi.u32 $0x91A2B3C5, s22;
	v52 =	vsel vm1, s31, v15;
	s31 =	sadd.s32 s5, s17;
	s17 =	sld [smem:$0x4D0]  }
0x8fe: {  	s28 =	sadd.s32 s7, s28;
	s7 =	spop (v2sf);
	v11 =	vsel vm5, s4, v11;
	s4 =	sld [smem:$0x4D3]  }
0x8ff: {  	s26 =	sshra.s32 s7, $0x1F;
	s5 =	sld [smem:$0x4D4]  }
0x900: {  	s21 =	smul.u32 $0x91A2B3C5, s26;
	s26 =	ssub.s32 s18, s22;
	s22 =	sld [smem:$0x4D7]  }
0x901: {  	v15 =	vsel vm2, s15, v52;
	s15 =	smulhi.u32 $0x91A2B3C5, s2;
	v18 =	vmov s19;
	s19 =	sld [smem:$0x4DC]  }
0x902: {  	v18 =	vsel vm0, s30, v18;
	s30 =	sld [smem:$0x4DF]  }
0x903: {  	s2 =	ssub.s32 s15, s2;
	s15 =	sld [smem:$0x4E2]  }
0x904: {  	s0 =	sadd.s32 s23, s3;
	s3 =	sld [smem:$0x4DA]  }
0x905: {  	(v2sf) =	vpush v8, $0x4;
	[smem:$0x516] =	sst s0  }
0x906: {  	v16 =	vnsel vm3, $0x0, v16;
	s18 =	smulhi.u32 $0x91A2B3C5, s13;
	v53 =	vsel vm6, s17, v11;
	s17 =	sld [smem:$0x4D5]  }
0x907: {  	v17 =	vmov s5;
	s5 =	spop (v2sf);
	v16 =	vsel vm0, s22, v16;
	s22 =	sld [smem:$0x4DD]  }
0x908: {  	v11 =	vsel vm7, s4, v53;
	s23 =	sshra.s32 s5, $0x1F;
	s4 =	sld [smem:$0x4DB]  }
0x909: {  	s13 =	ssub.s32 s18, s13;
	s18 =	smul.u32 $0x91A2B3C5, s23;
	s23 =	sld [smem:$0x4DE]  }
0x90a: {  	v16 =	vsel vm1, s3, v16;
	s3 =	smulhi.u32 $0x91A2B3C5, s12;
	s0 =	sadd.s32 s17, s26;
	s26 =	sld [smem:$0x4D8]  }
0x90b: {  	s17 =	sld [smem:$0x4E3]  }
0x90c: {  	s12 =	ssub.s32 s3, s12;
	s3 =	sld [smem:$0x4E6]  }
0x90d: {  	v19 =	vsel vm2, s23, v16;
	s23 =	sadd.s32 s30, s13;
	s30 =	sld [smem:$0x4E5]  }
0x90e: {  	v17 =	vsel vm0, s26, v17;
	s26 =	sadd.s32 s4, s14;
	s4 =	sld [smem:$0x4E0]  }
0x90f: {  	s14 =	sld [smem:$0x4E1]  }
0x910: {  	v56 =	vsel vm4, s15, v19;
	s15 =	smulhi.u32 $0x91A2B3C5, s29;
	v17 =	vsel vm1, s19, v17;
	s19 =	sld [smem:$0x4E4]  }
0x911: {  	v18 =	vsel vm1, s22, v18;
	s22 =	sadd.s32 s17, s2;
	s17 =	smulhi.u32 $0x91A2B3C5, s1;
	v57 =	vmov s30;
	s30 =	sld [smem:$0x4E9]  }
0x912: {  	s29 =	ssub.s32 s15, s29;
	s15 =	sld [smem:$0x4ED]  }
0x913: {  	s1 =	ssub.s32 s17, s1;
	s17 =	sld [smem:$0x4EE]  }
0x914: {  	v54 =	vsel vm2, s4, v17;
	v55 =	vsel vm2, s14, v18;
	s4 =	spop (v2sf);
	s14 =	sld [smem:$0x4E7]  }
0x915: {  	v18 =	vsel vm5, s19, v56;
	s2 =	sshra.s32 s4, $0x1F;
	s19 =	sld [smem:$0x4E8]  }
0x916: {  	s13 =	smul.u32 $0x91A2B3C5, s2;
	s2 =	sld [smem:$0x4EA]  }
0x917: {  	(v2sf) =	vpush v8, $0x5;
	v18 =	vsel vm6, s3, v18;
	s3 =	sld [smem:$0x4EB]  }
0x918: {  	v20 =	vmov s14;
	s14 =	sld [smem:$0x4EC]  }
0x919: {  	v18 =	vsel vm7, s30, v18;
	s30 =	sld [smem:$0x4F0]  }
0x91a: {  	v20 =	vsel vm0, s2, v20;
	s2 =	sld [smem:$0x4F2]  }
0x91b: {  	s14 =	sadd.s32 s14, s29;
	s29 =	sld [smem:$0x4EF]  }
0x91c: {  	v19 =	vnsel vm3, $0x0, v57;
	v21 =	vmov s17;
	v20 =	vsel vm1, s15, v20;
	s17 =	sadd.s32 s30, s1;
	s15 =	smulhi.u32 $0x91A2B3C5, s11;
	s1 =	sld [smem:$0x4F1]  }
0x91d: {  	v19 =	vsel vm0, s3, v19;
	s30 =	sld [smem:$0x4F4]  }
0x91e: {  	s11 =	ssub.s32 s15, s11;
	s15 =	sld [smem:$0x4F7];
	v19 =	vsel vm1, s29, v19  }
0x91f: {  	s19 =	sadd.s32 s19, s12;
	s12 =	smulhi.u32 $0x91A2B3C5, s8;
	v21 =	vsel vm0, s1, v21;
	v22 =	vsel vm2, s2, v19;
	s2 =	sld [smem:$0x4F5]  }
0x920: {  	v59 =	vsel vm1, s30, v21;
	s30 =	sld [smem:$0x4F9]  }
0x921: {  	s8 =	ssub.s32 s12, s8;
	s12 =	sld [smem:$0x4F3]  }
0x922: {  	(v2sf) =	vpush v8, $0x6;
	v60 =	vsel vm4, s2, v22  }
0x923: {  	v21 =	vsel vm5, s15, v60;
	s15 =	sadd.s32 s30, s11;
	s30 =	sld [smem:$0x4FD]  }
0x924: {  	v58 =	vsel vm2, s12, v20;
	s12 =	sld [smem:$0x4F6]  }
0x925: {  	s11 =	sld [smem:$0x4FB]  }
0x926: {  	s3 =	spop (v2sf);
	v23 =	vmov s30;
	s30 =	sld [smem:$0x4FF]  }
0x927: {  	s29 =	sshra.s32 s3, $0x1F  }
0x928: {  	s12 =	sadd.s32 s12, s8;
	s8 =	smul.u32 $0x91A2B3C5, s29;
	s29 =	sld [smem:$0x4F8];
	v21 =	vsel vm6, s11, v21  }
0x929: {  	v21 =	vsel vm7, s30, v21;
	s30 =	sld [smem:$0x500];
	_ =	sdelay $0x1  }
0x92a: {  	s1 =	sld [smem:$0x4FE]  }
0x92b: {  	v61 =	vmov s29;
	v23 =	vsel vm0, s30, v23;
	s30 =	sld [smem:$0x501]  }
0x92c: {  	[smem:$0x518] =	sst s0;
	s0 =	smulhi.u32 $0x91A2B3C5, s10;
	v22 =	vnsel vm3, $0x0, v61  }
0x92d: {  	s2 =	sld [smem:$0x4FA];
	v22 =	vsel vm0, s1, v22  }
0x92e: {  	s0 =	ssub.s32 s0, s10;
	s10 =	smulhi.u32 $0x91A2B3C5, s9;
	v22 =	vsel vm1, s30, v22;
	s30 =	sld [smem:$0x502]  }
0x92f: {  	_ = 	snop  }
0x930: {  	s9 =	ssub.s32 s10, s9;
	s29 =	sld [smem:$0x4FC];
	v20 =	vsel vm2, s2, v59;
	s2 =	spop (v2sf)  }
0x931: {  	s11 =	smulhi.u32 $0x91A2B3C5, s16;
	s9 =	sadd.s32 s30, s9;
	s30 =	sld [smem:$0x504]  }
0x932: {  	s10 =	sshra.s32 s2, $0x1F  }
0x933: {  	s11 =	ssub.s32 s11, s16;
	s16 =	smul.u32 $0x91A2B3C5, s10;
	s10 =	sld [smem:$0x503]  }
0x934: {  	s29 =	sadd.s32 s29, s0;
	s0 =	smulhi.u32 $0x91A2B3C5, s20;
	v22 =	vsel vm2, s30, v22;
	s30 =	sld [smem:$0x507]  }
0x935: {  	_ = 	snop  }
0x936: {  	s0 =	ssub.s32 s0, s20;
	s20 =	sld [smem:$0x506];
	v24 =	vmov s10  }
0x937: {  	v24 =	vsel vm0, s30, v24;
	s30 =	sld [smem:$0x509];
	_ =	sdelay $0x1  }
0x938: {  	v23 =	vsel vm1, s20, v23;
	s20 =	sld [smem:$0x508]  }
0x939: {  	v24 =	vsel vm1, s30, v24;
	s30 =	sld [smem:$0x50A];
	_ =	sdelay $0x1  }
0x93a: {  	v22 =	vsel vm4, s20, v22  }
0x93b: {  	v9 =	vld [tilespmem:s25+$0x70];
	(v2sf) =	vpush v8, $0x7;
	v22 =	vsel vm5, s30, v22;
	s30 =	sld [smem:$0x50B];
	_ =	sdelay $0x2  }
0x93c: {  	v23 =	vsel vm2, s30, v23;
	s30 =	sld [smem:$0x50C];
	_ =	sdelay $0x1  }
0x93d: {  	(v2sf) =	vpush v9, $0xD;
	s10 =	sld [smem:$0x505]  }
0x93e: {  	v24 =	vsel vm2, s30, v24;
	s30 =	sld [smem:$0x50D];
	_ =	sdelay $0x2  }
0x93f: {  	s10 =	sadd.s32 s10, s11;
	s11 =	smulhi.u32 $0x91A2B3C5, s6;
	v22 =	vsel vm6, s30, v22;
	s30 =	sld [smem:$0x50E]  }
0x940: {  	(v2sf) =	vpush v9, $0xC  }
0x941: {  	(v2sf) =	vpush v9, $0xE;
	s6 =	ssub.s32 s11, s6  }
0x942: {  	s1 =	smulhi.u32 $0x91A2B3C5, s7;
	s6 =	sadd.s32 s30, s6;
	s30 =	sld [smem:$0x50F]  }
0x943: {  	(v2sf) =	vpush v9, $0xF;
	s11 =	smulhi.u32 $0x91A2B3C5, s5  }
0x944: {  	v26 =	vmov s28;
	s28 =	sld [smem:$0x511];
	s1 =	ssub.s32 s1, s7  }
0x945: {  	s20 =	sadd.s32 s24, s0;
	s24 =	spop (v2sf);
	v25 =	vmov s30;
	s30 =	ssub.s32 s11, s5  }
0x946: {  	(v2sf) =	vpush v9, $0x9;
	s11 =	smulhi.u32 $0x91A2B3C5, s4;
	s5 =	sadd.s32 s18, s30;
	s30 =	sld [smem:$0x512]  }
0x947: {  	v10 =	vcombine.low v46, v43;
	s1 =	sadd.s32 s21, s1;
	s0 =	sshra.s32 s24, $0x1F;
	v25 =	vsel vm0, s28, v25;
	s28 =	sld [smem:$0x513]  }
0x948: {  	(v2sf) =	vpush v9, $0x8;
	s21 =	sld [smem:$0x510];
	s7 =	smul.u32 $0x91A2B3C5, s0;
	s4 =	ssub.s32 s11, s4  }
0x949: {  	v37 =	vperm.xlane v10, v0;
	v26 =	vnsel vm3, $0x0, v26;
	s0 =	smulhi.u32 $0x91A2B3C5, s3;
	s11 =	sadd.s32 s13, s4;
	s13 =	sld [smem:$0x516]  }
0x94a: {  	(v2sf) =	vpush v9, $0xA;
	s18 =	spop (v2sf);
	v25 =	vsel vm1, s30, v25;
	v26 =	vsel vm0, s28, v26;
	s30 =	sld [smem:$0x514]  }
0x94b: {  	v14 =	vperm.xlane v14, v1;
	v22 =	vsel vm7, s21, v22;
	s21 =	smulhi.u32 $0x91A2B3C5, s2;
	s28 =	sshra.s32 s18, $0x1F;
	v26 =	vsel vm1, s31, v26;
	s31 =	sld [smem:$0x515]  }
0x94c: {  	s0 =	ssub.s32 s0, s3;
	(v2sf) =	vpush v9, $0xB;
	s4 =	smul.u32 $0x91A2B3C5, s28;
	v26 =	vsel vm2, s13, v26;
	s13 =	sld [smem:$0x518]  }
0x94d: {  	v14 =	vsel vm8, v14, v37;
	s28 =	ssub.s32 s21, s2;
	s21 =	sld [smem:$0x519];
	v25 =	vsel vm2, s30, v25;
	s30 =	smulhi.u32 $0x91A2B3C5, s18  }
0x94e: {  	v14 =	vadd.s32 v3, v14;
	s3 =	sadd.s32 s8, s0;
	(v2sf) =	vpush v9, $0x1;
	s2 =	smulhi.u32 $0x91A2B3C5, s24;
	v27 =	vmov s31;
	s31 =	sld [smem:$0x517]  }
0x94f: {  	v28 =	vmov s14;
	(v2sf) =	vpush v9, $0x0;
	s0 =	sadd.s32 s16, s28;
	v26 =	vsel vm4, s13, v26;
	s13 =	spop (v2sf);
	s8 =	ssub.s32 s30, s18  }
0x950: {  	v41 =	vshrl.u32 v14, $0x1F;
	v14 =	vshra.s32 v14, $0xD;
	v29 =	vsel vm0, s19, v28;
	s28 =	smulhi.u32 $0x91A2B3C5, s13;
	s30 =	sshra.s32 s13, $0x1F;
	s18 =	spop (v2sf)  }
0x951: {  	v29 =	vsel vm1, s17, v29;
	v26 =	vsel vm5, s26, v26;
	v27 =	vsel vm0, s31, v27;
	s31 =	sld [smem:$0x51A];
	s17 =	smul.u32 $0x91A2B3C5, s30  }
0x952: {  	v13 =	vcombine.low v15, v51;
	v26 =	vsel vm6, s23, v26;
	s26 =	spop (v2sf);
	v27 =	vsel vm1, s21, v27;
	s21 =	smulhi.u32 $0x91A2B3C5, s18  }
0x953: {  	v14 =	vadd.s32 v41, v14;
	(v2sf) =	vpush v9, $0x2;
	v63 =	vsel vm7, s22, v26;
	s19 =	ssub.s32 s28, s13;
	s22 =	sshra.s32 s18, $0x1F;
	s28 =	smulhi.u32 $0x91A2B3C5, s26  }
0x954: {  	v13 =	vperm.xlane v13, v0;
	v11 =	vperm.xlane v11, v1;
	v34 =	vmov s29;
	s2 =	ssub.s32 s2, s24;
	s29 =	sshra.s32 s26, $0x1F;
	s23 =	smul.u32 $0x91A2B3C5, s22  }
0x955: {  	v30 =	vmov s6;
	(v2sf) =	vpush v9, $0x3;
	s6 =	sadd.s32 s17, s19;
	s30 =	smul.u32 $0x91A2B3C5, s29;
	v62 =	vsel vm2, s31, v27;
	s31 =	spop (v2sf)  }
0x956: {  	v14 =	vmul.u32 $0x3840, v14;
	v11 =	vsel vm8, v11, v13;
	v36 =	vnsel vm3, $0x0, v30;
	s13 =	ssub.s32 s21, s18;
	s17 =	smulhi.u32 $0x91A2B3C5, s31;
	s18 =	sshra.s32 s31, $0x1F  }
0x957: {  	v33 =	vsel vm2, s12, v29;
	v29 =	vsel vm0, s20, v36;
	s4 =	sadd.s32 s4, s8;
	(v2sf) =	vpush v9, $0x4;
	s20 =	spop (v2sf);
	s19 =	smul.u32 $0x91A2B3C5, s18  }
0x958: {  	v3 =	vsub.s32 v3, v14;
	v11 =	vadd.s32 v2, v11;
	s16 =	ssub.s32 s28, s26;
	s21 =	smulhi.u32 $0x91A2B3C5, s20;
	s22 =	sshra.s32 s20, $0x1F  }
0x959: {  	v44 =	vshrl.u32 v11, $0x1F;
	v35 =	vsel vm0, s15, v34;
	s8 =	sadd.s32 s23, s13;
	(v2sf) =	vpush v9, $0x5;
	s26 =	spop (v2sf);
	s23 =	smul.u32 $0x91A2B3C5, s22  }
0x95a: {  	v42 =	vcombine.low v55, v54;
	v38 =	vsel vm1, s9, v35;
	v39 =	vsel vm1, s1, v29;
	s1 =	sadd.s32 s30, s16;
	s29 =	smulhi.u32 $0x91A2B3C5, s26;
	s30 =	sshra.s32 s26, $0x1F  }
0x95b: {  	v10 =	vsel vm2, s10, v38;
	v40 =	vmov s6;
	(v2sf) =	vpush v9, $0x6;
	s9 =	ssub.s32 s17, s31;
	s31 =	spop (v2sf);
	s10 =	smul.u32 $0x91A2B3C5, s30  }
0x95c: {  	v13 =	vperm.xlane v42, v0;
	v45 =	vperm.xlane v18, v1;
	s2 =	sadd.s32 s7, s2;
	v29 =	vsel vm0, s4, v40;
	s12 =	smulhi.u32 $0x91A2B3C5, s31;
	s13 =	sshra.s32 s31, $0x1F  }
0x95d: {  	v12 =	vsel vm2, s5, v39;
	v29 =	vsel vm1, s8, v29;
	s5 =	sadd.s32 s19, s9;
	s14 =	spop (v2sf);
	(v2sf) =	vpush v9, $0x7;
	s8 =	smul.u32 $0x91A2B3C5, s13  }
0x95e: {  	v11 =	vshra.s32 v11, $0xD;
	v46 =	vcombine.low v20, v58;
	v12 =	vsel vm4, s11, v12;
	s28 =	ssub.s32 s21, s20;
	s16 =	spop (v2sf);
	s20 =	smulhi.u32 $0x91A2B3C5, s14  }
0x95f: {  	v11 =	vadd.s32 v44, v11;
	v13 =	vsel vm8, v45, v13;
	v12 =	vsel vm5, s3, v12;
	s3 =	sadd.s32 s23, s28;
	s21 =	sshra.s32 s14, $0x1F;
	s17 =	smulhi.u32 $0x91A2B3C5, s16  }
0x960: {  	v11 =	vmul.u32 $0x3840, v11;
	v13 =	vadd.s32 v4, v13;
	v14 =	vperm.xlane v46, v0;
	s15 =	ssub.s32 s29, s26;
	s18 =	sshra.s32 s16, $0x1F;
	s4 =	smul.u32 $0x91A2B3C5, s21  }
0x961: {  	v48 =	vperm.xlane v21, v1;
	v12 =	vsel vm6, s0, v12;
	v29 =	vsel vm2, s1, v29;
	s0 =	ssub.s32 s12, s31;
	s1 =	sadd.s32 s10, s15;
	s19 =	smul.u32 $0x91A2B3C5, s18  }
0x962: {  	v49 =	vshrl.u32 v13, $0x1F;
	v13 =	vshra.s32 v13, $0xD;
	v43 =	vmov s3;
	s0 =	sadd.s32 s8, s0;
	s3 =	ssub.s32 s17, s16;
	s23 =	spop (v2sf)  }
0x963: {  	v2 =	vsub.s32 v2, v11;
	v11 =	vadd.s32 v49, v13;
	v50 =	vsel vm8, v48, v14;
	s22 =	sadd.s32 s19, s3;
	s26 =	smulhi.u32 $0x91A2B3C5, s23;
	s28 =	sshra.s32 s23, $0x1F  }
0x964: {  	v13 =	vadd.s32 v5, v50;
	v15 =	vsel vm0, s5, v43;
	s5 =	ssub.s32 s20, s14;
	v47 =	vmov s22;
	s29 =	spop (v2sf);
	s6 =	smul.u32 $0x91A2B3C5, s28  }
0x965: {  	v11 =	vmul.u32 $0x3840, v11;
	v53 =	vshrl.u32 v13, $0x1F;
	s4 =	sadd.s32 s4, s5;
	v16 =	vnsel vm3, $0x0, v47;
	s30 =	smulhi.u32 $0x91A2B3C5, s29;
	s31 =	sshra.s32 s29, $0x1F  }
0x966: {  	v13 =	vshra.s32 v13, $0xD;
	v15 =	vsel vm1, s1, v15;
	v16 =	vsel vm0, s4, v16;
	s1 =	ssub.s32 s26, s23;
	s4 =	smul.u32 $0x91A2B3C5, s31;
	s8 =	spop (v2sf)  }
0x967: {  	v54 =	vadd.s32 v53, v13;
	s1 =	sadd.s32 s6, s1;
	s10 =	smulhi.u32 $0x91A2B3C5, s8;
	s11 =	sshra.s32 s8, $0x1F  }
0x968: {  	v4 =	vsub.s32 v4, v11;
	v11 =	vmul.u32 $0x3840, v54;
	v10 =	vcombine.low v10, v33;
	s9 =	ssub.s32 s30, s29;
	s12 =	spop (v2sf);
	s5 =	smul.u32 $0x91A2B3C5, s11  }
0x969: {  	v12 =	vsel vm7, s2, v12;
	v51 =	vsel vm1, s1, v16;
	s1 =	sadd.s32 s4, s9;
	s14 =	smulhi.u32 $0x91A2B3C5, s12;
	s15 =	sshra.s32 s12, $0x1F  }
0x96a: {  	v5 =	vsub.s32 v5, v11;
	v10 =	vperm.xlane v10, v0;
	v12 =	vperm.xlane v12, v1;
	s16 =	spop (v2sf);
	s13 =	ssub.s32 s10, s8;
	s6 =	smul.u32 $0x91A2B3C5, s15  }
0x96b: {  	v52 =	vcombine.low v24, v23;
	v55 =	vcombine.low v62, v25;
	v14 =	vsel vm2, s1, v51;
	s18 =	smulhi.u32 $0x91A2B3C5, s16;
	s19 =	sshra.s32 s16, $0x1F;
	s1 =	sadd.s32 s5, s13  }
0x96c: {  	v56 =	vperm.xlane v22, v1;
	v10 =	vsel vm8, v12, v10;
	v57 =	vperm.xlane v63, v1;
	s17 =	ssub.s32 s14, s12;
	s4 =	smul.u32 $0x91A2B3C5, s19;
	s20 =	spop (v2sf)  }
0x96d: {  	v10 =	vadd.s32 v8, v10;
	v13 =	vperm.xlane v55, v0;
	v14 =	vsel vm4, s1, v14;
	s1 =	sadd.s32 s6, s17;
	s21 =	smulhi.u32 $0x91A2B3C5, s20;
	s22 =	sshra.s32 s20, $0x1F  }
0x96e: {  	[tilespmem:s25+$0x210] =	vst v2;
	v2 =	vshrl.u32 v10, $0x1F;
	v10 =	vshra.s32 v10, $0xD;
	s3 =	ssub.s32 s18, s16;
	v14 =	vsel vm5, s1, v14;
	s1 =	smul.u32 $0x91A2B3C5, s22  }
0x96f: {  	v2 =	vadd.s32 v2, v10;
	v58 =	vsel vm8, v57, v13;
	v15 =	vsel vm2, s0, v15;
	s3 =	sadd.s32 s4, s3;
	s0 =	ssub.s32 s21, s20  }
0x970: {  	v15 =	vcombine.low v15, v29;
	v16 =	vperm.xlane v52, v0;
	v14 =	vsel vm6, s3, v14;
	s0 =	sadd.s32 s1, s0  }
0x971: {  	v2 =	vmul.u32 $0x3840, v2;
	v11 =	vadd.s32 v7, v58;
	v14 =	vsel vm7, s0, v14  }
0x972: {  	v15 =	vperm.xlane v15, v0;
	v16 =	vsel vm8, v56, v16;
	v14 =	vperm.xlane v14, v1  }
0x973: {  	v60 =	vshrl.u32 v11, $0x1F;
	v11 =	vshra.s32 v11, $0xD;
	v59 =	vadd.s32 v6, v16  }
0x974: {  	v16 =	vshrl.u32 v59, $0x1F;
	v13 =	vshra.s32 v59, $0xD;
	v61 =	vsel vm8, v14, v15  }
0x975: {  	[tilespmem:s25+$0x200] =	vst v3;
	v11 =	vadd.s32 v60, v11;
	v13 =	vadd.s32 v16, v13;
	v12 =	vadd.s32 v9, v61  }
0x976: {  	[tilespmem:s25+$0x220] =	vst v4;
	v3 =	vmul.u32 $0x3840, v13;
	v62 =	vshrl.u32 v12, $0x1F;
	v63 =	vshra.s32 v12, $0xD  }
0x977: {  	[tilespmem:s25+$0x230] =	vst v5;
	v2 =	vsub.s32 v8, v2;
	v11 =	vmul.u32 $0x3840, v11;
	v4 =	vadd.s32 v62, v63  }
0x978: {  	s24 =	rddreg [dreg:$0x6];
	[tilespmem:s25+$0x260] =	vst v2;
	v3 =	vsub.s32 v6, v3;
	v4 =	vmul.u32 $0x3840, v4  }
0x979: {  	s30 =	rddreg [dreg:$0x10];
	[tilespmem:s25+$0x240] =	vst v3;
	v3 =	vsub.s32 v7, v11  }
0x97a: {  	s28 =	rddreg [dreg:$0x13];
	s23 =	simm.s32 $0x80;
	p0 =	sne.s32 s30, $0x600;
	[tilespmem:s25+$0x250] =	vst v3;
	v2 =	vsub.s32 v9, v4  }
.Ltmp3:
0x97b: {  	s26 =	sadd.s32 $0x200, s25;
	s31 =	simm.s32 $0x1;
	[tilespmem:s25+$0x270] =	vst v2;
	(pc) =	sbr.rel @p0 .LBB2_8-.Ltmp3, $4  }
0x97c: {  	[tilespmem:s28], [sflag:$0x1] =	stream.indirect.gather [hbm4b:s24+s23], $0x80, s26, s23, $0xb8;
	[tilespmem:$0x10400] =	vst v63  }
0x97d: {  	s29 =	rddreg [dreg:$0x13];
	_ =	swait.ge [sflag:s31], $0x4000  }
0x97e: {  	[sflag:s31] =	ssyncset.done $0x0  }
0x97f: {  	s2 =	sadd.s32 $0x4000, s29;
	s1 =	sadd.s32 $0x200, s30;
	[sflag:s31] =	ssyncadd.s32 $0xFFFFC000  }
0x980: {  	s5 =	simm.s32 $0x0;
	s0 =	rddreg [dreg:$0xb];
	s1 =	simm.s32 $0x400  }
0x981: {  	[hbm4b:s0+s5] =	stream.linear.scatter [tilespmem:s1], [sflag:$0x2], $0x10000, $0x38;
	[tilespmem:$0x10400] =	vst v63  }
0x982: {  	s1 =	simm.s32 $0x2  }
0x983: {  	_ =	swait.ge [sflag:s1], $0x10000  }
0x984: {  	s2 =	rddreg [dreg:$0xd]  }
0x985: {  	s31 =	rddreg [dreg:$0xc];
	s2 =	sadd.s32 $0x1, s2  }
0x986: {  	p0 =	sne.s32 s2, s31  }
.Ltmp4:
0x987: {  	_ = 	snop;
	(pc) =	sbr.rel @p0 .LBB2_1-.Ltmp4, $3  }
0x988: {  	_ =	sdelay $0x1  }
0x989: {  	[sflag:s1] =	ssyncset.done $0x0  }
0x98a: {  	[sflag:s1] =	ssyncadd.s32 $0xFFFF0000  }
0x98b: {  	_ =	sfence.sel $0x180000  }
0x98c: {  	[bflag:$0x0] =	sbarrier.arrive $0xFFFF  }
0x98d: {  	_ =	strace $0x9000004A  }
0x98e: {  	s0 =	stileid.u32;
	[bflag:$0x2] =	sbarrier.arrive $0xFFFF  }
0x98f: {  	p0 =	sne.s32 s0, $0x0;
	s0 =	rddreg [dreg:$0x2]  }
0x990: {  	s0 =	sadd.s32 @!p0 $0x100000, s0  }
0x991: {  	[sflag:s0] =	ssyncadd.tile.s32 @!p0 $0x1;
	_ =	shalt  }
.Lfunc_end2:
_tile_overlayer_lowered:
.L_overlay_start_2:
0x992: {  	(tag) =	ssettag $0x2  }
0x993: {  	s0 =	rddreg [dreg:$0x0];
	s2 =	stileid.u32  }
0x994: {  	s1 =	rddreg [dreg:$0x1];
	p0 =	sne.s32 s2, $0x0  }
0x995: {  	s3 =	rddreg [dreg:$0x2];
	[bflag:$0x3] =	sbarrier.arrive $0xFFFF;
	s2 =	simm.s32 @!p0 $0x1C02  }
0x996: {  	[timem:s3], [sflag:s2] =	dma.local @!p0 [hbm:s0], s1  }
0x997: {  	s0 =	simm.s32 @!p0 $0x2  }
0x998: {  	_ =	swait.ge @!p0 [sflag:s0], s1  }
0x999: {  	s1 =	ssub.s32 @!p0 $0x0, s1;
	[sflag:s0] =	ssyncset.done @!p0 $0x0  }
0x99a: {  	[sflag:s0] =	ssyncadd.s32 @!p0 s1  }
0x99b: {  	[bflag:$0x3] =	sbarrier.arrive $0xFFFF  }
0x99c: {  	_ =	shalt  }

// kernel: kernel.9.cloned.1.call-start
scs
__scs_entry_jumppad:
0x0: {  	(pc) =	sbr.rel $0x88, $3  }
0x1: {  	(tag) =	ssettag $0x0;
	lr =	simm.s32 $0x1  }
0x2: {  	[smem:$0x3F8D] =	sst lr;
	_ =	strace $0xD0000000  }
0x3: {  	_ = 	snop  }
0x4: {  	_ = 	snop  }
0x5: {  	_ = 	snop  }
0x6: {  	_ = 	snop  }
0x7: {  	_ = 	snop  }
__scs_overlays_trampoline_lowered:
0x8: {  	[smem:$0x3F9C] =	sst s0  }
0x9: {  	[smem:$0x3F9D] =	sst s1  }
0xa: {  	[smem:$0x3F9E] =	sst s2  }
0xb: {  	[smem:$0x3F9F] =	sst s3  }
0xc: {  	[smem:$0x3FA0] =	sst s4  }
0xd: {  	[smem:$0x3FA1] =	sst s5  }
0xe: {  	[smem:$0x3FA2] =	sst s6  }
0xf: {  	[smem:$0x3FA3] =	sst s7  }
0x10: {  	[smem:$0x3FA4] =	sst s8  }
0x11: {  	[smem:$0x3FA5] =	sst s9;
	s0 =	simm.s32 @!p0 $0x0  }
0x12: {  	s1 =	sld [smem:$0x3F8B];
	s0 =	simm.s32 @p0 $0x1  }
0x13: {  	[smem:$0x3FA6] =	sst s0;
	s0 =	simm.s32 @!p1 $0x0  }
0x14: {  	s2 =	sld [smem:$0x3F8A];
	s0 =	simm.s32 @p1 $0x1  }
0x15: {  	[smem:$0x3FA7] =	sst s0;
	s0 =	simm.s32 @!p2 $0x0  }
0x16: {  	s3 =	sld [smem:$0x3FDB];
	s0 =	simm.s32 @p2 $0x1  }
0x17: {  	s4 =	simm.s32 $0x1BF5;
	[smem:$0x3FA9] =	sst s0  }
0x18: {  	s0 =	sld [smem:$0x3F8C];
	_ =	swait.ge [sflag:s4], $0x0  }
0x19: {  	s7 =	sld [smem:$0x3F8D]  }
0x1a: {  	s8 =	sadd.s32 $0xFFFFE003, lr  }
0x1b: {  	s9 =	sadd.s32 $0xFFFFFEF7, lr;
	s5 =	simm.s32 $0xFFFFFFFF;
	p2 =	slt.u32 s8, $0xFFFFF086  }
0x1c: {  	p1 =	slt.u32 s9, $0xF7A;
	s5 =	simm.s32 @!p2 $0x0  }
0x1d: {  	s5 =	simm.s32 @p1 $0x1;
	p0 =	seq.s32 s7, s2  }
0x1e: {  	s7 =	smul.u32 @!p0 $0xF7A, s2;
	p2 =	seq.s32 @!p0 s5, $0x0  }
0x1f: {  	s9 =	smul.u32 $0xF7A, s1;
	s8 =	simm.s32 @!p0 $0x1BF5;
	p2 =	por !p2, p0  }
0x20: {  	[sflag:s8] =	ssyncset.s32 @!p0 $0xFFFFF086;
	s6 =	sadd.s32 @!p0 s3, s7;
	s7 =	simm.s32 @!p0 $0x108  }
0x21: {  	s3 =	sadd.s32 s3, s9;
	s6 =	sadd.s32 @!p0 $0x88, s6;
	s7 =	simm.s32 @p2 $0x1082  }
0x22: {  	[simem:s7], [sflag:s8] =	dma.local @!p0 [hbm:s6], $0xF7A  }
0x23: {  	s9 =	sor.u32 $0xD0000000, s2;
	s6 =	simm.s32 $0x108;
	_ =	swait.ge @!p0 [sflag:s8], $0x0  }
0x24: {  	s3 =	sadd.s32 $0x88, s3;
	s6 =	simm.s32 @!p1 $0x1082;
	[sflag:s4] =	ssyncset.s32 $0xFFFFF086  }
0x25: {  	[simem:s6], [sflag:s4] =	dma.local [hbm:s3], $0xF7A  }
0x26: {  	[smem:$0x3F8D] =	sst s1;
	(tag) =	ssettag s2;
	_ =	strace s9  }
0x27: {  	s1 =	sld [smem:$0x3F9D]  }
0x28: {  	s2 =	sld [smem:$0x3F9E]  }
0x29: {  	s4 =	sld [smem:$0x3FA0]  }
0x2a: {  	p0 =	seq.s32 s5, $0x0;
	s5 =	sld [smem:$0x3FA1]  }
0x2b: {  	s6 =	sld [smem:$0x3FA2]  }
0x2c: {  	s7 =	sld [smem:$0x3FA3]  }
0x2d: {  	s3 =	simm.s32 $0x108;
	s8 =	sld [smem:$0x3FA4]  }
0x2e: {  	s3 =	simm.s32 @!p0 $0x1082;
	s9 =	sld [smem:$0x3FA5]  }
0x2f: {  	lr =	sadd.s32 s0, s3;
	s0 =	sld [smem:$0x3F9C]  }
0x30: {  	s3 =	sld [smem:$0x3F9F]  }
0x31: {  	[smem:$0x3FA8] =	sst s10  }
0x32: {  	s10 =	sld [smem:$0x3FA6];
	_ =	sdelay $0x3  }
0x33: {  	p0 =	seq.s32 s10, $0x1;
	s10 =	sld [smem:$0x3FA8];
	_ =	sdelay $0x3  }
0x34: {  	[smem:$0x3FA8] =	sst s10  }
0x35: {  	s10 =	sld [smem:$0x3FA7];
	_ =	sdelay $0x3  }
0x36: {  	p1 =	seq.s32 s10, $0x1;
	s10 =	sld [smem:$0x3FA8];
	_ =	sdelay $0x3  }
0x37: {  	[smem:$0x3FA8] =	sst s10  }
0x38: {  	s10 =	sld [smem:$0x3FA9]  }
0x39: {  	_ = 	snop;
	(pc) =	sbr.ind lr, $3  }
0x3a: {  	_ = 	snop  }
0x3b: {  	_ = 	snop  }
0x3c: {  	p2 =	seq.s32 s10, $0x1;
	s10 =	sld [smem:$0x3FA8]  }
0x3d: {  	_ =	shalt  }
0x3e: {  	_ =	shalt  }
0x3f: {  	_ =	shalt  }
0x40: {  	_ =	shalt  }
0x41: {  	_ =	shalt  }
0x42: {  	_ =	shalt  }
0x43: {  	_ =	shalt  }
0x44: {  	_ =	shalt  }
0x45: {  	_ =	shalt  }
0x46: {  	_ =	shalt  }
0x47: {  	_ =	shalt  }
0x48: {  	_ =	shalt  }
0x49: {  	_ =	shalt  }
0x4a: {  	_ =	shalt  }
0x4b: {  	_ =	shalt  }
0x4c: {  	_ =	shalt  }
0x4d: {  	_ =	shalt  }
0x4e: {  	_ =	shalt  }
0x4f: {  	_ =	shalt  }
0x50: {  	_ =	shalt  }
0x51: {  	_ =	shalt  }
0x52: {  	_ =	shalt  }
0x53: {  	_ =	shalt  }
0x54: {  	_ =	shalt  }
0x55: {  	_ =	shalt  }
0x56: {  	_ =	shalt  }
0x57: {  	_ =	shalt  }
0x58: {  	_ =	shalt  }
0x59: {  	_ =	shalt  }
0x5a: {  	_ =	shalt  }
0x5b: {  	_ =	shalt  }
0x5c: {  	_ =	shalt  }
0x5d: {  	_ =	shalt  }
0x5e: {  	_ =	shalt  }
0x5f: {  	_ =	shalt  }
0x60: {  	_ =	shalt  }
0x61: {  	_ =	shalt  }
0x62: {  	_ =	shalt  }
0x63: {  	_ =	shalt  }
0x64: {  	_ =	shalt  }
0x65: {  	_ =	shalt  }
0x66: {  	_ =	shalt  }
0x67: {  	_ =	shalt  }
0x68: {  	_ =	shalt  }
0x69: {  	_ =	shalt  }
0x6a: {  	_ =	shalt  }
0x6b: {  	_ =	shalt  }
0x6c: {  	_ =	shalt  }
0x6d: {  	_ =	shalt  }
0x6e: {  	_ =	shalt  }
0x6f: {  	_ =	shalt  }
0x70: {  	_ =	shalt  }
0x71: {  	_ =	shalt  }
0x72: {  	_ =	shalt  }
0x73: {  	_ =	shalt  }
0x74: {  	_ =	shalt  }
0x75: {  	_ =	shalt  }
0x76: {  	_ =	shalt  }
0x77: {  	_ =	shalt  }
0x78: {  	_ =	shalt  }
0x79: {  	_ =	shalt  }
0x7a: {  	_ =	shalt  }
0x7b: {  	_ =	shalt  }
0x7c: {  	_ =	shalt  }
0x7d: {  	_ =	shalt  }
0x7e: {  	_ =	shalt  }
0x7f: {  	_ =	shalt  }
0x80: {  	_ =	shalt  }
0x81: {  	_ =	shalt  }
0x82: {  	_ =	shalt  }
0x83: {  	_ =	shalt  }
0x84: {  	_ =	shalt  }
0x85: {  	_ =	shalt  }
0x86: {  	_ =	shalt  }
0x87: {  	_ =	shalt  }
.Lfunc_end0:
.L_simem_size_0:
called_computation.1_lowered:
.L_overlay_start_0:
0x88: {  	s2 =	sld [smem:$0x3FD9]  }
0x89: {  	s3 =	sld [smem:$0x3FFE];
	_ =	sdelay $0x1  }
0x8a: {  	s1 =	srdreg.scid  }
0x8b: {  	s0 =	sand.u32 $0x1, s1  }
0x8c: {  	s16 =	sshll.u32 s0, $0xA;
	s2 =	sadd.s32 s3, s2  }
0x8d: {  	s2 =	sadd.s32 s2, s16  }
0x8e: {  	[smem:$0x3FB4] =	sst s2  }
0x8f: {  	_ = 	snop  }
0x90: {  	(tm) =	ssettm $0x1  }
0x91: {  	s17 =	sld [smem:$0x3FFB];
	_ =	sdelay $0x3  }
0x92: {  	_ =	strace s17  }
0x93: {  	s2 =	sld [smem:$0x3FFC];
	_ =	sdelay $0x3  }
0x94: {  	_ =	strace s2  }
0x95: {  	s2 =	sld [smem:$0x3FFD];
	_ =	sdelay $0x3  }
0x96: {  	_ =	strace s2  }
0x97: {  	_ =	strace $0x8FFFFFFF  }
0x98: {  	s18 =	sld [smem:$0x3FDB];
	_ =	sdelay $0x1  }
0x99: {  	s19 =	simm.s32 $_scs_section_size  }
0x9a: {  	s4 =	simm.s32 $_size__tile_overlayer_lowered;
	s5 =	simm.s32 $_tile_overlayer_lowered  }
0x9b: {  	s22 =	simm.s32 $0x1BFF;
	s21 =	sshll.u32 s5, $0x1;
	s2 =	sadd.s32 s19, s18  }
0x9c: {  	s6 =	simm.s32 $0x0;
	s20 =	sshll.u32 s4, $0x1;
	s4 =	sadd.s32 s21, s2  }
0x9d: {  	[timem:s6], [sflag:s22] =	dma.local [hbm:s4], s20  }
0x9e: {  	_ =	swait.ge [sflag:s22], s20  }
0x9f: {  	s3 =	ssub.s32 $0x0, s20;
	[sflag:s22] =	ssyncset.done $0x0  }
0xa0: {  	[sflag:s22] =	ssyncadd.s32 s3;
	_ =	sdelay $0x1  }
0xa1: {  	s23 =	simm.s32 $0x1B8B  }
0xa2: {  	_ =	swait.ge [sflag:s23], $0x1  }
0xa3: {  	[sflag:s23] =	ssyncset.done $0x0  }
0xa4: {  	s25 =	simm.s32 $0x1B8E;
	s24 =	sld [smem:$0x3FFE];
	[sflag:s23] =	ssyncadd.s32 $0xFFFFFFFF  }
0xa5: {  	s26 =	simm.s32 $execute0_lowered;
	[smem:$0x3FD2] =	sst s25  }
0xa6: {  	s4 =	sshll.u32 s26, $0x1;
	_ =	strace $0x80000046;
	[dreg:$0x1] =	wrdreg $0xFFFFFFFF  }
0xa7: {  	s28 =	simm.s32 $_size_execute0_lowered;
	s2 =	sadd.s32 s2, s4;
	[dreg:$0x0] =	wrdreg $0x0  }
0xa8: {  	s4 =	sshll.u32 s28, $0x1;
	[dreg:$0x2] =	wrdreg s2  }
0xa9: {  	[dreg:$0x3] =	wrdreg s4  }
0xaa: {  	[dreg:$0x4] =	wrdreg $0xC0  }
0xab: {  	_ =	task [dreg:s6], $0x5FFFF  }
0xac: {  	[dreg:$0x1] =	wrdreg $0xFFFFFFFF  }
0xad: {  	[dreg:$0x0] =	wrdreg $0x60  }
0xae: {  	[dreg:$0x2] =	wrdreg s24  }
0xaf: {  	[dreg:$0x3] =	wrdreg $0xA  }
0xb0: {  	_ =	task.clear_ibuf [dreg:s6], $0x4FFFF;
	_ =	strace $0x90000046  }
0xb1: {  	s29 =	simm.s32 $0xA;
	_ =	strace $0x80000048  }
0xb2: {  	_ =	swait.ge [sflag:s29], $0x1  }
0xb3: {  	[sflag:s29] =	ssyncadd.s32 $0xFFFFFFFF  }
0xb4: {  	_ =	strace $0x90000048  }
0xb5: {  	_ =	sfence  }
0xb6: {  	s30 =	sld [smem:$0x0];
	_ =	sdelay $0x2  }
0xb7: {  	s31 =	sshll.u32 s1, $0xD;
	s1 =	sshrl.u32 s1, $0x2  }
0xb8: {  	s3 =	sand.u32 $0x4000, s31;
	s1 =	sadd.s32 s1, s30  }
0xb9: {  	s0 =	sor.u32 s3, s0;
	s1 =	sshll.u32 s1, $0x11  }
0xba: {  	s0 =	sor.u32 s1, s0  }
0xbb: {  	s0 =	sadd.s32 $0x8F2B, s0  }
0xbc: {  	[sflag:s0] =	ssyncadd.remote.s32 $0x1  }
0xbd: {  	_ =	sfence.sel $0xFFFF  }
0xbe: {  	[dreg:$0x0] =	wrdreg $0xFFFFFFFF;
	(pc) =	sbr.abs _section_cstart, $3  }
0xbf: {  	[dreg:$0x1] =	wrdreg $0xFFFFFFFF  }
0xc0: {  	_ =	task.clear_ibuf [dreg:s6], $0x2FFFF;
	_ =	strace $0x9FFFFFFF  }
0xc1: {  	(tm) =	ssettm $0x7FFFFFFF  }
tec
execute0_lowered:
.L_overlay_start_1:
0x0: {  	(tag) =	ssettag $0x1  }
0x1: {  	s0 =	srdreg.scid  }
0x2: {  	s2 =	stileid.u32;
	s1 =	rddreg [dreg:$0x0]  }
0x3: {  	s6 =	simm.s32 $0x0;
	s31 =	simm.s32 $0x80;
	s0 =	sand.u32 $0x1, s0  }
0x4: {  	s2 =	sshll.u32 s2, $0xA;
	[smem:$0x7FF] =	sst s6;
	s4 =	sadd.s32 $0x1C7600, s1  }
0x5: {  	s3 =	sshll.u32 s0, $0x9;
	_ =	strace $0x80000047;
	s0 =	ssub.s32 $0x2, s0  }
0x6: {  	[dreg:$0x2] =	wrdreg s4;
	s2 =	sor.u32 s3, s2;
	s5 =	sshrl.u32 s0, $0x1  }
0x7: {  	v0 =	vimm.s32 $0xECA86420;
	vm0 =	vcmask $0xB08;
	[dreg:$0x3] =	wrdreg s31;
	s3 =	sshrl.u32 s2, $0x3;
	s0 =	ssub.s32 s0, s5  }
0x8: {  	vm1 =	vcmask $0x1310;
	vm2 =	vcmask $0x1B18;
	vm3 =	vcmask $0x300;
	s2 =	sshll.u32 s2, $0x4;
	s3 =	sadd.s32 s3, s1;
	s0 =	smax.u32 s0, $0x1  }
0x9: {  	vm4 =	vcmask $0x2320;
	vm5 =	vcmask $0x2B28;
	v0 =	vunpack.c.l.s4.s8 v0;
	s1 =	sadd.s32 s2, s1;
	s30 =	sadd.s32 $0x1C6E00, s3;
	[dreg:$0x6] =	wrdreg s0  }
0xa: {  	vm6 =	vcmask $0x3330;
	v1 =	vlaneseq.u32;
	vm7 =	vcmask $0x3B38;
	s1 =	sadd.s32 $0x75600, s1;
	[dreg:$0x4] =	wrdreg s30  }
0xb: {  	vm8 =	vmmov $0xff;
	v1 =	vmul.u32 $0x2, v1;
	v0 =	vunpack.c.0.s8.s32 v0;
	s2 =	simm.s32 $0x2;
	[dreg:$0x5] =	wrdreg s1;
	s1 =	simm.s32 $0x0  }
.LBB2_1:
0xc: {  	[dreg:$0x7] =	wrdreg s1  }
0xd: {  	s0 =	rddreg [dreg:$0x4]  }
0xe: {  	[tilespmem:s6], [sflag:$0x2] =	stream.linear.gather [hbm4b:s0+s6], $0x200, $0x38;
	[tilespmem:$0x10400] =	vst v63  }
0xf: {  	_ =	swait.ge [sflag:s2], $0x200  }
0x10: {  	[sflag:s2] =	ssyncset.done $0x0  }
0x11: {  	s1 =	simm.s32 $0x400;
	s0 =	simm.s32 $0x0;
	[sflag:s2] =	ssyncadd.s32 $0xFFFFFE00  }
.LBB2_2:
0x12: {  	s25 =	sshra.s32 s0, $0x2  }
0x13: {  	v3 =	vld [tilespmem:s25+$0x0];
	_ =	sdelay $0x4  }
0x14: {  	(v2sf) =	vpush v3, $0xD  }
0x15: {  	(v2sf) =	vpush v3, $0xC;
	_ =	sdelay $0x2  }
0x16: {  	(v2sf) =	vpush v3, $0xE;
	_ =	sdelay $0x1  }
0x17: {  	(v2sf) =	vpush v3, $0xF  }
0x18: {  	(v2sf) =	vpush v3, $0x9;
	_ =	sdelay $0x2  }
0x19: {  	(v2sf) =	vpush v3, $0x8;
	_ =	sdelay $0x1  }
0x1a: {  	(v2sf) =	vpush v3, $0xA  }
0x1b: {  	(v2sf) =	vpush v3, $0xB;
	_ =	sdelay $0x1  }
0x1c: {  	[dreg:$0x9] =	wrdreg s0;
	s0 =	spop (v2sf)  }
0x1d: {  	(v2sf) =	vpush v3, $0x1;
	s17 =	sshra.s32 s0, $0x1F;
	s3 =	spop (v2sf)  }
0x1e: {  	[dreg:$0x8] =	wrdreg s1;
	s1 =	smul.u32 $0xC22E4507, s17;
	s2 =	sshra.s32 s3, $0x1F  }
0x1f: {  	(v2sf) =	vpush v3, $0x0;
	s2 =	smul.u32 $0xC22E4507, s2  }
0x20: {  	(v2sf) =	vpush v3, $0x2;
	[smem:$0x71B] =	sst s1;
	s1 =	spop (v2sf)  }
0x21: {  	[smem:$0x71C] =	sst s2;
	s18 =	sshra.s32 s1, $0x1F  }
0x22: {  	(v2sf) =	vpush v3, $0x3;
	s4 =	spop (v2sf);
	s2 =	smul.u32 $0xC22E4507, s18  }
0x23: {  	s19 =	sshra.s32 s4, $0x1F;
	s8 =	spop (v2sf)  }
0x24: {  	(v2sf) =	vpush v3, $0x4;
	s5 =	sshra.s32 s8, $0x1F;
	[smem:$0x71D] =	sst s2;
	s2 =	smul.u32 $0xC22E4507, s19  }
0x25: {  	s5 =	smul.u32 $0xC22E4507, s5  }
0x26: {  	(v2sf) =	vpush v3, $0x5;
	[smem:$0x71E] =	sst s2;
	s2 =	spop (v2sf)  }
0x27: {  	v2 =	vld [tilespmem:s25+$0x10];
	[smem:$0x71F] =	sst s5;
	s6 =	sshra.s32 s2, $0x1F  }
0x28: {  	s5 =	spop (v2sf);
	s6 =	smul.u32 $0xC22E4507, s6  }
0x29: {  	(v2sf) =	vpush v3, $0x6;
	s20 =	sshra.s32 s5, $0x1F;
	s13 =	spop (v2sf)  }
0x2a: {  	s7 =	sshra.s32 s13, $0x1F;
	[smem:$0x720] =	sst s6;
	s6 =	smul.u32 $0xC22E4507, s20  }
0x2b: {  	(v2sf) =	vpush v3, $0x7;
	s7 =	smul.u32 $0xC22E4507, s7  }
0x2c: {  	(v2sf) =	vpush v2, $0xD;
	[smem:$0x721] =	sst s6;
	s6 =	spop (v2sf)  }
0x2d: {  	[smem:$0x722] =	sst s7;
	s21 =	sshra.s32 s6, $0x1F  }
0x2e: {  	s11 =	spop (v2sf);
	s7 =	smul.u32 $0xC22E4507, s21  }
0x2f: {  	(v2sf) =	vpush v2, $0xC;
	s22 =	sshra.s32 s11, $0x1F;
	s16 =	spop (v2sf)  }
0x30: {  	(v2sf) =	vpush v2, $0xE;
	[smem:$0x723] =	sst s7;
	s7 =	smul.u32 $0xC22E4507, s22  }
0x31: {  	(v2sf) =	vpush v2, $0xF;
	s23 =	sshra.s32 s16, $0x1F;
	s12 =	spop (v2sf)  }
0x32: {  	(v2sf) =	vpush v2, $0x9;
	[smem:$0x724] =	sst s7;
	s7 =	smul.u32 $0xC22E4507, s23  }
0x33: {  	s24 =	sshra.s32 s12, $0x1F;
	s17 =	spop (v2sf)  }
0x34: {  	(v2sf) =	vpush v2, $0x8;
	[smem:$0x725] =	sst s7;
	s7 =	smul.u32 $0xC22E4507, s24  }
0x35: {  	(v2sf) =	vpush v2, $0xA;
	s26 =	sshra.s32 s17, $0x1F;
	s9 =	spop (v2sf)  }
0x36: {  	s10 =	sshra.s32 s9, $0x1F;
	[smem:$0x726] =	sst s7;
	s7 =	smul.u32 $0xC22E4507, s26  }
0x37: {  	s10 =	smul.u32 $0xC22E4507, s10  }
0x38: {  	(v2sf) =	vpush v2, $0xB;
	[smem:$0x727] =	sst s7;
	s7 =	spop (v2sf)  }
0x39: {  	(v2sf) =	vpush v2, $0x1;
	[smem:$0x728] =	sst s10;
	s14 =	sshra.s32 s7, $0x1F  }
0x3a: {  	(v2sf) =	vpush v2, $0x0;
	s10 =	spop (v2sf);
	s14 =	smul.u32 $0xC22E4507, s14  }
0x3b: {  	s28 =	sshra.s32 s10, $0x1F;
	s18 =	spop (v2sf)  }
0x3c: {  	s19 =	sshra.s32 s18, $0x1F;
	[smem:$0x729] =	sst s14;
	s14 =	smul.u32 $0xC22E4507, s28  }
0x3d: {  	(v2sf) =	vpush v2, $0x2;
	s15 =	smul.u32 $0xC22E4507, s19  }
0x3e: {  	(v2sf) =	vpush v2, $0x3;
	[smem:$0x72A] =	sst s14;
	s14 =	spop (v2sf)  }
0x3f: {  	[smem:$0x72B] =	sst s15;
	s20 =	sshra.s32 s14, $0x1F;
	s19 =	spop (v2sf)  }
0x40: {  	(v2sf) =	vpush v2, $0x4;
	s29 =	smul.u32 $0xC22E4507, s20;
	s30 =	sshra.s32 s19, $0x1F;
	s24 =	spop (v2sf)  }
0x41: {  	s31 =	smul.u32 $0xC22E4507, s30;
	s15 =	sshra.s32 s24, $0x1F;
	s21 =	spop (v2sf)  }
0x42: {  	(v2sf) =	vpush v2, $0x5;
	[smem:$0x72C] =	sst s29;
	s22 =	smul.u32 $0xC22E4507, s15  }
0x43: {  	v4 =	vld [tilespmem:s25+$0x20];
	s23 =	sshra.s32 s21, $0x1F;
	s26 =	spop (v2sf);
	[smem:$0x72D] =	sst s31  }
0x44: {  	(v2sf) =	vpush v2, $0x6;
	s28 =	smul.u32 $0xC22E4507, s23;
	s29 =	sshra.s32 s26, $0x1F;
	s30 =	spop (v2sf)  }
0x45: {  	[smem:$0x72E] =	sst s22;
	s31 =	smul.u32 $0xC22E4507, s29;
	s15 =	sshra.s32 s30, $0x1F  }
0x46: {  	(v2sf) =	vpush v2, $0x7;
	[smem:$0x72F] =	sst s28;
	s22 =	smul.u32 $0xC22E4507, s15  }
0x47: {  	s28 =	spop (v2sf);
	[smem:$0x730] =	sst s31  }
0x48: {  	(v2sf) =	vpush v4, $0xD;
	s23 =	sshra.s32 s28, $0x1F;
	s31 =	spop (v2sf);
	[smem:$0x731] =	sst s22  }
0x49: {  	s29 =	smul.u32 $0xC22E4507, s23;
	s15 =	sshra.s32 s31, $0x1F;
	s22 =	spop (v2sf)  }
0x4a: {  	(v2sf) =	vpush v4, $0xC;
	[smem:$0x733] =	sst s22;
	s20 =	smul.u32 $0xC22E4507, s15  }
0x4b: {  	[smem:$0x732] =	sst s29  }
0x4c: {  	(v2sf) =	vpush v4, $0xE;
	s29 =	spop (v2sf);
	[smem:$0x735] =	sst s20  }
0x4d: {  	s23 =	sshra.s32 s22, $0x1F;
	[smem:$0x734] =	sst s29;
	s22 =	spop (v2sf)  }
0x4e: {  	(v2sf) =	vpush v4, $0xF;
	s20 =	smul.u32 $0xC22E4507, s23;
	s15 =	sshra.s32 s29, $0x1F;
	[smem:$0x737] =	sst s22  }
0x4f: {  	s15 =	smul.u32 $0xC22E4507, s15;
	s23 =	sshra.s32 s22, $0x1F;
	s29 =	spop (v2sf)  }
0x50: {  	(v2sf) =	vpush v4, $0x9;
	[smem:$0x736] =	sst s20;
	s20 =	smul.u32 $0xC22E4507, s23  }
0x51: {  	s22 =	spop (v2sf);
	[smem:$0x738] =	sst s15;
	s15 =	sshra.s32 s29, $0x1F  }
0x52: {  	(v2sf) =	vpush v4, $0x8;
	[smem:$0x73B] =	sst s20;
	s20 =	smul.u32 $0xC22E4507, s15  }
0x53: {  	[smem:$0x739] =	sst s29;
	s23 =	sshra.s32 s22, $0x1F;
	s29 =	spop (v2sf)  }
0x54: {  	(v2sf) =	vpush v4, $0xA;
	[smem:$0x73C] =	sst s20;
	s20 =	smul.u32 $0xC22E4507, s23  }
0x55: {  	[smem:$0x73A] =	sst s22;
	s15 =	sshra.s32 s29, $0x1F;
	s22 =	spop (v2sf)  }
0x56: {  	(v2sf) =	vpush v4, $0xB;
	[smem:$0x73E] =	sst s20;
	s20 =	smul.u32 $0xC22E4507, s15  }
0x57: {  	[smem:$0x73D] =	sst s29;
	s29 =	spop (v2sf);
	s23 =	sshra.s32 s22, $0x1F  }
0x58: {  	(v2sf) =	vpush v4, $0x1;
	[smem:$0x741] =	sst s20;
	s20 =	smul.u32 $0xC22E4507, s23  }
0x59: {  	[smem:$0x73F] =	sst s22;
	s22 =	sshra.s32 s29, $0x1F;
	s23 =	spop (v2sf)  }
0x5a: {  	(v2sf) =	vpush v4, $0x0;
	[smem:$0x742] =	sst s20;
	s20 =	smul.u32 $0xC22E4507, s22  }
0x5b: {  	[smem:$0x740] =	sst s29;
	s29 =	sshra.s32 s23, $0x1F;
	s15 =	spop (v2sf)  }
0x5c: {  	(v2sf) =	vpush v4, $0x2;
	[smem:$0x744] =	sst s20;
	s20 =	smul.u32 $0xC22E4507, s29  }
0x5d: {  	[smem:$0x743] =	sst s23;
	s23 =	sshra.s32 s15, $0x1F;
	s29 =	spop (v2sf)  }
0x5e: {  	(v2sf) =	vpush v4, $0x3;
	[smem:$0x747] =	sst s20;
	s20 =	smul.u32 $0xC22E4507, s23  }
0x5f: {  	[smem:$0x745] =	sst s15;
	s22 =	sshra.s32 s29, $0x1F;
	s23 =	spop (v2sf)  }
0x60: {  	(v2sf) =	vpush v4, $0x4;
	[smem:$0x748] =	sst s20;
	s20 =	smul.u32 $0xC22E4507, s22  }
0x61: {  	[smem:$0x746] =	sst s29;
	s29 =	sshra.s32 s23, $0x1F;
	s15 =	spop (v2sf)  }
0x62: {  	(v2sf) =	vpush v4, $0x5;
	[smem:$0x74A] =	sst s20;
	s20 =	smul.u32 $0xC22E4507, s29  }
0x63: {  	v5 =	vld [tilespmem:s25+$0x30];
	[smem:$0x749] =	sst s23;
	s22 =	sshra.s32 s15, $0x1F;
	s23 =	spop (v2sf)  }
0x64: {  	(v2sf) =	vpush v4, $0x6;
	[smem:$0x74D] =	sst s20;
	s20 =	smul.u32 $0xC22E4507, s22  }
0x65: {  	[smem:$0x74B] =	sst s15;
	s15 =	spop (v2sf);
	s29 =	sshra.s32 s23, $0x1F  }
0x66: {  	(v2sf) =	vpush v4, $0x7;
	[smem:$0x74E] =	sst s20;
	s20 =	smul.u32 $0xC22E4507, s29  }
0x67: {  	[smem:$0x74C] =	sst s23;
	s23 =	spop (v2sf);
	s22 =	sshra.s32 s15, $0x1F  }
0x68: {  	(v2sf) =	vpush v5, $0xD;
	[smem:$0x750] =	sst s20;
	s20 =	smul.u32 $0xC22E4507, s22  }
0x69: {  	[smem:$0x74F] =	sst s15;
	s15 =	spop (v2sf);
	s29 =	sshra.s32 s23, $0x1F  }
0x6a: {  	(v2sf) =	vpush v5, $0xC;
	[smem:$0x753] =	sst s20;
	s20 =	smul.u32 $0xC22E4507, s29  }
0x6b: {  	[smem:$0x751] =	sst s23;
	s23 =	spop (v2sf);
	s22 =	sshra.s32 s15, $0x1F  }
0x6c: {  	(v2sf) =	vpush v5, $0xE;
	[smem:$0x754] =	sst s20;
	s20 =	smul.u32 $0xC22E4507, s22  }
0x6d: {  	[smem:$0x752] =	sst s15;
	s15 =	spop (v2sf);
	s29 =	sshra.s32 s23, $0x1F  }
0x6e: {  	(v2sf) =	vpush v5, $0xF;
	[smem:$0x756] =	sst s20;
	s20 =	smul.u32 $0xC22E4507, s29  }
0x6f: {  	[smem:$0x755] =	sst s23;
	s23 =	spop (v2sf);
	s22 =	sshra.s32 s15, $0x1F  }
0x70: {  	(v2sf) =	vpush v5, $0x9;
	[smem:$0x759] =	sst s20;
	s20 =	smul.u32 $0xC22E4507, s22  }
0x71: {  	[smem:$0x757] =	sst s15;
	s15 =	spop (v2sf);
	s29 =	sshra.s32 s23, $0x1F  }
0x72: {  	(v2sf) =	vpush v5, $0x8;
	[smem:$0x75A] =	sst s20;
	s20 =	smul.u32 $0xC22E4507, s29  }
0x73: {  	[smem:$0x758] =	sst s23;
	s23 =	spop (v2sf);
	s22 =	sshra.s32 s15, $0x1F  }
0x74: {  	(v2sf) =	vpush v5, $0xA;
	[smem:$0x75C] =	sst s20;
	s20 =	smul.u32 $0xC22E4507, s22  }
0x75: {  	[smem:$0x75B] =	sst s15;
	s15 =	spop (v2sf);
	s29 =	sshra.s32 s23, $0x1F  }
0x76: {  	(v2sf) =	vpush v5, $0xB;
	[smem:$0x75F] =	sst s20;
	s20 =	smul.u32 $0xC22E4507, s29  }
0x77: {  	[smem:$0x75D] =	sst s23;
	s23 =	spop (v2sf);
	s22 =	sshra.s32 s15, $0x1F  }
0x78: {  	(v2sf) =	vpush v5, $0x1;
	[smem:$0x760] =	sst s20;
	s20 =	smul.u32 $0xC22E4507, s22  }
0x79: {  	[smem:$0x75E] =	sst s15;
	s15 =	spop (v2sf);
	s29 =	sshra.s32 s23, $0x1F  }
0x7a: {  	(v2sf) =	vpush v5, $0x0;
	[smem:$0x762] =	sst s20;
	s20 =	smul.u32 $0xC22E4507, s29  }
0x7b: {  	[smem:$0x761] =	sst s23;
	s23 =	spop (v2sf);
	s22 =	sshra.s32 s15, $0x1F  }
0x7c: {  	(v2sf) =	vpush v5, $0x2;
	[smem:$0x765] =	sst s20;
	s20 =	smul.u32 $0xC22E4507, s22  }
0x7d: {  	[smem:$0x763] =	sst s15;
	s15 =	spop (v2sf);
	s29 =	sshra.s32 s23, $0x1F  }
0x7e: {  	(v2sf) =	vpush v5, $0x3;
	[smem:$0x766] =	sst s20;
	s20 =	smul.u32 $0xC22E4507, s29  }
0x7f: {  	[smem:$0x764] =	sst s23;
	s23 =	spop (v2sf);
	s22 =	sshra.s32 s15, $0x1F  }
0x80: {  	(v2sf) =	vpush v5, $0x4;
	[smem:$0x768] =	sst s20;
	s20 =	smul.u32 $0xC22E4507, s22  }
0x81: {  	[smem:$0x767] =	sst s15;
	s15 =	spop (v2sf);
	s29 =	sshra.s32 s23, $0x1F  }
0x82: {  	(v2sf) =	vpush v5, $0x5;
	[smem:$0x76B] =	sst s20;
	s20 =	smul.u32 $0xC22E4507, s29  }
0x83: {  	v6 =	vld [tilespmem:s25+$0x40];
	[smem:$0x769] =	sst s23;
	s23 =	spop (v2sf);
	s22 =	sshra.s32 s15, $0x1F  }
0x84: {  	(v2sf) =	vpush v5, $0x6;
	[smem:$0x76C] =	sst s20;
	s20 =	smul.u32 $0xC22E4507, s22  }
0x85: {  	[smem:$0x76A] =	sst s15;
	s15 =	spop (v2sf);
	s29 =	sshra.s32 s23, $0x1F  }
0x86: {  	(v2sf) =	vpush v5, $0x7;
	[smem:$0x76E] =	sst s20;
	s20 =	smul.u32 $0xC22E4507, s29  }
0x87: {  	[smem:$0x76D] =	sst s23;
	s23 =	spop (v2sf);
	s22 =	sshra.s32 s15, $0x1F  }
0x88: {  	(v2sf) =	vpush v6, $0xD;
	[smem:$0x771] =	sst s20;
	s20 =	smul.u32 $0xC22E4507, s22  }
0x89: {  	[smem:$0x76F] =	sst s15;
	s15 =	spop (v2sf);
	s29 =	sshra.s32 s23, $0x1F  }
0x8a: {  	(v2sf) =	vpush v6, $0xC;
	[smem:$0x772] =	sst s20;
	s20 =	smul.u32 $0xC22E4507, s29  }
0x8b: {  	[smem:$0x770] =	sst s23;
	s23 =	spop (v2sf);
	s22 =	sshra.s32 s15, $0x1F  }
0x8c: {  	(v2sf) =	vpush v6, $0xE;
	[smem:$0x774] =	sst s20;
	s20 =	smul.u32 $0xC22E4507, s22  }
0x8d: {  	[smem:$0x773] =	sst s15;
	s15 =	spop (v2sf);
	s29 =	sshra.s32 s23, $0x1F  }
0x8e: {  	(v2sf) =	vpush v6, $0xF;
	[smem:$0x777] =	sst s20;
	s20 =	smul.u32 $0xC22E4507, s29  }
0x8f: {  	[smem:$0x775] =	sst s23;
	s23 =	sshra.s32 s15, $0x1F;
	s29 =	spop (v2sf)  }
0x90: {  	(v2sf) =	vpush v6, $0x9;
	[smem:$0x778] =	sst s20;
	s20 =	smul.u32 $0xC22E4507, s23  }
0x91: {  	[smem:$0x776] =	sst s15;
	s22 =	spop (v2sf);
	s15 =	sshra.s32 s29, $0x1F  }
0x92: {  	(v2sf) =	vpush v6, $0x8;
	[smem:$0x779] =	sst s20;
	s20 =	smul.u32 $0xC22E4507, s15  }
0x93: {  	[smem:$0x77A] =	sst s22;
	s23 =	spop (v2sf);
	s22 =	sshra.s32 s22, $0x1F  }
0x94: {  	(v2sf) =	vpush v6, $0xA;
	[smem:$0x77C] =	sst s20;
	s20 =	smul.u32 $0xC22E4507, s22  }
0x95: {  	[smem:$0x77B] =	sst s23;
	s23 =	sshra.s32 s23, $0x1F;
	s15 =	spop (v2sf)  }
0x96: {  	(v2sf) =	vpush v6, $0xB;
	[smem:$0x77D] =	sst s20;
	s20 =	smul.u32 $0xC22E4507, s23  }
0x97: {  	[smem:$0x77E] =	sst s15;
	s22 =	spop (v2sf);
	s23 =	sshra.s32 s15, $0x1F  }
0x98: {  	(v2sf) =	vpush v6, $0x1;
	[smem:$0x77F] =	sst s20;
	s20 =	smul.u32 $0xC22E4507, s23  }
0x99: {  	[smem:$0x780] =	sst s22;
	s22 =	sshra.s32 s22, $0x1F;
	s15 =	spop (v2sf)  }
0x9a: {  	(v2sf) =	vpush v6, $0x0;
	[smem:$0x782] =	sst s20;
	s20 =	smul.u32 $0xC22E4507, s22  }
0x9b: {  	[smem:$0x781] =	sst s15;
	s15 =	sshra.s32 s15, $0x1F;
	s22 =	spop (v2sf)  }
0x9c: {  	[smem:$0x783] =	sst s20;
	s20 =	smul.u32 $0xC22E4507, s15  }
0x9d: {  	[smem:$0x784] =	sst s22;
	s22 =	sshra.s32 s22, $0x1F;
	s23 =	spop (v2sf)  }
0x9e: {  	(v2sf) =	vpush v6, $0x2;
	[smem:$0x785] =	sst s20;
	s20 =	smul.u32 $0xC22E4507, s22  }
0x9f: {  	[smem:$0x786] =	sst s23;
	s15 =	spop (v2sf);
	s22 =	sshra.s32 s23, $0x1F  }
0xa0: {  	(v2sf) =	vpush v6, $0x3;
	[smem:$0x788] =	sst s20;
	s20 =	smul.u32 $0xC22E4507, s22  }
0xa1: {  	[smem:$0x787] =	sst s15;
	s23 =	sshra.s32 s15, $0x1F;
	s15 =	spop (v2sf)  }
0xa2: {  	(v2sf) =	vpush v6, $0x4;
	[smem:$0x789] =	sst s20;
	s20 =	smul.u32 $0xC22E4507, s23  }
0xa3: {  	[smem:$0x78A] =	sst s15;
	s23 =	sshra.s32 s15, $0x1F;
	s15 =	spop (v2sf)  }
0xa4: {  	[smem:$0x78B] =	sst s20;
	s20 =	smul.u32 $0xC22E4507, s23  }
0xa5: {  	[smem:$0x78C] =	sst s15;
	s23 =	sshra.s32 s15, $0x1F;
	s15 =	spop (v2sf)  }
0xa6: {  	[smem:$0x78E] =	sst s20;
	s20 =	smul.u32 $0xC22E4507, s23  }
0xa7: {  	[smem:$0x78D] =	sst s15;
	s23 =	sshra.s32 s15, $0x1F;
	s15 =	spop (v2sf)  }
0xa8: {  	[smem:$0x78F] =	sst s20;
	s20 =	smul.u32 $0xC22E4507, s23  }
0xa9: {  	[smem:$0x790] =	sst s15;
	s23 =	sshra.s32 s15, $0x1F;
	s15 =	spop (v2sf)  }
0xaa: {  	[smem:$0x791] =	sst s20;
	s20 =	smul.u32 $0xC22E4507, s23  }
0xab: {  	(v2sf) =	vpush v6, $0x5;
	[smem:$0x792] =	sst s15  }
0xac: {  	(v2sf) =	vpush v6, $0x6;
	s23 =	sshra.s32 s15, $0x1F;
	[dreg:$0x1c] =	wrdreg s20  }
0xad: {  	s20 =	smul.u32 $0xC22E4507, s23;
	s15 =	spop (v2sf)  }
0xae: {  	[smem:$0x793] =	sst s15  }
0xaf: {  	[dreg:$0x1d] =	wrdreg s20;
	s23 =	sshra.s32 s15, $0x1F;
	s15 =	spop (v2sf)  }
0xb0: {  	[smem:$0x794] =	sst s15;
	s20 =	smul.u32 $0xC22E4507, s23  }
0xb1: {  	s22 =	sshra.s32 s15, $0x1F;
	s23 =	smulhi.u32 $0xC22E4507, s0;
	s15 =	spop (v2sf)  }
0xb2: {  	[smem:$0x795] =	sst s15  }
0xb3: {  	s0 =	ssub.s32 s23, s0;
	s23 =	sshra.s32 s15, $0x1F;
	s15 =	sld [smem:$0x71B]  }
0xb4: {  	[dreg:$0x1e] =	wrdreg s20;
	s20 =	smul.u32 $0xC22E4507, s22  }
0xb5: {  	s22 =	smulhi.u32 $0xC22E4507, s3  }
0xb6: {  	[dreg:$0x19] =	wrdreg s20;
	s20 =	smulhi.u32 $0xC22E4507, s1;
	s0 =	sadd.s32 s15, s0  }
0xb7: {  	s15 =	ssub.s32 s22, s3;
	s22 =	smul.u32 $0xC22E4507, s23;
	s23 =	sld [smem:$0x71C]  }
0xb8: {  	[dreg:$0xc] =	wrdreg s0  }
0xb9: {  	s3 =	ssub.s32 s20, s1;
	s20 =	sld [smem:$0x71D]  }
0xba: {  	[smem:$0x797] =	sst s22;
	s22 =	spop (v2sf)  }
0xbb: {  	s0 =	sadd.s32 s23, s15;
	[smem:$0x796] =	sst s22  }
0xbc: {  	s15 =	smulhi.u32 $0xC22E4507, s4;
	s23 =	sshra.s32 s22, $0x1F;
	[dreg:$0xf] =	wrdreg s0  }
0xbd: {  	s0 =	sadd.s32 s20, s3;
	s22 =	smul.u32 $0xC22E4507, s23;
	s23 =	sld [smem:$0x71F]  }
0xbe: {  	[dreg:$0xa] =	wrdreg s0  }
0xbf: {  	s20 =	spop (v2sf);
	s1 =	ssub.s32 s15, s4;
	s15 =	sld [smem:$0x71E]  }
0xc0: {  	s3 =	smulhi.u32 $0xC22E4507, s2;
	[smem:$0x798] =	sst s20  }
0xc1: {  	(v2sf) =	vpush v6, $0x7;
	s0 =	smulhi.u32 $0xC22E4507, s8;
	[smem:$0x799] =	sst s22  }
0xc2: {  	s3 =	ssub.s32 s3, s2;
	s2 =	sld [smem:$0x73A]  }
0xc3: {  	s0 =	ssub.s32 s0, s8;
	s8 =	sld [smem:$0x720]  }
0xc4: {  	v7 =	vld [tilespmem:s25+$0x50];
	s1 =	sadd.s32 s15, s1;
	s0 =	sadd.s32 s23, s0;
	s23 =	sld [smem:$0x721]  }
0xc5: {  	s4 =	smulhi.u32 $0xC22E4507, s5;
	[dreg:$0xb] =	wrdreg s1  }
0xc6: {  	s22 =	smulhi.u32 $0xC22E4507, s6;
	[dreg:$0xd] =	wrdreg s0  }
0xc7: {  	s15 =	smulhi.u32 $0xC22E4507, s13;
	s0 =	sadd.s32 s8, s3;
	s8 =	sld [smem:$0x722]  }
0xc8: {  	s1 =	ssub.s32 s4, s5;
	s3 =	sshra.s32 s20, $0x1F;
	s20 =	sld [smem:$0x723]  }
0xc9: {  	(v2sf) =	vpush v7, $0xD;
	[dreg:$0x11] =	wrdreg s0;
	s1 =	sadd.s32 s23, s1;
	s0 =	ssub.s32 s15, s13  }
0xca: {  	s5 =	smul.u32 $0xC22E4507, s3;
	s13 =	ssub.s32 s22, s6;
	s6 =	sld [smem:$0x724]  }
0xcb: {  	s15 =	smulhi.u32 $0xC22E4507, s11;
	[dreg:$0x10] =	wrdreg s1  }
0xcc: {  	[smem:$0x79A] =	sst s5  }
0xcd: {  	s1 =	ssub.s32 s15, s11;
	s11 =	sld [smem:$0x725]  }
0xce: {  	(v2sf) =	vpush v7, $0xC;
	s0 =	sadd.s32 s8, s0;
	s15 =	sld [smem:$0x726]  }
0xcf: {  	s22 =	smulhi.u32 $0xC22E4507, s16;
	[dreg:$0xe] =	wrdreg s0;
	s0 =	sadd.s32 s20, s13  }
0xd0: {  	s20 =	spop (v2sf);
	s1 =	sadd.s32 s6, s1;
	s6 =	sld [smem:$0x727]  }
0xd1: {  	s13 =	smulhi.u32 $0xC22E4507, s17;
	[dreg:$0x15] =	wrdreg s0  }
0xd2: {  	[smem:$0x79E] =	sst s1;
	s0 =	ssub.s32 s22, s16;
	s22 =	smulhi.u32 $0xC22E4507, s7  }
0xd3: {  	(v2sf) =	vpush v7, $0xE;
	s0 =	sadd.s32 s11, s0;
	s1 =	ssub.s32 s13, s17;
	s13 =	sld [smem:$0x729]  }
0xd4: {  	s23 =	smulhi.u32 $0xC22E4507, s12;
	s5 =	sshra.s32 s20, $0x1F;
	[dreg:$0x1b] =	wrdreg s0  }
0xd5: {  	s8 =	smul.u32 $0xC22E4507, s5;
	s11 =	ssub.s32 s22, s7;
	s22 =	sld [smem:$0x72A]  }
0xd6: {  	s12 =	ssub.s32 s23, s12;
	s7 =	sld [smem:$0x72B]  }
0xd7: {  	s16 =	smulhi.u32 $0xC22E4507, s9;
	s0 =	sadd.s32 s15, s12;
	[smem:$0x79B] =	sst s8  }
0xd8: {  	s3 =	spop (v2sf);
	s1 =	sadd.s32 s6, s1;
	[dreg:$0x16] =	wrdreg s0  }
0xd9: {  	s23 =	sshra.s32 s3, $0x1F;
	s12 =	smulhi.u32 $0xC22E4507, s10;
	[dreg:$0x1a] =	wrdreg s1  }
0xda: {  	s0 =	ssub.s32 s16, s9;
	s8 =	smul.u32 $0xC22E4507, s23;
	s9 =	sld [smem:$0x728]  }
0xdb: {  	s16 =	smulhi.u32 $0xC22E4507, s14;
	s1 =	ssub.s32 s12, s10;
	s10 =	sld [smem:$0x72C]  }
0xdc: {  	[smem:$0x79C] =	sst s8  }
0xdd: {  	s23 =	spop (v2sf);
	s8 =	ssub.s32 s16, s14;
	s14 =	sld [smem:$0x72D]  }
0xde: {  	s17 =	sshra.s32 s23, $0x1F;
	s1 =	sadd.s32 s22, s1;
	s16 =	sld [smem:$0x72E]  }
0xdf: {  	s6 =	smul.u32 $0xC22E4507, s17;
	s0 =	sadd.s32 s9, s0;
	[dreg:$0x14] =	wrdreg s1  }
0xe0: {  	s15 =	smulhi.u32 $0xC22E4507, s18;
	[dreg:$0x17] =	wrdreg s0  }
0xe1: {  	(v2sf) =	vpush v7, $0xF;
	s9 =	smulhi.u32 $0xC22E4507, s19;
	s0 =	sadd.s32 s13, s11;
	[smem:$0x79D] =	sst s6  }
0xe2: {  	s4 =	spop (v2sf);
	[dreg:$0x13] =	wrdreg s0  }
0xe3: {  	s13 =	sshra.s32 s4, $0x1F;
	s1 =	ssub.s32 s9, s19;
	s19 =	sld [smem:$0x72F]  }
0xe4: {  	s0 =	ssub.s32 s15, s18;
	s15 =	smul.u32 $0xC22E4507, s13;
	s13 =	sld [smem:$0x734]  }
0xe5: {  	s0 =	sadd.s32 s7, s0;
	s7 =	sld [smem:$0x731]  }
0xe6: {  	s1 =	sadd.s32 s14, s1;
	[dreg:$0x18] =	wrdreg s0  }
0xe7: {  	s18 =	smulhi.u32 $0xC22E4507, s26;
	[dreg:$0x1f] =	wrdreg s1  }
0xe8: {  	[smem:$0x79F] =	sst s15  }
0xe9: {  	s1 =	ssub.s32 s18, s26;
	s26 =	sld [smem:$0x730]  }
0xea: {  	s22 =	smulhi.u32 $0xC22E4507, s28;
	s0 =	sadd.s32 s10, s8;
	s10 =	sld [smem:$0x732]  }
0xeb: {  	(v2sf) =	vpush v7, $0x9;
	s18 =	sld [smem:$0x736]  }
0xec: {  	s8 =	ssub.s32 s22, s28;
	s22 =	sld [smem:$0x737]  }
0xed: {  	s11 =	smulhi.u32 $0xC22E4507, s24;
	s28 =	sld [smem:$0x739]  }
0xee: {  	[smem:$0x7A5] =	sst s0  }
0xef: {  	s12 =	smulhi.u32 $0xC22E4507, s21;
	s0 =	ssub.s32 s11, s24;
	s11 =	sld [smem:$0x733]  }
0xf0: {  	s5 =	spop (v2sf);
	s0 =	sadd.s32 s16, s0;
	s16 =	sld [smem:$0x735]  }
0xf1: {  	s17 =	ssub.s32 s12, s21;
	s14 =	smulhi.u32 $0xC22E4507, s13;
	[dreg:$0x12] =	wrdreg s0  }
0xf2: {  	(v2sf) =	vpush v7, $0x8;
	s24 =	sshra.s32 s5, $0x1F;
	s1 =	sadd.s32 s26, s1;
	s26 =	sld [smem:$0x738]  }
0xf3: {  	s0 =	sadd.s32 s19, s17;
	s19 =	ssub.s32 s14, s13;
	s14 =	sld [smem:$0x73C]  }
0xf4: {  	s6 =	smul.u32 $0xC22E4507, s24;
	[smem:$0x7AD] =	sst s0  }
0xf5: {  	s9 =	smulhi.u32 $0xC22E4507, s31;
	[smem:$0x7AA] =	sst s1  }
0xf6: {  	s21 =	smulhi.u32 $0xC22E4507, s30;
	[smem:$0x7A0] =	sst s6  }
0xf7: {  	s1 =	ssub.s32 s9, s31;
	s9 =	sld [smem:$0x755]  }
0xf8: {  	s0 =	ssub.s32 s21, s30;
	s1 =	sadd.s32 s16, s1;
	s16 =	sld [smem:$0x73D]  }
0xf9: {  	s24 =	smulhi.u32 $0xC22E4507, s22;
	s0 =	sadd.s32 s7, s0;
	s7 =	sld [smem:$0x754]  }
0xfa: {  	(v2sf) =	vpush v7, $0xA;
	s21 =	spop (v2sf);
	[smem:$0x7AF] =	sst s0  }
0xfb: {  	s12 =	smulhi.u32 $0xC22E4507, s11;
	s15 =	sshra.s32 s21, $0x1F;
	[smem:$0x7A6] =	sst s1  }
0xfc: {  	s0 =	sadd.s32 s10, s8;
	s1 =	ssub.s32 s24, s22;
	s24 =	sld [smem:$0x740]  }
0xfd: {  	s17 =	smul.u32 $0xC22E4507, s15;
	[smem:$0x7B2] =	sst s0  }
0xfe: {  	s0 =	ssub.s32 s12, s11;
	s12 =	sld [smem:$0x73B]  }
0xff: {  	s10 =	smulhi.u32 $0xC22E4507, s2;
	[smem:$0x7A1] =	sst s17  }
0x100: {  	s0 =	sadd.s32 s18, s0;
	s18 =	sld [smem:$0x73E]  }
0x101: {  	s30 =	spop (v2sf);
	s15 =	ssub.s32 s10, s2;
	s10 =	sld [smem:$0x741]  }
0x102: {  	s11 =	sshra.s32 s30, $0x1F;
	[smem:$0x7A3] =	sst s0  }
0x103: {  	s13 =	smul.u32 $0xC22E4507, s11;
	s0 =	sadd.s32 s26, s19;
	s19 =	sld [smem:$0x73F]  }
0x104: {  	[smem:$0x7A8] =	sst s0  }
0x105: {  	s31 =	smulhi.u32 $0xC22E4507, s28;
	[smem:$0x7A2] =	sst s13  }
0x106: {  	(v2sf) =	vpush v7, $0xB;
	s1 =	sadd.s32 s12, s1;
	s12 =	sld [smem:$0x742]  }
0x107: {  	s17 =	smulhi.u32 $0xC22E4507, s16;
	s0 =	ssub.s32 s31, s28;
	[smem:$0x7AB] =	sst s1  }
0x108: {  	s0 =	sadd.s32 s14, s0;
	s14 =	sld [smem:$0x743]  }
0x109: {  	s26 =	spop (v2sf);
	s1 =	ssub.s32 s17, s16;
	s16 =	sld [smem:$0x744]  }
0x10a: {  	s31 =	sshra.s32 s26, $0x1F;
	s17 =	sld [smem:$0x745]  }
0x10b: {  	s11 =	smul.u32 $0xC22E4507, s31;
	s31 =	sld [smem:$0x747]  }
0x10c: {  	(v2sf) =	vpush v7, $0x1;
	[smem:$0x7AE] =	sst s0;
	s0 =	sadd.s32 s18, s15  }
0x10d: {  	s1 =	sadd.s32 s10, s1;
	[smem:$0x7B0] =	sst s0  }
0x10e: {  	s22 =	smulhi.u32 $0xC22E4507, s19;
	[smem:$0x7B3] =	sst s1  }
0x10f: {  	[smem:$0x7A4] =	sst s11  }
0x110: {  	s28 =	smulhi.u32 $0xC22E4507, s24;
	s11 =	sld [smem:$0x748];
	s0 =	ssub.s32 s22, s19  }
0x111: {  	s22 =	sld [smem:$0x746];
	s0 =	sadd.s32 s12, s0  }
0x112: {  	s13 =	ssub.s32 s28, s24;
	s15 =	smulhi.u32 $0xC22E4507, s14;
	[smem:$0x7B6] =	sst s0  }
0x113: {  	s0 =	sadd.s32 s16, s13;
	s13 =	sld [smem:$0x749]  }
0x114: {  	s1 =	ssub.s32 s15, s14;
	s15 =	sld [smem:$0x74A]  }
0x115: {  	s19 =	spop (v2sf);
	s16 =	sld [smem:$0x74B]  }
0x116: {  	s18 =	smulhi.u32 $0xC22E4507, s17;
	s28 =	sshra.s32 s19, $0x1F;
	[smem:$0x7BB] =	sst s0  }
0x117: {  	s10 =	smul.u32 $0xC22E4507, s28;
	s1 =	sadd.s32 s31, s1;
	s31 =	sld [smem:$0x74D]  }
0x118: {  	(v2sf) =	vpush v7, $0x0;
	[smem:$0x7B7] =	sst s1  }
0x119: {  	s0 =	ssub.s32 s18, s17;
	[smem:$0x7A7] =	sst s10  }
0x11a: {  	s24 =	smulhi.u32 $0xC22E4507, s22;
	s0 =	sadd.s32 s11, s0;
	s10 =	sld [smem:$0x74E]  }
0x11b: {  	s18 =	spop (v2sf);
	[smem:$0x7BF] =	sst s0  }
0x11c: {  	s28 =	sshra.s32 s18, $0x1F;
	s12 =	ssub.s32 s24, s22;
	s22 =	sld [smem:$0x74C]  }
0x11d: {  	s8 =	smul.u32 $0xC22E4507, s28;
	s28 =	sld [smem:$0x753]  }
0x11e: {  	s0 =	sadd.s32 s15, s12;
	s12 =	sld [smem:$0x74F]  }
0x11f: {  	s14 =	smulhi.u32 $0xC22E4507, s13;
	s15 =	sld [smem:$0x751]  }
0x120: {  	s17 =	smulhi.u32 $0xC22E4507, s16;
	[smem:$0x7C3] =	sst s0  }
0x121: {  	(v2sf) =	vpush v7, $0x2;
	[smem:$0x7A9] =	sst s8  }
0x122: {  	s1 =	ssub.s32 s14, s13;
	s0 =	ssub.s32 s17, s16;
	s14 =	sld [smem:$0x750]  }
0x123: {  	s17 =	sld [smem:$0x752];
	s24 =	smulhi.u32 $0xC22E4507, s22;
	s1 =	sadd.s32 s31, s1  }
0x124: {  	s0 =	sadd.s32 s10, s0;
	[smem:$0x7BC] =	sst s1  }
0x125: {  	[smem:$0x7B9] =	sst s0;
	s13 =	smulhi.u32 $0xC22E4507, s12;
	s11 =	ssub.s32 s24, s22  }
0x126: {  	s0 =	sadd.s32 s14, s11;
	s11 =	sld [smem:$0x756]  }
0x127: {  	(v2sf) =	vpush v7, $0x3;
	s31 =	spop (v2sf);
	s1 =	ssub.s32 s13, s12;
	s12 =	sld [smem:$0x757]  }
0x128: {  	s22 =	smulhi.u32 $0xC22E4507, s17;
	s14 =	sld [smem:$0x758]  }
0x129: {  	s16 =	smulhi.u32 $0xC22E4507, s15;
	[smem:$0x7C0] =	sst s0  }
0x12a: {  	s24 =	sshra.s32 s31, $0x1F;
	s8 =	ssub.s32 s22, s17;
	s22 =	sld [smem:$0x759]  }
0x12b: {  	s6 =	smul.u32 $0xC22E4507, s24;
	s1 =	sadd.s32 s28, s1;
	s28 =	sld [smem:$0x75A]  }
0x12c: {  	[smem:$0x7C4] =	sst s1  }
0x12d: {  	s10 =	smulhi.u32 $0xC22E4507, s9;
	s0 =	ssub.s32 s16, s15;
	[smem:$0x7AC] =	sst s6  }
0x12e: {  	s0 =	sadd.s32 s7, s0;
	s7 =	sld [smem:$0x75B]  }
0x12f: {  	s1 =	ssub.s32 s10, s9;
	s9 =	sld [smem:$0x75C]  }
0x130: {  	s17 =	spop (v2sf);
	s10 =	sld [smem:$0x75D]  }
0x131: {  	s16 =	sshra.s32 s17, $0x1F;
	[smem:$0x7BA] =	sst s0;
	s0 =	sadd.s32 s11, s8  }
0x132: {  	(v2sf) =	vpush v7, $0x4;
	s24 =	smul.u32 $0xC22E4507, s16;
	[smem:$0x7B4] =	sst s0;
	s1 =	sadd.s32 s22, s1  }
0x133: {  	s13 =	smulhi.u32 $0xC22E4507, s12;
	[smem:$0x7BD] =	sst s1  }
0x134: {  	s15 =	smulhi.u32 $0xC22E4507, s14;
	[smem:$0x7B1] =	sst s24  }
0x135: {  	s0 =	ssub.s32 s13, s12;
	s12 =	sld [smem:$0x75E]  }
0x136: {  	s16 =	spop (v2sf);
	s6 =	ssub.s32 s15, s14;
	s15 =	sld [smem:$0x75F]  }
0x137: {  	s8 =	smulhi.u32 $0xC22E4507, s7;
	s14 =	sshra.s32 s16, $0x1F;
	s24 =	sld [smem:$0x760]  }
0x138: {  	s0 =	sadd.s32 s28, s0;
	s22 =	smul.u32 $0xC22E4507, s14;
	s14 =	sld [smem:$0x765]  }
0x139: {  	[smem:$0x7C1] =	sst s0  }
0x13a: {  	s1 =	ssub.s32 s8, s7;
	s8 =	sld [smem:$0x762]  }
0x13b: {  	s0 =	sadd.s32 s9, s6;
	s9 =	sld [smem:$0x763]  }
0x13c: {  	s11 =	smulhi.u32 $0xC22E4507, s10;
	[smem:$0x7C5] =	sst s0  }
0x13d: {  	[smem:$0x7B5] =	sst s22  }
0x13e: {  	(v2sf) =	vpush v7, $0x5;
	s1 =	sadd.s32 s15, s1;
	s0 =	ssub.s32 s11, s10;
	s11 =	sld [smem:$0x764]  }
0x13f: {  	[smem:$0x7C7] =	sst s1  }
0x140: {  	s13 =	smulhi.u32 $0xC22E4507, s12;
	s1 =	sld [smem:$0x761]  }
0x141: {  	s22 =	spop (v2sf);
	s0 =	sadd.s32 s24, s0;
	s24 =	sld [smem:$0x766]  }
0x142: {  	[smem:$0x7C9] =	sst s0;
	s28 =	ssub.s32 s13, s12;
	s10 =	smulhi.u32 $0xC22E4507, s9  }
0x143: {  	s13 =	sshra.s32 s22, $0x1F;
	s0 =	sadd.s32 s8, s28;
	s8 =	sld [smem:$0x768]  }
0x144: {  	s15 =	smul.u32 $0xC22E4507, s13;
	[smem:$0x7CC] =	sst s0  }
0x145: {  	s12 =	smulhi.u32 $0xC22E4507, s11;
	s0 =	ssub.s32 s10, s9;
	s9 =	sld [smem:$0x769]  }
0x146: {  	[smem:$0x7B8] =	sst s15  }
0x147: {  	s28 =	ssub.s32 s12, s11;
	s11 =	sld [smem:$0x76A]  }
0x148: {  	s7 =	smulhi.u32 $0xC22E4507, s1;
	s0 =	sadd.s32 s24, s0;
	s15 =	sld [smem:$0x76B]  }
0x149: {  	[smem:$0x7CA] =	sst s0  }
0x14a: {  	s1 =	ssub.s32 s7, s1;
	s0 =	sadd.s32 s8, s28;
	s28 =	sld [smem:$0x76C]  }
0x14b: {  	(v2sf) =	vpush v7, $0x6;
	s1 =	sadd.s32 s14, s1;
	[smem:$0x7D0] =	sst s0  }
0x14c: {  	s10 =	smulhi.u32 $0xC22E4507, s9;
	[smem:$0x7CD] =	sst s1  }
0x14d: {  	s14 =	spop (v2sf);
	s1 =	sld [smem:$0x767]  }
0x14e: {  	s12 =	smulhi.u32 $0xC22E4507, s11;
	s0 =	ssub.s32 s10, s9;
	s9 =	sld [smem:$0x76E]  }
0x14f: {  	s13 =	sshra.s32 s14, $0x1F;
	s10 =	sld [smem:$0x76F]  }
0x150: {  	(v2sf) =	vpush v7, $0x7;
	s24 =	smul.u32 $0xC22E4507, s13;
	s6 =	ssub.s32 s12, s11;
	s12 =	sld [smem:$0x770]  }
0x151: {  	s0 =	sadd.s32 s28, s0;
	s28 =	sld [smem:$0x771]  }
0x152: {  	[smem:$0x7BE] =	sst s24  }
0x153: {  	[smem:$0x7D4] =	sst s0  }
0x154: {  	s7 =	smulhi.u32 $0xC22E4507, s1;
	s0 =	sadd.s32 s9, s6;
	s6 =	sld [smem:$0x776]  }
0x155: {  	s9 =	sld [smem:$0x77A]  }
0x156: {  	v8 =	vld [tilespmem:s25+$0x60];
	s11 =	smulhi.u32 $0xC22E4507, s10;
	s1 =	ssub.s32 s7, s1;
	s7 =	sld [smem:$0x76D]  }
0x157: {  	[smem:$0x7D1] =	sst s0;
	s1 =	sadd.s32 s15, s1  }
0x158: {  	s15 =	smulhi.u32 $0xC22E4507, s12;
	s0 =	ssub.s32 s11, s10;
	s11 =	sld [smem:$0x773]  }
0x159: {  	[smem:$0x7D6] =	sst s1;
	s8 =	smulhi.u32 $0xC22E4507, s7  }
0x15a: {  	s13 =	spop (v2sf);
	s10 =	ssub.s32 s15, s12;
	s15 =	sld [smem:$0x774]  }
0x15b: {  	(v2sf) =	vpush v8, $0xD;
	s24 =	sshra.s32 s13, $0x1F;
	s1 =	ssub.s32 s8, s7;
	s8 =	sld [smem:$0x772]  }
0x15c: {  	s7 =	smul.u32 $0xC22E4507, s24;
	s24 =	sld [smem:$0x775];
	s1 =	sadd.s32 s28, s1  }
0x15d: {  	[smem:$0x7D7] =	sst s1  }
0x15e: {  	s12 =	smulhi.u32 $0xC22E4507, s11;
	[smem:$0x7C2] =	sst s7  }
0x15f: {  	s2 =	spop (v2sf);
	s0 =	sadd.s32 s8, s0;
	s8 =	sld [smem:$0x779]  }
0x160: {  	s1 =	ssub.s32 s12, s11;
	s28 =	smulhi.u32 $0xC22E4507, s24;
	[smem:$0x7DD] =	sst s0  }
0x161: {  	s12 =	sshra.s32 s2, $0x1F;
	s0 =	sadd.s32 s15, s10;
	s15 =	sld [smem:$0x777]  }
0x162: {  	[smem:$0x7CE] =	sst s0;
	s0 =	ssub.s32 s28, s24;
	s24 =	smul.u32 $0xC22E4507, s12  }
0x163: {  	s28 =	sld [smem:$0x778]  }
0x164: {  	[smem:$0x7C6] =	sst s24  }
0x165: {  	s7 =	smulhi.u32 $0xC22E4507, s29;
	s1 =	sadd.s32 s15, s1;
	s15 =	sld [smem:$0x77B]  }
0x166: {  	(v2sf) =	vpush v8, $0xC;
	[smem:$0x7C8] =	sst s1  }
0x167: {  	s11 =	smulhi.u32 $0xC22E4507, s6;
	s1 =	ssub.s32 s7, s29;
	s29 =	sld [smem:$0x77C]  }
0x168: {  	s0 =	sadd.s32 s28, s0;
	s7 =	sld [smem:$0x787]  }
0x169: {  	s6 =	ssub.s32 s11, s6;
	s11 =	smulhi.u32 $0xC22E4507, s9;
	[smem:$0x7D2] =	sst s0  }
0x16a: {  	s12 =	spop (v2sf);
	s0 =	sadd.s32 s8, s6;
	s6 =	sld [smem:$0x780]  }
0x16b: {  	s28 =	sshra.s32 s12, $0x1F;
	[smem:$0x7D5] =	sst s0  }
0x16c: {  	s10 =	smul.u32 $0xC22E4507, s28;
	s0 =	ssub.s32 s11, s9;
	s11 =	sld [smem:$0x77D]  }
0x16d: {  	s9 =	sld [smem:$0x783]  }
0x16e: {  	[smem:$0x7CB] =	sst s10  }
0x16f: {  	(v2sf) =	vpush v8, $0xE;
	s24 =	smulhi.u32 $0xC22E4507, s15;
	s1 =	sadd.s32 s29, s1;
	s29 =	sld [smem:$0x77F]  }
0x170: {  	[smem:$0x7D8] =	sst s1  }
0x171: {  	s15 =	ssub.s32 s24, s15;
	s24 =	sld [smem:$0x77E]  }
0x172: {  	s10 =	smulhi.u32 $0xC22E4507, s6;
	s0 =	sadd.s32 s11, s0;
	s11 =	sld [smem:$0x781]  }
0x173: {  	[smem:$0x7DA] =	sst s0;
	s0 =	sadd.s32 s29, s15  }
0x174: {  	s28 =	smulhi.u32 $0xC22E4507, s24;
	[smem:$0x7DE] =	sst s0;
	s0 =	ssub.s32 s10, s6  }
0x175: {  	s29 =	spop (v2sf);
	s15 =	smulhi.u32 $0xC22E4507, s11;
	s0 =	sadd.s32 s9, s0  }
0x176: {  	s9 =	sld [smem:$0x789];
	s1 =	ssub.s32 s28, s24;
	s24 =	sshra.s32 s29, $0x1F  }
0x177: {  	s28 =	sld [smem:$0x782];
	s8 =	smul.u32 $0xC22E4507, s24  }
0x178: {  	s11 =	ssub.s32 s15, s11;
	s15 =	sld [smem:$0x784]  }
0x179: {  	(v2sf) =	vpush v8, $0xF;
	[smem:$0x7CF] =	sst s8  }
0x17a: {  	s1 =	sadd.s32 s28, s1;
	s28 =	sld [smem:$0x785]  }
0x17b: {  	s8 =	sld [smem:$0x786]  }
0x17c: {  	[smem:$0x7E3] =	sst s0  }
0x17d: {  	[smem:$0x7E2] =	sst s1;
	s24 =	smulhi.u32 $0xC22E4507, s15  }
0x17e: {  	s1 =	spop (v2sf);
	s0 =	sadd.s32 s28, s11;
	s10 =	smulhi.u32 $0xC22E4507, s8  }
0x17f: {  	s6 =	ssub.s32 s24, s15;
	s15 =	smulhi.u32 $0xC22E4507, s7;
	s28 =	sld [smem:$0x788]  }
0x180: {  	s24 =	sshra.s32 s1, $0x1F;
	[smem:$0x7E0] =	sst s0  }
0x181: {  	s0 =	ssub.s32 s10, s8;
	s11 =	ssub.s32 s15, s7;
	s15 =	sld [smem:$0x78A]  }
0x182: {  	s8 =	smul.u32 $0xC22E4507, s24;
	s6 =	sadd.s32 s28, s6;
	s28 =	sld [smem:$0x78B]  }
0x183: {  	[smem:$0x7E9] =	sst s6  }
0x184: {  	(v2sf) =	vpush v8, $0x9;
	s0 =	sadd.s32 s9, s0;
	[smem:$0x7D3] =	sst s8  }
0x185: {  	[smem:$0x7EE] =	sst s0  }
0x186: {  	s0 =	sadd.s32 s28, s11;
	s28 =	sld [smem:$0x78E]  }
0x187: {  	s24 =	smulhi.u32 $0xC22E4507, s15;
	[smem:$0x7EA] =	sst s0  }
0x188: {  	s8 =	spop (v2sf);
	s0 =	sld [smem:$0x78C]  }
0x189: {  	s6 =	ssub.s32 s24, s15;
	s15 =	sld [smem:$0x78D];
	s24 =	sshra.s32 s8, $0x1F  }
0x18a: {  	s11 =	smul.u32 $0xC22E4507, s24;
	s24 =	sld [smem:$0x78F];
	s6 =	sadd.s32 s28, s6  }
0x18b: {  	s9 =	smulhi.u32 $0xC22E4507, s0;
	[smem:$0x7E6] =	sst s6  }
0x18c: {  	(v2sf) =	vpush v8, $0x8;
	[smem:$0x7D9] =	sst s11  }
0x18d: {  	s7 =	smulhi.u32 $0xC22E4507, s15;
	s6 =	sld [smem:$0x790];
	s0 =	ssub.s32 s9, s0  }
0x18e: {  	s0 =	sadd.s32 s24, s0;
	s24 =	sld [smem:$0x791]  }
0x18f: {  	s28 =	ssub.s32 s7, s15;
	s15 =	sld [smem:$0x792]  }
0x190: {  	[smem:$0x7EC] =	sst s0  }
0x191: {  	s10 =	smulhi.u32 $0xC22E4507, s6;
	s0 =	sadd.s32 s24, s28;
	s24 =	sld [smem:$0x793]  }
0x192: {  	s7 =	smulhi.u32 $0xC22E4507, s15;
	s28 =	rddreg [dreg:$0x1c]  }
0x193: {  	s11 =	spop (v2sf);
	s6 =	ssub.s32 s10, s6;
	[smem:$0x7EF] =	sst s0  }
0x194: {  	s0 =	sadd.s32 s28, s6;
	s15 =	ssub.s32 s7, s15;
	s7 =	rddreg [dreg:$0x1d]  }
0x195: {  	s10 =	sshra.s32 s11, $0x1F;
	[smem:$0x7E1] =	sst s0;
	s9 =	smulhi.u32 $0xC22E4507, s24  }
0x196: {  	(v2sf) =	vpush v8, $0xA;
	s28 =	smul.u32 $0xC22E4507, s10;
	s0 =	sadd.s32 s7, s15;
	s15 =	rddreg [dreg:$0x1e]  }
0x197: {  	s10 =	ssub.s32 s9, s24;
	s24 =	sld [smem:$0x794]  }
0x198: {  	[smem:$0x7DC] =	sst s28  }
0x199: {  	[smem:$0x7DB] =	sst s0  }
0x19a: {  	s0 =	rddreg [dreg:$0x19];
	s28 =	smulhi.u32 $0xC22E4507, s24  }
0x19b: {  	(v2sf) =	vpush v8, $0xB;
	s6 =	sadd.s32 s15, s10;
	s15 =	sld [smem:$0x795];
	s10 =	spop (v2sf)  }
0x19c: {  	s7 =	ssub.s32 s28, s24;
	s28 =	sld [smem:$0x796];
	s24 =	sshra.s32 s10, $0x1F  }
0x19d: {  	[smem:$0x7E4] =	sst s6;
	s24 =	smul.u32 $0xC22E4507, s24  }
0x19e: {  	s6 =	smulhi.u32 $0xC22E4507, s15;
	s0 =	sadd.s32 s0, s7;
	s7 =	sld [smem:$0x797]  }
0x19f: {  	s9 =	smulhi.u32 $0xC22E4507, s28;
	[smem:$0x7DF] =	sst s24  }
0x1a0: {  	s24 =	sld [smem:$0x798]  }
0x1a1: {  	s6 =	ssub.s32 s6, s15;
	s15 =	ssub.s32 s9, s28;
	s9 =	sld [smem:$0x799]  }
0x1a2: {  	[smem:$0x7E7] =	sst s0;
	s0 =	sadd.s32 s7, s6;
	s6 =	smulhi.u32 $0xC22E4507, s20  }
0x1a3: {  	[smem:$0x7EB] =	sst s0;
	s28 =	smulhi.u32 $0xC22E4507, s24  }
0x1a4: {  	s0 =	sadd.s32 s9, s15;
	s15 =	sld [smem:$0x79A]  }
0x1a5: {  	s6 =	ssub.s32 s6, s20;
	s9 =	spop (v2sf);
	s7 =	ssub.s32 s28, s24  }
0x1a6: {  	s24 =	smulhi.u32 $0xC22E4507, s3;
	[smem:$0x7ED] =	sst s0;
	s28 =	sshra.s32 s9, $0x1F  }
0x1a7: {  	s20 =	smul.u32 $0xC22E4507, s28;
	s28 =	sld [smem:$0x79B];
	s0 =	sadd.s32 s15, s7  }
0x1a8: {  	s3 =	ssub.s32 s24, s3;
	s24 =	smulhi.u32 $0xC22E4507, s4;
	[smem:$0x7F0] =	sst s0  }
0x1a9: {  	s7 =	smulhi.u32 $0xC22E4507, s23;
	[smem:$0x7E5] =	sst s20  }
0x1aa: {  	s15 =	spop (v2sf);
	s20 =	sld [smem:$0x79C]  }
0x1ab: {  	s0 =	sadd.s32 s28, s6;
	s6 =	ssub.s32 s7, s23;
	s7 =	sld [smem:$0x79D]  }
0x1ac: {  	s28 =	sshra.s32 s15, $0x1F;
	[smem:$0x7F3] =	sst s0  }
0x1ad: {  	s0 =	sadd.s32 s20, s3;
	s3 =	ssub.s32 s24, s4;
	s24 =	rddreg [dreg:$0xf]  }
0x1ae: {  	s20 =	smul.u32 $0xC22E4507, s28;
	s28 =	sld [smem:$0x79E]  }
0x1af: {  	(v2sf) =	vpush v8, $0x1;
	s23 =	smulhi.u32 $0xC22E4507, s5;
	s4 =	sld [smem:$0x79F]  }
0x1b0: {  	[smem:$0x7F4] =	sst s0  }
0x1b1: {  	s0 =	sadd.s32 s7, s6;
	s6 =	ssub.s32 s23, s5;
	s23 =	rddreg [dreg:$0xc]  }
0x1b2: {  	v9 =	vmov s24;
	s24 =	sld [smem:$0x7A0]  }
0x1b3: {  	s5 =	rddreg [dreg:$0x15]  }
0x1b4: {  	[smem:$0x7F2] =	sst s0  }
0x1b5: {  	[smem:$0x7E8] =	sst s20  }
0x1b6: {  	s7 =	smulhi.u32 $0xC22E4507, s21;
	v9 =	vsel vm0, s23, v9;
	s23 =	rddreg [dreg:$0xd]  }
0x1b7: {  	v10 =	vmov s28;
	s28 =	rddreg [dreg:$0x11]  }
0x1b8: {  	s0 =	sadd.s32 s4, s3;
	s4 =	ssub.s32 s7, s21;
	s7 =	rddreg [dreg:$0xa]  }
0x1b9: {  	s21 =	sld [smem:$0x7A2]  }
0x1ba: {  	[smem:$0x7F5] =	sst s0  }
0x1bb: {  	s0 =	sadd.s32 s24, s6;
	s24 =	rddreg [dreg:$0x1b]  }
0x1bc: {  	v11 =	vmov s28;
	s28 =	sld [smem:$0x7A1]  }
0x1bd: {  	s3 =	smulhi.u32 $0xC22E4507, s30;
	v9 =	vsel vm1, s7, v9;
	s7 =	rddreg [dreg:$0x16]  }
0x1be: {  	s20 =	spop (v2sf);
	v10 =	vnsel vm3, $0x0, v10;
	[smem:$0x7F7] =	sst s0  }
0x1bf: {  	s6 =	sshra.s32 s20, $0x1F;
	v10 =	vsel vm0, s5, v10;
	s3 =	ssub.s32 s3, s30;
	s30 =	rddreg [dreg:$0x1a]  }
0x1c0: {  	(v2sf) =	vpush v8, $0x0;
	v12 =	vsel vm1, s24, v10;
	s24 =	smul.u32 $0xC22E4507, s6;
	s6 =	rddreg [dreg:$0x10]  }
0x1c1: {  	s5 =	smulhi.u32 $0xC22E4507, s26;
	s0 =	sadd.s32 s28, s4;
	s4 =	rddreg [dreg:$0xb]  }
0x1c2: {  	s28 =	rddreg [dreg:$0xe]  }
0x1c3: {  	v11 =	vsel vm0, s23, v11;
	s23 =	ssub.s32 s5, s26;
	s5 =	sld [smem:$0x7A3]  }
0x1c4: {  	v44 =	vsel vm1, s6, v11;
	s6 =	sld [smem:$0x7A4]  }
0x1c5: {  	[smem:$0x7FA] =	sst s0  }
0x1c6: {  	s0 =	sadd.s32 s21, s3;
	s21 =	rddreg [dreg:$0x17]  }
0x1c7: {  	v45 =	vsel vm2, s7, v12;
	v46 =	vsel vm2, s28, v44;
	s28 =	sld [smem:$0x7A5]  }
0x1c8: {  	s26 =	smulhi.u32 $0xC22E4507, s19;
	v47 =	vsel vm4, s30, v45;
	s30 =	sld [smem:$0x7A6]  }
0x1c9: {  	s7 =	smulhi.u32 $0xC22E4507, s18;
	[smem:$0x7F8] =	sst s0  }
0x1ca: {  	v43 =	vsel vm2, s4, v9;
	s4 =	ssub.s32 s26, s19;
	s26 =	rddreg [dreg:$0x13]  }
0x1cb: {  	s3 =	ssub.s32 s7, s18;
	s18 =	rddreg [dreg:$0x14]  }
0x1cc: {  	v9 =	vsel vm5, s21, v47;
	s21 =	rddreg [dreg:$0x18]  }
0x1cd: {  	v48 =	vmov s5;
	s5 =	sld [smem:$0x7A7]  }
0x1ce: {  	s19 =	smulhi.u32 $0xC22E4507, s31;
	s0 =	sadd.s32 s6, s23;
	v9 =	vsel vm6, s26, v9;
	s26 =	sld [smem:$0x7A9]  }
0x1cf: {  	s6 =	spop (v2sf);
	[smem:$0x7FC] =	sst s0  }
0x1d0: {  	s23 =	sshra.s32 s6, $0x1F;
	v13 =	vmov s28;
	s28 =	ssub.s32 s19, s31;
	s31 =	rddreg [dreg:$0x1f]  }
0x1d1: {  	s7 =	smul.u32 $0xC22E4507, s23;
	s23 =	sld [smem:$0x7A8]  }
0x1d2: {  	v49 =	vsel vm0, s21, v13;
	s21 =	sld [smem:$0x7AD]  }
0x1d3: {  	s0 =	sadd.s32 s5, s4;
	s4 =	sld [smem:$0x7AA]  }
0x1d4: {  	s5 =	sld [smem:$0x7AB]  }
0x1d5: {  	(v2sf) =	vpush v8, $0x2;
	v14 =	vsel vm7, s18, v9;
	v9 =	vsel vm1, s31, v49;
	s31 =	sld [smem:$0x7AF]  }
0x1d6: {  	v11 =	vnsel vm3, $0x0, v48;
	[smem:$0x7FD] =	sst s0  }
0x1d7: {  	v11 =	vsel vm0, s30, v11;
	s30 =	smulhi.u32 $0xC22E4507, s17;
	[smem:$0x7F1] =	sst s7  }
0x1d8: {  	s19 =	smulhi.u32 $0xC22E4507, s16;
	s7 =	sld [smem:$0x7AC]  }
0x1d9: {  	s17 =	ssub.s32 s30, s17;
	s30 =	rddreg [dreg:$0x12]  }
0x1da: {  	s0 =	sadd.s32 s26, s3;
	s3 =	ssub.s32 s19, s16;
	s16 =	sld [smem:$0x7B2]  }
0x1db: {  	s19 =	sld [smem:$0x7B4]  }
0x1dc: {  	[smem:$0x7F6] =	sst s0  }
0x1dd: {  	v11 =	vsel vm1, s23, v11;
	s23 =	sld [smem:$0x7AE]  }
0x1de: {  	(v2sf) =	vpush v8, $0x3;
	v50 =	vmov s4;
	s4 =	sld [smem:$0x7B0]  }
0x1df: {  	v51 =	vsel vm2, s30, v9;
	s30 =	smulhi.u32 $0xC22E4507, s14;
	v11 =	vsel vm2, s5, v11;
	s5 =	sld [smem:$0x7B1]  }
0x1e0: {  	v16 =	vmov s19;
	s19 =	sld [smem:$0x7B9]  }
0x1e1: {  	s14 =	ssub.s32 s30, s14;
	s30 =	sld [smem:$0x7BC]  }
0x1e2: {  	v15 =	vsel vm0, s21, v50;
	v11 =	vsel vm4, s23, v11;
	s23 =	sld [smem:$0x7B5]  }
0x1e3: {  	s18 =	smulhi.u32 $0xC22E4507, s22;
	v52 =	vsel vm1, s31, v15;
	s31 =	sadd.s32 s5, s17;
	s17 =	sld [smem:$0x7B3]  }
0x1e4: {  	s28 =	sadd.s32 s7, s28;
	s7 =	spop (v2sf);
	v11 =	vsel vm5, s4, v11;
	s4 =	sld [smem:$0x7B6]  }
0x1e5: {  	s26 =	sshra.s32 s7, $0x1F;
	s5 =	sld [smem:$0x7B7]  }
0x1e6: {  	s21 =	smul.u32 $0xC22E4507, s26;
	s26 =	ssub.s32 s18, s22;
	s22 =	sld [smem:$0x7BA]  }
0x1e7: {  	v18 =	vmov s19;
	s19 =	sld [smem:$0x7BF]  }
0x1e8: {  	v15 =	vsel vm2, s16, v52;
	s16 =	smulhi.u32 $0xC22E4507, s2;
	s0 =	sadd.s32 s23, s3;
	s3 =	sld [smem:$0x7BD]  }
0x1e9: {  	v18 =	vsel vm0, s30, v18;
	s30 =	sld [smem:$0x7C2]  }
0x1ea: {  	s2 =	ssub.s32 s16, s2;
	s16 =	sld [smem:$0x7C5]  }
0x1eb: {  	(v2sf) =	vpush v8, $0x4;
	[smem:$0x7F9] =	sst s0  }
0x1ec: {  	v16 =	vnsel vm3, $0x0, v16;
	s18 =	smulhi.u32 $0xC22E4507, s13;
	v53 =	vsel vm6, s17, v11;
	s17 =	sld [smem:$0x7B8]  }
0x1ed: {  	v17 =	vmov s5;
	s5 =	spop (v2sf);
	v16 =	vsel vm0, s22, v16;
	s22 =	sld [smem:$0x7C0]  }
0x1ee: {  	v11 =	vsel vm7, s4, v53;
	s23 =	sshra.s32 s5, $0x1F;
	s4 =	sld [smem:$0x7BE]  }
0x1ef: {  	s13 =	ssub.s32 s18, s13;
	s18 =	smul.u32 $0xC22E4507, s23;
	s23 =	sld [smem:$0x7C1]  }
0x1f0: {  	v16 =	vsel vm1, s3, v16;
	s3 =	smulhi.u32 $0xC22E4507, s12;
	s0 =	sadd.s32 s17, s26;
	s26 =	sld [smem:$0x7BB]  }
0x1f1: {  	s17 =	sld [smem:$0x7C6]  }
0x1f2: {  	s12 =	ssub.s32 s3, s12;
	s3 =	sld [smem:$0x7C9]  }
0x1f3: {  	v19 =	vsel vm2, s23, v16;
	s23 =	sadd.s32 s30, s13;
	s30 =	sld [smem:$0x7C8]  }
0x1f4: {  	v17 =	vsel vm0, s26, v17;
	s26 =	sadd.s32 s4, s14;
	s4 =	sld [smem:$0x7C3]  }
0x1f5: {  	s14 =	sld [smem:$0x7C4]  }
0x1f6: {  	v56 =	vsel vm4, s16, v19;
	s16 =	smulhi.u32 $0xC22E4507, s29;
	v17 =	vsel vm1, s19, v17;
	s19 =	sld [smem:$0x7C7]  }
0x1f7: {  	v18 =	vsel vm1, s22, v18;
	s22 =	sadd.s32 s17, s2;
	s17 =	smulhi.u32 $0xC22E4507, s1;
	v57 =	vmov s30;
	s30 =	sld [smem:$0x7CC]  }
0x1f8: {  	s29 =	ssub.s32 s16, s29;
	s16 =	sld [smem:$0x7D0]  }
0x1f9: {  	s1 =	ssub.s32 s17, s1;
	s17 =	sld [smem:$0x7D1]  }
0x1fa: {  	v54 =	vsel vm2, s4, v17;
	v55 =	vsel vm2, s14, v18;
	s4 =	spop (v2sf);
	s14 =	sld [smem:$0x7CA]  }
0x1fb: {  	v18 =	vsel vm5, s19, v56;
	s2 =	sshra.s32 s4, $0x1F;
	s19 =	sld [smem:$0x7CB]  }
0x1fc: {  	s13 =	smul.u32 $0xC22E4507, s2;
	s2 =	sld [smem:$0x7CD]  }
0x1fd: {  	(v2sf) =	vpush v8, $0x5;
	v18 =	vsel vm6, s3, v18;
	s3 =	sld [smem:$0x7CE]  }
0x1fe: {  	v20 =	vmov s14;
	s14 =	sld [smem:$0x7CF]  }
0x1ff: {  	v18 =	vsel vm7, s30, v18;
	s30 =	sld [smem:$0x7D3]  }
0x200: {  	v20 =	vsel vm0, s2, v20;
	s2 =	sld [smem:$0x7D5]  }
0x201: {  	s14 =	sadd.s32 s14, s29;
	s29 =	sld [smem:$0x7D2]  }
0x202: {  	v19 =	vnsel vm3, $0x0, v57;
	v21 =	vmov s17;
	v20 =	vsel vm1, s16, v20;
	s17 =	sadd.s32 s30, s1;
	s16 =	smulhi.u32 $0xC22E4507, s11;
	s1 =	sld [smem:$0x7D4]  }
0x203: {  	v19 =	vsel vm0, s3, v19;
	s30 =	sld [smem:$0x7D7]  }
0x204: {  	s11 =	ssub.s32 s16, s11;
	s16 =	sld [smem:$0x7DA];
	v19 =	vsel vm1, s29, v19  }
0x205: {  	s19 =	sadd.s32 s19, s12;
	s12 =	smulhi.u32 $0xC22E4507, s8;
	v21 =	vsel vm0, s1, v21;
	v22 =	vsel vm2, s2, v19;
	s2 =	sld [smem:$0x7D8]  }
0x206: {  	v59 =	vsel vm1, s30, v21;
	s30 =	sld [smem:$0x7DC]  }
0x207: {  	s8 =	ssub.s32 s12, s8;
	s12 =	sld [smem:$0x7D6]  }
0x208: {  	(v2sf) =	vpush v8, $0x6;
	v60 =	vsel vm4, s2, v22  }
0x209: {  	v21 =	vsel vm5, s16, v60;
	s16 =	sadd.s32 s30, s11;
	s30 =	sld [smem:$0x7E0]  }
0x20a: {  	v58 =	vsel vm2, s12, v20;
	s12 =	sld [smem:$0x7D9]  }
0x20b: {  	s11 =	sld [smem:$0x7DE]  }
0x20c: {  	s3 =	spop (v2sf);
	v23 =	vmov s30;
	s30 =	sld [smem:$0x7E2]  }
0x20d: {  	s29 =	sshra.s32 s3, $0x1F  }
0x20e: {  	s12 =	sadd.s32 s12, s8;
	s8 =	smul.u32 $0xC22E4507, s29;
	s29 =	sld [smem:$0x7DB];
	v21 =	vsel vm6, s11, v21  }
0x20f: {  	v21 =	vsel vm7, s30, v21;
	s30 =	sld [smem:$0x7E3];
	_ =	sdelay $0x1  }
0x210: {  	s1 =	sld [smem:$0x7E1]  }
0x211: {  	v61 =	vmov s29;
	v23 =	vsel vm0, s30, v23;
	s30 =	sld [smem:$0x7E4]  }
0x212: {  	[smem:$0x7FB] =	sst s0;
	s0 =	smulhi.u32 $0xC22E4507, s10;
	v22 =	vnsel vm3, $0x0, v61  }
0x213: {  	s2 =	sld [smem:$0x7DD];
	v22 =	vsel vm0, s1, v22  }
0x214: {  	s0 =	ssub.s32 s0, s10;
	s10 =	smulhi.u32 $0xC22E4507, s9;
	v22 =	vsel vm1, s30, v22;
	s30 =	sld [smem:$0x7E5]  }
0x215: {  	_ = 	snop  }
0x216: {  	s9 =	ssub.s32 s10, s9;
	s29 =	sld [smem:$0x7DF];
	v20 =	vsel vm2, s2, v59;
	s2 =	spop (v2sf)  }
0x217: {  	s11 =	smulhi.u32 $0xC22E4507, s15;
	s9 =	sadd.s32 s30, s9;
	s30 =	sld [smem:$0x7E7]  }
0x218: {  	s10 =	sshra.s32 s2, $0x1F  }
0x219: {  	s11 =	ssub.s32 s11, s15;
	s15 =	smul.u32 $0xC22E4507, s10;
	s10 =	sld [smem:$0x7E6]  }
0x21a: {  	s29 =	sadd.s32 s29, s0;
	s0 =	smulhi.u32 $0xC22E4507, s20;
	v22 =	vsel vm2, s30, v22;
	s30 =	sld [smem:$0x7EA]  }
0x21b: {  	_ = 	snop  }
0x21c: {  	s0 =	ssub.s32 s0, s20;
	s20 =	sld [smem:$0x7E9];
	v24 =	vmov s10  }
0x21d: {  	v24 =	vsel vm0, s30, v24;
	s30 =	sld [smem:$0x7EC];
	_ =	sdelay $0x1  }
0x21e: {  	v23 =	vsel vm1, s20, v23;
	s20 =	sld [smem:$0x7EB]  }
0x21f: {  	v24 =	vsel vm1, s30, v24;
	s30 =	sld [smem:$0x7ED];
	_ =	sdelay $0x1  }
0x220: {  	v22 =	vsel vm4, s20, v22  }
0x221: {  	v9 =	vld [tilespmem:s25+$0x70];
	(v2sf) =	vpush v8, $0x7;
	v22 =	vsel vm5, s30, v22;
	s30 =	sld [smem:$0x7EE];
	_ =	sdelay $0x2  }
0x222: {  	v23 =	vsel vm2, s30, v23;
	s30 =	sld [smem:$0x7EF];
	_ =	sdelay $0x1  }
0x223: {  	(v2sf) =	vpush v9, $0xD;
	s10 =	sld [smem:$0x7E8]  }
0x224: {  	v24 =	vsel vm2, s30, v24;
	s30 =	sld [smem:$0x7F0];
	_ =	sdelay $0x2  }
0x225: {  	s10 =	sadd.s32 s10, s11;
	s11 =	smulhi.u32 $0xC22E4507, s6;
	v22 =	vsel vm6, s30, v22;
	s30 =	sld [smem:$0x7F1]  }
0x226: {  	(v2sf) =	vpush v9, $0xC  }
0x227: {  	(v2sf) =	vpush v9, $0xE;
	s6 =	ssub.s32 s11, s6  }
0x228: {  	s1 =	smulhi.u32 $0xC22E4507, s7;
	s6 =	sadd.s32 s30, s6;
	s30 =	sld [smem:$0x7F2]  }
0x229: {  	(v2sf) =	vpush v9, $0xF;
	s11 =	smulhi.u32 $0xC22E4507, s5  }
0x22a: {  	v26 =	vmov s28;
	s28 =	sld [smem:$0x7F4];
	s1 =	ssub.s32 s1, s7  }
0x22b: {  	s20 =	sadd.s32 s24, s0;
	s24 =	spop (v2sf);
	v25 =	vmov s30;
	s30 =	ssub.s32 s11, s5  }
0x22c: {  	(v2sf) =	vpush v9, $0x9;
	s11 =	smulhi.u32 $0xC22E4507, s4;
	s5 =	sadd.s32 s18, s30;
	s30 =	sld [smem:$0x7F5]  }
0x22d: {  	v10 =	vcombine.low v46, v43;
	s1 =	sadd.s32 s21, s1;
	s0 =	sshra.s32 s24, $0x1F;
	v25 =	vsel vm0, s28, v25;
	s28 =	sld [smem:$0x7F6]  }
0x22e: {  	(v2sf) =	vpush v9, $0x8;
	s21 =	sld [smem:$0x7F3];
	s7 =	smul.u32 $0xC22E4507, s0;
	s4 =	ssub.s32 s11, s4  }
0x22f: {  	v37 =	vperm.xlane v10, v0;
	v14 =	vperm.xlane v14, v1;
	v26 =	vnsel vm3, $0x0, v26;
	s0 =	smulhi.u32 $0xC22E4507, s3;
	s11 =	sadd.s32 s13, s4;
	s13 =	sld [smem:$0x7F9]  }
0x230: {  	(v2sf) =	vpush v9, $0xA;
	s18 =	spop (v2sf);
	v25 =	vsel vm1, s30, v25;
	v26 =	vsel vm0, s28, v26;
	s30 =	sld [smem:$0x7F7]  }
0x231: {  	v22 =	vsel vm7, s21, v22;
	s21 =	smulhi.u32 $0xC22E4507, s2;
	s28 =	sshra.s32 s18, $0x1F;
	v26 =	vsel vm1, s31, v26;
	s31 =	sld [smem:$0x7F8]  }
0x232: {  	v14 =	vsel vm8, v14, v37;
	s0 =	ssub.s32 s0, s3;
	(v2sf) =	vpush v9, $0xB;
	s4 =	smul.u32 $0xC22E4507, s28;
	v26 =	vsel vm2, s13, v26;
	s13 =	sld [smem:$0x7FB]  }
0x233: {  	v14 =	vadd.s32 v3, v14;
	s28 =	ssub.s32 s21, s2;
	s21 =	sld [smem:$0x7FC];
	v25 =	vsel vm2, s30, v25;
	s30 =	smulhi.u32 $0xC22E4507, s18  }
0x234: {  	v28 =	vmov s14;
	s3 =	sadd.s32 s8, s0;
	(v2sf) =	vpush v9, $0x1;
	s2 =	smulhi.u32 $0xC22E4507, s24;
	v27 =	vmov s31;
	s31 =	sld [smem:$0x7FA]  }
0x235: {  	v29 =	vsel vm0, s19, v28;
	(v2sf) =	vpush v9, $0x0;
	s0 =	sadd.s32 s15, s28;
	v26 =	vsel vm4, s13, v26;
	s13 =	spop (v2sf);
	s8 =	ssub.s32 s30, s18  }
0x236: {  	v41 =	vshrl.u32 v14, $0x1F;
	v29 =	vsel vm1, s17, v29;
	s28 =	smulhi.u32 $0xC22E4507, s13;
	s30 =	sshra.s32 s13, $0x1F;
	s17 =	spop (v2sf)  }
0x237: {  	v14 =	vshra.s32 v14, $0x10;
	v13 =	vcombine.low v15, v51;
	v27 =	vsel vm0, s31, v27;
	s31 =	sld [smem:$0x7FD];
	s15 =	smul.u32 $0xC22E4507, s30  }
0x238: {  	v14 =	vadd.s32 v41, v14;
	v26 =	vsel vm5, s26, v26;
	s19 =	smulhi.u32 $0xC22E4507, s17;
	s26 =	spop (v2sf)  }
0x239: {  	v13 =	vperm.xlane v13, v0;
	(v2sf) =	vpush v9, $0x2;
	v27 =	vsel vm1, s21, v27;
	s18 =	ssub.s32 s28, s13;
	s21 =	sshra.s32 s17, $0x1F;
	s28 =	smulhi.u32 $0xC22E4507, s26  }
0x23a: {  	v11 =	vperm.xlane v11, v1;
	v34 =	vmov s29;
	s2 =	ssub.s32 s2, s24;
	v26 =	vsel vm6, s23, v26;
	s29 =	sshra.s32 s26, $0x1F;
	s23 =	smul.u32 $0xC22E4507, s21  }
0x23b: {  	v14 =	vmul.u32 $0x15180, v14;
	s4 =	sadd.s32 s4, s8;
	(v2sf) =	vpush v9, $0x3;
	s30 =	smul.u32 $0xC22E4507, s29;
	v62 =	vsel vm2, s31, v27;
	s31 =	spop (v2sf)  }
0x23c: {  	v11 =	vsel vm8, v11, v13;
	v35 =	vsel vm0, s16, v34;
	v30 =	vmov s6;
	s13 =	ssub.s32 s19, s17;
	s16 =	smulhi.u32 $0xC22E4507, s31;
	s17 =	sshra.s32 s31, $0x1F  }
0x23d: {  	v36 =	vnsel vm3, $0x0, v30;
	v63 =	vsel vm7, s22, v26;
	s22 =	sadd.s32 s15, s18;
	(v2sf) =	vpush v9, $0x4;
	s19 =	spop (v2sf);
	s18 =	smul.u32 $0xC22E4507, s17  }
0x23e: {  	v11 =	vadd.s32 v2, v11;
	v33 =	vsel vm2, s12, v29;
	v29 =	vsel vm0, s20, v36;
	s14 =	ssub.s32 s28, s26;
	s20 =	smulhi.u32 $0xC22E4507, s19;
	s21 =	sshra.s32 s19, $0x1F  }
0x23f: {  	v42 =	vcombine.low v55, v54;
	v40 =	vmov s22;
	s8 =	sadd.s32 s23, s13;
	(v2sf) =	vpush v9, $0x5;
	s23 =	spop (v2sf);
	s22 =	smul.u32 $0xC22E4507, s21  }
0x240: {  	v3 =	vsub.s32 v3, v14;
	v44 =	vshrl.u32 v11, $0x1F;
	v39 =	vsel vm1, s1, v29;
	s1 =	sadd.s32 s30, s14;
	s28 =	smulhi.u32 $0xC22E4507, s23;
	s29 =	sshra.s32 s23, $0x1F  }
0x241: {  	v13 =	vperm.xlane v42, v0;
	v38 =	vsel vm1, s9, v35;
	(v2sf) =	vpush v9, $0x6;
	s9 =	ssub.s32 s16, s31;
	s30 =	spop (v2sf);
	s31 =	smul.u32 $0xC22E4507, s29  }
0x242: {  	v45 =	vperm.xlane v18, v1;
	v10 =	vsel vm2, s10, v38;
	s2 =	sadd.s32 s7, s2;
	v29 =	vsel vm0, s4, v40;
	s10 =	smulhi.u32 $0xC22E4507, s30;
	s12 =	sshra.s32 s30, $0x1F  }
0x243: {  	v12 =	vsel vm2, s5, v39;
	v29 =	vsel vm1, s8, v29;
	s5 =	sadd.s32 s18, s9;
	s13 =	spop (v2sf);
	(v2sf) =	vpush v9, $0x7;
	s8 =	smul.u32 $0xC22E4507, s12  }
0x244: {  	v11 =	vshra.s32 v11, $0x10;
	v46 =	vcombine.low v20, v58;
	v12 =	vsel vm4, s11, v12;
	s26 =	ssub.s32 s20, s19;
	s15 =	spop (v2sf);
	s19 =	smulhi.u32 $0xC22E4507, s13  }
0x245: {  	v11 =	vadd.s32 v44, v11;
	v13 =	vsel vm8, v45, v13;
	v12 =	vsel vm5, s3, v12;
	s3 =	sadd.s32 s22, s26;
	s20 =	sshra.s32 s13, $0x1F;
	s16 =	smulhi.u32 $0xC22E4507, s15  }
0x246: {  	v11 =	vmul.u32 $0x15180, v11;
	v13 =	vadd.s32 v4, v13;
	v14 =	vperm.xlane v46, v0;
	s14 =	ssub.s32 s28, s23;
	s17 =	sshra.s32 s15, $0x1F;
	s4 =	smul.u32 $0xC22E4507, s20  }
0x247: {  	v48 =	vperm.xlane v21, v1;
	v12 =	vsel vm6, s0, v12;
	v29 =	vsel vm2, s1, v29;
	s0 =	ssub.s32 s10, s30;
	s1 =	sadd.s32 s31, s14;
	s18 =	smul.u32 $0xC22E4507, s17  }
0x248: {  	v49 =	vshrl.u32 v13, $0x1F;
	v13 =	vshra.s32 v13, $0x10;
	v43 =	vmov s3;
	s0 =	sadd.s32 s8, s0;
	s3 =	ssub.s32 s16, s15;
	s22 =	spop (v2sf)  }
0x249: {  	v2 =	vsub.s32 v2, v11;
	v11 =	vadd.s32 v49, v13;
	v50 =	vsel vm8, v48, v14;
	s21 =	sadd.s32 s18, s3;
	s23 =	smulhi.u32 $0xC22E4507, s22;
	s26 =	sshra.s32 s22, $0x1F  }
0x24a: {  	v13 =	vadd.s32 v5, v50;
	v15 =	vsel vm0, s5, v43;
	s5 =	ssub.s32 s19, s13;
	v47 =	vmov s21;
	s28 =	spop (v2sf);
	s6 =	smul.u32 $0xC22E4507, s26  }
0x24b: {  	v11 =	vmul.u32 $0x15180, v11;
	v53 =	vshrl.u32 v13, $0x1F;
	s4 =	sadd.s32 s4, s5;
	v16 =	vnsel vm3, $0x0, v47;
	s29 =	smulhi.u32 $0xC22E4507, s28;
	s30 =	sshra.s32 s28, $0x1F  }
0x24c: {  	v13 =	vshra.s32 v13, $0x10;
	v15 =	vsel vm1, s1, v15;
	v16 =	vsel vm0, s4, v16;
	s1 =	ssub.s32 s23, s22;
	s4 =	smul.u32 $0xC22E4507, s30;
	s31 =	spop (v2sf)  }
0x24d: {  	v54 =	vadd.s32 v53, v13;
	s1 =	sadd.s32 s6, s1;
	s9 =	smulhi.u32 $0xC22E4507, s31;
	s10 =	sshra.s32 s31, $0x1F  }
0x24e: {  	v4 =	vsub.s32 v4, v11;
	v11 =	vmul.u32 $0x15180, v54;
	v10 =	vcombine.low v10, v33;
	s8 =	ssub.s32 s29, s28;
	s11 =	spop (v2sf);
	s5 =	smul.u32 $0xC22E4507, s10  }
0x24f: {  	v12 =	vsel vm7, s2, v12;
	v51 =	vsel vm1, s1, v16;
	s1 =	sadd.s32 s4, s8;
	s13 =	smulhi.u32 $0xC22E4507, s11;
	s14 =	sshra.s32 s11, $0x1F  }
0x250: {  	v5 =	vsub.s32 v5, v11;
	v10 =	vperm.xlane v10, v0;
	v12 =	vperm.xlane v12, v1;
	s15 =	spop (v2sf);
	s12 =	ssub.s32 s9, s31;
	s6 =	smul.u32 $0xC22E4507, s14  }
0x251: {  	v52 =	vcombine.low v24, v23;
	v55 =	vcombine.low v62, v25;
	v14 =	vsel vm2, s1, v51;
	s17 =	smulhi.u32 $0xC22E4507, s15;
	s18 =	sshra.s32 s15, $0x1F;
	s1 =	sadd.s32 s5, s12  }
0x252: {  	v56 =	vperm.xlane v22, v1;
	v10 =	vsel vm8, v12, v10;
	v57 =	vperm.xlane v63, v1;
	s16 =	ssub.s32 s13, s11;
	s4 =	smul.u32 $0xC22E4507, s18;
	s19 =	spop (v2sf)  }
0x253: {  	v10 =	vadd.s32 v8, v10;
	v13 =	vperm.xlane v55, v0;
	v14 =	vsel vm4, s1, v14;
	s1 =	sadd.s32 s6, s16;
	s20 =	smulhi.u32 $0xC22E4507, s19;
	s21 =	sshra.s32 s19, $0x1F  }
0x254: {  	[tilespmem:s25+$0x210] =	vst v2;
	v2 =	vshrl.u32 v10, $0x1F;
	v10 =	vshra.s32 v10, $0x10;
	s3 =	ssub.s32 s17, s15;
	v14 =	vsel vm5, s1, v14;
	s1 =	smul.u32 $0xC22E4507, s21  }
0x255: {  	v2 =	vadd.s32 v2, v10;
	v58 =	vsel vm8, v57, v13;
	v15 =	vsel vm2, s0, v15;
	s3 =	sadd.s32 s4, s3;
	s0 =	ssub.s32 s20, s19  }
0x256: {  	v15 =	vcombine.low v15, v29;
	v16 =	vperm.xlane v52, v0;
	v14 =	vsel vm6, s3, v14;
	s0 =	sadd.s32 s1, s0  }
0x257: {  	v2 =	vmul.u32 $0x15180, v2;
	v11 =	vadd.s32 v7, v58;
	v14 =	vsel vm7, s0, v14  }
0x258: {  	v15 =	vperm.xlane v15, v0;
	v16 =	vsel vm8, v56, v16;
	v14 =	vperm.xlane v14, v1  }
0x259: {  	v60 =	vshrl.u32 v11, $0x1F;
	v11 =	vshra.s32 v11, $0x10;
	v59 =	vadd.s32 v6, v16  }
0x25a: {  	v16 =	vshrl.u32 v59, $0x1F;
	v13 =	vshra.s32 v59, $0x10;
	v61 =	vsel vm8, v14, v15  }
0x25b: {  	[tilespmem:s25+$0x200] =	vst v3;
	v11 =	vadd.s32 v60, v11;
	v13 =	vadd.s32 v16, v13;
	v12 =	vadd.s32 v9, v61  }
0x25c: {  	[tilespmem:s25+$0x220] =	vst v4;
	v3 =	vmul.u32 $0x15180, v13;
	v62 =	vshrl.u32 v12, $0x1F;
	v63 =	vshra.s32 v12, $0x10  }
0x25d: {  	[tilespmem:s25+$0x230] =	vst v5;
	v2 =	vsub.s32 v8, v2;
	v11 =	vmul.u32 $0x15180, v11;
	v4 =	vadd.s32 v62, v63  }
0x25e: {  	[tilespmem:s25+$0x260] =	vst v2;
	v3 =	vsub.s32 v6, v3;
	v4 =	vmul.u32 $0x15180, v4  }
0x25f: {  	s26 =	rddreg [dreg:$0x8];
	[tilespmem:s25+$0x240] =	vst v3;
	v3 =	vsub.s32 v7, v11  }
0x260: {  	s22 =	rddreg [dreg:$0x2];
	[tilespmem:s25+$0x250] =	vst v3;
	v2 =	vsub.s32 v9, v4  }
0x261: {  	s24 =	sadd.s32 $0x200, s25;
	s23 =	rddreg [dreg:$0x3];
	s29 =	simm.s32 $0x1;
	[tilespmem:s25+$0x270] =	vst v2  }
0x262: {  	[tilespmem:s26], [sflag:$0x1] =	stream.indirect.gather [hbm4b:s22+s23], $0x80, s24, s23, $0xb8;
	[tilespmem:$0x10400] =	vst v63  }
0x263: {  	s28 =	rddreg [dreg:$0x8];
	_ =	swait.ge [sflag:s29], $0x4000  }
0x264: {  	s30 =	rddreg [dreg:$0x9]  }
0x265: {  	p0 =	sne.s32 s30, $0x600  }
.Ltmp0:
0x266: {  	_ = 	snop;
	(pc) =	sbr.rel @p0 .LBB2_2-.Ltmp0, $3  }
0x267: {  	_ =	sdelay $0x1  }
0x268: {  	[sflag:s29] =	ssyncset.done $0x0;
	s31 =	rddreg [dreg:$0x9]  }
0x269: {  	s1 =	sadd.s32 $0x4000, s28;
	[sflag:s29] =	ssyncadd.s32 $0xFFFFC000;
	s0 =	sadd.s32 $0x200, s31  }
0x26a: {  	s6 =	simm.s32 $0x0  }
0x26b: {  	s0 =	rddreg [dreg:$0x5];
	s1 =	simm.s32 $0x400;
	s2 =	simm.s32 $0x2  }
0x26c: {  	[hbm4b:s0+s6] =	stream.linear.scatter [tilespmem:s1], [sflag:$0x2], $0x10000, $0x38;
	[tilespmem:$0x10400] =	vst v63  }
0x26d: {  	_ =	swait.ge [sflag:s2], $0x10000  }
0x26e: {  	s30 =	rddreg [dreg:$0x7]  }
0x26f: {  	s31 =	rddreg [dreg:$0x6];
	s1 =	sadd.s32 $0x1, s30  }
0x270: {  	p0 =	sne.s32 s1, s31  }
.Ltmp1:
0x271: {  	_ = 	snop;
	(pc) =	sbr.rel @p0 .LBB2_1-.Ltmp1, $3  }
0x272: {  	_ =	sdelay $0x1  }
0x273: {  	[sflag:s2] =	ssyncset.done $0x0  }
0x274: {  	[sflag:s2] =	ssyncadd.s32 $0xFFFF0000  }
0x275: {  	_ =	sfence.sel $0x180000  }
0x276: {  	[bflag:$0x0] =	sbarrier.arrive $0xFFFF  }
0x277: {  	_ =	strace $0x90000047  }
0x278: {  	s0 =	stileid.u32;
	[bflag:$0x2] =	sbarrier.arrive $0xFFFF  }
0x279: {  	p0 =	sne.s32 s0, $0x0;
	s0 =	rddreg [dreg:$0x1]  }
0x27a: {  	s0 =	sadd.s32 @!p0 $0x100000, s0  }
0x27b: {  	[sflag:s0] =	ssyncadd.tile.s32 @!p0 $0x1;
	_ =	shalt  }
.Lfunc_end2:
_tile_overlayer_lowered:
.L_overlay_start_2:
0x27c: {  	(tag) =	ssettag $0x2  }
0x27d: {  	s0 =	rddreg [dreg:$0x0];
	s2 =	stileid.u32  }
0x27e: {  	s1 =	rddreg [dreg:$0x1];
	p0 =	sne.s32 s2, $0x0  }
0x27f: {  	s3 =	rddreg [dreg:$0x2];
	[bflag:$0x3] =	sbarrier.arrive $0xFFFF;
	s2 =	simm.s32 @!p0 $0x1C02  }
0x280: {  	[timem:s3], [sflag:s2] =	dma.local @!p0 [hbm:s0], s1  }
0x281: {  	s0 =	simm.s32 @!p0 $0x2  }
0x282: {  	_ =	swait.ge @!p0 [sflag:s0], s1  }
0x283: {  	s1 =	ssub.s32 @!p0 $0x0, s1;
	[sflag:s0] =	ssyncset.done @!p0 $0x0  }
0x284: {  	[sflag:s0] =	ssyncadd.s32 @!p0 s1  }
0x285: {  	[bflag:$0x3] =	sbarrier.arrive $0xFFFF  }
0x286: {  	_ =	shalt  }

</sc_bundles>
